<compile_context>
chip_gen: v7x
topology: tpu7x:2x2x1
jax: 0.10.2.dev20260603
libtpu: 0.0.44.dev20260713+nightly
codegen_flags: <defaults>
</compile_context>

<pallas_src>
import functools

import jax
import jax.numpy as jnp
from jax import lax
from jax.experimental import pallas as pl
from jax.experimental.pallas import tpu as pltpu
from jax.experimental.pallas import tpu_sc as plsc

EMBED_DIM = 8
BATCH = 16384
VOCAB1 = 1000001
MAIN_LIMIT = (VOCAB1 // 128) * 128
LAST_FULL_TILE = VOCAB1 // 128 - 1
NUM_CORES = 2
NUM_SUBCORES = 16
NUM_WORKERS = NUM_CORES * NUM_SUBCORES
B_PER_W = BATCH // NUM_WORKERS
CHUNK = 32
NCHUNK = B_PER_W // CHUNK
TILE_W = 128


def _sc_embedding_gather(idx2d, table_t, tail128):
    mesh = plsc.VectorSubcoreMesh(core_axis_name="c", subcore_axis_name="s")

    @functools.partial(
        pl.kernel,
        mesh=mesh,
        out_type=jax.ShapeDtypeStruct((EMBED_DIM, BATCH), jnp.float32),
        compiler_params=pltpu.CompilerParams(needs_layout_passes=False),
        scratch_types=[
            pltpu.VMEM((B_PER_W // 128, 128), jnp.int32),
            pltpu.VMEM((2, EMBED_DIM, CHUNK * TILE_W), jnp.float32),
            pltpu.VMEM((EMBED_DIM, B_PER_W), jnp.float32),
            pltpu.VMEM((EMBED_DIM, TILE_W), jnp.float32),
            pltpu.SemaphoreType.DMA,
            pltpu.SemaphoreType.DMA,
        ],
    )
    def body(idx_hbm, tt_hbm, tail_hbm, out_hbm, idx_v, stg_v, vals_v, tail_v,
             sem0, sem1):
        wid = lax.axis_index("s") * NUM_CORES + lax.axis_index("c")
        pltpu.sync_copy(idx_hbm.at[pl.ds(4 * wid, 4)], idx_v)
        pltpu.sync_copy(tail_hbm, tail_v)

        def read_vec(c, g):
            return idx_v[c // 4, pl.ds((c % 4) * CHUNK + g * 16, 16)]

        def issue_chunk(c, p, sem):
            for g in range(2):
                vec = read_vec(c, g)
                tl = jnp.minimum(
                    lax.shift_right_logical(vec, 7), LAST_FULL_TILE
                )
                for j in range(16):
                    t1 = tl[j]
                    pltpu.async_copy(
                        tt_hbm.at[:, pl.ds(pl.multiple_of(t1 * TILE_W, 128), TILE_W)],
                        stg_v.at[p, :, pl.ds((g * 16 + j) * TILE_W, TILE_W)],
                        sem,
                    )

        def wait_chunk(sem):
            pltpu.make_async_copy(
                tt_hbm.at[:, pl.ds(0, CHUNK * TILE_W)],
                stg_v.at[0],
                sem,
            ).wait()

        def extract_chunk(c, p):
            for g in range(2):
                vec = read_vec(c, g)
                col = jnp.bitwise_and(vec, 127)
                i_vec = lax.iota(jnp.int32, 16) + g * 16
                addr = i_vec * TILE_W + col
                m = vec >= MAIN_LIMIT
                tcol = jnp.minimum(jnp.maximum(vec - MAIN_LIMIT, 0), 127)
                p_vec = jnp.full((16,), p, jnp.int32)
                for d in range(EMBED_DIM):
                    row = jnp.full((16,), d, jnp.int32)
                    val = plsc.load_gather(stg_v, [p_vec, row, addr])
                    tval = plsc.load_gather(tail_v, [row, tcol])
                    vals_v[d, pl.ds(c * CHUNK + g * 16, 16)] = jnp.where(m, tval, val)

        issue_chunk(0, 0, sem0)
        issue_chunk(1, 1, sem1)

        def step(u, carry):
            c = 2 * u
            wait_chunk(sem0)
            extract_chunk(c, 0)
            issue_chunk(c + 2, 0, sem0)
            wait_chunk(sem1)
            extract_chunk(c + 1, 1)
            issue_chunk(c + 3, 1, sem1)
            return carry

        lax.fori_loop(0, NCHUNK // 2 - 1, step, 0)
        wait_chunk(sem0)
        extract_chunk(NCHUNK - 2, 0)
        wait_chunk(sem1)
        extract_chunk(NCHUNK - 1, 1)
        pltpu.sync_copy(vals_v, out_hbm.at[:, pl.ds(B_PER_W * wid, B_PER_W)])

    return body(idx2d, table_t, tail128)


def kernel(indices, table):
    idx2d = indices.astype(jnp.int32).reshape(128, 128)
    tail128 = jnp.pad(table[MAIN_LIMIT:], ((0, 128 - (VOCAB1 - MAIN_LIMIT)), (0, 0))).T
    out_t = _sc_embedding_gather(idx2d, table.T, tail128)
    return out_t.T

# --- scband reference (transcript-rebuilt; emitter-appended) ---
"""Pipeline reference for scband-item-model-29841432772852 (READ-ONLY COPY).

The authoritative reference and input builder live on the scoring server;
editing this copy changes nothing except your own understanding.
"""

import jax, jax.numpy as jnp
import numpy as np

VOCAB = 1000000
EMBED_DIM = 8
BATCH = 16384

def setup_inputs(seed: int = 0) -> dict:
    key = jax.random.key(seed)
    k_idx, k_tab = jax.random.split(key)
    # StringLookup(vocabulary=unique_items, mask_token=None) maps strings to int ids in
    # [0, VOCAB] (0 is the OOV index, 1..VOCAB are vocabulary items). We model the
    # post-lookup integer ids directly.
    indices = jax.random.randint(k_idx, (BATCH,), 0, VOCAB + 1, dtype=jnp.int64)
    # Embedding(len(unique_items)+1, 8, embeddings_initializer='uniform')
    # keras 'uniform' initializer = RandomUniform(-0.05, 0.05)
    table = jax.random.uniform(k_tab, (VOCAB + 1, EMBED_DIM), dtype=jnp.float32,
                               minval=-0.05, maxval=0.05)
    return {"indices": indices, "table": table}

def reference(indices, table):
    # item_embedding: StringLookup -> Embedding lookup
    emb = jnp.take(table, indices, axis=0)  # [BATCH, EMBED_DIM]
    # tf.concat([emb], axis=1) with a single element is identity
    out = jnp.concatenate([emb], axis=1)
    return out

if __name__ == "__main__":
    import jax
    _d = setup_inputs()
    print(jax.jit(kernel)(*tuple(_d.values())))

</pallas_src>

<mosaic_0001>
#map = affine_map<(d0, d1) -> (0, 0)>
module attributes {stable_mosaic.version = 14 : i64} {
  func.func @body(%arg0: i32, %arg1: i32, %arg2: memref<128x128xi32, #tpu.memory_space<hbm>>, %arg3: memref<8x1000001xf32, #tpu.memory_space<hbm>>, %arg4: memref<8x128xf32, #tpu.memory_space<hbm>>, %arg5: memref<8x16384xf32, #tpu.memory_space<hbm>>, %arg6: memref<4x128xi32, #tpu.memory_space<vmem>>, %arg7: memref<2x8x4096xf32, #tpu.memory_space<vmem>>, %arg8: memref<8x512xf32, #tpu.memory_space<vmem>>, %arg9: memref<8x128xf32, #tpu.memory_space<vmem>>, %arg10: memref<!tpu.dma_semaphore, #tpu.memory_space<semaphore_mem>>, %arg11: memref<!tpu.dma_semaphore, #tpu.memory_space<semaphore_mem>>) attributes {dimension_semantics = [#tpu.dimension_semantics<core_parallel>, #tpu.dimension_semantics<subcore_parallel>], iteration_bounds = array<i64: 2, 16>, scalar_prefetch = 0 : i64, scratch_operands = 6 : i64, tpu.core_type = #tpu.core_type<sc_vector_subcore>, window_params = [{transform_indices = #map}, {transform_indices = #map}, {transform_indices = #map}, {transform_indices = #map}]} {
    %mul3A = arith.constant 2 : i32
    %mul3A_0 = arith.muli %arg1, %mul3A : i32
    %add3A = arith.addi %mul3A_0, %arg0 : i32
    %mul3A_1 = arith.constant 4 : i32
    %mul3A_2 = arith.muli %mul3A_1, %add3A : i32
    "tpu.region"() ({
      %run_scoped3A = tpu.sem_alloc : memref<!tpu.dma_semaphore, #tpu.memory_space<semaphore_mem>>
      %dma_start3A_1619 = arith.constant 0 : i32
      %dma_start3A_1620 = tpu.memref_slice %arg2[%mul3A_2, %dma_start3A_1619] : memref<128x128xi32, #tpu.memory_space<hbm>> -> memref<4x128xi32, #tpu.memory_space<hbm>>
      %dma_start3A_1621 = arith.constant 0 : i32
      %dma_start3A_1622 = tpu.memref_slice %arg2[%mul3A_2, %dma_start3A_1621] : memref<128x128xi32, #tpu.memory_space<hbm>> -> memref<4x128xi32, #tpu.memory_space<hbm>>
      tpu.enqueue_dma source(%dma_start3A_1622 : memref<4x128xi32, #tpu.memory_space<hbm>>) target(%arg6 : memref<4x128xi32, #tpu.memory_space<vmem>>) target_semaphore(%run_scoped3A : memref<!tpu.dma_semaphore, #tpu.memory_space<semaphore_mem>>)
      %dma_wait3A_1623 = arith.constant 0 : i32
      %dma_wait3A_1624 = tpu.memref_slice %arg2[%mul3A_2, %dma_wait3A_1623] : memref<128x128xi32, #tpu.memory_space<hbm>> -> memref<4x128xi32, #tpu.memory_space<hbm>>
      %dma_wait3A_1625 = arith.constant 0 : i32
      %dma_wait3A_1626 = tpu.memref_slice %arg2[%mul3A_2, %dma_wait3A_1625] : memref<128x128xi32, #tpu.memory_space<hbm>> -> memref<4x128xi32, #tpu.memory_space<hbm>>
      tpu.wait_dma2 semaphore(%run_scoped3A : memref<!tpu.dma_semaphore, #tpu.memory_space<semaphore_mem>>) src(%dma_wait3A_1626 : memref<4x128xi32, #tpu.memory_space<hbm>>) dst(%arg6 : memref<4x128xi32, #tpu.memory_space<vmem>>)
      tpu.yield
    }) : () -> ()
    "tpu.region"() ({
      %run_scoped3A = tpu.sem_alloc : memref<!tpu.dma_semaphore, #tpu.memory_space<semaphore_mem>>
      tpu.enqueue_dma source(%arg4 : memref<8x128xf32, #tpu.memory_space<hbm>>) target(%arg9 : memref<8x128xf32, #tpu.memory_space<vmem>>) target_semaphore(%run_scoped3A : memref<!tpu.dma_semaphore, #tpu.memory_space<semaphore_mem>>)
      tpu.wait_dma2 semaphore(%run_scoped3A : memref<!tpu.dma_semaphore, #tpu.memory_space<semaphore_mem>>) src(%arg4 : memref<8x128xf32, #tpu.memory_space<hbm>>) dst(%arg9 : memref<8x128xf32, #tpu.memory_space<vmem>>)
      tpu.yield
    }) : () -> ()
    %get3A = arith.constant 0 : i32
    %get3A_3 = arith.index_cast %get3A : i32 to index
    %get3A_4 = arith.constant 0 : index
    %get3A_5 = tpu.vector_load %arg6[%get3A_3, %get3A_4] {strides = array<i32>} : memref<4x128xi32, #tpu.memory_space<vmem>>, vector<16xi32>,
    %shift_right_logical3A = arith.constant 7 : i32
    %shift_right_logical3A_6 = vector.broadcast %shift_right_logical3A : i32 to vector<16xi32>
    %shift_right_logical3A_7 = arith.shrui %get3A_5, %shift_right_logical3A_6 : vector<16xi32>
    %min3A = arith.constant 7811 : i32
    %min3A_8 = vector.broadcast %min3A : i32 to vector<16xi32>
    %min3A_9 = arith.minsi %shift_right_logical3A_7, %min3A_8 : vector<16xi32>
    %slice3A = vector.extract_strided_slice %min3A_9 {offsets = [0], sizes = [1], strides = [1]} : vector<16xi32> to vector<1xi32>
    %squeeze3A = vector.extract %slice3A[0] : i32 from vector<1xi32>
    %mul3A_10 = arith.constant 128 : i32
    %mul3A_11 = arith.muli %squeeze3A, %mul3A_10 : i32
    %multiple_of3A = tpu.assume_multiple %mul3A_11, 128 : i32
    %dma_start3A = arith.constant 0 : i32
    %dma_start3A_12 = arith.constant 0 : i32
    %dma_start3A_13 = arith.constant 0 : i32
    %dma_start3A_14 = tpu.memref_slice %arg7[%dma_start3A, %dma_start3A_12, %dma_start3A_13] : memref<2x8x4096xf32, #tpu.memory_space<vmem>> -> memref<1x8x128xf32, #tpu.memory_space<vmem>>
    %dma_start3A_15 = tpu.memref_squeeze %dma_start3A_14 : memref<1x8x128xf32, #tpu.memory_space<vmem>> -> memref<8x128xf32, #tpu.memory_space<vmem>>
    %dma_start3A_16 = arith.constant 0 : i32
    %dma_start3A_17 = tpu.memref_slice %arg3[%dma_start3A_16, %multiple_of3A] : memref<8x1000001xf32, #tpu.memory_space<hbm>> -> memref<8x128xf32, #tpu.memory_space<hbm>>
    %dma_start3A_18 = arith.constant 0 : i32
    %dma_start3A_19 = arith.constant 0 : i32
    %dma_start3A_20 = tpu.memref_slice %arg7[%dma_start3A, %dma_start3A_18, %dma_start3A_19] : memref<2x8x4096xf32, #tpu.memory_space<vmem>> -> memref<1x8x128xf32, #tpu.memory_space<vmem>>
    %dma_start3A_21 = tpu.memref_squeeze %dma_start3A_20 : memref<1x8x128xf32, #tpu.memory_space<vmem>> -> memref<8x128xf32, #tpu.memory_space<vmem>>
    %dma_start3A_22 = arith.constant 0 : i32
    %dma_start3A_23 = tpu.memref_slice %arg3[%dma_start3A_22, %multiple_of3A] : memref<8x1000001xf32, #tpu.memory_space<hbm>> -> memref<8x128xf32, #tpu.memory_space<hbm>>
    tpu.enqueue_dma source(%dma_start3A_23 : memref<8x128xf32, #tpu.memory_space<hbm>>) target(%dma_start3A_21 : memref<8x128xf32, #tpu.memory_space<vmem>>) target_semaphore(%arg10 : memref<!tpu.dma_semaphore, #tpu.memory_space<semaphore_mem>>)
    %slice3A_24 = vector.extract_strided_slice %min3A_9 {offsets = [1], sizes = [1], strides = [1]} : vector<16xi32> to vector<1xi32>
    %squeeze3A_25 = vector.extract %slice3A_24[0] : i32 from vector<1xi32>
    %mul3A_26 = arith.constant 128 : i32
    %mul3A_27 = arith.muli %squeeze3A_25, %mul3A_26 : i32
    %multiple_of3A_28 = tpu.assume_multiple %mul3A_27, 128 : i32
    %dma_start3A_29 = arith.constant 0 : i32
    %dma_start3A_30 = arith.constant 0 : i32
    %dma_start3A_31 = arith.constant 128 : i32
    %dma_start3A_32 = tpu.memref_slice %arg7[%dma_start3A_29, %dma_start3A_30, %dma_start3A_31] : memref<2x8x4096xf32, #tpu.memory_space<vmem>> -> memref<1x8x128xf32, #tpu.memory_space<vmem>>
    %dma_start3A_33 = tpu.memref_squeeze %dma_start3A_32 : memref<1x8x128xf32, #tpu.memory_space<vmem>> -> memref<8x128xf32, #tpu.memory_space<vmem>>
    %dma_start3A_34 = arith.constant 0 : i32
    %dma_start3A_35 = tpu.memref_slice %arg3[%dma_start3A_34, %multiple_of3A_28] : memref<8x1000001xf32, #tpu.memory_space<hbm>> -> memref<8x128xf32, #tpu.memory_space<hbm>>
    %dma_start3A_36 = arith.constant 0 : i32
    %dma_start3A_37 = arith.constant 128 : i32
    %dma_start3A_38 = tpu.memref_slice %arg7[%dma_start3A_29, %dma_start3A_36, %dma_start3A_37] : memref<2x8x4096xf32, #tpu.memory_space<vmem>> -> memref<1x8x128xf32, #tpu.memory_space<vmem>>
    %dma_start3A_39 = tpu.memref_squeeze %dma_start3A_38 : memref<1x8x128xf32, #tpu.memory_space<vmem>> -> memref<8x128xf32, #tpu.memory_space<vmem>>
    %dma_start3A_40 = arith.constant 0 : i32
    %dma_start3A_41 = tpu.memref_slice %arg3[%dma_start3A_40, %multiple_of3A_28] : memref<8x1000001xf32, #tpu.memory_space<hbm>> -> memref<8x128xf32, #tpu.memory_space<hbm>>
    tpu.enqueue_dma source(%dma_start3A_41 : memref<8x128xf32, #tpu.memory_space<hbm>>) target(%dma_start3A_39 : memref<8x128xf32, #tpu.memory_space<vmem>>) target_semaphore(%arg10 : memref<!tpu.dma_semaphore, #tpu.memory_space<semaphore_mem>>)
    %slice3A_42 = vector.extract_strided_slice %min3A_9 {offsets = [2], sizes = [1], strides = [1]} : vector<16xi32> to vector<1xi32>
    %squeeze3A_43 = vector.extract %slice3A_42[0] : i32 from vector<1xi32>
    %mul3A_44 = arith.constant 128 : i32
    %mul3A_45 = arith.muli %squeeze3A_43, %mul3A_44 : i32
    %multiple_of3A_46 = tpu.assume_multiple %mul3A_45, 128 : i32
    %dma_start3A_47 = arith.constant 0 : i32
    %dma_start3A_48 = arith.constant 0 : i32
    %dma_start3A_49 = arith.constant 256 : i32
    %dma_start3A_50 = tpu.memref_slice %arg7[%dma_start3A_47, %dma_start3A_48, %dma_start3A_49] : memref<2x8x4096xf32, #tpu.memory_space<vmem>> -> memref<1x8x128xf32, #tpu.memory_space<vmem>>
    %dma_start3A_51 = tpu.memref_squeeze %dma_start3A_50 : memref<1x8x128xf32, #tpu.memory_space<vmem>> -> memref<8x128xf32, #tpu.memory_space<vmem>>
    %dma_start3A_52 = arith.constant 0 : i32
    %dma_start3A_53 = tpu.memref_slice %arg3[%dma_start3A_52, %multiple_of3A_46] : memref<8x1000001xf32, #tpu.memory_space<hbm>> -> memref<8x128xf32, #tpu.memory_space<hbm>>
    %dma_start3A_54 = arith.constant 0 : i32
    %dma_start3A_55 = arith.constant 256 : i32
    %dma_start3A_56 = tpu.memref_slice %arg7[%dma_start3A_47, %dma_start3A_54, %dma_start3A_55] : memref<2x8x4096xf32, #tpu.memory_space<vmem>> -> memref<1x8x128xf32, #tpu.memory_space<vmem>>
    %dma_start3A_57 = tpu.memref_squeeze %dma_start3A_56 : memref<1x8x128xf32, #tpu.memory_space<vmem>> -> memref<8x128xf32, #tpu.memory_space<vmem>>
    %dma_start3A_58 = arith.constant 0 : i32
    %dma_start3A_59 = tpu.memref_slice %arg3[%dma_start3A_58, %multiple_of3A_46] : memref<8x1000001xf32, #tpu.memory_space<hbm>> -> memref<8x128xf32, #tpu.memory_space<hbm>>
    tpu.enqueue_dma source(%dma_start3A_59 : memref<8x128xf32, #tpu.memory_space<hbm>>) target(%dma_start3A_57 : memref<8x128xf32, #tpu.memory_space<vmem>>) target_semaphore(%arg10 : memref<!tpu.dma_semaphore, #tpu.memory_space<semaphore_mem>>)
    %slice3A_60 = vector.extract_strided_slice %min3A_9 {offsets = [3], sizes = [1], strides = [1]} : vector<16xi32> to vector<1xi32>
    %squeeze3A_61 = vector.extract %slice3A_60[0] : i32 from vector<1xi32>
    %mul3A_62 = arith.constant 128 : i32
    %mul3A_63 = arith.muli %squeeze3A_61, %mul3A_62 : i32
    %multiple_of3A_64 = tpu.assume_multiple %mul3A_63, 128 : i32
    %dma_start3A_65 = arith.constant 0 : i32
    %dma_start3A_66 = arith.constant 0 : i32
    %dma_start3A_67 = arith.constant 384 : i32
    %dma_start3A_68 = tpu.memref_slice %arg7[%dma_start3A_65, %dma_start3A_66, %dma_start3A_67] : memref<2x8x4096xf32, #tpu.memory_space<vmem>> -> memref<1x8x128xf32, #tpu.memory_space<vmem>>
    %dma_start3A_69 = tpu.memref_squeeze %dma_start3A_68 : memref<1x8x128xf32, #tpu.memory_space<vmem>> -> memref<8x128xf32, #tpu.memory_space<vmem>>
    %dma_start3A_70 = arith.constant 0 : i32
    %dma_start3A_71 = tpu.memref_slice %arg3[%dma_start3A_70, %multiple_of3A_64] : memref<8x1000001xf32, #tpu.memory_space<hbm>> -> memref<8x128xf32, #tpu.memory_space<hbm>>
    %dma_start3A_72 = arith.constant 0 : i32
    %dma_start3A_73 = arith.constant 384 : i32
    %dma_start3A_74 = tpu.memref_slice %arg7[%dma_start3A_65, %dma_start3A_72, %dma_start3A_73] : memref<2x8x4096xf32, #tpu.memory_space<vmem>> -> memref<1x8x128xf32, #tpu.memory_space<vmem>>
    %dma_start3A_75 = tpu.memref_squeeze %dma_start3A_74 : memref<1x8x128xf32, #tpu.memory_space<vmem>> -> memref<8x128xf32, #tpu.memory_space<vmem>>
    %dma_start3A_76 = arith.constant 0 : i32
    %dma_start3A_77 = tpu.memref_slice %arg3[%dma_start3A_76, %multiple_of3A_64] : memref<8x1000001xf32, #tpu.memory_space<hbm>> -> memref<8x128xf32, #tpu.memory_space<hbm>>
    tpu.enqueue_dma source(%dma_start3A_77 : memref<8x128xf32, #tpu.memory_space<hbm>>) target(%dma_start3A_75 : memref<8x128xf32, #tpu.memory_space<vmem>>) target_semaphore(%arg10 : memref<!tpu.dma_semaphore, #tpu.memory_space<semaphore_mem>>)
    %slice3A_78 = vector.extract_strided_slice %min3A_9 {offsets = [4], sizes = [1], strides = [1]} : vector<16xi32> to vector<1xi32>
    %squeeze3A_79 = vector.extract %slice3A_78[0] : i32 from vector<1xi32>
    %mul3A_80 = arith.constant 128 : i32
    %mul3A_81 = arith.muli %squeeze3A_79, %mul3A_80 : i32
    %multiple_of3A_82 = tpu.assume_multiple %mul3A_81, 128 : i32
    %dma_start3A_83 = arith.constant 0 : i32
    %dma_start3A_84 = arith.constant 0 : i32
    %dma_start3A_85 = arith.constant 512 : i32
    %dma_start3A_86 = tpu.memref_slice %arg7[%dma_start3A_83, %dma_start3A_84, %dma_start3A_85] : memref<2x8x4096xf32, #tpu.memory_space<vmem>> -> memref<1x8x128xf32, #tpu.memory_space<vmem>>
    %dma_start3A_87 = tpu.memref_squeeze %dma_start3A_86 : memref<1x8x128xf32, #tpu.memory_space<vmem>> -> memref<8x128xf32, #tpu.memory_space<vmem>>
    %dma_start3A_88 = arith.constant 0 : i32
    %dma_start3A_89 = tpu.memref_slice %arg3[%dma_start3A_88, %multiple_of3A_82] : memref<8x1000001xf32, #tpu.memory_space<hbm>> -> memref<8x128xf32, #tpu.memory_space<hbm>>
    %dma_start3A_90 = arith.constant 0 : i32
    %dma_start3A_91 = arith.constant 512 : i32
    %dma_start3A_92 = tpu.memref_slice %arg7[%dma_start3A_83, %dma_start3A_90, %dma_start3A_91] : memref<2x8x4096xf32, #tpu.memory_space<vmem>> -> memref<1x8x128xf32, #tpu.memory_space<vmem>>
    %dma_start3A_93 = tpu.memref_squeeze %dma_start3A_92 : memref<1x8x128xf32, #tpu.memory_space<vmem>> -> memref<8x128xf32, #tpu.memory_space<vmem>>
    %dma_start3A_94 = arith.constant 0 : i32
    %dma_start3A_95 = tpu.memref_slice %arg3[%dma_start3A_94, %multiple_of3A_82] : memref<8x1000001xf32, #tpu.memory_space<hbm>> -> memref<8x128xf32, #tpu.memory_space<hbm>>
    tpu.enqueue_dma source(%dma_start3A_95 : memref<8x128xf32, #tpu.memory_space<hbm>>) target(%dma_start3A_93 : memref<8x128xf32, #tpu.memory_space<vmem>>) target_semaphore(%arg10 : memref<!tpu.dma_semaphore, #tpu.memory_space<semaphore_mem>>)
    %slice3A_96 = vector.extract_strided_slice %min3A_9 {offsets = [5], sizes = [1], strides = [1]} : vector<16xi32> to vector<1xi32>
    %squeeze3A_97 = vector.extract %slice3A_96[0] : i32 from vector<1xi32>
    %mul3A_98 = arith.constant 128 : i32
    %mul3A_99 = arith.muli %squeeze3A_97, %mul3A_98 : i32
    %multiple_of3A_100 = tpu.assume_multiple %mul3A_99, 128 : i32
    %dma_start3A_101 = arith.constant 0 : i32
    %dma_start3A_102 = arith.constant 0 : i32
    %dma_start3A_103 = arith.constant 640 : i32
    %dma_start3A_104 = tpu.memref_slice %arg7[%dma_start3A_101, %dma_start3A_102, %dma_start3A_103] : memref<2x8x4096xf32, #tpu.memory_space<vmem>> -> memref<1x8x128xf32, #tpu.memory_space<vmem>>
    %dma_start3A_105 = tpu.memref_squeeze %dma_start3A_104 : memref<1x8x128xf32, #tpu.memory_space<vmem>> -> memref<8x128xf32, #tpu.memory_space<vmem>>
    %dma_start3A_106 = arith.constant 0 : i32
    %dma_start3A_107 = tpu.memref_slice %arg3[%dma_start3A_106, %multiple_of3A_100] : memref<8x1000001xf32, #tpu.memory_space<hbm>> -> memref<8x128xf32, #tpu.memory_space<hbm>>
    %dma_start3A_108 = arith.constant 0 : i32
    %dma_start3A_109 = arith.constant 640 : i32
    %dma_start3A_110 = tpu.memref_slice %arg7[%dma_start3A_101, %dma_start3A_108, %dma_start3A_109] : memref<2x8x4096xf32, #tpu.memory_space<vmem>> -> memref<1x8x128xf32, #tpu.memory_space<vmem>>
    %dma_start3A_111 = tpu.memref_squeeze %dma_start3A_110 : memref<1x8x128xf32, #tpu.memory_space<vmem>> -> memref<8x128xf32, #tpu.memory_space<vmem>>
    %dma_start3A_112 = arith.constant 0 : i32
    %dma_start3A_113 = tpu.memref_slice %arg3[%dma_start3A_112, %multiple_of3A_100] : memref<8x1000001xf32, #tpu.memory_space<hbm>> -> memref<8x128xf32, #tpu.memory_space<hbm>>
    tpu.enqueue_dma source(%dma_start3A_113 : memref<8x128xf32, #tpu.memory_space<hbm>>) target(%dma_start3A_111 : memref<8x128xf32, #tpu.memory_space<vmem>>) target_semaphore(%arg10 : memref<!tpu.dma_semaphore, #tpu.memory_space<semaphore_mem>>)
    %slice3A_114 = vector.extract_strided_slice %min3A_9 {offsets = [6], sizes = [1], strides = [1]} : vector<16xi32> to vector<1xi32>
    %squeeze3A_115 = vector.extract %slice3A_114[0] : i32 from vector<1xi32>
    %mul3A_116 = arith.constant 128 : i32
    %mul3A_117 = arith.muli %squeeze3A_115, %mul3A_116 : i32
    %multiple_of3A_118 = tpu.assume_multiple %mul3A_117, 128 : i32
    %dma_start3A_119 = arith.constant 0 : i32
    %dma_start3A_120 = arith.constant 0 : i32
    %dma_start3A_121 = arith.constant 768 : i32
    %dma_start3A_122 = tpu.memref_slice %arg7[%dma_start3A_119, %dma_start3A_120, %dma_start3A_121] : memref<2x8x4096xf32, #tpu.memory_space<vmem>> -> memref<1x8x128xf32, #tpu.memory_space<vmem>>
    %dma_start3A_123 = tpu.memref_squeeze %dma_start3A_122 : memref<1x8x128xf32, #tpu.memory_space<vmem>> -> memref<8x128xf32, #tpu.memory_space<vmem>>
    %dma_start3A_124 = arith.constant 0 : i32
    %dma_start3A_125 = tpu.memref_slice %arg3[%dma_start3A_124, %multiple_of3A_118] : memref<8x1000001xf32, #tpu.memory_space<hbm>> -> memref<8x128xf32, #tpu.memory_space<hbm>>
    %dma_start3A_126 = arith.constant 0 : i32
    %dma_start3A_127 = arith.constant 768 : i32
    %dma_start3A_128 = tpu.memref_slice %arg7[%dma_start3A_119, %dma_start3A_126, %dma_start3A_127] : memref<2x8x4096xf32, #tpu.memory_space<vmem>> -> memref<1x8x128xf32, #tpu.memory_space<vmem>>
    %dma_start3A_129 = tpu.memref_squeeze %dma_start3A_128 : memref<1x8x128xf32, #tpu.memory_space<vmem>> -> memref<8x128xf32, #tpu.memory_space<vmem>>
    %dma_start3A_130 = arith.constant 0 : i32
    %dma_start3A_131 = tpu.memref_slice %arg3[%dma_start3A_130, %multiple_of3A_118] : memref<8x1000001xf32, #tpu.memory_space<hbm>> -> memref<8x128xf32, #tpu.memory_space<hbm>>
    tpu.enqueue_dma source(%dma_start3A_131 : memref<8x128xf32, #tpu.memory_space<hbm>>) target(%dma_start3A_129 : memref<8x128xf32, #tpu.memory_space<vmem>>) target_semaphore(%arg10 : memref<!tpu.dma_semaphore, #tpu.memory_space<semaphore_mem>>)
    %slice3A_132 = vector.extract_strided_slice %min3A_9 {offsets = [7], sizes = [1], strides = [1]} : vector<16xi32> to vector<1xi32>
    %squeeze3A_133 = vector.extract %slice3A_132[0] : i32 from vector<1xi32>
    %mul3A_134 = arith.constant 128 : i32
    %mul3A_135 = arith.muli %squeeze3A_133, %mul3A_134 : i32
    %multiple_of3A_136 = tpu.assume_multiple %mul3A_135, 128 : i32
    %dma_start3A_137 = arith.constant 0 : i32
    %dma_start3A_138 = arith.constant 0 : i32
    %dma_start3A_139 = arith.constant 896 : i32
    %dma_start3A_140 = tpu.memref_slice %arg7[%dma_start3A_137, %dma_start3A_138, %dma_start3A_139] : memref<2x8x4096xf32, #tpu.memory_space<vmem>> -> memref<1x8x128xf32, #tpu.memory_space<vmem>>
    %dma_start3A_141 = tpu.memref_squeeze %dma_start3A_140 : memref<1x8x128xf32, #tpu.memory_space<vmem>> -> memref<8x128xf32, #tpu.memory_space<vmem>>
    %dma_start3A_142 = arith.constant 0 : i32
    %dma_start3A_143 = tpu.memref_slice %arg3[%dma_start3A_142, %multiple_of3A_136] : memref<8x1000001xf32, #tpu.memory_space<hbm>> -> memref<8x128xf32, #tpu.memory_space<hbm>>
    %dma_start3A_144 = arith.constant 0 : i32
    %dma_start3A_145 = arith.constant 896 : i32
    %dma_start3A_146 = tpu.memref_slice %arg7[%dma_start3A_137, %dma_start3A_144, %dma_start3A_145] : memref<2x8x4096xf32, #tpu.memory_space<vmem>> -> memref<1x8x128xf32, #tpu.memory_space<vmem>>
    %dma_start3A_147 = tpu.memref_squeeze %dma_start3A_146 : memref<1x8x128xf32, #tpu.memory_space<vmem>> -> memref<8x128xf32, #tpu.memory_space<vmem>>
    %dma_start3A_148 = arith.constant 0 : i32
    %dma_start3A_149 = tpu.memref_slice %arg3[%dma_start3A_148, %multiple_of3A_136] : memref<8x1000001xf32, #tpu.memory_space<hbm>> -> memref<8x128xf32, #tpu.memory_space<hbm>>
    tpu.enqueue_dma source(%dma_start3A_149 : memref<8x128xf32, #tpu.memory_space<hbm>>) target(%dma_start3A_147 : memref<8x128xf32, #tpu.memory_space<vmem>>) target_semaphore(%arg10 : memref<!tpu.dma_semaphore, #tpu.memory_space<semaphore_mem>>)
    %slice3A_150 = vector.extract_strided_slice %min3A_9 {offsets = [8], sizes = [1], strides = [1]} : vector<16xi32> to vector<1xi32>
    %squeeze3A_151 = vector.extract %slice3A_150[0] : i32 from vector<1xi32>
    %mul3A_152 = arith.constant 128 : i32
    %mul3A_153 = arith.muli %squeeze3A_151, %mul3A_152 : i32
    %multiple_of3A_154 = tpu.assume_multiple %mul3A_153, 128 : i32
    %dma_start3A_155 = arith.constant 0 : i32
    %dma_start3A_156 = arith.constant 0 : i32
    %dma_start3A_157 = arith.constant 1024 : i32
    %dma_start3A_158 = tpu.memref_slice %arg7[%dma_start3A_155, %dma_start3A_156, %dma_start3A_157] : memref<2x8x4096xf32, #tpu.memory_space<vmem>> -> memref<1x8x128xf32, #tpu.memory_space<vmem>>
    %dma_start3A_159 = tpu.memref_squeeze %dma_start3A_158 : memref<1x8x128xf32, #tpu.memory_space<vmem>> -> memref<8x128xf32, #tpu.memory_space<vmem>>
    %dma_start3A_160 = arith.constant 0 : i32
    %dma_start3A_161 = tpu.memref_slice %arg3[%dma_start3A_160, %multiple_of3A_154] : memref<8x1000001xf32, #tpu.memory_space<hbm>> -> memref<8x128xf32, #tpu.memory_space<hbm>>
    %dma_start3A_162 = arith.constant 0 : i32
    %dma_start3A_163 = arith.constant 1024 : i32
    %dma_start3A_164 = tpu.memref_slice %arg7[%dma_start3A_155, %dma_start3A_162, %dma_start3A_163] : memref<2x8x4096xf32, #tpu.memory_space<vmem>> -> memref<1x8x128xf32, #tpu.memory_space<vmem>>
    %dma_start3A_165 = tpu.memref_squeeze %dma_start3A_164 : memref<1x8x128xf32, #tpu.memory_space<vmem>> -> memref<8x128xf32, #tpu.memory_space<vmem>>
    %dma_start3A_166 = arith.constant 0 : i32
    %dma_start3A_167 = tpu.memref_slice %arg3[%dma_start3A_166, %multiple_of3A_154] : memref<8x1000001xf32, #tpu.memory_space<hbm>> -> memref<8x128xf32, #tpu.memory_space<hbm>>
    tpu.enqueue_dma source(%dma_start3A_167 : memref<8x128xf32, #tpu.memory_space<hbm>>) target(%dma_start3A_165 : memref<8x128xf32, #tpu.memory_space<vmem>>) target_semaphore(%arg10 : memref<!tpu.dma_semaphore, #tpu.memory_space<semaphore_mem>>)
    %slice3A_168 = vector.extract_strided_slice %min3A_9 {offsets = [9], sizes = [1], strides = [1]} : vector<16xi32> to vector<1xi32>
    %squeeze3A_169 = vector.extract %slice3A_168[0] : i32 from vector<1xi32>
    %mul3A_170 = arith.constant 128 : i32
    %mul3A_171 = arith.muli %squeeze3A_169, %mul3A_170 : i32
    %multiple_of3A_172 = tpu.assume_multiple %mul3A_171, 128 : i32
    %dma_start3A_173 = arith.constant 0 : i32
    %dma_start3A_174 = arith.constant 0 : i32
    %dma_start3A_175 = arith.constant 1152 : i32
    %dma_start3A_176 = tpu.memref_slice %arg7[%dma_start3A_173, %dma_start3A_174, %dma_start3A_175] : memref<2x8x4096xf32, #tpu.memory_space<vmem>> -> memref<1x8x128xf32, #tpu.memory_space<vmem>>
    %dma_start3A_177 = tpu.memref_squeeze %dma_start3A_176 : memref<1x8x128xf32, #tpu.memory_space<vmem>> -> memref<8x128xf32, #tpu.memory_space<vmem>>
    %dma_start3A_178 = arith.constant 0 : i32
    %dma_start3A_179 = tpu.memref_slice %arg3[%dma_start3A_178, %multiple_of3A_172] : memref<8x1000001xf32, #tpu.memory_space<hbm>> -> memref<8x128xf32, #tpu.memory_space<hbm>>
    %dma_start3A_180 = arith.constant 0 : i32
    %dma_start3A_181 = arith.constant 1152 : i32
    %dma_start3A_182 = tpu.memref_slice %arg7[%dma_start3A_173, %dma_start3A_180, %dma_start3A_181] : memref<2x8x4096xf32, #tpu.memory_space<vmem>> -> memref<1x8x128xf32, #tpu.memory_space<vmem>>
    %dma_start3A_183 = tpu.memref_squeeze %dma_start3A_182 : memref<1x8x128xf32, #tpu.memory_space<vmem>> -> memref<8x128xf32, #tpu.memory_space<vmem>>
    %dma_start3A_184 = arith.constant 0 : i32
    %dma_start3A_185 = tpu.memref_slice %arg3[%dma_start3A_184, %multiple_of3A_172] : memref<8x1000001xf32, #tpu.memory_space<hbm>> -> memref<8x128xf32, #tpu.memory_space<hbm>>
    tpu.enqueue_dma source(%dma_start3A_185 : memref<8x128xf32, #tpu.memory_space<hbm>>) target(%dma_start3A_183 : memref<8x128xf32, #tpu.memory_space<vmem>>) target_semaphore(%arg10 : memref<!tpu.dma_semaphore, #tpu.memory_space<semaphore_mem>>)
    %slice3A_186 = vector.extract_strided_slice %min3A_9 {offsets = [10], sizes = [1], strides = [1]} : vector<16xi32> to vector<1xi32>
    %squeeze3A_187 = vector.extract %slice3A_186[0] : i32 from vector<1xi32>
    %mul3A_188 = arith.constant 128 : i32
    %mul3A_189 = arith.muli %squeeze3A_187, %mul3A_188 : i32
    %multiple_of3A_190 = tpu.assume_multiple %mul3A_189, 128 : i32
    %dma_start3A_191 = arith.constant 0 : i32
    %dma_start3A_192 = arith.constant 0 : i32
    %dma_start3A_193 = arith.constant 1280 : i32
    %dma_start3A_194 = tpu.memref_slice %arg7[%dma_start3A_191, %dma_start3A_192, %dma_start3A_193] : memref<2x8x4096xf32, #tpu.memory_space<vmem>> -> memref<1x8x128xf32, #tpu.memory_space<vmem>>
    %dma_start3A_195 = tpu.memref_squeeze %dma_start3A_194 : memref<1x8x128xf32, #tpu.memory_space<vmem>> -> memref<8x128xf32, #tpu.memory_space<vmem>>
    %dma_start3A_196 = arith.constant 0 : i32
    %dma_start3A_197 = tpu.memref_slice %arg3[%dma_start3A_196, %multiple_of3A_190] : memref<8x1000001xf32, #tpu.memory_space<hbm>> -> memref<8x128xf32, #tpu.memory_space<hbm>>
    %dma_start3A_198 = arith.constant 0 : i32
    %dma_start3A_199 = arith.constant 1280 : i32
    %dma_start3A_200 = tpu.memref_slice %arg7[%dma_start3A_191, %dma_start3A_198, %dma_start3A_199] : memref<2x8x4096xf32, #tpu.memory_space<vmem>> -> memref<1x8x128xf32, #tpu.memory_space<vmem>>
    %dma_start3A_201 = tpu.memref_squeeze %dma_start3A_200 : memref<1x8x128xf32, #tpu.memory_space<vmem>> -> memref<8x128xf32, #tpu.memory_space<vmem>>
    %dma_start3A_202 = arith.constant 0 : i32
    %dma_start3A_203 = tpu.memref_slice %arg3[%dma_start3A_202, %multiple_of3A_190] : memref<8x1000001xf32, #tpu.memory_space<hbm>> -> memref<8x128xf32, #tpu.memory_space<hbm>>
    tpu.enqueue_dma source(%dma_start3A_203 : memref<8x128xf32, #tpu.memory_space<hbm>>) target(%dma_start3A_201 : memref<8x128xf32, #tpu.memory_space<vmem>>) target_semaphore(%arg10 : memref<!tpu.dma_semaphore, #tpu.memory_space<semaphore_mem>>)
    %slice3A_204 = vector.extract_strided_slice %min3A_9 {offsets = [11], sizes = [1], strides = [1]} : vector<16xi32> to vector<1xi32>
    %squeeze3A_205 = vector.extract %slice3A_204[0] : i32 from vector<1xi32>
    %mul3A_206 = arith.constant 128 : i32
    %mul3A_207 = arith.muli %squeeze3A_205, %mul3A_206 : i32
    %multiple_of3A_208 = tpu.assume_multiple %mul3A_207, 128 : i32
    %dma_start3A_209 = arith.constant 0 : i32
    %dma_start3A_210 = arith.constant 0 : i32
    %dma_start3A_211 = arith.constant 1408 : i32
    %dma_start3A_212 = tpu.memref_slice %arg7[%dma_start3A_209, %dma_start3A_210, %dma_start3A_211] : memref<2x8x4096xf32, #tpu.memory_space<vmem>> -> memref<1x8x128xf32, #tpu.memory_space<vmem>>
    %dma_start3A_213 = tpu.memref_squeeze %dma_start3A_212 : memref<1x8x128xf32, #tpu.memory_space<vmem>> -> memref<8x128xf32, #tpu.memory_space<vmem>>
    %dma_start3A_214 = arith.constant 0 : i32
    %dma_start3A_215 = tpu.memref_slice %arg3[%dma_start3A_214, %multiple_of3A_208] : memref<8x1000001xf32, #tpu.memory_space<hbm>> -> memref<8x128xf32, #tpu.memory_space<hbm>>
    %dma_start3A_216 = arith.constant 0 : i32
    %dma_start3A_217 = arith.constant 1408 : i32
    %dma_start3A_218 = tpu.memref_slice %arg7[%dma_start3A_209, %dma_start3A_216, %dma_start3A_217] : memref<2x8x4096xf32, #tpu.memory_space<vmem>> -> memref<1x8x128xf32, #tpu.memory_space<vmem>>
    %dma_start3A_219 = tpu.memref_squeeze %dma_start3A_218 : memref<1x8x128xf32, #tpu.memory_space<vmem>> -> memref<8x128xf32, #tpu.memory_space<vmem>>
    %dma_start3A_220 = arith.constant 0 : i32
    %dma_start3A_221 = tpu.memref_slice %arg3[%dma_start3A_220, %multiple_of3A_208] : memref<8x1000001xf32, #tpu.memory_space<hbm>> -> memref<8x128xf32, #tpu.memory_space<hbm>>
    tpu.enqueue_dma source(%dma_start3A_221 : memref<8x128xf32, #tpu.memory_space<hbm>>) target(%dma_start3A_219 : memref<8x128xf32, #tpu.memory_space<vmem>>) target_semaphore(%arg10 : memref<!tpu.dma_semaphore, #tpu.memory_space<semaphore_mem>>)
    %slice3A_222 = vector.extract_strided_slice %min3A_9 {offsets = [12], sizes = [1], strides = [1]} : vector<16xi32> to vector<1xi32>
    %squeeze3A_223 = vector.extract %slice3A_222[0] : i32 from vector<1xi32>
    %mul3A_224 = arith.constant 128 : i32
    %mul3A_225 = arith.muli %squeeze3A_223, %mul3A_224 : i32
    %multiple_of3A_226 = tpu.assume_multiple %mul3A_225, 128 : i32
    %dma_start3A_227 = arith.constant 0 : i32
    %dma_start3A_228 = arith.constant 0 : i32
    %dma_start3A_229 = arith.constant 1536 : i32
    %dma_start3A_230 = tpu.memref_slice %arg7[%dma_start3A_227, %dma_start3A_228, %dma_start3A_229] : memref<2x8x4096xf32, #tpu.memory_space<vmem>> -> memref<1x8x128xf32, #tpu.memory_space<vmem>>
    %dma_start3A_231 = tpu.memref_squeeze %dma_start3A_230 : memref<1x8x128xf32, #tpu.memory_space<vmem>> -> memref<8x128xf32, #tpu.memory_space<vmem>>
    %dma_start3A_232 = arith.constant 0 : i32
    %dma_start3A_233 = tpu.memref_slice %arg3[%dma_start3A_232, %multiple_of3A_226] : memref<8x1000001xf32, #tpu.memory_space<hbm>> -> memref<8x128xf32, #tpu.memory_space<hbm>>
    %dma_start3A_234 = arith.constant 0 : i32
    %dma_start3A_235 = arith.constant 1536 : i32
    %dma_start3A_236 = tpu.memref_slice %arg7[%dma_start3A_227, %dma_start3A_234, %dma_start3A_235] : memref<2x8x4096xf32, #tpu.memory_space<vmem>> -> memref<1x8x128xf32, #tpu.memory_space<vmem>>
    %dma_start3A_237 = tpu.memref_squeeze %dma_start3A_236 : memref<1x8x128xf32, #tpu.memory_space<vmem>> -> memref<8x128xf32, #tpu.memory_space<vmem>>
    %dma_start3A_238 = arith.constant 0 : i32
    %dma_start3A_239 = tpu.memref_slice %arg3[%dma_start3A_238, %multiple_of3A_226] : memref<8x1000001xf32, #tpu.memory_space<hbm>> -> memref<8x128xf32, #tpu.memory_space<hbm>>
    tpu.enqueue_dma source(%dma_start3A_239 : memref<8x128xf32, #tpu.memory_space<hbm>>) target(%dma_start3A_237 : memref<8x128xf32, #tpu.memory_space<vmem>>) target_semaphore(%arg10 : memref<!tpu.dma_semaphore, #tpu.memory_space<semaphore_mem>>)
    %slice3A_240 = vector.extract_strided_slice %min3A_9 {offsets = [13], sizes = [1], strides = [1]} : vector<16xi32> to vector<1xi32>
    %squeeze3A_241 = vector.extract %slice3A_240[0] : i32 from vector<1xi32>
    %mul3A_242 = arith.constant 128 : i32
    %mul3A_243 = arith.muli %squeeze3A_241, %mul3A_242 : i32
    %multiple_of3A_244 = tpu.assume_multiple %mul3A_243, 128 : i32
    %dma_start3A_245 = arith.constant 0 : i32
    %dma_start3A_246 = arith.constant 0 : i32
    %dma_start3A_247 = arith.constant 1664 : i32
    %dma_start3A_248 = tpu.memref_slice %arg7[%dma_start3A_245, %dma_start3A_246, %dma_start3A_247] : memref<2x8x4096xf32, #tpu.memory_space<vmem>> -> memref<1x8x128xf32, #tpu.memory_space<vmem>>
    %dma_start3A_249 = tpu.memref_squeeze %dma_start3A_248 : memref<1x8x128xf32, #tpu.memory_space<vmem>> -> memref<8x128xf32, #tpu.memory_space<vmem>>
    %dma_start3A_250 = arith.constant 0 : i32
    %dma_start3A_251 = tpu.memref_slice %arg3[%dma_start3A_250, %multiple_of3A_244] : memref<8x1000001xf32, #tpu.memory_space<hbm>> -> memref<8x128xf32, #tpu.memory_space<hbm>>
    %dma_start3A_252 = arith.constant 0 : i32
    %dma_start3A_253 = arith.constant 1664 : i32
    %dma_start3A_254 = tpu.memref_slice %arg7[%dma_start3A_245, %dma_start3A_252, %dma_start3A_253] : memref<2x8x4096xf32, #tpu.memory_space<vmem>> -> memref<1x8x128xf32, #tpu.memory_space<vmem>>
    %dma_start3A_255 = tpu.memref_squeeze %dma_start3A_254 : memref<1x8x128xf32, #tpu.memory_space<vmem>> -> memref<8x128xf32, #tpu.memory_space<vmem>>
    %dma_start3A_256 = arith.constant 0 : i32
    %dma_start3A_257 = tpu.memref_slice %arg3[%dma_start3A_256, %multiple_of3A_244] : memref<8x1000001xf32, #tpu.memory_space<hbm>> -> memref<8x128xf32, #tpu.memory_space<hbm>>
    tpu.enqueue_dma source(%dma_start3A_257 : memref<8x128xf32, #tpu.memory_space<hbm>>) target(%dma_start3A_255 : memref<8x128xf32, #tpu.memory_space<vmem>>) target_semaphore(%arg10 : memref<!tpu.dma_semaphore, #tpu.memory_space<semaphore_mem>>)
    %slice3A_258 = vector.extract_strided_slice %min3A_9 {offsets = [14], sizes = [1], strides = [1]} : vector<16xi32> to vector<1xi32>
    %squeeze3A_259 = vector.extract %slice3A_258[0] : i32 from vector<1xi32>
    %mul3A_260 = arith.constant 128 : i32
    %mul3A_261 = arith.muli %squeeze3A_259, %mul3A_260 : i32
    %multiple_of3A_262 = tpu.assume_multiple %mul3A_261, 128 : i32
    %dma_start3A_263 = arith.constant 0 : i32
    %dma_start3A_264 = arith.constant 0 : i32
    %dma_start3A_265 = arith.constant 1792 : i32
    %dma_start3A_266 = tpu.memref_slice %arg7[%dma_start3A_263, %dma_start3A_264, %dma_start3A_265] : memref<2x8x4096xf32, #tpu.memory_space<vmem>> -> memref<1x8x128xf32, #tpu.memory_space<vmem>>
    %dma_start3A_267 = tpu.memref_squeeze %dma_start3A_266 : memref<1x8x128xf32, #tpu.memory_space<vmem>> -> memref<8x128xf32, #tpu.memory_space<vmem>>
    %dma_start3A_268 = arith.constant 0 : i32
    %dma_start3A_269 = tpu.memref_slice %arg3[%dma_start3A_268, %multiple_of3A_262] : memref<8x1000001xf32, #tpu.memory_space<hbm>> -> memref<8x128xf32, #tpu.memory_space<hbm>>
    %dma_start3A_270 = arith.constant 0 : i32
    %dma_start3A_271 = arith.constant 1792 : i32
    %dma_start3A_272 = tpu.memref_slice %arg7[%dma_start3A_263, %dma_start3A_270, %dma_start3A_271] : memref<2x8x4096xf32, #tpu.memory_space<vmem>> -> memref<1x8x128xf32, #tpu.memory_space<vmem>>
    %dma_start3A_273 = tpu.memref_squeeze %dma_start3A_272 : memref<1x8x128xf32, #tpu.memory_space<vmem>> -> memref<8x128xf32, #tpu.memory_space<vmem>>
    %dma_start3A_274 = arith.constant 0 : i32
    %dma_start3A_275 = tpu.memref_slice %arg3[%dma_start3A_274, %multiple_of3A_262] : memref<8x1000001xf32, #tpu.memory_space<hbm>> -> memref<8x128xf32, #tpu.memory_space<hbm>>
    tpu.enqueue_dma source(%dma_start3A_275 : memref<8x128xf32, #tpu.memory_space<hbm>>) target(%dma_start3A_273 : memref<8x128xf32, #tpu.memory_space<vmem>>) target_semaphore(%arg10 : memref<!tpu.dma_semaphore, #tpu.memory_space<semaphore_mem>>)
    %slice3A_276 = vector.extract_strided_slice %min3A_9 {offsets = [15], sizes = [1], strides = [1]} : vector<16xi32> to vector<1xi32>
    %squeeze3A_277 = vector.extract %slice3A_276[0] : i32 from vector<1xi32>
    %mul3A_278 = arith.constant 128 : i32
    %mul3A_279 = arith.muli %squeeze3A_277, %mul3A_278 : i32
    %multiple_of3A_280 = tpu.assume_multiple %mul3A_279, 128 : i32
    %dma_start3A_281 = arith.constant 0 : i32
    %dma_start3A_282 = arith.constant 0 : i32
    %dma_start3A_283 = arith.constant 1920 : i32
    %dma_start3A_284 = tpu.memref_slice %arg7[%dma_start3A_281, %dma_start3A_282, %dma_start3A_283] : memref<2x8x4096xf32, #tpu.memory_space<vmem>> -> memref<1x8x128xf32, #tpu.memory_space<vmem>>
    %dma_start3A_285 = tpu.memref_squeeze %dma_start3A_284 : memref<1x8x128xf32, #tpu.memory_space<vmem>> -> memref<8x128xf32, #tpu.memory_space<vmem>>
    %dma_start3A_286 = arith.constant 0 : i32
    %dma_start3A_287 = tpu.memref_slice %arg3[%dma_start3A_286, %multiple_of3A_280] : memref<8x1000001xf32, #tpu.memory_space<hbm>> -> memref<8x128xf32, #tpu.memory_space<hbm>>
    %dma_start3A_288 = arith.constant 0 : i32
    %dma_start3A_289 = arith.constant 1920 : i32
    %dma_start3A_290 = tpu.memref_slice %arg7[%dma_start3A_281, %dma_start3A_288, %dma_start3A_289] : memref<2x8x4096xf32, #tpu.memory_space<vmem>> -> memref<1x8x128xf32, #tpu.memory_space<vmem>>
    %dma_start3A_291 = tpu.memref_squeeze %dma_start3A_290 : memref<1x8x128xf32, #tpu.memory_space<vmem>> -> memref<8x128xf32, #tpu.memory_space<vmem>>
    %dma_start3A_292 = arith.constant 0 : i32
    %dma_start3A_293 = tpu.memref_slice %arg3[%dma_start3A_292, %multiple_of3A_280] : memref<8x1000001xf32, #tpu.memory_space<hbm>> -> memref<8x128xf32, #tpu.memory_space<hbm>>
    tpu.enqueue_dma source(%dma_start3A_293 : memref<8x128xf32, #tpu.memory_space<hbm>>) target(%dma_start3A_291 : memref<8x128xf32, #tpu.memory_space<vmem>>) target_semaphore(%arg10 : memref<!tpu.dma_semaphore, #tpu.memory_space<semaphore_mem>>)
    %get3A_294 = arith.constant 0 : i32
    %get3A_295 = arith.index_cast %get3A_294 : i32 to index
    %get3A_296 = arith.constant 16 : index
    %get3A_297 = tpu.vector_load %arg6[%get3A_295, %get3A_296] {strides = array<i32>} : memref<4x128xi32, #tpu.memory_space<vmem>>, vector<16xi32>,
    %shift_right_logical3A_298 = arith.constant 7 : i32
    %shift_right_logical3A_299 = vector.broadcast %shift_right_logical3A_298 : i32 to vector<16xi32>
    %shift_right_logical3A_300 = arith.shrui %get3A_297, %shift_right_logical3A_299 : vector<16xi32>
    %min3A_301 = arith.constant 7811 : i32
    %min3A_302 = vector.broadcast %min3A_301 : i32 to vector<16xi32>
    %min3A_303 = arith.minsi %shift_right_logical3A_300, %min3A_302 : vector<16xi32>
    %slice3A_304 = vector.extract_strided_slice %min3A_303 {offsets = [0], sizes = [1], strides = [1]} : vector<16xi32> to vector<1xi32>
    %squeeze3A_305 = vector.extract %slice3A_304[0] : i32 from vector<1xi32>
    %mul3A_306 = arith.constant 128 : i32
    %mul3A_307 = arith.muli %squeeze3A_305, %mul3A_306 : i32
    %multiple_of3A_308 = tpu.assume_multiple %mul3A_307, 128 : i32
    %dma_start3A_309 = arith.constant 0 : i32
    %dma_start3A_310 = arith.constant 0 : i32
    %dma_start3A_311 = arith.constant 2048 : i32
    %dma_start3A_312 = tpu.memref_slice %arg7[%dma_start3A_309, %dma_start3A_310, %dma_start3A_311] : memref<2x8x4096xf32, #tpu.memory_space<vmem>> -> memref<1x8x128xf32, #tpu.memory_space<vmem>>
    %dma_start3A_313 = tpu.memref_squeeze %dma_start3A_312 : memref<1x8x128xf32, #tpu.memory_space<vmem>> -> memref<8x128xf32, #tpu.memory_space<vmem>>
    %dma_start3A_314 = arith.constant 0 : i32
    %dma_start3A_315 = tpu.memref_slice %arg3[%dma_start3A_314, %multiple_of3A_308] : memref<8x1000001xf32, #tpu.memory_space<hbm>> -> memref<8x128xf32, #tpu.memory_space<hbm>>
    %dma_start3A_316 = arith.constant 0 : i32
    %dma_start3A_317 = arith.constant 2048 : i32
    %dma_start3A_318 = tpu.memref_slice %arg7[%dma_start3A_309, %dma_start3A_316, %dma_start3A_317] : memref<2x8x4096xf32, #tpu.memory_space<vmem>> -> memref<1x8x128xf32, #tpu.memory_space<vmem>>
    %dma_start3A_319 = tpu.memref_squeeze %dma_start3A_318 : memref<1x8x128xf32, #tpu.memory_space<vmem>> -> memref<8x128xf32, #tpu.memory_space<vmem>>
    %dma_start3A_320 = arith.constant 0 : i32
    %dma_start3A_321 = tpu.memref_slice %arg3[%dma_start3A_320, %multiple_of3A_308] : memref<8x1000001xf32, #tpu.memory_space<hbm>> -> memref<8x128xf32, #tpu.memory_space<hbm>>
    tpu.enqueue_dma source(%dma_start3A_321 : memref<8x128xf32, #tpu.memory_space<hbm>>) target(%dma_start3A_319 : memref<8x128xf32, #tpu.memory_space<vmem>>) target_semaphore(%arg10 : memref<!tpu.dma_semaphore, #tpu.memory_space<semaphore_mem>>)
    %slice3A_322 = vector.extract_strided_slice %min3A_303 {offsets = [1], sizes = [1], strides = [1]} : vector<16xi32> to vector<1xi32>
    %squeeze3A_323 = vector.extract %slice3A_322[0] : i32 from vector<1xi32>
    %mul3A_324 = arith.constant 128 : i32
    %mul3A_325 = arith.muli %squeeze3A_323, %mul3A_324 : i32
    %multiple_of3A_326 = tpu.assume_multiple %mul3A_325, 128 : i32
    %dma_start3A_327 = arith.constant 0 : i32
    %dma_start3A_328 = arith.constant 0 : i32
    %dma_start3A_329 = arith.constant 2176 : i32
    %dma_start3A_330 = tpu.memref_slice %arg7[%dma_start3A_327, %dma_start3A_328, %dma_start3A_329] : memref<2x8x4096xf32, #tpu.memory_space<vmem>> -> memref<1x8x128xf32, #tpu.memory_space<vmem>>
    %dma_start3A_331 = tpu.memref_squeeze %dma_start3A_330 : memref<1x8x128xf32, #tpu.memory_space<vmem>> -> memref<8x128xf32, #tpu.memory_space<vmem>>
    %dma_start3A_332 = arith.constant 0 : i32
    %dma_start3A_333 = tpu.memref_slice %arg3[%dma_start3A_332, %multiple_of3A_326] : memref<8x1000001xf32, #tpu.memory_space<hbm>> -> memref<8x128xf32, #tpu.memory_space<hbm>>
    %dma_start3A_334 = arith.constant 0 : i32
    %dma_start3A_335 = arith.constant 2176 : i32
    %dma_start3A_336 = tpu.memref_slice %arg7[%dma_start3A_327, %dma_start3A_334, %dma_start3A_335] : memref<2x8x4096xf32, #tpu.memory_space<vmem>> -> memref<1x8x128xf32, #tpu.memory_space<vmem>>
    %dma_start3A_337 = tpu.memref_squeeze %dma_start3A_336 : memref<1x8x128xf32, #tpu.memory_space<vmem>> -> memref<8x128xf32, #tpu.memory_space<vmem>>
    %dma_start3A_338 = arith.constant 0 : i32
    %dma_start3A_339 = tpu.memref_slice %arg3[%dma_start3A_338, %multiple_of3A_326] : memref<8x1000001xf32, #tpu.memory_space<hbm>> -> memref<8x128xf32, #tpu.memory_space<hbm>>
    tpu.enqueue_dma source(%dma_start3A_339 : memref<8x128xf32, #tpu.memory_space<hbm>>) target(%dma_start3A_337 : memref<8x128xf32, #tpu.memory_space<vmem>>) target_semaphore(%arg10 : memref<!tpu.dma_semaphore, #tpu.memory_space<semaphore_mem>>)
    %slice3A_340 = vector.extract_strided_slice %min3A_303 {offsets = [2], sizes = [1], strides = [1]} : vector<16xi32> to vector<1xi32>
    %squeeze3A_341 = vector.extract %slice3A_340[0] : i32 from vector<1xi32>
    %mul3A_342 = arith.constant 128 : i32
    %mul3A_343 = arith.muli %squeeze3A_341, %mul3A_342 : i32
    %multiple_of3A_344 = tpu.assume_multiple %mul3A_343, 128 : i32
    %dma_start3A_345 = arith.constant 0 : i32
    %dma_start3A_346 = arith.constant 0 : i32
    %dma_start3A_347 = arith.constant 2304 : i32
    %dma_start3A_348 = tpu.memref_slice %arg7[%dma_start3A_345, %dma_start3A_346, %dma_start3A_347] : memref<2x8x4096xf32, #tpu.memory_space<vmem>> -> memref<1x8x128xf32, #tpu.memory_space<vmem>>
    %dma_start3A_349 = tpu.memref_squeeze %dma_start3A_348 : memref<1x8x128xf32, #tpu.memory_space<vmem>> -> memref<8x128xf32, #tpu.memory_space<vmem>>
    %dma_start3A_350 = arith.constant 0 : i32
    %dma_start3A_351 = tpu.memref_slice %arg3[%dma_start3A_350, %multiple_of3A_344] : memref<8x1000001xf32, #tpu.memory_space<hbm>> -> memref<8x128xf32, #tpu.memory_space<hbm>>
    %dma_start3A_352 = arith.constant 0 : i32
    %dma_start3A_353 = arith.constant 2304 : i32
    %dma_start3A_354 = tpu.memref_slice %arg7[%dma_start3A_345, %dma_start3A_352, %dma_start3A_353] : memref<2x8x4096xf32, #tpu.memory_space<vmem>> -> memref<1x8x128xf32, #tpu.memory_space<vmem>>
    %dma_start3A_355 = tpu.memref_squeeze %dma_start3A_354 : memref<1x8x128xf32, #tpu.memory_space<vmem>> -> memref<8x128xf32, #tpu.memory_space<vmem>>
    %dma_start3A_356 = arith.constant 0 : i32
    %dma_start3A_357 = tpu.memref_slice %arg3[%dma_start3A_356, %multiple_of3A_344] : memref<8x1000001xf32, #tpu.memory_space<hbm>> -> memref<8x128xf32, #tpu.memory_space<hbm>>
    tpu.enqueue_dma source(%dma_start3A_357 : memref<8x128xf32, #tpu.memory_space<hbm>>) target(%dma_start3A_355 : memref<8x128xf32, #tpu.memory_space<vmem>>) target_semaphore(%arg10 : memref<!tpu.dma_semaphore, #tpu.memory_space<semaphore_mem>>)
    %slice3A_358 = vector.extract_strided_slice %min3A_303 {offsets = [3], sizes = [1], strides = [1]} : vector<16xi32> to vector<1xi32>
    %squeeze3A_359 = vector.extract %slice3A_358[0] : i32 from vector<1xi32>
    %mul3A_360 = arith.constant 128 : i32
    %mul3A_361 = arith.muli %squeeze3A_359, %mul3A_360 : i32
    %multiple_of3A_362 = tpu.assume_multiple %mul3A_361, 128 : i32
    %dma_start3A_363 = arith.constant 0 : i32
    %dma_start3A_364 = arith.constant 0 : i32
    %dma_start3A_365 = arith.constant 2432 : i32
    %dma_start3A_366 = tpu.memref_slice %arg7[%dma_start3A_363, %dma_start3A_364, %dma_start3A_365] : memref<2x8x4096xf32, #tpu.memory_space<vmem>> -> memref<1x8x128xf32, #tpu.memory_space<vmem>>
    %dma_start3A_367 = tpu.memref_squeeze %dma_start3A_366 : memref<1x8x128xf32, #tpu.memory_space<vmem>> -> memref<8x128xf32, #tpu.memory_space<vmem>>
    %dma_start3A_368 = arith.constant 0 : i32
    %dma_start3A_369 = tpu.memref_slice %arg3[%dma_start3A_368, %multiple_of3A_362] : memref<8x1000001xf32, #tpu.memory_space<hbm>> -> memref<8x128xf32, #tpu.memory_space<hbm>>
    %dma_start3A_370 = arith.constant 0 : i32
    %dma_start3A_371 = arith.constant 2432 : i32
    %dma_start3A_372 = tpu.memref_slice %arg7[%dma_start3A_363, %dma_start3A_370, %dma_start3A_371] : memref<2x8x4096xf32, #tpu.memory_space<vmem>> -> memref<1x8x128xf32, #tpu.memory_space<vmem>>
    %dma_start3A_373 = tpu.memref_squeeze %dma_start3A_372 : memref<1x8x128xf32, #tpu.memory_space<vmem>> -> memref<8x128xf32, #tpu.memory_space<vmem>>
    %dma_start3A_374 = arith.constant 0 : i32
    %dma_start3A_375 = tpu.memref_slice %arg3[%dma_start3A_374, %multiple_of3A_362] : memref<8x1000001xf32, #tpu.memory_space<hbm>> -> memref<8x128xf32, #tpu.memory_space<hbm>>
    tpu.enqueue_dma source(%dma_start3A_375 : memref<8x128xf32, #tpu.memory_space<hbm>>) target(%dma_start3A_373 : memref<8x128xf32, #tpu.memory_space<vmem>>) target_semaphore(%arg10 : memref<!tpu.dma_semaphore, #tpu.memory_space<semaphore_mem>>)
    %slice3A_376 = vector.extract_strided_slice %min3A_303 {offsets = [4], sizes = [1], strides = [1]} : vector<16xi32> to vector<1xi32>
    %squeeze3A_377 = vector.extract %slice3A_376[0] : i32 from vector<1xi32>
    %mul3A_378 = arith.constant 128 : i32
    %mul3A_379 = arith.muli %squeeze3A_377, %mul3A_378 : i32
    %multiple_of3A_380 = tpu.assume_multiple %mul3A_379, 128 : i32
    %dma_start3A_381 = arith.constant 0 : i32
    %dma_start3A_382 = arith.constant 0 : i32
    %dma_start3A_383 = arith.constant 2560 : i32
    %dma_start3A_384 = tpu.memref_slice %arg7[%dma_start3A_381, %dma_start3A_382, %dma_start3A_383] : memref<2x8x4096xf32, #tpu.memory_space<vmem>> -> memref<1x8x128xf32, #tpu.memory_space<vmem>>
    %dma_start3A_385 = tpu.memref_squeeze %dma_start3A_384 : memref<1x8x128xf32, #tpu.memory_space<vmem>> -> memref<8x128xf32, #tpu.memory_space<vmem>>
    %dma_start3A_386 = arith.constant 0 : i32
    %dma_start3A_387 = tpu.memref_slice %arg3[%dma_start3A_386, %multiple_of3A_380] : memref<8x1000001xf32, #tpu.memory_space<hbm>> -> memref<8x128xf32, #tpu.memory_space<hbm>>
    %dma_start3A_388 = arith.constant 0 : i32
    %dma_start3A_389 = arith.constant 2560 : i32
    %dma_start3A_390 = tpu.memref_slice %arg7[%dma_start3A_381, %dma_start3A_388, %dma_start3A_389] : memref<2x8x4096xf32, #tpu.memory_space<vmem>> -> memref<1x8x128xf32, #tpu.memory_space<vmem>>
    %dma_start3A_391 = tpu.memref_squeeze %dma_start3A_390 : memref<1x8x128xf32, #tpu.memory_space<vmem>> -> memref<8x128xf32, #tpu.memory_space<vmem>>
    %dma_start3A_392 = arith.constant 0 : i32
    %dma_start3A_393 = tpu.memref_slice %arg3[%dma_start3A_392, %multiple_of3A_380] : memref<8x1000001xf32, #tpu.memory_space<hbm>> -> memref<8x128xf32, #tpu.memory_space<hbm>>
    tpu.enqueue_dma source(%dma_start3A_393 : memref<8x128xf32, #tpu.memory_space<hbm>>) target(%dma_start3A_391 : memref<8x128xf32, #tpu.memory_space<vmem>>) target_semaphore(%arg10 : memref<!tpu.dma_semaphore, #tpu.memory_space<semaphore_mem>>)
    %slice3A_394 = vector.extract_strided_slice %min3A_303 {offsets = [5], sizes = [1], strides = [1]} : vector<16xi32> to vector<1xi32>
    %squeeze3A_395 = vector.extract %slice3A_394[0] : i32 from vector<1xi32>
    %mul3A_396 = arith.constant 128 : i32
    %mul3A_397 = arith.muli %squeeze3A_395, %mul3A_396 : i32
    %multiple_of3A_398 = tpu.assume_multiple %mul3A_397, 128 : i32
    %dma_start3A_399 = arith.constant 0 : i32
    %dma_start3A_400 = arith.constant 0 : i32
    %dma_start3A_401 = arith.constant 2688 : i32
    %dma_start3A_402 = tpu.memref_slice %arg7[%dma_start3A_399, %dma_start3A_400, %dma_start3A_401] : memref<2x8x4096xf32, #tpu.memory_space<vmem>> -> memref<1x8x128xf32, #tpu.memory_space<vmem>>
    %dma_start3A_403 = tpu.memref_squeeze %dma_start3A_402 : memref<1x8x128xf32, #tpu.memory_space<vmem>> -> memref<8x128xf32, #tpu.memory_space<vmem>>
    %dma_start3A_404 = arith.constant 0 : i32
    %dma_start3A_405 = tpu.memref_slice %arg3[%dma_start3A_404, %multiple_of3A_398] : memref<8x1000001xf32, #tpu.memory_space<hbm>> -> memref<8x128xf32, #tpu.memory_space<hbm>>
    %dma_start3A_406 = arith.constant 0 : i32
    %dma_start3A_407 = arith.constant 2688 : i32
    %dma_start3A_408 = tpu.memref_slice %arg7[%dma_start3A_399, %dma_start3A_406, %dma_start3A_407] : memref<2x8x4096xf32, #tpu.memory_space<vmem>> -> memref<1x8x128xf32, #tpu.memory_space<vmem>>
    %dma_start3A_409 = tpu.memref_squeeze %dma_start3A_408 : memref<1x8x128xf32, #tpu.memory_space<vmem>> -> memref<8x128xf32, #tpu.memory_space<vmem>>
    %dma_start3A_410 = arith.constant 0 : i32
    %dma_start3A_411 = tpu.memref_slice %arg3[%dma_start3A_410, %multiple_of3A_398] : memref<8x1000001xf32, #tpu.memory_space<hbm>> -> memref<8x128xf32, #tpu.memory_space<hbm>>
    tpu.enqueue_dma source(%dma_start3A_411 : memref<8x128xf32, #tpu.memory_space<hbm>>) target(%dma_start3A_409 : memref<8x128xf32, #tpu.memory_space<vmem>>) target_semaphore(%arg10 : memref<!tpu.dma_semaphore, #tpu.memory_space<semaphore_mem>>)
    %slice3A_412 = vector.extract_strided_slice %min3A_303 {offsets = [6], sizes = [1], strides = [1]} : vector<16xi32> to vector<1xi32>
    %squeeze3A_413 = vector.extract %slice3A_412[0] : i32 from vector<1xi32>
    %mul3A_414 = arith.constant 128 : i32
    %mul3A_415 = arith.muli %squeeze3A_413, %mul3A_414 : i32
    %multiple_of3A_416 = tpu.assume_multiple %mul3A_415, 128 : i32
    %dma_start3A_417 = arith.constant 0 : i32
    %dma_start3A_418 = arith.constant 0 : i32
    %dma_start3A_419 = arith.constant 2816 : i32
    %dma_start3A_420 = tpu.memref_slice %arg7[%dma_start3A_417, %dma_start3A_418, %dma_start3A_419] : memref<2x8x4096xf32, #tpu.memory_space<vmem>> -> memref<1x8x128xf32, #tpu.memory_space<vmem>>
    %dma_start3A_421 = tpu.memref_squeeze %dma_start3A_420 : memref<1x8x128xf32, #tpu.memory_space<vmem>> -> memref<8x128xf32, #tpu.memory_space<vmem>>
    %dma_start3A_422 = arith.constant 0 : i32
    %dma_start3A_423 = tpu.memref_slice %arg3[%dma_start3A_422, %multiple_of3A_416] : memref<8x1000001xf32, #tpu.memory_space<hbm>> -> memref<8x128xf32, #tpu.memory_space<hbm>>
    %dma_start3A_424 = arith.constant 0 : i32
    %dma_start3A_425 = arith.constant 2816 : i32
    %dma_start3A_426 = tpu.memref_slice %arg7[%dma_start3A_417, %dma_start3A_424, %dma_start3A_425] : memref<2x8x4096xf32, #tpu.memory_space<vmem>> -> memref<1x8x128xf32, #tpu.memory_space<vmem>>
    %dma_start3A_427 = tpu.memref_squeeze %dma_start3A_426 : memref<1x8x128xf32, #tpu.memory_space<vmem>> -> memref<8x128xf32, #tpu.memory_space<vmem>>
    %dma_start3A_428 = arith.constant 0 : i32
    %dma_start3A_429 = tpu.memref_slice %arg3[%dma_start3A_428, %multiple_of3A_416] : memref<8x1000001xf32, #tpu.memory_space<hbm>> -> memref<8x128xf32, #tpu.memory_space<hbm>>
    tpu.enqueue_dma source(%dma_start3A_429 : memref<8x128xf32, #tpu.memory_space<hbm>>) target(%dma_start3A_427 : memref<8x128xf32, #tpu.memory_space<vmem>>) target_semaphore(%arg10 : memref<!tpu.dma_semaphore, #tpu.memory_space<semaphore_mem>>)
    %slice3A_430 = vector.extract_strided_slice %min3A_303 {offsets = [7], sizes = [1], strides = [1]} : vector<16xi32> to vector<1xi32>
    %squeeze3A_431 = vector.extract %slice3A_430[0] : i32 from vector<1xi32>
    %mul3A_432 = arith.constant 128 : i32
    %mul3A_433 = arith.muli %squeeze3A_431, %mul3A_432 : i32
    %multiple_of3A_434 = tpu.assume_multiple %mul3A_433, 128 : i32
    %dma_start3A_435 = arith.constant 0 : i32
    %dma_start3A_436 = arith.constant 0 : i32
    %dma_start3A_437 = arith.constant 2944 : i32
    %dma_start3A_438 = tpu.memref_slice %arg7[%dma_start3A_435, %dma_start3A_436, %dma_start3A_437] : memref<2x8x4096xf32, #tpu.memory_space<vmem>> -> memref<1x8x128xf32, #tpu.memory_space<vmem>>
    %dma_start3A_439 = tpu.memref_squeeze %dma_start3A_438 : memref<1x8x128xf32, #tpu.memory_space<vmem>> -> memref<8x128xf32, #tpu.memory_space<vmem>>
    %dma_start3A_440 = arith.constant 0 : i32
    %dma_start3A_441 = tpu.memref_slice %arg3[%dma_start3A_440, %multiple_of3A_434] : memref<8x1000001xf32, #tpu.memory_space<hbm>> -> memref<8x128xf32, #tpu.memory_space<hbm>>
    %dma_start3A_442 = arith.constant 0 : i32
    %dma_start3A_443 = arith.constant 2944 : i32
    %dma_start3A_444 = tpu.memref_slice %arg7[%dma_start3A_435, %dma_start3A_442, %dma_start3A_443] : memref<2x8x4096xf32, #tpu.memory_space<vmem>> -> memref<1x8x128xf32, #tpu.memory_space<vmem>>
    %dma_start3A_445 = tpu.memref_squeeze %dma_start3A_444 : memref<1x8x128xf32, #tpu.memory_space<vmem>> -> memref<8x128xf32, #tpu.memory_space<vmem>>
    %dma_start3A_446 = arith.constant 0 : i32
    %dma_start3A_447 = tpu.memref_slice %arg3[%dma_start3A_446, %multiple_of3A_434] : memref<8x1000001xf32, #tpu.memory_space<hbm>> -> memref<8x128xf32, #tpu.memory_space<hbm>>
    tpu.enqueue_dma source(%dma_start3A_447 : memref<8x128xf32, #tpu.memory_space<hbm>>) target(%dma_start3A_445 : memref<8x128xf32, #tpu.memory_space<vmem>>) target_semaphore(%arg10 : memref<!tpu.dma_semaphore, #tpu.memory_space<semaphore_mem>>)
    %slice3A_448 = vector.extract_strided_slice %min3A_303 {offsets = [8], sizes = [1], strides = [1]} : vector<16xi32> to vector<1xi32>
    %squeeze3A_449 = vector.extract %slice3A_448[0] : i32 from vector<1xi32>
    %mul3A_450 = arith.constant 128 : i32
    %mul3A_451 = arith.muli %squeeze3A_449, %mul3A_450 : i32
    %multiple_of3A_452 = tpu.assume_multiple %mul3A_451, 128 : i32
    %dma_start3A_453 = arith.constant 0 : i32
    %dma_start3A_454 = arith.constant 0 : i32
    %dma_start3A_455 = arith.constant 3072 : i32
    %dma_start3A_456 = tpu.memref_slice %arg7[%dma_start3A_453, %dma_start3A_454, %dma_start3A_455] : memref<2x8x4096xf32, #tpu.memory_space<vmem>> -> memref<1x8x128xf32, #tpu.memory_space<vmem>>
    %dma_start3A_457 = tpu.memref_squeeze %dma_start3A_456 : memref<1x8x128xf32, #tpu.memory_space<vmem>> -> memref<8x128xf32, #tpu.memory_space<vmem>>
    %dma_start3A_458 = arith.constant 0 : i32
    %dma_start3A_459 = tpu.memref_slice %arg3[%dma_start3A_458, %multiple_of3A_452] : memref<8x1000001xf32, #tpu.memory_space<hbm>> -> memref<8x128xf32, #tpu.memory_space<hbm>>
    %dma_start3A_460 = arith.constant 0 : i32
    %dma_start3A_461 = arith.constant 3072 : i32
    %dma_start3A_462 = tpu.memref_slice %arg7[%dma_start3A_453, %dma_start3A_460, %dma_start3A_461] : memref<2x8x4096xf32, #tpu.memory_space<vmem>> -> memref<1x8x128xf32, #tpu.memory_space<vmem>>
    %dma_start3A_463 = tpu.memref_squeeze %dma_start3A_462 : memref<1x8x128xf32, #tpu.memory_space<vmem>> -> memref<8x128xf32, #tpu.memory_space<vmem>>
    %dma_start3A_464 = arith.constant 0 : i32
    %dma_start3A_465 = tpu.memref_slice %arg3[%dma_start3A_464, %multiple_of3A_452] : memref<8x1000001xf32, #tpu.memory_space<hbm>> -> memref<8x128xf32, #tpu.memory_space<hbm>>
    tpu.enqueue_dma source(%dma_start3A_465 : memref<8x128xf32, #tpu.memory_space<hbm>>) target(%dma_start3A_463 : memref<8x128xf32, #tpu.memory_space<vmem>>) target_semaphore(%arg10 : memref<!tpu.dma_semaphore, #tpu.memory_space<semaphore_mem>>)
    %slice3A_466 = vector.extract_strided_slice %min3A_303 {offsets = [9], sizes = [1], strides = [1]} : vector<16xi32> to vector<1xi32>
    %squeeze3A_467 = vector.extract %slice3A_466[0] : i32 from vector<1xi32>
    %mul3A_468 = arith.constant 128 : i32
    %mul3A_469 = arith.muli %squeeze3A_467, %mul3A_468 : i32
    %multiple_of3A_470 = tpu.assume_multiple %mul3A_469, 128 : i32
    %dma_start3A_471 = arith.constant 0 : i32
    %dma_start3A_472 = arith.constant 0 : i32
    %dma_start3A_473 = arith.constant 3200 : i32
    %dma_start3A_474 = tpu.memref_slice %arg7[%dma_start3A_471, %dma_start3A_472, %dma_start3A_473] : memref<2x8x4096xf32, #tpu.memory_space<vmem>> -> memref<1x8x128xf32, #tpu.memory_space<vmem>>
    %dma_start3A_475 = tpu.memref_squeeze %dma_start3A_474 : memref<1x8x128xf32, #tpu.memory_space<vmem>> -> memref<8x128xf32, #tpu.memory_space<vmem>>
    %dma_start3A_476 = arith.constant 0 : i32
    %dma_start3A_477 = tpu.memref_slice %arg3[%dma_start3A_476, %multiple_of3A_470] : memref<8x1000001xf32, #tpu.memory_space<hbm>> -> memref<8x128xf32, #tpu.memory_space<hbm>>
    %dma_start3A_478 = arith.constant 0 : i32
    %dma_start3A_479 = arith.constant 3200 : i32
    %dma_start3A_480 = tpu.memref_slice %arg7[%dma_start3A_471, %dma_start3A_478, %dma_start3A_479] : memref<2x8x4096xf32, #tpu.memory_space<vmem>> -> memref<1x8x128xf32, #tpu.memory_space<vmem>>
    %dma_start3A_481 = tpu.memref_squeeze %dma_start3A_480 : memref<1x8x128xf32, #tpu.memory_space<vmem>> -> memref<8x128xf32, #tpu.memory_space<vmem>>
    %dma_start3A_482 = arith.constant 0 : i32
    %dma_start3A_483 = tpu.memref_slice %arg3[%dma_start3A_482, %multiple_of3A_470] : memref<8x1000001xf32, #tpu.memory_space<hbm>> -> memref<8x128xf32, #tpu.memory_space<hbm>>
    tpu.enqueue_dma source(%dma_start3A_483 : memref<8x128xf32, #tpu.memory_space<hbm>>) target(%dma_start3A_481 : memref<8x128xf32, #tpu.memory_space<vmem>>) target_semaphore(%arg10 : memref<!tpu.dma_semaphore, #tpu.memory_space<semaphore_mem>>)
    %slice3A_484 = vector.extract_strided_slice %min3A_303 {offsets = [10], sizes = [1], strides = [1]} : vector<16xi32> to vector<1xi32>
    %squeeze3A_485 = vector.extract %slice3A_484[0] : i32 from vector<1xi32>
    %mul3A_486 = arith.constant 128 : i32
    %mul3A_487 = arith.muli %squeeze3A_485, %mul3A_486 : i32
    %multiple_of3A_488 = tpu.assume_multiple %mul3A_487, 128 : i32
    %dma_start3A_489 = arith.constant 0 : i32
    %dma_start3A_490 = arith.constant 0 : i32
    %dma_start3A_491 = arith.constant 3328 : i32
    %dma_start3A_492 = tpu.memref_slice %arg7[%dma_start3A_489, %dma_start3A_490, %dma_start3A_491] : memref<2x8x4096xf32, #tpu.memory_space<vmem>> -> memref<1x8x128xf32, #tpu.memory_space<vmem>>
    %dma_start3A_493 = tpu.memref_squeeze %dma_start3A_492 : memref<1x8x128xf32, #tpu.memory_space<vmem>> -> memref<8x128xf32, #tpu.memory_space<vmem>>
    %dma_start3A_494 = arith.constant 0 : i32
    %dma_start3A_495 = tpu.memref_slice %arg3[%dma_start3A_494, %multiple_of3A_488] : memref<8x1000001xf32, #tpu.memory_space<hbm>> -> memref<8x128xf32, #tpu.memory_space<hbm>>
    %dma_start3A_496 = arith.constant 0 : i32
    %dma_start3A_497 = arith.constant 3328 : i32
    %dma_start3A_498 = tpu.memref_slice %arg7[%dma_start3A_489, %dma_start3A_496, %dma_start3A_497] : memref<2x8x4096xf32, #tpu.memory_space<vmem>> -> memref<1x8x128xf32, #tpu.memory_space<vmem>>
    %dma_start3A_499 = tpu.memref_squeeze %dma_start3A_498 : memref<1x8x128xf32, #tpu.memory_space<vmem>> -> memref<8x128xf32, #tpu.memory_space<vmem>>
    %dma_start3A_500 = arith.constant 0 : i32
    %dma_start3A_501 = tpu.memref_slice %arg3[%dma_start3A_500, %multiple_of3A_488] : memref<8x1000001xf32, #tpu.memory_space<hbm>> -> memref<8x128xf32, #tpu.memory_space<hbm>>
    tpu.enqueue_dma source(%dma_start3A_501 : memref<8x128xf32, #tpu.memory_space<hbm>>) target(%dma_start3A_499 : memref<8x128xf32, #tpu.memory_space<vmem>>) target_semaphore(%arg10 : memref<!tpu.dma_semaphore, #tpu.memory_space<semaphore_mem>>)
    %slice3A_502 = vector.extract_strided_slice %min3A_303 {offsets = [11], sizes = [1], strides = [1]} : vector<16xi32> to vector<1xi32>
    %squeeze3A_503 = vector.extract %slice3A_502[0] : i32 from vector<1xi32>
    %mul3A_504 = arith.constant 128 : i32
    %mul3A_505 = arith.muli %squeeze3A_503, %mul3A_504 : i32
    %multiple_of3A_506 = tpu.assume_multiple %mul3A_505, 128 : i32
    %dma_start3A_507 = arith.constant 0 : i32
    %dma_start3A_508 = arith.constant 0 : i32
    %dma_start3A_509 = arith.constant 3456 : i32
    %dma_start3A_510 = tpu.memref_slice %arg7[%dma_start3A_507, %dma_start3A_508, %dma_start3A_509] : memref<2x8x4096xf32, #tpu.memory_space<vmem>> -> memref<1x8x128xf32, #tpu.memory_space<vmem>>
    %dma_start3A_511 = tpu.memref_squeeze %dma_start3A_510 : memref<1x8x128xf32, #tpu.memory_space<vmem>> -> memref<8x128xf32, #tpu.memory_space<vmem>>
    %dma_start3A_512 = arith.constant 0 : i32
    %dma_start3A_513 = tpu.memref_slice %arg3[%dma_start3A_512, %multiple_of3A_506] : memref<8x1000001xf32, #tpu.memory_space<hbm>> -> memref<8x128xf32, #tpu.memory_space<hbm>>
    %dma_start3A_514 = arith.constant 0 : i32
    %dma_start3A_515 = arith.constant 3456 : i32
    %dma_start3A_516 = tpu.memref_slice %arg7[%dma_start3A_507, %dma_start3A_514, %dma_start3A_515] : memref<2x8x4096xf32, #tpu.memory_space<vmem>> -> memref<1x8x128xf32, #tpu.memory_space<vmem>>
    %dma_start3A_517 = tpu.memref_squeeze %dma_start3A_516 : memref<1x8x128xf32, #tpu.memory_space<vmem>> -> memref<8x128xf32, #tpu.memory_space<vmem>>
    %dma_start3A_518 = arith.constant 0 : i32
    %dma_start3A_519 = tpu.memref_slice %arg3[%dma_start3A_518, %multiple_of3A_506] : memref<8x1000001xf32, #tpu.memory_space<hbm>> -> memref<8x128xf32, #tpu.memory_space<hbm>>
    tpu.enqueue_dma source(%dma_start3A_519 : memref<8x128xf32, #tpu.memory_space<hbm>>) target(%dma_start3A_517 : memref<8x128xf32, #tpu.memory_space<vmem>>) target_semaphore(%arg10 : memref<!tpu.dma_semaphore, #tpu.memory_space<semaphore_mem>>)
    %slice3A_520 = vector.extract_strided_slice %min3A_303 {offsets = [12], sizes = [1], strides = [1]} : vector<16xi32> to vector<1xi32>
    %squeeze3A_521 = vector.extract %slice3A_520[0] : i32 from vector<1xi32>
    %mul3A_522 = arith.constant 128 : i32
    %mul3A_523 = arith.muli %squeeze3A_521, %mul3A_522 : i32
    %multiple_of3A_524 = tpu.assume_multiple %mul3A_523, 128 : i32
    %dma_start3A_525 = arith.constant 0 : i32
    %dma_start3A_526 = arith.constant 0 : i32
    %dma_start3A_527 = arith.constant 3584 : i32
    %dma_start3A_528 = tpu.memref_slice %arg7[%dma_start3A_525, %dma_start3A_526, %dma_start3A_527] : memref<2x8x4096xf32, #tpu.memory_space<vmem>> -> memref<1x8x128xf32, #tpu.memory_space<vmem>>
    %dma_start3A_529 = tpu.memref_squeeze %dma_start3A_528 : memref<1x8x128xf32, #tpu.memory_space<vmem>> -> memref<8x128xf32, #tpu.memory_space<vmem>>
    %dma_start3A_530 = arith.constant 0 : i32
    %dma_start3A_531 = tpu.memref_slice %arg3[%dma_start3A_530, %multiple_of3A_524] : memref<8x1000001xf32, #tpu.memory_space<hbm>> -> memref<8x128xf32, #tpu.memory_space<hbm>>
    %dma_start3A_532 = arith.constant 0 : i32
    %dma_start3A_533 = arith.constant 3584 : i32
    %dma_start3A_534 = tpu.memref_slice %arg7[%dma_start3A_525, %dma_start3A_532, %dma_start3A_533] : memref<2x8x4096xf32, #tpu.memory_space<vmem>> -> memref<1x8x128xf32, #tpu.memory_space<vmem>>
    %dma_start3A_535 = tpu.memref_squeeze %dma_start3A_534 : memref<1x8x128xf32, #tpu.memory_space<vmem>> -> memref<8x128xf32, #tpu.memory_space<vmem>>
    %dma_start3A_536 = arith.constant 0 : i32
    %dma_start3A_537 = tpu.memref_slice %arg3[%dma_start3A_536, %multiple_of3A_524] : memref<8x1000001xf32, #tpu.memory_space<hbm>> -> memref<8x128xf32, #tpu.memory_space<hbm>>
    tpu.enqueue_dma source(%dma_start3A_537 : memref<8x128xf32, #tpu.memory_space<hbm>>) target(%dma_start3A_535 : memref<8x128xf32, #tpu.memory_space<vmem>>) target_semaphore(%arg10 : memref<!tpu.dma_semaphore, #tpu.memory_space<semaphore_mem>>)
    %slice3A_538 = vector.extract_strided_slice %min3A_303 {offsets = [13], sizes = [1], strides = [1]} : vector<16xi32> to vector<1xi32>
    %squeeze3A_539 = vector.extract %slice3A_538[0] : i32 from vector<1xi32>
    %mul3A_540 = arith.constant 128 : i32
    %mul3A_541 = arith.muli %squeeze3A_539, %mul3A_540 : i32
    %multiple_of3A_542 = tpu.assume_multiple %mul3A_541, 128 : i32
    %dma_start3A_543 = arith.constant 0 : i32
    %dma_start3A_544 = arith.constant 0 : i32
    %dma_start3A_545 = arith.constant 3712 : i32
    %dma_start3A_546 = tpu.memref_slice %arg7[%dma_start3A_543, %dma_start3A_544, %dma_start3A_545] : memref<2x8x4096xf32, #tpu.memory_space<vmem>> -> memref<1x8x128xf32, #tpu.memory_space<vmem>>
    %dma_start3A_547 = tpu.memref_squeeze %dma_start3A_546 : memref<1x8x128xf32, #tpu.memory_space<vmem>> -> memref<8x128xf32, #tpu.memory_space<vmem>>
    %dma_start3A_548 = arith.constant 0 : i32
    %dma_start3A_549 = tpu.memref_slice %arg3[%dma_start3A_548, %multiple_of3A_542] : memref<8x1000001xf32, #tpu.memory_space<hbm>> -> memref<8x128xf32, #tpu.memory_space<hbm>>
    %dma_start3A_550 = arith.constant 0 : i32
    %dma_start3A_551 = arith.constant 3712 : i32
    %dma_start3A_552 = tpu.memref_slice %arg7[%dma_start3A_543, %dma_start3A_550, %dma_start3A_551] : memref<2x8x4096xf32, #tpu.memory_space<vmem>> -> memref<1x8x128xf32, #tpu.memory_space<vmem>>
    %dma_start3A_553 = tpu.memref_squeeze %dma_start3A_552 : memref<1x8x128xf32, #tpu.memory_space<vmem>> -> memref<8x128xf32, #tpu.memory_space<vmem>>
    %dma_start3A_554 = arith.constant 0 : i32
    %dma_start3A_555 = tpu.memref_slice %arg3[%dma_start3A_554, %multiple_of3A_542] : memref<8x1000001xf32, #tpu.memory_space<hbm>> -> memref<8x128xf32, #tpu.memory_space<hbm>>
    tpu.enqueue_dma source(%dma_start3A_555 : memref<8x128xf32, #tpu.memory_space<hbm>>) target(%dma_start3A_553 : memref<8x128xf32, #tpu.memory_space<vmem>>) target_semaphore(%arg10 : memref<!tpu.dma_semaphore, #tpu.memory_space<semaphore_mem>>)
    %slice3A_556 = vector.extract_strided_slice %min3A_303 {offsets = [14], sizes = [1], strides = [1]} : vector<16xi32> to vector<1xi32>
    %squeeze3A_557 = vector.extract %slice3A_556[0] : i32 from vector<1xi32>
    %mul3A_558 = arith.constant 128 : i32
    %mul3A_559 = arith.muli %squeeze3A_557, %mul3A_558 : i32
    %multiple_of3A_560 = tpu.assume_multiple %mul3A_559, 128 : i32
    %dma_start3A_561 = arith.constant 0 : i32
    %dma_start3A_562 = arith.constant 0 : i32
    %dma_start3A_563 = arith.constant 3840 : i32
    %dma_start3A_564 = tpu.memref_slice %arg7[%dma_start3A_561, %dma_start3A_562, %dma_start3A_563] : memref<2x8x4096xf32, #tpu.memory_space<vmem>> -> memref<1x8x128xf32, #tpu.memory_space<vmem>>
    %dma_start3A_565 = tpu.memref_squeeze %dma_start3A_564 : memref<1x8x128xf32, #tpu.memory_space<vmem>> -> memref<8x128xf32, #tpu.memory_space<vmem>>
    %dma_start3A_566 = arith.constant 0 : i32
    %dma_start3A_567 = tpu.memref_slice %arg3[%dma_start3A_566, %multiple_of3A_560] : memref<8x1000001xf32, #tpu.memory_space<hbm>> -> memref<8x128xf32, #tpu.memory_space<hbm>>
    %dma_start3A_568 = arith.constant 0 : i32
    %dma_start3A_569 = arith.constant 3840 : i32
    %dma_start3A_570 = tpu.memref_slice %arg7[%dma_start3A_561, %dma_start3A_568, %dma_start3A_569] : memref<2x8x4096xf32, #tpu.memory_space<vmem>> -> memref<1x8x128xf32, #tpu.memory_space<vmem>>
    %dma_start3A_571 = tpu.memref_squeeze %dma_start3A_570 : memref<1x8x128xf32, #tpu.memory_space<vmem>> -> memref<8x128xf32, #tpu.memory_space<vmem>>
    %dma_start3A_572 = arith.constant 0 : i32
    %dma_start3A_573 = tpu.memref_slice %arg3[%dma_start3A_572, %multiple_of3A_560] : memref<8x1000001xf32, #tpu.memory_space<hbm>> -> memref<8x128xf32, #tpu.memory_space<hbm>>
    tpu.enqueue_dma source(%dma_start3A_573 : memref<8x128xf32, #tpu.memory_space<hbm>>) target(%dma_start3A_571 : memref<8x128xf32, #tpu.memory_space<vmem>>) target_semaphore(%arg10 : memref<!tpu.dma_semaphore, #tpu.memory_space<semaphore_mem>>)
    %slice3A_574 = vector.extract_strided_slice %min3A_303 {offsets = [15], sizes = [1], strides = [1]} : vector<16xi32> to vector<1xi32>
    %squeeze3A_575 = vector.extract %slice3A_574[0] : i32 from vector<1xi32>
    %mul3A_576 = arith.constant 128 : i32
    %mul3A_577 = arith.muli %squeeze3A_575, %mul3A_576 : i32
    %multiple_of3A_578 = tpu.assume_multiple %mul3A_577, 128 : i32
    %dma_start3A_579 = arith.constant 0 : i32
    %dma_start3A_580 = arith.constant 0 : i32
    %dma_start3A_581 = arith.constant 3968 : i32
    %dma_start3A_582 = tpu.memref_slice %arg7[%dma_start3A_579, %dma_start3A_580, %dma_start3A_581] : memref<2x8x4096xf32, #tpu.memory_space<vmem>> -> memref<1x8x128xf32, #tpu.memory_space<vmem>>
    %dma_start3A_583 = tpu.memref_squeeze %dma_start3A_582 : memref<1x8x128xf32, #tpu.memory_space<vmem>> -> memref<8x128xf32, #tpu.memory_space<vmem>>
    %dma_start3A_584 = arith.constant 0 : i32
    %dma_start3A_585 = tpu.memref_slice %arg3[%dma_start3A_584, %multiple_of3A_578] : memref<8x1000001xf32, #tpu.memory_space<hbm>> -> memref<8x128xf32, #tpu.memory_space<hbm>>
    %dma_start3A_586 = arith.constant 0 : i32
    %dma_start3A_587 = arith.constant 3968 : i32
    %dma_start3A_588 = tpu.memref_slice %arg7[%dma_start3A_579, %dma_start3A_586, %dma_start3A_587] : memref<2x8x4096xf32, #tpu.memory_space<vmem>> -> memref<1x8x128xf32, #tpu.memory_space<vmem>>
    %dma_start3A_589 = tpu.memref_squeeze %dma_start3A_588 : memref<1x8x128xf32, #tpu.memory_space<vmem>> -> memref<8x128xf32, #tpu.memory_space<vmem>>
    %dma_start3A_590 = arith.constant 0 : i32
    %dma_start3A_591 = tpu.memref_slice %arg3[%dma_start3A_590, %multiple_of3A_578] : memref<8x1000001xf32, #tpu.memory_space<hbm>> -> memref<8x128xf32, #tpu.memory_space<hbm>>
    tpu.enqueue_dma source(%dma_start3A_591 : memref<8x128xf32, #tpu.memory_space<hbm>>) target(%dma_start3A_589 : memref<8x128xf32, #tpu.memory_space<vmem>>) target_semaphore(%arg10 : memref<!tpu.dma_semaphore, #tpu.memory_space<semaphore_mem>>)
    %get3A_592 = arith.constant 0 : i32
    %get3A_593 = arith.index_cast %get3A_592 : i32 to index
    %get3A_594 = arith.constant 32 : index
    %get3A_595 = tpu.vector_load %arg6[%get3A_593, %get3A_594] {strides = array<i32>} : memref<4x128xi32, #tpu.memory_space<vmem>>, vector<16xi32>,
    %shift_right_logical3A_596 = arith.constant 7 : i32
    %shift_right_logical3A_597 = vector.broadcast %shift_right_logical3A_596 : i32 to vector<16xi32>
    %shift_right_logical3A_598 = arith.shrui %get3A_595, %shift_right_logical3A_597 : vector<16xi32>
    %min3A_599 = arith.constant 7811 : i32
    %min3A_600 = vector.broadcast %min3A_599 : i32 to vector<16xi32>
    %min3A_601 = arith.minsi %shift_right_logical3A_598, %min3A_600 : vector<16xi32>
    %slice3A_602 = vector.extract_strided_slice %min3A_601 {offsets = [0], sizes = [1], strides = [1]} : vector<16xi32> to vector<1xi32>
    %squeeze3A_603 = vector.extract %slice3A_602[0] : i32 from vector<1xi32>
    %mul3A_604 = arith.constant 128 : i32
    %mul3A_605 = arith.muli %squeeze3A_603, %mul3A_604 : i32
    %multiple_of3A_606 = tpu.assume_multiple %mul3A_605, 128 : i32
    %dma_start3A_607 = arith.constant 1 : i32
    %dma_start3A_608 = arith.constant 0 : i32
    %dma_start3A_609 = arith.constant 0 : i32
    %dma_start3A_610 = tpu.memref_slice %arg7[%dma_start3A_607, %dma_start3A_608, %dma_start3A_609] : memref<2x8x4096xf32, #tpu.memory_space<vmem>> -> memref<1x8x128xf32, #tpu.memory_space<vmem>>
    %dma_start3A_611 = tpu.memref_squeeze %dma_start3A_610 : memref<1x8x128xf32, #tpu.memory_space<vmem>> -> memref<8x128xf32, #tpu.memory_space<vmem>>
    %dma_start3A_612 = arith.constant 0 : i32
    %dma_start3A_613 = tpu.memref_slice %arg3[%dma_start3A_612, %multiple_of3A_606] : memref<8x1000001xf32, #tpu.memory_space<hbm>> -> memref<8x128xf32, #tpu.memory_space<hbm>>
    %dma_start3A_614 = arith.constant 0 : i32
    %dma_start3A_615 = arith.constant 0 : i32
    %dma_start3A_616 = tpu.memref_slice %arg7[%dma_start3A_607, %dma_start3A_614, %dma_start3A_615] : memref<2x8x4096xf32, #tpu.memory_space<vmem>> -> memref<1x8x128xf32, #tpu.memory_space<vmem>>
    %dma_start3A_617 = tpu.memref_squeeze %dma_start3A_616 : memref<1x8x128xf32, #tpu.memory_space<vmem>> -> memref<8x128xf32, #tpu.memory_space<vmem>>
    %dma_start3A_618 = arith.constant 0 : i32
    %dma_start3A_619 = tpu.memref_slice %arg3[%dma_start3A_618, %multiple_of3A_606] : memref<8x1000001xf32, #tpu.memory_space<hbm>> -> memref<8x128xf32, #tpu.memory_space<hbm>>
    tpu.enqueue_dma source(%dma_start3A_619 : memref<8x128xf32, #tpu.memory_space<hbm>>) target(%dma_start3A_617 : memref<8x128xf32, #tpu.memory_space<vmem>>) target_semaphore(%arg11 : memref<!tpu.dma_semaphore, #tpu.memory_space<semaphore_mem>>)
    %slice3A_620 = vector.extract_strided_slice %min3A_601 {offsets = [1], sizes = [1], strides = [1]} : vector<16xi32> to vector<1xi32>
    %squeeze3A_621 = vector.extract %slice3A_620[0] : i32 from vector<1xi32>
    %mul3A_622 = arith.constant 128 : i32
    %mul3A_623 = arith.muli %squeeze3A_621, %mul3A_622 : i32
    %multiple_of3A_624 = tpu.assume_multiple %mul3A_623, 128 : i32
    %dma_start3A_625 = arith.constant 1 : i32
    %dma_start3A_626 = arith.constant 0 : i32
    %dma_start3A_627 = arith.constant 128 : i32
    %dma_start3A_628 = tpu.memref_slice %arg7[%dma_start3A_625, %dma_start3A_626, %dma_start3A_627] : memref<2x8x4096xf32, #tpu.memory_space<vmem>> -> memref<1x8x128xf32, #tpu.memory_space<vmem>>
    %dma_start3A_629 = tpu.memref_squeeze %dma_start3A_628 : memref<1x8x128xf32, #tpu.memory_space<vmem>> -> memref<8x128xf32, #tpu.memory_space<vmem>>
    %dma_start3A_630 = arith.constant 0 : i32
    %dma_start3A_631 = tpu.memref_slice %arg3[%dma_start3A_630, %multiple_of3A_624] : memref<8x1000001xf32, #tpu.memory_space<hbm>> -> memref<8x128xf32, #tpu.memory_space<hbm>>
    %dma_start3A_632 = arith.constant 0 : i32
    %dma_start3A_633 = arith.constant 128 : i32
    %dma_start3A_634 = tpu.memref_slice %arg7[%dma_start3A_625, %dma_start3A_632, %dma_start3A_633] : memref<2x8x4096xf32, #tpu.memory_space<vmem>> -> memref<1x8x128xf32, #tpu.memory_space<vmem>>
    %dma_start3A_635 = tpu.memref_squeeze %dma_start3A_634 : memref<1x8x128xf32, #tpu.memory_space<vmem>> -> memref<8x128xf32, #tpu.memory_space<vmem>>
    %dma_start3A_636 = arith.constant 0 : i32
    %dma_start3A_637 = tpu.memref_slice %arg3[%dma_start3A_636, %multiple_of3A_624] : memref<8x1000001xf32, #tpu.memory_space<hbm>> -> memref<8x128xf32, #tpu.memory_space<hbm>>
    tpu.enqueue_dma source(%dma_start3A_637 : memref<8x128xf32, #tpu.memory_space<hbm>>) target(%dma_start3A_635 : memref<8x128xf32, #tpu.memory_space<vmem>>) target_semaphore(%arg11 : memref<!tpu.dma_semaphore, #tpu.memory_space<semaphore_mem>>)
    %slice3A_638 = vector.extract_strided_slice %min3A_601 {offsets = [2], sizes = [1], strides = [1]} : vector<16xi32> to vector<1xi32>
    %squeeze3A_639 = vector.extract %slice3A_638[0] : i32 from vector<1xi32>
    %mul3A_640 = arith.constant 128 : i32
    %mul3A_641 = arith.muli %squeeze3A_639, %mul3A_640 : i32
    %multiple_of3A_642 = tpu.assume_multiple %mul3A_641, 128 : i32
    %dma_start3A_643 = arith.constant 1 : i32
    %dma_start3A_644 = arith.constant 0 : i32
    %dma_start3A_645 = arith.constant 256 : i32
    %dma_start3A_646 = tpu.memref_slice %arg7[%dma_start3A_643, %dma_start3A_644, %dma_start3A_645] : memref<2x8x4096xf32, #tpu.memory_space<vmem>> -> memref<1x8x128xf32, #tpu.memory_space<vmem>>
    %dma_start3A_647 = tpu.memref_squeeze %dma_start3A_646 : memref<1x8x128xf32, #tpu.memory_space<vmem>> -> memref<8x128xf32, #tpu.memory_space<vmem>>
    %dma_start3A_648 = arith.constant 0 : i32
    %dma_start3A_649 = tpu.memref_slice %arg3[%dma_start3A_648, %multiple_of3A_642] : memref<8x1000001xf32, #tpu.memory_space<hbm>> -> memref<8x128xf32, #tpu.memory_space<hbm>>
    %dma_start3A_650 = arith.constant 0 : i32
    %dma_start3A_651 = arith.constant 256 : i32
    %dma_start3A_652 = tpu.memref_slice %arg7[%dma_start3A_643, %dma_start3A_650, %dma_start3A_651] : memref<2x8x4096xf32, #tpu.memory_space<vmem>> -> memref<1x8x128xf32, #tpu.memory_space<vmem>>
    %dma_start3A_653 = tpu.memref_squeeze %dma_start3A_652 : memref<1x8x128xf32, #tpu.memory_space<vmem>> -> memref<8x128xf32, #tpu.memory_space<vmem>>
    %dma_start3A_654 = arith.constant 0 : i32
    %dma_start3A_655 = tpu.memref_slice %arg3[%dma_start3A_654, %multiple_of3A_642] : memref<8x1000001xf32, #tpu.memory_space<hbm>> -> memref<8x128xf32, #tpu.memory_space<hbm>>
    tpu.enqueue_dma source(%dma_start3A_655 : memref<8x128xf32, #tpu.memory_space<hbm>>) target(%dma_start3A_653 : memref<8x128xf32, #tpu.memory_space<vmem>>) target_semaphore(%arg11 : memref<!tpu.dma_semaphore, #tpu.memory_space<semaphore_mem>>)
    %slice3A_656 = vector.extract_strided_slice %min3A_601 {offsets = [3], sizes = [1], strides = [1]} : vector<16xi32> to vector<1xi32>
    %squeeze3A_657 = vector.extract %slice3A_656[0] : i32 from vector<1xi32>
    %mul3A_658 = arith.constant 128 : i32
    %mul3A_659 = arith.muli %squeeze3A_657, %mul3A_658 : i32
    %multiple_of3A_660 = tpu.assume_multiple %mul3A_659, 128 : i32
    %dma_start3A_661 = arith.constant 1 : i32
    %dma_start3A_662 = arith.constant 0 : i32
    %dma_start3A_663 = arith.constant 384 : i32
    %dma_start3A_664 = tpu.memref_slice %arg7[%dma_start3A_661, %dma_start3A_662, %dma_start3A_663] : memref<2x8x4096xf32, #tpu.memory_space<vmem>> -> memref<1x8x128xf32, #tpu.memory_space<vmem>>
    %dma_start3A_665 = tpu.memref_squeeze %dma_start3A_664 : memref<1x8x128xf32, #tpu.memory_space<vmem>> -> memref<8x128xf32, #tpu.memory_space<vmem>>
    %dma_start3A_666 = arith.constant 0 : i32
    %dma_start3A_667 = tpu.memref_slice %arg3[%dma_start3A_666, %multiple_of3A_660] : memref<8x1000001xf32, #tpu.memory_space<hbm>> -> memref<8x128xf32, #tpu.memory_space<hbm>>
    %dma_start3A_668 = arith.constant 0 : i32
    %dma_start3A_669 = arith.constant 384 : i32
    %dma_start3A_670 = tpu.memref_slice %arg7[%dma_start3A_661, %dma_start3A_668, %dma_start3A_669] : memref<2x8x4096xf32, #tpu.memory_space<vmem>> -> memref<1x8x128xf32, #tpu.memory_space<vmem>>
    %dma_start3A_671 = tpu.memref_squeeze %dma_start3A_670 : memref<1x8x128xf32, #tpu.memory_space<vmem>> -> memref<8x128xf32, #tpu.memory_space<vmem>>
    %dma_start3A_672 = arith.constant 0 : i32
    %dma_start3A_673 = tpu.memref_slice %arg3[%dma_start3A_672, %multiple_of3A_660] : memref<8x1000001xf32, #tpu.memory_space<hbm>> -> memref<8x128xf32, #tpu.memory_space<hbm>>
    tpu.enqueue_dma source(%dma_start3A_673 : memref<8x128xf32, #tpu.memory_space<hbm>>) target(%dma_start3A_671 : memref<8x128xf32, #tpu.memory_space<vmem>>) target_semaphore(%arg11 : memref<!tpu.dma_semaphore, #tpu.memory_space<semaphore_mem>>)
    %slice3A_674 = vector.extract_strided_slice %min3A_601 {offsets = [4], sizes = [1], strides = [1]} : vector<16xi32> to vector<1xi32>
    %squeeze3A_675 = vector.extract %slice3A_674[0] : i32 from vector<1xi32>
    %mul3A_676 = arith.constant 128 : i32
    %mul3A_677 = arith.muli %squeeze3A_675, %mul3A_676 : i32
    %multiple_of3A_678 = tpu.assume_multiple %mul3A_677, 128 : i32
    %dma_start3A_679 = arith.constant 1 : i32
    %dma_start3A_680 = arith.constant 0 : i32
    %dma_start3A_681 = arith.constant 512 : i32
    %dma_start3A_682 = tpu.memref_slice %arg7[%dma_start3A_679, %dma_start3A_680, %dma_start3A_681] : memref<2x8x4096xf32, #tpu.memory_space<vmem>> -> memref<1x8x128xf32, #tpu.memory_space<vmem>>
    %dma_start3A_683 = tpu.memref_squeeze %dma_start3A_682 : memref<1x8x128xf32, #tpu.memory_space<vmem>> -> memref<8x128xf32, #tpu.memory_space<vmem>>
    %dma_start3A_684 = arith.constant 0 : i32
    %dma_start3A_685 = tpu.memref_slice %arg3[%dma_start3A_684, %multiple_of3A_678] : memref<8x1000001xf32, #tpu.memory_space<hbm>> -> memref<8x128xf32, #tpu.memory_space<hbm>>
    %dma_start3A_686 = arith.constant 0 : i32
    %dma_start3A_687 = arith.constant 512 : i32
    %dma_start3A_688 = tpu.memref_slice %arg7[%dma_start3A_679, %dma_start3A_686, %dma_start3A_687] : memref<2x8x4096xf32, #tpu.memory_space<vmem>> -> memref<1x8x128xf32, #tpu.memory_space<vmem>>
    %dma_start3A_689 = tpu.memref_squeeze %dma_start3A_688 : memref<1x8x128xf32, #tpu.memory_space<vmem>> -> memref<8x128xf32, #tpu.memory_space<vmem>>
    %dma_start3A_690 = arith.constant 0 : i32
    %dma_start3A_691 = tpu.memref_slice %arg3[%dma_start3A_690, %multiple_of3A_678] : memref<8x1000001xf32, #tpu.memory_space<hbm>> -> memref<8x128xf32, #tpu.memory_space<hbm>>
    tpu.enqueue_dma source(%dma_start3A_691 : memref<8x128xf32, #tpu.memory_space<hbm>>) target(%dma_start3A_689 : memref<8x128xf32, #tpu.memory_space<vmem>>) target_semaphore(%arg11 : memref<!tpu.dma_semaphore, #tpu.memory_space<semaphore_mem>>)
    %slice3A_692 = vector.extract_strided_slice %min3A_601 {offsets = [5], sizes = [1], strides = [1]} : vector<16xi32> to vector<1xi32>
    %squeeze3A_693 = vector.extract %slice3A_692[0] : i32 from vector<1xi32>
    %mul3A_694 = arith.constant 128 : i32
    %mul3A_695 = arith.muli %squeeze3A_693, %mul3A_694 : i32
    %multiple_of3A_696 = tpu.assume_multiple %mul3A_695, 128 : i32
    %dma_start3A_697 = arith.constant 1 : i32
    %dma_start3A_698 = arith.constant 0 : i32
    %dma_start3A_699 = arith.constant 640 : i32
    %dma_start3A_700 = tpu.memref_slice %arg7[%dma_start3A_697, %dma_start3A_698, %dma_start3A_699] : memref<2x8x4096xf32, #tpu.memory_space<vmem>> -> memref<1x8x128xf32, #tpu.memory_space<vmem>>
    %dma_start3A_701 = tpu.memref_squeeze %dma_start3A_700 : memref<1x8x128xf32, #tpu.memory_space<vmem>> -> memref<8x128xf32, #tpu.memory_space<vmem>>
    %dma_start3A_702 = arith.constant 0 : i32
    %dma_start3A_703 = tpu.memref_slice %arg3[%dma_start3A_702, %multiple_of3A_696] : memref<8x1000001xf32, #tpu.memory_space<hbm>> -> memref<8x128xf32, #tpu.memory_space<hbm>>
    %dma_start3A_704 = arith.constant 0 : i32
    %dma_start3A_705 = arith.constant 640 : i32
    %dma_start3A_706 = tpu.memref_slice %arg7[%dma_start3A_697, %dma_start3A_704, %dma_start3A_705] : memref<2x8x4096xf32, #tpu.memory_space<vmem>> -> memref<1x8x128xf32, #tpu.memory_space<vmem>>
    %dma_start3A_707 = tpu.memref_squeeze %dma_start3A_706 : memref<1x8x128xf32, #tpu.memory_space<vmem>> -> memref<8x128xf32, #tpu.memory_space<vmem>>
    %dma_start3A_708 = arith.constant 0 : i32
    %dma_start3A_709 = tpu.memref_slice %arg3[%dma_start3A_708, %multiple_of3A_696] : memref<8x1000001xf32, #tpu.memory_space<hbm>> -> memref<8x128xf32, #tpu.memory_space<hbm>>
    tpu.enqueue_dma source(%dma_start3A_709 : memref<8x128xf32, #tpu.memory_space<hbm>>) target(%dma_start3A_707 : memref<8x128xf32, #tpu.memory_space<vmem>>) target_semaphore(%arg11 : memref<!tpu.dma_semaphore, #tpu.memory_space<semaphore_mem>>)
    %slice3A_710 = vector.extract_strided_slice %min3A_601 {offsets = [6], sizes = [1], strides = [1]} : vector<16xi32> to vector<1xi32>
    %squeeze3A_711 = vector.extract %slice3A_710[0] : i32 from vector<1xi32>
    %mul3A_712 = arith.constant 128 : i32
    %mul3A_713 = arith.muli %squeeze3A_711, %mul3A_712 : i32
    %multiple_of3A_714 = tpu.assume_multiple %mul3A_713, 128 : i32
    %dma_start3A_715 = arith.constant 1 : i32
    %dma_start3A_716 = arith.constant 0 : i32
    %dma_start3A_717 = arith.constant 768 : i32
    %dma_start3A_718 = tpu.memref_slice %arg7[%dma_start3A_715, %dma_start3A_716, %dma_start3A_717] : memref<2x8x4096xf32, #tpu.memory_space<vmem>> -> memref<1x8x128xf32, #tpu.memory_space<vmem>>
    %dma_start3A_719 = tpu.memref_squeeze %dma_start3A_718 : memref<1x8x128xf32, #tpu.memory_space<vmem>> -> memref<8x128xf32, #tpu.memory_space<vmem>>
    %dma_start3A_720 = arith.constant 0 : i32
    %dma_start3A_721 = tpu.memref_slice %arg3[%dma_start3A_720, %multiple_of3A_714] : memref<8x1000001xf32, #tpu.memory_space<hbm>> -> memref<8x128xf32, #tpu.memory_space<hbm>>
    %dma_start3A_722 = arith.constant 0 : i32
    %dma_start3A_723 = arith.constant 768 : i32
    %dma_start3A_724 = tpu.memref_slice %arg7[%dma_start3A_715, %dma_start3A_722, %dma_start3A_723] : memref<2x8x4096xf32, #tpu.memory_space<vmem>> -> memref<1x8x128xf32, #tpu.memory_space<vmem>>
    %dma_start3A_725 = tpu.memref_squeeze %dma_start3A_724 : memref<1x8x128xf32, #tpu.memory_space<vmem>> -> memref<8x128xf32, #tpu.memory_space<vmem>>
    %dma_start3A_726 = arith.constant 0 : i32
    %dma_start3A_727 = tpu.memref_slice %arg3[%dma_start3A_726, %multiple_of3A_714] : memref<8x1000001xf32, #tpu.memory_space<hbm>> -> memref<8x128xf32, #tpu.memory_space<hbm>>
    tpu.enqueue_dma source(%dma_start3A_727 : memref<8x128xf32, #tpu.memory_space<hbm>>) target(%dma_start3A_725 : memref<8x128xf32, #tpu.memory_space<vmem>>) target_semaphore(%arg11 : memref<!tpu.dma_semaphore, #tpu.memory_space<semaphore_mem>>)
    %slice3A_728 = vector.extract_strided_slice %min3A_601 {offsets = [7], sizes = [1], strides = [1]} : vector<16xi32> to vector<1xi32>
    %squeeze3A_729 = vector.extract %slice3A_728[0] : i32 from vector<1xi32>
    %mul3A_730 = arith.constant 128 : i32
    %mul3A_731 = arith.muli %squeeze3A_729, %mul3A_730 : i32
    %multiple_of3A_732 = tpu.assume_multiple %mul3A_731, 128 : i32
    %dma_start3A_733 = arith.constant 1 : i32
    %dma_start3A_734 = arith.constant 0 : i32
    %dma_start3A_735 = arith.constant 896 : i32
    %dma_start3A_736 = tpu.memref_slice %arg7[%dma_start3A_733, %dma_start3A_734, %dma_start3A_735] : memref<2x8x4096xf32, #tpu.memory_space<vmem>> -> memref<1x8x128xf32, #tpu.memory_space<vmem>>
    %dma_start3A_737 = tpu.memref_squeeze %dma_start3A_736 : memref<1x8x128xf32, #tpu.memory_space<vmem>> -> memref<8x128xf32, #tpu.memory_space<vmem>>
    %dma_start3A_738 = arith.constant 0 : i32
    %dma_start3A_739 = tpu.memref_slice %arg3[%dma_start3A_738, %multiple_of3A_732] : memref<8x1000001xf32, #tpu.memory_space<hbm>> -> memref<8x128xf32, #tpu.memory_space<hbm>>
    %dma_start3A_740 = arith.constant 0 : i32
    %dma_start3A_741 = arith.constant 896 : i32
    %dma_start3A_742 = tpu.memref_slice %arg7[%dma_start3A_733, %dma_start3A_740, %dma_start3A_741] : memref<2x8x4096xf32, #tpu.memory_space<vmem>> -> memref<1x8x128xf32, #tpu.memory_space<vmem>>
    %dma_start3A_743 = tpu.memref_squeeze %dma_start3A_742 : memref<1x8x128xf32, #tpu.memory_space<vmem>> -> memref<8x128xf32, #tpu.memory_space<vmem>>
    %dma_start3A_744 = arith.constant 0 : i32
    %dma_start3A_745 = tpu.memref_slice %arg3[%dma_start3A_744, %multiple_of3A_732] : memref<8x1000001xf32, #tpu.memory_space<hbm>> -> memref<8x128xf32, #tpu.memory_space<hbm>>
    tpu.enqueue_dma source(%dma_start3A_745 : memref<8x128xf32, #tpu.memory_space<hbm>>) target(%dma_start3A_743 : memref<8x128xf32, #tpu.memory_space<vmem>>) target_semaphore(%arg11 : memref<!tpu.dma_semaphore, #tpu.memory_space<semaphore_mem>>)
    %slice3A_746 = vector.extract_strided_slice %min3A_601 {offsets = [8], sizes = [1], strides = [1]} : vector<16xi32> to vector<1xi32>
    %squeeze3A_747 = vector.extract %slice3A_746[0] : i32 from vector<1xi32>
    %mul3A_748 = arith.constant 128 : i32
    %mul3A_749 = arith.muli %squeeze3A_747, %mul3A_748 : i32
    %multiple_of3A_750 = tpu.assume_multiple %mul3A_749, 128 : i32
    %dma_start3A_751 = arith.constant 1 : i32
    %dma_start3A_752 = arith.constant 0 : i32
    %dma_start3A_753 = arith.constant 1024 : i32
    %dma_start3A_754 = tpu.memref_slice %arg7[%dma_start3A_751, %dma_start3A_752, %dma_start3A_753] : memref<2x8x4096xf32, #tpu.memory_space<vmem>> -> memref<1x8x128xf32, #tpu.memory_space<vmem>>
    %dma_start3A_755 = tpu.memref_squeeze %dma_start3A_754 : memref<1x8x128xf32, #tpu.memory_space<vmem>> -> memref<8x128xf32, #tpu.memory_space<vmem>>
    %dma_start3A_756 = arith.constant 0 : i32
    %dma_start3A_757 = tpu.memref_slice %arg3[%dma_start3A_756, %multiple_of3A_750] : memref<8x1000001xf32, #tpu.memory_space<hbm>> -> memref<8x128xf32, #tpu.memory_space<hbm>>
    %dma_start3A_758 = arith.constant 0 : i32
    %dma_start3A_759 = arith.constant 1024 : i32
    %dma_start3A_760 = tpu.memref_slice %arg7[%dma_start3A_751, %dma_start3A_758, %dma_start3A_759] : memref<2x8x4096xf32, #tpu.memory_space<vmem>> -> memref<1x8x128xf32, #tpu.memory_space<vmem>>
    %dma_start3A_761 = tpu.memref_squeeze %dma_start3A_760 : memref<1x8x128xf32, #tpu.memory_space<vmem>> -> memref<8x128xf32, #tpu.memory_space<vmem>>
    %dma_start3A_762 = arith.constant 0 : i32
    %dma_start3A_763 = tpu.memref_slice %arg3[%dma_start3A_762, %multiple_of3A_750] : memref<8x1000001xf32, #tpu.memory_space<hbm>> -> memref<8x128xf32, #tpu.memory_space<hbm>>
    tpu.enqueue_dma source(%dma_start3A_763 : memref<8x128xf32, #tpu.memory_space<hbm>>) target(%dma_start3A_761 : memref<8x128xf32, #tpu.memory_space<vmem>>) target_semaphore(%arg11 : memref<!tpu.dma_semaphore, #tpu.memory_space<semaphore_mem>>)
    %slice3A_764 = vector.extract_strided_slice %min3A_601 {offsets = [9], sizes = [1], strides = [1]} : vector<16xi32> to vector<1xi32>
    %squeeze3A_765 = vector.extract %slice3A_764[0] : i32 from vector<1xi32>
    %mul3A_766 = arith.constant 128 : i32
    %mul3A_767 = arith.muli %squeeze3A_765, %mul3A_766 : i32
    %multiple_of3A_768 = tpu.assume_multiple %mul3A_767, 128 : i32
    %dma_start3A_769 = arith.constant 1 : i32
    %dma_start3A_770 = arith.constant 0 : i32
    %dma_start3A_771 = arith.constant 1152 : i32
    %dma_start3A_772 = tpu.memref_slice %arg7[%dma_start3A_769, %dma_start3A_770, %dma_start3A_771] : memref<2x8x4096xf32, #tpu.memory_space<vmem>> -> memref<1x8x128xf32, #tpu.memory_space<vmem>>
    %dma_start3A_773 = tpu.memref_squeeze %dma_start3A_772 : memref<1x8x128xf32, #tpu.memory_space<vmem>> -> memref<8x128xf32, #tpu.memory_space<vmem>>
    %dma_start3A_774 = arith.constant 0 : i32
    %dma_start3A_775 = tpu.memref_slice %arg3[%dma_start3A_774, %multiple_of3A_768] : memref<8x1000001xf32, #tpu.memory_space<hbm>> -> memref<8x128xf32, #tpu.memory_space<hbm>>
    %dma_start3A_776 = arith.constant 0 : i32
    %dma_start3A_777 = arith.constant 1152 : i32
    %dma_start3A_778 = tpu.memref_slice %arg7[%dma_start3A_769, %dma_start3A_776, %dma_start3A_777] : memref<2x8x4096xf32, #tpu.memory_space<vmem>> -> memref<1x8x128xf32, #tpu.memory_space<vmem>>
    %dma_start3A_779 = tpu.memref_squeeze %dma_start3A_778 : memref<1x8x128xf32, #tpu.memory_space<vmem>> -> memref<8x128xf32, #tpu.memory_space<vmem>>
    %dma_start3A_780 = arith.constant 0 : i32
    %dma_start3A_781 = tpu.memref_slice %arg3[%dma_start3A_780, %multiple_of3A_768] : memref<8x1000001xf32, #tpu.memory_space<hbm>> -> memref<8x128xf32, #tpu.memory_space<hbm>>
    tpu.enqueue_dma source(%dma_start3A_781 : memref<8x128xf32, #tpu.memory_space<hbm>>) target(%dma_start3A_779 : memref<8x128xf32, #tpu.memory_space<vmem>>) target_semaphore(%arg11 : memref<!tpu.dma_semaphore, #tpu.memory_space<semaphore_mem>>)
    %slice3A_782 = vector.extract_strided_slice %min3A_601 {offsets = [10], sizes = [1], strides = [1]} : vector<16xi32> to vector<1xi32>
    %squeeze3A_783 = vector.extract %slice3A_782[0] : i32 from vector<1xi32>
    %mul3A_784 = arith.constant 128 : i32
    %mul3A_785 = arith.muli %squeeze3A_783, %mul3A_784 : i32
    %multiple_of3A_786 = tpu.assume_multiple %mul3A_785, 128 : i32
    %dma_start3A_787 = arith.constant 1 : i32
    %dma_start3A_788 = arith.constant 0 : i32
    %dma_start3A_789 = arith.constant 1280 : i32
    %dma_start3A_790 = tpu.memref_slice %arg7[%dma_start3A_787, %dma_start3A_788, %dma_start3A_789] : memref<2x8x4096xf32, #tpu.memory_space<vmem>> -> memref<1x8x128xf32, #tpu.memory_space<vmem>>
    %dma_start3A_791 = tpu.memref_squeeze %dma_start3A_790 : memref<1x8x128xf32, #tpu.memory_space<vmem>> -> memref<8x128xf32, #tpu.memory_space<vmem>>
    %dma_start3A_792 = arith.constant 0 : i32
    %dma_start3A_793 = tpu.memref_slice %arg3[%dma_start3A_792, %multiple_of3A_786] : memref<8x1000001xf32, #tpu.memory_space<hbm>> -> memref<8x128xf32, #tpu.memory_space<hbm>>
    %dma_start3A_794 = arith.constant 0 : i32
    %dma_start3A_795 = arith.constant 1280 : i32
    %dma_start3A_796 = tpu.memref_slice %arg7[%dma_start3A_787, %dma_start3A_794, %dma_start3A_795] : memref<2x8x4096xf32, #tpu.memory_space<vmem>> -> memref<1x8x128xf32, #tpu.memory_space<vmem>>
    %dma_start3A_797 = tpu.memref_squeeze %dma_start3A_796 : memref<1x8x128xf32, #tpu.memory_space<vmem>> -> memref<8x128xf32, #tpu.memory_space<vmem>>
    %dma_start3A_798 = arith.constant 0 : i32
    %dma_start3A_799 = tpu.memref_slice %arg3[%dma_start3A_798, %multiple_of3A_786] : memref<8x1000001xf32, #tpu.memory_space<hbm>> -> memref<8x128xf32, #tpu.memory_space<hbm>>
    tpu.enqueue_dma source(%dma_start3A_799 : memref<8x128xf32, #tpu.memory_space<hbm>>) target(%dma_start3A_797 : memref<8x128xf32, #tpu.memory_space<vmem>>) target_semaphore(%arg11 : memref<!tpu.dma_semaphore, #tpu.memory_space<semaphore_mem>>)
    %slice3A_800 = vector.extract_strided_slice %min3A_601 {offsets = [11], sizes = [1], strides = [1]} : vector<16xi32> to vector<1xi32>
    %squeeze3A_801 = vector.extract %slice3A_800[0] : i32 from vector<1xi32>
    %mul3A_802 = arith.constant 128 : i32
    %mul3A_803 = arith.muli %squeeze3A_801, %mul3A_802 : i32
    %multiple_of3A_804 = tpu.assume_multiple %mul3A_803, 128 : i32
    %dma_start3A_805 = arith.constant 1 : i32
    %dma_start3A_806 = arith.constant 0 : i32
    %dma_start3A_807 = arith.constant 1408 : i32
    %dma_start3A_808 = tpu.memref_slice %arg7[%dma_start3A_805, %dma_start3A_806, %dma_start3A_807] : memref<2x8x4096xf32, #tpu.memory_space<vmem>> -> memref<1x8x128xf32, #tpu.memory_space<vmem>>
    %dma_start3A_809 = tpu.memref_squeeze %dma_start3A_808 : memref<1x8x128xf32, #tpu.memory_space<vmem>> -> memref<8x128xf32, #tpu.memory_space<vmem>>
    %dma_start3A_810 = arith.constant 0 : i32
    %dma_start3A_811 = tpu.memref_slice %arg3[%dma_start3A_810, %multiple_of3A_804] : memref<8x1000001xf32, #tpu.memory_space<hbm>> -> memref<8x128xf32, #tpu.memory_space<hbm>>
    %dma_start3A_812 = arith.constant 0 : i32
    %dma_start3A_813 = arith.constant 1408 : i32
    %dma_start3A_814 = tpu.memref_slice %arg7[%dma_start3A_805, %dma_start3A_812, %dma_start3A_813] : memref<2x8x4096xf32, #tpu.memory_space<vmem>> -> memref<1x8x128xf32, #tpu.memory_space<vmem>>
    %dma_start3A_815 = tpu.memref_squeeze %dma_start3A_814 : memref<1x8x128xf32, #tpu.memory_space<vmem>> -> memref<8x128xf32, #tpu.memory_space<vmem>>
    %dma_start3A_816 = arith.constant 0 : i32
    %dma_start3A_817 = tpu.memref_slice %arg3[%dma_start3A_816, %multiple_of3A_804] : memref<8x1000001xf32, #tpu.memory_space<hbm>> -> memref<8x128xf32, #tpu.memory_space<hbm>>
    tpu.enqueue_dma source(%dma_start3A_817 : memref<8x128xf32, #tpu.memory_space<hbm>>) target(%dma_start3A_815 : memref<8x128xf32, #tpu.memory_space<vmem>>) target_semaphore(%arg11 : memref<!tpu.dma_semaphore, #tpu.memory_space<semaphore_mem>>)
    %slice3A_818 = vector.extract_strided_slice %min3A_601 {offsets = [12], sizes = [1], strides = [1]} : vector<16xi32> to vector<1xi32>
    %squeeze3A_819 = vector.extract %slice3A_818[0] : i32 from vector<1xi32>
    %mul3A_820 = arith.constant 128 : i32
    %mul3A_821 = arith.muli %squeeze3A_819, %mul3A_820 : i32
    %multiple_of3A_822 = tpu.assume_multiple %mul3A_821, 128 : i32
    %dma_start3A_823 = arith.constant 1 : i32
    %dma_start3A_824 = arith.constant 0 : i32
    %dma_start3A_825 = arith.constant 1536 : i32
    %dma_start3A_826 = tpu.memref_slice %arg7[%dma_start3A_823, %dma_start3A_824, %dma_start3A_825] : memref<2x8x4096xf32, #tpu.memory_space<vmem>> -> memref<1x8x128xf32, #tpu.memory_space<vmem>>
    %dma_start3A_827 = tpu.memref_squeeze %dma_start3A_826 : memref<1x8x128xf32, #tpu.memory_space<vmem>> -> memref<8x128xf32, #tpu.memory_space<vmem>>
    %dma_start3A_828 = arith.constant 0 : i32
    %dma_start3A_829 = tpu.memref_slice %arg3[%dma_start3A_828, %multiple_of3A_822] : memref<8x1000001xf32, #tpu.memory_space<hbm>> -> memref<8x128xf32, #tpu.memory_space<hbm>>
    %dma_start3A_830 = arith.constant 0 : i32
    %dma_start3A_831 = arith.constant 1536 : i32
    %dma_start3A_832 = tpu.memref_slice %arg7[%dma_start3A_823, %dma_start3A_830, %dma_start3A_831] : memref<2x8x4096xf32, #tpu.memory_space<vmem>> -> memref<1x8x128xf32, #tpu.memory_space<vmem>>
    %dma_start3A_833 = tpu.memref_squeeze %dma_start3A_832 : memref<1x8x128xf32, #tpu.memory_space<vmem>> -> memref<8x128xf32, #tpu.memory_space<vmem>>
    %dma_start3A_834 = arith.constant 0 : i32
    %dma_start3A_835 = tpu.memref_slice %arg3[%dma_start3A_834, %multiple_of3A_822] : memref<8x1000001xf32, #tpu.memory_space<hbm>> -> memref<8x128xf32, #tpu.memory_space<hbm>>
    tpu.enqueue_dma source(%dma_start3A_835 : memref<8x128xf32, #tpu.memory_space<hbm>>) target(%dma_start3A_833 : memref<8x128xf32, #tpu.memory_space<vmem>>) target_semaphore(%arg11 : memref<!tpu.dma_semaphore, #tpu.memory_space<semaphore_mem>>)
    %slice3A_836 = vector.extract_strided_slice %min3A_601 {offsets = [13], sizes = [1], strides = [1]} : vector<16xi32> to vector<1xi32>
    %squeeze3A_837 = vector.extract %slice3A_836[0] : i32 from vector<1xi32>
    %mul3A_838 = arith.constant 128 : i32
    %mul3A_839 = arith.muli %squeeze3A_837, %mul3A_838 : i32
    %multiple_of3A_840 = tpu.assume_multiple %mul3A_839, 128 : i32
    %dma_start3A_841 = arith.constant 1 : i32
    %dma_start3A_842 = arith.constant 0 : i32
    %dma_start3A_843 = arith.constant 1664 : i32
    %dma_start3A_844 = tpu.memref_slice %arg7[%dma_start3A_841, %dma_start3A_842, %dma_start3A_843] : memref<2x8x4096xf32, #tpu.memory_space<vmem>> -> memref<1x8x128xf32, #tpu.memory_space<vmem>>
    %dma_start3A_845 = tpu.memref_squeeze %dma_start3A_844 : memref<1x8x128xf32, #tpu.memory_space<vmem>> -> memref<8x128xf32, #tpu.memory_space<vmem>>
    %dma_start3A_846 = arith.constant 0 : i32
    %dma_start3A_847 = tpu.memref_slice %arg3[%dma_start3A_846, %multiple_of3A_840] : memref<8x1000001xf32, #tpu.memory_space<hbm>> -> memref<8x128xf32, #tpu.memory_space<hbm>>
    %dma_start3A_848 = arith.constant 0 : i32
    %dma_start3A_849 = arith.constant 1664 : i32
    %dma_start3A_850 = tpu.memref_slice %arg7[%dma_start3A_841, %dma_start3A_848, %dma_start3A_849] : memref<2x8x4096xf32, #tpu.memory_space<vmem>> -> memref<1x8x128xf32, #tpu.memory_space<vmem>>
    %dma_start3A_851 = tpu.memref_squeeze %dma_start3A_850 : memref<1x8x128xf32, #tpu.memory_space<vmem>> -> memref<8x128xf32, #tpu.memory_space<vmem>>
    %dma_start3A_852 = arith.constant 0 : i32
    %dma_start3A_853 = tpu.memref_slice %arg3[%dma_start3A_852, %multiple_of3A_840] : memref<8x1000001xf32, #tpu.memory_space<hbm>> -> memref<8x128xf32, #tpu.memory_space<hbm>>
    tpu.enqueue_dma source(%dma_start3A_853 : memref<8x128xf32, #tpu.memory_space<hbm>>) target(%dma_start3A_851 : memref<8x128xf32, #tpu.memory_space<vmem>>) target_semaphore(%arg11 : memref<!tpu.dma_semaphore, #tpu.memory_space<semaphore_mem>>)
    %slice3A_854 = vector.extract_strided_slice %min3A_601 {offsets = [14], sizes = [1], strides = [1]} : vector<16xi32> to vector<1xi32>
    %squeeze3A_855 = vector.extract %slice3A_854[0] : i32 from vector<1xi32>
    %mul3A_856 = arith.constant 128 : i32
    %mul3A_857 = arith.muli %squeeze3A_855, %mul3A_856 : i32
    %multiple_of3A_858 = tpu.assume_multiple %mul3A_857, 128 : i32
    %dma_start3A_859 = arith.constant 1 : i32
    %dma_start3A_860 = arith.constant 0 : i32
    %dma_start3A_861 = arith.constant 1792 : i32
    %dma_start3A_862 = tpu.memref_slice %arg7[%dma_start3A_859, %dma_start3A_860, %dma_start3A_861] : memref<2x8x4096xf32, #tpu.memory_space<vmem>> -> memref<1x8x128xf32, #tpu.memory_space<vmem>>
    %dma_start3A_863 = tpu.memref_squeeze %dma_start3A_862 : memref<1x8x128xf32, #tpu.memory_space<vmem>> -> memref<8x128xf32, #tpu.memory_space<vmem>>
    %dma_start3A_864 = arith.constant 0 : i32
    %dma_start3A_865 = tpu.memref_slice %arg3[%dma_start3A_864, %multiple_of3A_858] : memref<8x1000001xf32, #tpu.memory_space<hbm>> -> memref<8x128xf32, #tpu.memory_space<hbm>>
    %dma_start3A_866 = arith.constant 0 : i32
    %dma_start3A_867 = arith.constant 1792 : i32
    %dma_start3A_868 = tpu.memref_slice %arg7[%dma_start3A_859, %dma_start3A_866, %dma_start3A_867] : memref<2x8x4096xf32, #tpu.memory_space<vmem>> -> memref<1x8x128xf32, #tpu.memory_space<vmem>>
    %dma_start3A_869 = tpu.memref_squeeze %dma_start3A_868 : memref<1x8x128xf32, #tpu.memory_space<vmem>> -> memref<8x128xf32, #tpu.memory_space<vmem>>
    %dma_start3A_870 = arith.constant 0 : i32
    %dma_start3A_871 = tpu.memref_slice %arg3[%dma_start3A_870, %multiple_of3A_858] : memref<8x1000001xf32, #tpu.memory_space<hbm>> -> memref<8x128xf32, #tpu.memory_space<hbm>>
    tpu.enqueue_dma source(%dma_start3A_871 : memref<8x128xf32, #tpu.memory_space<hbm>>) target(%dma_start3A_869 : memref<8x128xf32, #tpu.memory_space<vmem>>) target_semaphore(%arg11 : memref<!tpu.dma_semaphore, #tpu.memory_space<semaphore_mem>>)
    %slice3A_872 = vector.extract_strided_slice %min3A_601 {offsets = [15], sizes = [1], strides = [1]} : vector<16xi32> to vector<1xi32>
    %squeeze3A_873 = vector.extract %slice3A_872[0] : i32 from vector<1xi32>
    %mul3A_874 = arith.constant 128 : i32
    %mul3A_875 = arith.muli %squeeze3A_873, %mul3A_874 : i32
    %multiple_of3A_876 = tpu.assume_multiple %mul3A_875, 128 : i32
    %dma_start3A_877 = arith.constant 1 : i32
    %dma_start3A_878 = arith.constant 0 : i32
    %dma_start3A_879 = arith.constant 1920 : i32
    %dma_start3A_880 = tpu.memref_slice %arg7[%dma_start3A_877, %dma_start3A_878, %dma_start3A_879] : memref<2x8x4096xf32, #tpu.memory_space<vmem>> -> memref<1x8x128xf32, #tpu.memory_space<vmem>>
    %dma_start3A_881 = tpu.memref_squeeze %dma_start3A_880 : memref<1x8x128xf32, #tpu.memory_space<vmem>> -> memref<8x128xf32, #tpu.memory_space<vmem>>
    %dma_start3A_882 = arith.constant 0 : i32
    %dma_start3A_883 = tpu.memref_slice %arg3[%dma_start3A_882, %multiple_of3A_876] : memref<8x1000001xf32, #tpu.memory_space<hbm>> -> memref<8x128xf32, #tpu.memory_space<hbm>>
    %dma_start3A_884 = arith.constant 0 : i32
    %dma_start3A_885 = arith.constant 1920 : i32
    %dma_start3A_886 = tpu.memref_slice %arg7[%dma_start3A_877, %dma_start3A_884, %dma_start3A_885] : memref<2x8x4096xf32, #tpu.memory_space<vmem>> -> memref<1x8x128xf32, #tpu.memory_space<vmem>>
    %dma_start3A_887 = tpu.memref_squeeze %dma_start3A_886 : memref<1x8x128xf32, #tpu.memory_space<vmem>> -> memref<8x128xf32, #tpu.memory_space<vmem>>
    %dma_start3A_888 = arith.constant 0 : i32
    %dma_start3A_889 = tpu.memref_slice %arg3[%dma_start3A_888, %multiple_of3A_876] : memref<8x1000001xf32, #tpu.memory_space<hbm>> -> memref<8x128xf32, #tpu.memory_space<hbm>>
    tpu.enqueue_dma source(%dma_start3A_889 : memref<8x128xf32, #tpu.memory_space<hbm>>) target(%dma_start3A_887 : memref<8x128xf32, #tpu.memory_space<vmem>>) target_semaphore(%arg11 : memref<!tpu.dma_semaphore, #tpu.memory_space<semaphore_mem>>)
    %get3A_890 = arith.constant 0 : i32
    %get3A_891 = arith.index_cast %get3A_890 : i32 to index
    %get3A_892 = arith.constant 48 : index
    %get3A_893 = tpu.vector_load %arg6[%get3A_891, %get3A_892] {strides = array<i32>} : memref<4x128xi32, #tpu.memory_space<vmem>>, vector<16xi32>,
    %shift_right_logical3A_894 = arith.constant 7 : i32
    %shift_right_logical3A_895 = vector.broadcast %shift_right_logical3A_894 : i32 to vector<16xi32>
    %shift_right_logical3A_896 = arith.shrui %get3A_893, %shift_right_logical3A_895 : vector<16xi32>
    %min3A_897 = arith.constant 7811 : i32
    %min3A_898 = vector.broadcast %min3A_897 : i32 to vector<16xi32>
    %min3A_899 = arith.minsi %shift_right_logical3A_896, %min3A_898 : vector<16xi32>
    %slice3A_900 = vector.extract_strided_slice %min3A_899 {offsets = [0], sizes = [1], strides = [1]} : vector<16xi32> to vector<1xi32>
    %squeeze3A_901 = vector.extract %slice3A_900[0] : i32 from vector<1xi32>
    %mul3A_902 = arith.constant 128 : i32
    %mul3A_903 = arith.muli %squeeze3A_901, %mul3A_902 : i32
    %multiple_of3A_904 = tpu.assume_multiple %mul3A_903, 128 : i32
    %dma_start3A_905 = arith.constant 1 : i32
    %dma_start3A_906 = arith.constant 0 : i32
    %dma_start3A_907 = arith.constant 2048 : i32
    %dma_start3A_908 = tpu.memref_slice %arg7[%dma_start3A_905, %dma_start3A_906, %dma_start3A_907] : memref<2x8x4096xf32, #tpu.memory_space<vmem>> -> memref<1x8x128xf32, #tpu.memory_space<vmem>>
    %dma_start3A_909 = tpu.memref_squeeze %dma_start3A_908 : memref<1x8x128xf32, #tpu.memory_space<vmem>> -> memref<8x128xf32, #tpu.memory_space<vmem>>
    %dma_start3A_910 = arith.constant 0 : i32
    %dma_start3A_911 = tpu.memref_slice %arg3[%dma_start3A_910, %multiple_of3A_904] : memref<8x1000001xf32, #tpu.memory_space<hbm>> -> memref<8x128xf32, #tpu.memory_space<hbm>>
    %dma_start3A_912 = arith.constant 0 : i32
    %dma_start3A_913 = arith.constant 2048 : i32
    %dma_start3A_914 = tpu.memref_slice %arg7[%dma_start3A_905, %dma_start3A_912, %dma_start3A_913] : memref<2x8x4096xf32, #tpu.memory_space<vmem>> -> memref<1x8x128xf32, #tpu.memory_space<vmem>>
    %dma_start3A_915 = tpu.memref_squeeze %dma_start3A_914 : memref<1x8x128xf32, #tpu.memory_space<vmem>> -> memref<8x128xf32, #tpu.memory_space<vmem>>
    %dma_start3A_916 = arith.constant 0 : i32
    %dma_start3A_917 = tpu.memref_slice %arg3[%dma_start3A_916, %multiple_of3A_904] : memref<8x1000001xf32, #tpu.memory_space<hbm>> -> memref<8x128xf32, #tpu.memory_space<hbm>>
    tpu.enqueue_dma source(%dma_start3A_917 : memref<8x128xf32, #tpu.memory_space<hbm>>) target(%dma_start3A_915 : memref<8x128xf32, #tpu.memory_space<vmem>>) target_semaphore(%arg11 : memref<!tpu.dma_semaphore, #tpu.memory_space<semaphore_mem>>)
    %slice3A_918 = vector.extract_strided_slice %min3A_899 {offsets = [1], sizes = [1], strides = [1]} : vector<16xi32> to vector<1xi32>
    %squeeze3A_919 = vector.extract %slice3A_918[0] : i32 from vector<1xi32>
    %mul3A_920 = arith.constant 128 : i32
    %mul3A_921 = arith.muli %squeeze3A_919, %mul3A_920 : i32
    %multiple_of3A_922 = tpu.assume_multiple %mul3A_921, 128 : i32
    %dma_start3A_923 = arith.constant 1 : i32
    %dma_start3A_924 = arith.constant 0 : i32
    %dma_start3A_925 = arith.constant 2176 : i32
    %dma_start3A_926 = tpu.memref_slice %arg7[%dma_start3A_923, %dma_start3A_924, %dma_start3A_925] : memref<2x8x4096xf32, #tpu.memory_space<vmem>> -> memref<1x8x128xf32, #tpu.memory_space<vmem>>
    %dma_start3A_927 = tpu.memref_squeeze %dma_start3A_926 : memref<1x8x128xf32, #tpu.memory_space<vmem>> -> memref<8x128xf32, #tpu.memory_space<vmem>>
    %dma_start3A_928 = arith.constant 0 : i32
    %dma_start3A_929 = tpu.memref_slice %arg3[%dma_start3A_928, %multiple_of3A_922] : memref<8x1000001xf32, #tpu.memory_space<hbm>> -> memref<8x128xf32, #tpu.memory_space<hbm>>
    %dma_start3A_930 = arith.constant 0 : i32
    %dma_start3A_931 = arith.constant 2176 : i32
    %dma_start3A_932 = tpu.memref_slice %arg7[%dma_start3A_923, %dma_start3A_930, %dma_start3A_931] : memref<2x8x4096xf32, #tpu.memory_space<vmem>> -> memref<1x8x128xf32, #tpu.memory_space<vmem>>
    %dma_start3A_933 = tpu.memref_squeeze %dma_start3A_932 : memref<1x8x128xf32, #tpu.memory_space<vmem>> -> memref<8x128xf32, #tpu.memory_space<vmem>>
    %dma_start3A_934 = arith.constant 0 : i32
    %dma_start3A_935 = tpu.memref_slice %arg3[%dma_start3A_934, %multiple_of3A_922] : memref<8x1000001xf32, #tpu.memory_space<hbm>> -> memref<8x128xf32, #tpu.memory_space<hbm>>
    tpu.enqueue_dma source(%dma_start3A_935 : memref<8x128xf32, #tpu.memory_space<hbm>>) target(%dma_start3A_933 : memref<8x128xf32, #tpu.memory_space<vmem>>) target_semaphore(%arg11 : memref<!tpu.dma_semaphore, #tpu.memory_space<semaphore_mem>>)
    %slice3A_936 = vector.extract_strided_slice %min3A_899 {offsets = [2], sizes = [1], strides = [1]} : vector<16xi32> to vector<1xi32>
    %squeeze3A_937 = vector.extract %slice3A_936[0] : i32 from vector<1xi32>
    %mul3A_938 = arith.constant 128 : i32
    %mul3A_939 = arith.muli %squeeze3A_937, %mul3A_938 : i32
    %multiple_of3A_940 = tpu.assume_multiple %mul3A_939, 128 : i32
    %dma_start3A_941 = arith.constant 1 : i32
    %dma_start3A_942 = arith.constant 0 : i32
    %dma_start3A_943 = arith.constant 2304 : i32
    %dma_start3A_944 = tpu.memref_slice %arg7[%dma_start3A_941, %dma_start3A_942, %dma_start3A_943] : memref<2x8x4096xf32, #tpu.memory_space<vmem>> -> memref<1x8x128xf32, #tpu.memory_space<vmem>>
    %dma_start3A_945 = tpu.memref_squeeze %dma_start3A_944 : memref<1x8x128xf32, #tpu.memory_space<vmem>> -> memref<8x128xf32, #tpu.memory_space<vmem>>
    %dma_start3A_946 = arith.constant 0 : i32
    %dma_start3A_947 = tpu.memref_slice %arg3[%dma_start3A_946, %multiple_of3A_940] : memref<8x1000001xf32, #tpu.memory_space<hbm>> -> memref<8x128xf32, #tpu.memory_space<hbm>>
    %dma_start3A_948 = arith.constant 0 : i32
    %dma_start3A_949 = arith.constant 2304 : i32
    %dma_start3A_950 = tpu.memref_slice %arg7[%dma_start3A_941, %dma_start3A_948, %dma_start3A_949] : memref<2x8x4096xf32, #tpu.memory_space<vmem>> -> memref<1x8x128xf32, #tpu.memory_space<vmem>>
    %dma_start3A_951 = tpu.memref_squeeze %dma_start3A_950 : memref<1x8x128xf32, #tpu.memory_space<vmem>> -> memref<8x128xf32, #tpu.memory_space<vmem>>
    %dma_start3A_952 = arith.constant 0 : i32
    %dma_start3A_953 = tpu.memref_slice %arg3[%dma_start3A_952, %multiple_of3A_940] : memref<8x1000001xf32, #tpu.memory_space<hbm>> -> memref<8x128xf32, #tpu.memory_space<hbm>>
    tpu.enqueue_dma source(%dma_start3A_953 : memref<8x128xf32, #tpu.memory_space<hbm>>) target(%dma_start3A_951 : memref<8x128xf32, #tpu.memory_space<vmem>>) target_semaphore(%arg11 : memref<!tpu.dma_semaphore, #tpu.memory_space<semaphore_mem>>)
    %slice3A_954 = vector.extract_strided_slice %min3A_899 {offsets = [3], sizes = [1], strides = [1]} : vector<16xi32> to vector<1xi32>
    %squeeze3A_955 = vector.extract %slice3A_954[0] : i32 from vector<1xi32>
    %mul3A_956 = arith.constant 128 : i32
    %mul3A_957 = arith.muli %squeeze3A_955, %mul3A_956 : i32
    %multiple_of3A_958 = tpu.assume_multiple %mul3A_957, 128 : i32
    %dma_start3A_959 = arith.constant 1 : i32
    %dma_start3A_960 = arith.constant 0 : i32
    %dma_start3A_961 = arith.constant 2432 : i32
    %dma_start3A_962 = tpu.memref_slice %arg7[%dma_start3A_959, %dma_start3A_960, %dma_start3A_961] : memref<2x8x4096xf32, #tpu.memory_space<vmem>> -> memref<1x8x128xf32, #tpu.memory_space<vmem>>
    %dma_start3A_963 = tpu.memref_squeeze %dma_start3A_962 : memref<1x8x128xf32, #tpu.memory_space<vmem>> -> memref<8x128xf32, #tpu.memory_space<vmem>>
    %dma_start3A_964 = arith.constant 0 : i32
    %dma_start3A_965 = tpu.memref_slice %arg3[%dma_start3A_964, %multiple_of3A_958] : memref<8x1000001xf32, #tpu.memory_space<hbm>> -> memref<8x128xf32, #tpu.memory_space<hbm>>
    %dma_start3A_966 = arith.constant 0 : i32
    %dma_start3A_967 = arith.constant 2432 : i32
    %dma_start3A_968 = tpu.memref_slice %arg7[%dma_start3A_959, %dma_start3A_966, %dma_start3A_967] : memref<2x8x4096xf32, #tpu.memory_space<vmem>> -> memref<1x8x128xf32, #tpu.memory_space<vmem>>
    %dma_start3A_969 = tpu.memref_squeeze %dma_start3A_968 : memref<1x8x128xf32, #tpu.memory_space<vmem>> -> memref<8x128xf32, #tpu.memory_space<vmem>>
    %dma_start3A_970 = arith.constant 0 : i32
    %dma_start3A_971 = tpu.memref_slice %arg3[%dma_start3A_970, %multiple_of3A_958] : memref<8x1000001xf32, #tpu.memory_space<hbm>> -> memref<8x128xf32, #tpu.memory_space<hbm>>
    tpu.enqueue_dma source(%dma_start3A_971 : memref<8x128xf32, #tpu.memory_space<hbm>>) target(%dma_start3A_969 : memref<8x128xf32, #tpu.memory_space<vmem>>) target_semaphore(%arg11 : memref<!tpu.dma_semaphore, #tpu.memory_space<semaphore_mem>>)
    %slice3A_972 = vector.extract_strided_slice %min3A_899 {offsets = [4], sizes = [1], strides = [1]} : vector<16xi32> to vector<1xi32>
    %squeeze3A_973 = vector.extract %slice3A_972[0] : i32 from vector<1xi32>
    %mul3A_974 = arith.constant 128 : i32
    %mul3A_975 = arith.muli %squeeze3A_973, %mul3A_974 : i32
    %multiple_of3A_976 = tpu.assume_multiple %mul3A_975, 128 : i32
    %dma_start3A_977 = arith.constant 1 : i32
    %dma_start3A_978 = arith.constant 0 : i32
    %dma_start3A_979 = arith.constant 2560 : i32
    %dma_start3A_980 = tpu.memref_slice %arg7[%dma_start3A_977, %dma_start3A_978, %dma_start3A_979] : memref<2x8x4096xf32, #tpu.memory_space<vmem>> -> memref<1x8x128xf32, #tpu.memory_space<vmem>>
    %dma_start3A_981 = tpu.memref_squeeze %dma_start3A_980 : memref<1x8x128xf32, #tpu.memory_space<vmem>> -> memref<8x128xf32, #tpu.memory_space<vmem>>
    %dma_start3A_982 = arith.constant 0 : i32
    %dma_start3A_983 = tpu.memref_slice %arg3[%dma_start3A_982, %multiple_of3A_976] : memref<8x1000001xf32, #tpu.memory_space<hbm>> -> memref<8x128xf32, #tpu.memory_space<hbm>>
    %dma_start3A_984 = arith.constant 0 : i32
    %dma_start3A_985 = arith.constant 2560 : i32
    %dma_start3A_986 = tpu.memref_slice %arg7[%dma_start3A_977, %dma_start3A_984, %dma_start3A_985] : memref<2x8x4096xf32, #tpu.memory_space<vmem>> -> memref<1x8x128xf32, #tpu.memory_space<vmem>>
    %dma_start3A_987 = tpu.memref_squeeze %dma_start3A_986 : memref<1x8x128xf32, #tpu.memory_space<vmem>> -> memref<8x128xf32, #tpu.memory_space<vmem>>
    %dma_start3A_988 = arith.constant 0 : i32
    %dma_start3A_989 = tpu.memref_slice %arg3[%dma_start3A_988, %multiple_of3A_976] : memref<8x1000001xf32, #tpu.memory_space<hbm>> -> memref<8x128xf32, #tpu.memory_space<hbm>>
    tpu.enqueue_dma source(%dma_start3A_989 : memref<8x128xf32, #tpu.memory_space<hbm>>) target(%dma_start3A_987 : memref<8x128xf32, #tpu.memory_space<vmem>>) target_semaphore(%arg11 : memref<!tpu.dma_semaphore, #tpu.memory_space<semaphore_mem>>)
    %slice3A_990 = vector.extract_strided_slice %min3A_899 {offsets = [5], sizes = [1], strides = [1]} : vector<16xi32> to vector<1xi32>
    %squeeze3A_991 = vector.extract %slice3A_990[0] : i32 from vector<1xi32>
    %mul3A_992 = arith.constant 128 : i32
    %mul3A_993 = arith.muli %squeeze3A_991, %mul3A_992 : i32
    %multiple_of3A_994 = tpu.assume_multiple %mul3A_993, 128 : i32
    %dma_start3A_995 = arith.constant 1 : i32
    %dma_start3A_996 = arith.constant 0 : i32
    %dma_start3A_997 = arith.constant 2688 : i32
    %dma_start3A_998 = tpu.memref_slice %arg7[%dma_start3A_995, %dma_start3A_996, %dma_start3A_997] : memref<2x8x4096xf32, #tpu.memory_space<vmem>> -> memref<1x8x128xf32, #tpu.memory_space<vmem>>
    %dma_start3A_999 = tpu.memref_squeeze %dma_start3A_998 : memref<1x8x128xf32, #tpu.memory_space<vmem>> -> memref<8x128xf32, #tpu.memory_space<vmem>>
    %dma_start3A_1000 = arith.constant 0 : i32
    %dma_start3A_1001 = tpu.memref_slice %arg3[%dma_start3A_1000, %multiple_of3A_994] : memref<8x1000001xf32, #tpu.memory_space<hbm>> -> memref<8x128xf32, #tpu.memory_space<hbm>>
    %dma_start3A_1002 = arith.constant 0 : i32
    %dma_start3A_1003 = arith.constant 2688 : i32
    %dma_start3A_1004 = tpu.memref_slice %arg7[%dma_start3A_995, %dma_start3A_1002, %dma_start3A_1003] : memref<2x8x4096xf32, #tpu.memory_space<vmem>> -> memref<1x8x128xf32, #tpu.memory_space<vmem>>
    %dma_start3A_1005 = tpu.memref_squeeze %dma_start3A_1004 : memref<1x8x128xf32, #tpu.memory_space<vmem>> -> memref<8x128xf32, #tpu.memory_space<vmem>>
    %dma_start3A_1006 = arith.constant 0 : i32
    %dma_start3A_1007 = tpu.memref_slice %arg3[%dma_start3A_1006, %multiple_of3A_994] : memref<8x1000001xf32, #tpu.memory_space<hbm>> -> memref<8x128xf32, #tpu.memory_space<hbm>>
    tpu.enqueue_dma source(%dma_start3A_1007 : memref<8x128xf32, #tpu.memory_space<hbm>>) target(%dma_start3A_1005 : memref<8x128xf32, #tpu.memory_space<vmem>>) target_semaphore(%arg11 : memref<!tpu.dma_semaphore, #tpu.memory_space<semaphore_mem>>)
    %slice3A_1008 = vector.extract_strided_slice %min3A_899 {offsets = [6], sizes = [1], strides = [1]} : vector<16xi32> to vector<1xi32>
    %squeeze3A_1009 = vector.extract %slice3A_1008[0] : i32 from vector<1xi32>
    %mul3A_1010 = arith.constant 128 : i32
    %mul3A_1011 = arith.muli %squeeze3A_1009, %mul3A_1010 : i32
    %multiple_of3A_1012 = tpu.assume_multiple %mul3A_1011, 128 : i32
    %dma_start3A_1013 = arith.constant 1 : i32
    %dma_start3A_1014 = arith.constant 0 : i32
    %dma_start3A_1015 = arith.constant 2816 : i32
    %dma_start3A_1016 = tpu.memref_slice %arg7[%dma_start3A_1013, %dma_start3A_1014, %dma_start3A_1015] : memref<2x8x4096xf32, #tpu.memory_space<vmem>> -> memref<1x8x128xf32, #tpu.memory_space<vmem>>
    %dma_start3A_1017 = tpu.memref_squeeze %dma_start3A_1016 : memref<1x8x128xf32, #tpu.memory_space<vmem>> -> memref<8x128xf32, #tpu.memory_space<vmem>>
    %dma_start3A_1018 = arith.constant 0 : i32
    %dma_start3A_1019 = tpu.memref_slice %arg3[%dma_start3A_1018, %multiple_of3A_1012] : memref<8x1000001xf32, #tpu.memory_space<hbm>> -> memref<8x128xf32, #tpu.memory_space<hbm>>
    %dma_start3A_1020 = arith.constant 0 : i32
    %dma_start3A_1021 = arith.constant 2816 : i32
    %dma_start3A_1022 = tpu.memref_slice %arg7[%dma_start3A_1013, %dma_start3A_1020, %dma_start3A_1021] : memref<2x8x4096xf32, #tpu.memory_space<vmem>> -> memref<1x8x128xf32, #tpu.memory_space<vmem>>
    %dma_start3A_1023 = tpu.memref_squeeze %dma_start3A_1022 : memref<1x8x128xf32, #tpu.memory_space<vmem>> -> memref<8x128xf32, #tpu.memory_space<vmem>>
    %dma_start3A_1024 = arith.constant 0 : i32
    %dma_start3A_1025 = tpu.memref_slice %arg3[%dma_start3A_1024, %multiple_of3A_1012] : memref<8x1000001xf32, #tpu.memory_space<hbm>> -> memref<8x128xf32, #tpu.memory_space<hbm>>
    tpu.enqueue_dma source(%dma_start3A_1025 : memref<8x128xf32, #tpu.memory_space<hbm>>) target(%dma_start3A_1023 : memref<8x128xf32, #tpu.memory_space<vmem>>) target_semaphore(%arg11 : memref<!tpu.dma_semaphore, #tpu.memory_space<semaphore_mem>>)
    %slice3A_1026 = vector.extract_strided_slice %min3A_899 {offsets = [7], sizes = [1], strides = [1]} : vector<16xi32> to vector<1xi32>
    %squeeze3A_1027 = vector.extract %slice3A_1026[0] : i32 from vector<1xi32>
    %mul3A_1028 = arith.constant 128 : i32
    %mul3A_1029 = arith.muli %squeeze3A_1027, %mul3A_1028 : i32
    %multiple_of3A_1030 = tpu.assume_multiple %mul3A_1029, 128 : i32
    %dma_start3A_1031 = arith.constant 1 : i32
    %dma_start3A_1032 = arith.constant 0 : i32
    %dma_start3A_1033 = arith.constant 2944 : i32
    %dma_start3A_1034 = tpu.memref_slice %arg7[%dma_start3A_1031, %dma_start3A_1032, %dma_start3A_1033] : memref<2x8x4096xf32, #tpu.memory_space<vmem>> -> memref<1x8x128xf32, #tpu.memory_space<vmem>>
    %dma_start3A_1035 = tpu.memref_squeeze %dma_start3A_1034 : memref<1x8x128xf32, #tpu.memory_space<vmem>> -> memref<8x128xf32, #tpu.memory_space<vmem>>
    %dma_start3A_1036 = arith.constant 0 : i32
    %dma_start3A_1037 = tpu.memref_slice %arg3[%dma_start3A_1036, %multiple_of3A_1030] : memref<8x1000001xf32, #tpu.memory_space<hbm>> -> memref<8x128xf32, #tpu.memory_space<hbm>>
    %dma_start3A_1038 = arith.constant 0 : i32
    %dma_start3A_1039 = arith.constant 2944 : i32
    %dma_start3A_1040 = tpu.memref_slice %arg7[%dma_start3A_1031, %dma_start3A_1038, %dma_start3A_1039] : memref<2x8x4096xf32, #tpu.memory_space<vmem>> -> memref<1x8x128xf32, #tpu.memory_space<vmem>>
    %dma_start3A_1041 = tpu.memref_squeeze %dma_start3A_1040 : memref<1x8x128xf32, #tpu.memory_space<vmem>> -> memref<8x128xf32, #tpu.memory_space<vmem>>
    %dma_start3A_1042 = arith.constant 0 : i32
    %dma_start3A_1043 = tpu.memref_slice %arg3[%dma_start3A_1042, %multiple_of3A_1030] : memref<8x1000001xf32, #tpu.memory_space<hbm>> -> memref<8x128xf32, #tpu.memory_space<hbm>>
    tpu.enqueue_dma source(%dma_start3A_1043 : memref<8x128xf32, #tpu.memory_space<hbm>>) target(%dma_start3A_1041 : memref<8x128xf32, #tpu.memory_space<vmem>>) target_semaphore(%arg11 : memref<!tpu.dma_semaphore, #tpu.memory_space<semaphore_mem>>)
    %slice3A_1044 = vector.extract_strided_slice %min3A_899 {offsets = [8], sizes = [1], strides = [1]} : vector<16xi32> to vector<1xi32>
    %squeeze3A_1045 = vector.extract %slice3A_1044[0] : i32 from vector<1xi32>
    %mul3A_1046 = arith.constant 128 : i32
    %mul3A_1047 = arith.muli %squeeze3A_1045, %mul3A_1046 : i32
    %multiple_of3A_1048 = tpu.assume_multiple %mul3A_1047, 128 : i32
    %dma_start3A_1049 = arith.constant 1 : i32
    %dma_start3A_1050 = arith.constant 0 : i32
    %dma_start3A_1051 = arith.constant 3072 : i32
    %dma_start3A_1052 = tpu.memref_slice %arg7[%dma_start3A_1049, %dma_start3A_1050, %dma_start3A_1051] : memref<2x8x4096xf32, #tpu.memory_space<vmem>> -> memref<1x8x128xf32, #tpu.memory_space<vmem>>
    %dma_start3A_1053 = tpu.memref_squeeze %dma_start3A_1052 : memref<1x8x128xf32, #tpu.memory_space<vmem>> -> memref<8x128xf32, #tpu.memory_space<vmem>>
    %dma_start3A_1054 = arith.constant 0 : i32
    %dma_start3A_1055 = tpu.memref_slice %arg3[%dma_start3A_1054, %multiple_of3A_1048] : memref<8x1000001xf32, #tpu.memory_space<hbm>> -> memref<8x128xf32, #tpu.memory_space<hbm>>
    %dma_start3A_1056 = arith.constant 0 : i32
    %dma_start3A_1057 = arith.constant 3072 : i32
    %dma_start3A_1058 = tpu.memref_slice %arg7[%dma_start3A_1049, %dma_start3A_1056, %dma_start3A_1057] : memref<2x8x4096xf32, #tpu.memory_space<vmem>> -> memref<1x8x128xf32, #tpu.memory_space<vmem>>
    %dma_start3A_1059 = tpu.memref_squeeze %dma_start3A_1058 : memref<1x8x128xf32, #tpu.memory_space<vmem>> -> memref<8x128xf32, #tpu.memory_space<vmem>>
    %dma_start3A_1060 = arith.constant 0 : i32
    %dma_start3A_1061 = tpu.memref_slice %arg3[%dma_start3A_1060, %multiple_of3A_1048] : memref<8x1000001xf32, #tpu.memory_space<hbm>> -> memref<8x128xf32, #tpu.memory_space<hbm>>
    tpu.enqueue_dma source(%dma_start3A_1061 : memref<8x128xf32, #tpu.memory_space<hbm>>) target(%dma_start3A_1059 : memref<8x128xf32, #tpu.memory_space<vmem>>) target_semaphore(%arg11 : memref<!tpu.dma_semaphore, #tpu.memory_space<semaphore_mem>>)
    %slice3A_1062 = vector.extract_strided_slice %min3A_899 {offsets = [9], sizes = [1], strides = [1]} : vector<16xi32> to vector<1xi32>
    %squeeze3A_1063 = vector.extract %slice3A_1062[0] : i32 from vector<1xi32>
    %mul3A_1064 = arith.constant 128 : i32
    %mul3A_1065 = arith.muli %squeeze3A_1063, %mul3A_1064 : i32
    %multiple_of3A_1066 = tpu.assume_multiple %mul3A_1065, 128 : i32
    %dma_start3A_1067 = arith.constant 1 : i32
    %dma_start3A_1068 = arith.constant 0 : i32
    %dma_start3A_1069 = arith.constant 3200 : i32
    %dma_start3A_1070 = tpu.memref_slice %arg7[%dma_start3A_1067, %dma_start3A_1068, %dma_start3A_1069] : memref<2x8x4096xf32, #tpu.memory_space<vmem>> -> memref<1x8x128xf32, #tpu.memory_space<vmem>>
    %dma_start3A_1071 = tpu.memref_squeeze %dma_start3A_1070 : memref<1x8x128xf32, #tpu.memory_space<vmem>> -> memref<8x128xf32, #tpu.memory_space<vmem>>
    %dma_start3A_1072 = arith.constant 0 : i32
    %dma_start3A_1073 = tpu.memref_slice %arg3[%dma_start3A_1072, %multiple_of3A_1066] : memref<8x1000001xf32, #tpu.memory_space<hbm>> -> memref<8x128xf32, #tpu.memory_space<hbm>>
    %dma_start3A_1074 = arith.constant 0 : i32
    %dma_start3A_1075 = arith.constant 3200 : i32
    %dma_start3A_1076 = tpu.memref_slice %arg7[%dma_start3A_1067, %dma_start3A_1074, %dma_start3A_1075] : memref<2x8x4096xf32, #tpu.memory_space<vmem>> -> memref<1x8x128xf32, #tpu.memory_space<vmem>>
    %dma_start3A_1077 = tpu.memref_squeeze %dma_start3A_1076 : memref<1x8x128xf32, #tpu.memory_space<vmem>> -> memref<8x128xf32, #tpu.memory_space<vmem>>
    %dma_start3A_1078 = arith.constant 0 : i32
    %dma_start3A_1079 = tpu.memref_slice %arg3[%dma_start3A_1078, %multiple_of3A_1066] : memref<8x1000001xf32, #tpu.memory_space<hbm>> -> memref<8x128xf32, #tpu.memory_space<hbm>>
    tpu.enqueue_dma source(%dma_start3A_1079 : memref<8x128xf32, #tpu.memory_space<hbm>>) target(%dma_start3A_1077 : memref<8x128xf32, #tpu.memory_space<vmem>>) target_semaphore(%arg11 : memref<!tpu.dma_semaphore, #tpu.memory_space<semaphore_mem>>)
    %slice3A_1080 = vector.extract_strided_slice %min3A_899 {offsets = [10], sizes = [1], strides = [1]} : vector<16xi32> to vector<1xi32>
    %squeeze3A_1081 = vector.extract %slice3A_1080[0] : i32 from vector<1xi32>
    %mul3A_1082 = arith.constant 128 : i32
    %mul3A_1083 = arith.muli %squeeze3A_1081, %mul3A_1082 : i32
    %multiple_of3A_1084 = tpu.assume_multiple %mul3A_1083, 128 : i32
    %dma_start3A_1085 = arith.constant 1 : i32
    %dma_start3A_1086 = arith.constant 0 : i32
    %dma_start3A_1087 = arith.constant 3328 : i32
    %dma_start3A_1088 = tpu.memref_slice %arg7[%dma_start3A_1085, %dma_start3A_1086, %dma_start3A_1087] : memref<2x8x4096xf32, #tpu.memory_space<vmem>> -> memref<1x8x128xf32, #tpu.memory_space<vmem>>
    %dma_start3A_1089 = tpu.memref_squeeze %dma_start3A_1088 : memref<1x8x128xf32, #tpu.memory_space<vmem>> -> memref<8x128xf32, #tpu.memory_space<vmem>>
    %dma_start3A_1090 = arith.constant 0 : i32
    %dma_start3A_1091 = tpu.memref_slice %arg3[%dma_start3A_1090, %multiple_of3A_1084] : memref<8x1000001xf32, #tpu.memory_space<hbm>> -> memref<8x128xf32, #tpu.memory_space<hbm>>
    %dma_start3A_1092 = arith.constant 0 : i32
    %dma_start3A_1093 = arith.constant 3328 : i32
    %dma_start3A_1094 = tpu.memref_slice %arg7[%dma_start3A_1085, %dma_start3A_1092, %dma_start3A_1093] : memref<2x8x4096xf32, #tpu.memory_space<vmem>> -> memref<1x8x128xf32, #tpu.memory_space<vmem>>
    %dma_start3A_1095 = tpu.memref_squeeze %dma_start3A_1094 : memref<1x8x128xf32, #tpu.memory_space<vmem>> -> memref<8x128xf32, #tpu.memory_space<vmem>>
    %dma_start3A_1096 = arith.constant 0 : i32
    %dma_start3A_1097 = tpu.memref_slice %arg3[%dma_start3A_1096, %multiple_of3A_1084] : memref<8x1000001xf32, #tpu.memory_space<hbm>> -> memref<8x128xf32, #tpu.memory_space<hbm>>
    tpu.enqueue_dma source(%dma_start3A_1097 : memref<8x128xf32, #tpu.memory_space<hbm>>) target(%dma_start3A_1095 : memref<8x128xf32, #tpu.memory_space<vmem>>) target_semaphore(%arg11 : memref<!tpu.dma_semaphore, #tpu.memory_space<semaphore_mem>>)
    %slice3A_1098 = vector.extract_strided_slice %min3A_899 {offsets = [11], sizes = [1], strides = [1]} : vector<16xi32> to vector<1xi32>
    %squeeze3A_1099 = vector.extract %slice3A_1098[0] : i32 from vector<1xi32>
    %mul3A_1100 = arith.constant 128 : i32
    %mul3A_1101 = arith.muli %squeeze3A_1099, %mul3A_1100 : i32
    %multiple_of3A_1102 = tpu.assume_multiple %mul3A_1101, 128 : i32
    %dma_start3A_1103 = arith.constant 1 : i32
    %dma_start3A_1104 = arith.constant 0 : i32
    %dma_start3A_1105 = arith.constant 3456 : i32
    %dma_start3A_1106 = tpu.memref_slice %arg7[%dma_start3A_1103, %dma_start3A_1104, %dma_start3A_1105] : memref<2x8x4096xf32, #tpu.memory_space<vmem>> -> memref<1x8x128xf32, #tpu.memory_space<vmem>>
    %dma_start3A_1107 = tpu.memref_squeeze %dma_start3A_1106 : memref<1x8x128xf32, #tpu.memory_space<vmem>> -> memref<8x128xf32, #tpu.memory_space<vmem>>
    %dma_start3A_1108 = arith.constant 0 : i32
    %dma_start3A_1109 = tpu.memref_slice %arg3[%dma_start3A_1108, %multiple_of3A_1102] : memref<8x1000001xf32, #tpu.memory_space<hbm>> -> memref<8x128xf32, #tpu.memory_space<hbm>>
    %dma_start3A_1110 = arith.constant 0 : i32
    %dma_start3A_1111 = arith.constant 3456 : i32
    %dma_start3A_1112 = tpu.memref_slice %arg7[%dma_start3A_1103, %dma_start3A_1110, %dma_start3A_1111] : memref<2x8x4096xf32, #tpu.memory_space<vmem>> -> memref<1x8x128xf32, #tpu.memory_space<vmem>>
    %dma_start3A_1113 = tpu.memref_squeeze %dma_start3A_1112 : memref<1x8x128xf32, #tpu.memory_space<vmem>> -> memref<8x128xf32, #tpu.memory_space<vmem>>
    %dma_start3A_1114 = arith.constant 0 : i32
    %dma_start3A_1115 = tpu.memref_slice %arg3[%dma_start3A_1114, %multiple_of3A_1102] : memref<8x1000001xf32, #tpu.memory_space<hbm>> -> memref<8x128xf32, #tpu.memory_space<hbm>>
    tpu.enqueue_dma source(%dma_start3A_1115 : memref<8x128xf32, #tpu.memory_space<hbm>>) target(%dma_start3A_1113 : memref<8x128xf32, #tpu.memory_space<vmem>>) target_semaphore(%arg11 : memref<!tpu.dma_semaphore, #tpu.memory_space<semaphore_mem>>)
    %slice3A_1116 = vector.extract_strided_slice %min3A_899 {offsets = [12], sizes = [1], strides = [1]} : vector<16xi32> to vector<1xi32>
    %squeeze3A_1117 = vector.extract %slice3A_1116[0] : i32 from vector<1xi32>
    %mul3A_1118 = arith.constant 128 : i32
    %mul3A_1119 = arith.muli %squeeze3A_1117, %mul3A_1118 : i32
    %multiple_of3A_1120 = tpu.assume_multiple %mul3A_1119, 128 : i32
    %dma_start3A_1121 = arith.constant 1 : i32
    %dma_start3A_1122 = arith.constant 0 : i32
    %dma_start3A_1123 = arith.constant 3584 : i32
    %dma_start3A_1124 = tpu.memref_slice %arg7[%dma_start3A_1121, %dma_start3A_1122, %dma_start3A_1123] : memref<2x8x4096xf32, #tpu.memory_space<vmem>> -> memref<1x8x128xf32, #tpu.memory_space<vmem>>
    %dma_start3A_1125 = tpu.memref_squeeze %dma_start3A_1124 : memref<1x8x128xf32, #tpu.memory_space<vmem>> -> memref<8x128xf32, #tpu.memory_space<vmem>>
    %dma_start3A_1126 = arith.constant 0 : i32
    %dma_start3A_1127 = tpu.memref_slice %arg3[%dma_start3A_1126, %multiple_of3A_1120] : memref<8x1000001xf32, #tpu.memory_space<hbm>> -> memref<8x128xf32, #tpu.memory_space<hbm>>
    %dma_start3A_1128 = arith.constant 0 : i32
    %dma_start3A_1129 = arith.constant 3584 : i32
    %dma_start3A_1130 = tpu.memref_slice %arg7[%dma_start3A_1121, %dma_start3A_1128, %dma_start3A_1129] : memref<2x8x4096xf32, #tpu.memory_space<vmem>> -> memref<1x8x128xf32, #tpu.memory_space<vmem>>
    %dma_start3A_1131 = tpu.memref_squeeze %dma_start3A_1130 : memref<1x8x128xf32, #tpu.memory_space<vmem>> -> memref<8x128xf32, #tpu.memory_space<vmem>>
    %dma_start3A_1132 = arith.constant 0 : i32
    %dma_start3A_1133 = tpu.memref_slice %arg3[%dma_start3A_1132, %multiple_of3A_1120] : memref<8x1000001xf32, #tpu.memory_space<hbm>> -> memref<8x128xf32, #tpu.memory_space<hbm>>
    tpu.enqueue_dma source(%dma_start3A_1133 : memref<8x128xf32, #tpu.memory_space<hbm>>) target(%dma_start3A_1131 : memref<8x128xf32, #tpu.memory_space<vmem>>) target_semaphore(%arg11 : memref<!tpu.dma_semaphore, #tpu.memory_space<semaphore_mem>>)
    %slice3A_1134 = vector.extract_strided_slice %min3A_899 {offsets = [13], sizes = [1], strides = [1]} : vector<16xi32> to vector<1xi32>
    %squeeze3A_1135 = vector.extract %slice3A_1134[0] : i32 from vector<1xi32>
    %mul3A_1136 = arith.constant 128 : i32
    %mul3A_1137 = arith.muli %squeeze3A_1135, %mul3A_1136 : i32
    %multiple_of3A_1138 = tpu.assume_multiple %mul3A_1137, 128 : i32
    %dma_start3A_1139 = arith.constant 1 : i32
    %dma_start3A_1140 = arith.constant 0 : i32
    %dma_start3A_1141 = arith.constant 3712 : i32
    %dma_start3A_1142 = tpu.memref_slice %arg7[%dma_start3A_1139, %dma_start3A_1140, %dma_start3A_1141] : memref<2x8x4096xf32, #tpu.memory_space<vmem>> -> memref<1x8x128xf32, #tpu.memory_space<vmem>>
    %dma_start3A_1143 = tpu.memref_squeeze %dma_start3A_1142 : memref<1x8x128xf32, #tpu.memory_space<vmem>> -> memref<8x128xf32, #tpu.memory_space<vmem>>
    %dma_start3A_1144 = arith.constant 0 : i32
    %dma_start3A_1145 = tpu.memref_slice %arg3[%dma_start3A_1144, %multiple_of3A_1138] : memref<8x1000001xf32, #tpu.memory_space<hbm>> -> memref<8x128xf32, #tpu.memory_space<hbm>>
    %dma_start3A_1146 = arith.constant 0 : i32
    %dma_start3A_1147 = arith.constant 3712 : i32
    %dma_start3A_1148 = tpu.memref_slice %arg7[%dma_start3A_1139, %dma_start3A_1146, %dma_start3A_1147] : memref<2x8x4096xf32, #tpu.memory_space<vmem>> -> memref<1x8x128xf32, #tpu.memory_space<vmem>>
    %dma_start3A_1149 = tpu.memref_squeeze %dma_start3A_1148 : memref<1x8x128xf32, #tpu.memory_space<vmem>> -> memref<8x128xf32, #tpu.memory_space<vmem>>
    %dma_start3A_1150 = arith.constant 0 : i32
    %dma_start3A_1151 = tpu.memref_slice %arg3[%dma_start3A_1150, %multiple_of3A_1138] : memref<8x1000001xf32, #tpu.memory_space<hbm>> -> memref<8x128xf32, #tpu.memory_space<hbm>>
    tpu.enqueue_dma source(%dma_start3A_1151 : memref<8x128xf32, #tpu.memory_space<hbm>>) target(%dma_start3A_1149 : memref<8x128xf32, #tpu.memory_space<vmem>>) target_semaphore(%arg11 : memref<!tpu.dma_semaphore, #tpu.memory_space<semaphore_mem>>)
    %slice3A_1152 = vector.extract_strided_slice %min3A_899 {offsets = [14], sizes = [1], strides = [1]} : vector<16xi32> to vector<1xi32>
    %squeeze3A_1153 = vector.extract %slice3A_1152[0] : i32 from vector<1xi32>
    %mul3A_1154 = arith.constant 128 : i32
    %mul3A_1155 = arith.muli %squeeze3A_1153, %mul3A_1154 : i32
    %multiple_of3A_1156 = tpu.assume_multiple %mul3A_1155, 128 : i32
    %dma_start3A_1157 = arith.constant 1 : i32
    %dma_start3A_1158 = arith.constant 0 : i32
    %dma_start3A_1159 = arith.constant 3840 : i32
    %dma_start3A_1160 = tpu.memref_slice %arg7[%dma_start3A_1157, %dma_start3A_1158, %dma_start3A_1159] : memref<2x8x4096xf32, #tpu.memory_space<vmem>> -> memref<1x8x128xf32, #tpu.memory_space<vmem>>
    %dma_start3A_1161 = tpu.memref_squeeze %dma_start3A_1160 : memref<1x8x128xf32, #tpu.memory_space<vmem>> -> memref<8x128xf32, #tpu.memory_space<vmem>>
    %dma_start3A_1162 = arith.constant 0 : i32
    %dma_start3A_1163 = tpu.memref_slice %arg3[%dma_start3A_1162, %multiple_of3A_1156] : memref<8x1000001xf32, #tpu.memory_space<hbm>> -> memref<8x128xf32, #tpu.memory_space<hbm>>
    %dma_start3A_1164 = arith.constant 0 : i32
    %dma_start3A_1165 = arith.constant 3840 : i32
    %dma_start3A_1166 = tpu.memref_slice %arg7[%dma_start3A_1157, %dma_start3A_1164, %dma_start3A_1165] : memref<2x8x4096xf32, #tpu.memory_space<vmem>> -> memref<1x8x128xf32, #tpu.memory_space<vmem>>
    %dma_start3A_1167 = tpu.memref_squeeze %dma_start3A_1166 : memref<1x8x128xf32, #tpu.memory_space<vmem>> -> memref<8x128xf32, #tpu.memory_space<vmem>>
    %dma_start3A_1168 = arith.constant 0 : i32
    %dma_start3A_1169 = tpu.memref_slice %arg3[%dma_start3A_1168, %multiple_of3A_1156] : memref<8x1000001xf32, #tpu.memory_space<hbm>> -> memref<8x128xf32, #tpu.memory_space<hbm>>
    tpu.enqueue_dma source(%dma_start3A_1169 : memref<8x128xf32, #tpu.memory_space<hbm>>) target(%dma_start3A_1167 : memref<8x128xf32, #tpu.memory_space<vmem>>) target_semaphore(%arg11 : memref<!tpu.dma_semaphore, #tpu.memory_space<semaphore_mem>>)
    %slice3A_1170 = vector.extract_strided_slice %min3A_899 {offsets = [15], sizes = [1], strides = [1]} : vector<16xi32> to vector<1xi32>
    %squeeze3A_1171 = vector.extract %slice3A_1170[0] : i32 from vector<1xi32>
    %mul3A_1172 = arith.constant 128 : i32
    %mul3A_1173 = arith.muli %squeeze3A_1171, %mul3A_1172 : i32
    %multiple_of3A_1174 = tpu.assume_multiple %mul3A_1173, 128 : i32
    %dma_start3A_1175 = arith.constant 1 : i32
    %dma_start3A_1176 = arith.constant 0 : i32
    %dma_start3A_1177 = arith.constant 3968 : i32
    %dma_start3A_1178 = tpu.memref_slice %arg7[%dma_start3A_1175, %dma_start3A_1176, %dma_start3A_1177] : memref<2x8x4096xf32, #tpu.memory_space<vmem>> -> memref<1x8x128xf32, #tpu.memory_space<vmem>>
    %dma_start3A_1179 = tpu.memref_squeeze %dma_start3A_1178 : memref<1x8x128xf32, #tpu.memory_space<vmem>> -> memref<8x128xf32, #tpu.memory_space<vmem>>
    %dma_start3A_1180 = arith.constant 0 : i32
    %dma_start3A_1181 = tpu.memref_slice %arg3[%dma_start3A_1180, %multiple_of3A_1174] : memref<8x1000001xf32, #tpu.memory_space<hbm>> -> memref<8x128xf32, #tpu.memory_space<hbm>>
    %dma_start3A_1182 = arith.constant 0 : i32
    %dma_start3A_1183 = arith.constant 3968 : i32
    %dma_start3A_1184 = tpu.memref_slice %arg7[%dma_start3A_1175, %dma_start3A_1182, %dma_start3A_1183] : memref<2x8x4096xf32, #tpu.memory_space<vmem>> -> memref<1x8x128xf32, #tpu.memory_space<vmem>>
    %dma_start3A_1185 = tpu.memref_squeeze %dma_start3A_1184 : memref<1x8x128xf32, #tpu.memory_space<vmem>> -> memref<8x128xf32, #tpu.memory_space<vmem>>
    %dma_start3A_1186 = arith.constant 0 : i32
    %dma_start3A_1187 = tpu.memref_slice %arg3[%dma_start3A_1186, %multiple_of3A_1174] : memref<8x1000001xf32, #tpu.memory_space<hbm>> -> memref<8x128xf32, #tpu.memory_space<hbm>>
    tpu.enqueue_dma source(%dma_start3A_1187 : memref<8x128xf32, #tpu.memory_space<hbm>>) target(%dma_start3A_1185 : memref<8x128xf32, #tpu.memory_space<vmem>>) target_semaphore(%arg11 : memref<!tpu.dma_semaphore, #tpu.memory_space<semaphore_mem>>)
    %scan3A = arith.constant 0 : i32
    %scan3A_1188 = arith.constant 0 : i32
    %scan3A_1189 = arith.constant 7 : i32
    %scan3A_1190 = arith.addi %scan3A_1188, %scan3A_1189 : i32
    %scan3A_1191 = arith.constant 1 : i32
    scf.for %scan3A_1619 = %scan3A_1188 to %scan3A_1190 step %scan3A_1191  : i32 {
      %mul3A_1620 = arith.constant 2 : i32
      %mul3A_1621 = arith.muli %mul3A_1620, %scan3A_1619 : i32
      %dma_wait3A_1622 = arith.constant 0 : i32
      %dma_wait3A_1623 = arith.constant 0 : i32
      %dma_wait3A_1624 = arith.constant 0 : i32
      %dma_wait3A_1625 = tpu.memref_slice %arg7[%dma_wait3A_1622, %dma_wait3A_1623, %dma_wait3A_1624] : memref<2x8x4096xf32, #tpu.memory_space<vmem>> -> memref<1x8x4096xf32, #tpu.memory_space<vmem>>
      %dma_wait3A_1626 = tpu.memref_squeeze %dma_wait3A_1625 : memref<1x8x4096xf32, #tpu.memory_space<vmem>> -> memref<8x4096xf32, #tpu.memory_space<vmem>>
      %dma_wait3A_1627 = arith.constant 0 : i32
      %dma_wait3A_1628 = arith.constant 0 : i32
      %dma_wait3A_1629 = tpu.memref_slice %arg3[%dma_wait3A_1627, %dma_wait3A_1628] : memref<8x1000001xf32, #tpu.memory_space<hbm>> -> memref<8x4096xf32, #tpu.memory_space<hbm>>
      %dma_wait3A_1630 = arith.constant 0 : i32
      %dma_wait3A_1631 = arith.constant 0 : i32
      %dma_wait3A_1632 = tpu.memref_slice %arg7[%dma_wait3A_1622, %dma_wait3A_1630, %dma_wait3A_1631] : memref<2x8x4096xf32, #tpu.memory_space<vmem>> -> memref<1x8x4096xf32, #tpu.memory_space<vmem>>
      %dma_wait3A_1633 = tpu.memref_squeeze %dma_wait3A_1632 : memref<1x8x4096xf32, #tpu.memory_space<vmem>> -> memref<8x4096xf32, #tpu.memory_space<vmem>>
      %dma_wait3A_1634 = arith.constant 0 : i32
      %dma_wait3A_1635 = arith.constant 0 : i32
      %dma_wait3A_1636 = tpu.memref_slice %arg3[%dma_wait3A_1634, %dma_wait3A_1635] : memref<8x1000001xf32, #tpu.memory_space<hbm>> -> memref<8x4096xf32, #tpu.memory_space<hbm>>
      tpu.wait_dma2 semaphore(%arg10 : memref<!tpu.dma_semaphore, #tpu.memory_space<semaphore_mem>>) src(%dma_wait3A_1636 : memref<8x4096xf32, #tpu.memory_space<hbm>>) dst(%dma_wait3A_1633 : memref<8x4096xf32, #tpu.memory_space<vmem>>)
      %jit3A = arith.constant 4 : i32
      %div3A = arith.divsi %mul3A_1621, %jit3A : i32
      %sign3A = arith.constant 0 : i32
      %sign3A_1637 = arith.cmpi sgt, %mul3A_1621, %sign3A : i32
      %sign3A_1638 = arith.extui %sign3A_1637 : i1 to i32
      %sign3A_1639 = arith.constant 0 : i32
      %sign3A_1640 = arith.cmpi slt, %mul3A_1621, %sign3A_1639 : i32
      %sign3A_1641 = arith.extui %sign3A_1640 : i1 to i32
      %sign3A_1642 = arith.subi %sign3A_1638, %sign3A_1641 : i32
      %sign3A_1643 = arith.constant 0 : i32
      %sign3A_1644 = arith.cmpi sgt, %jit3A, %sign3A_1643 : i32
      %sign3A_1645 = arith.extui %sign3A_1644 : i1 to i32
      %sign3A_1646 = arith.constant 0 : i32
      %sign3A_1647 = arith.cmpi slt, %jit3A, %sign3A_1646 : i32
      %sign3A_1648 = arith.extui %sign3A_1647 : i1 to i32
      %sign3A_1649 = arith.subi %sign3A_1645, %sign3A_1648 : i32
      %ne3A = arith.cmpi ne, %sign3A_1642, %sign3A_1649 : i32
      %rem3A = arith.remsi %mul3A_1621, %jit3A : i32
      %ne3A_1650 = arith.constant 0 : i32
      %ne3A_1651 = arith.cmpi ne, %rem3A, %ne3A_1650 : i32
      %and3A_1652 = arith.andi %ne3A, %ne3A_1651 : i1
      %sub3A_1653 = arith.constant 1 : i32
      %sub3A_1654 = arith.subi %div3A, %sub3A_1653 : i32
      %select_n3A_1655 = arith.select %and3A_1652, %sub3A_1654, %div3A : i32
      %jit3A_1656 = arith.constant 4 : i32
      %eq3A = arith.constant 0 : i32
      %eq3A_1657 = arith.cmpi eq, %jit3A_1656, %eq3A : i32
      %jit3A_1658 = arith.constant 1 : i32
      %select_n3A_1659 = arith.select %eq3A_1657, %jit3A_1658, %jit3A_1656 : i32
      %rem3A_1660 = arith.remsi %mul3A_1621, %select_n3A_1659 : i32
      %ne3A_1661 = arith.constant 0 : i32
      %ne3A_1662 = arith.cmpi ne, %rem3A_1660, %ne3A_1661 : i32
      %lt3A = arith.constant 0 : i32
      %lt3A_1663 = arith.cmpi slt, %rem3A_1660, %lt3A : i32
      %lt3A_1664 = arith.constant 0 : i32
      %lt3A_1665 = arith.cmpi slt, %select_n3A_1659, %lt3A_1664 : i32
      %ne3A_1666 = arith.xori %lt3A_1663, %lt3A_1665 : i1
      %and3A_1667 = arith.andi %ne3A_1666, %ne3A_1662 : i1
      %add3A_1668 = arith.addi %rem3A_1660, %select_n3A_1659 : i32
      %select_n3A_1669 = arith.select %and3A_1667, %add3A_1668, %rem3A_1660 : i32
      %mul3A_1670 = arith.constant 32 : i32
      %mul3A_1671 = arith.muli %select_n3A_1669, %mul3A_1670 : i32
      %add3A_1672 = arith.constant 0 : i32
      %add3A_1673 = arith.addi %mul3A_1671, %add3A_1672 : i32
      %get3A_1674 = arith.index_cast %select_n3A_1655 : i32 to index
      %get3A_1675 = arith.index_cast %add3A_1673 : i32 to index
      %get3A_1676 = tpu.vector_load %arg6[%get3A_1674, %get3A_1675] {strides = array<i32>} : memref<4x128xi32, #tpu.memory_space<vmem>>, vector<16xi32>,
      %and3A_1677 = arith.constant 127 : i32
      %and3A_1678 = vector.broadcast %and3A_1677 : i32 to vector<16xi32>
      %and3A_1679 = arith.andi %get3A_1676, %and3A_1678 : vector<16xi32>
      %iota3A_1680 = tpu.iota {dimensions = array<i32: 0>} : vector<16xi32>
      %add3A_1681 = arith.constant 0 : i32
      %add3A_1682 = vector.broadcast %add3A_1681 : i32 to vector<16xi32>
      %add3A_1683 = arith.addi %iota3A_1680, %add3A_1682 : vector<16xi32>
      %mul3A_1684 = arith.constant 128 : i32
      %mul3A_1685 = vector.broadcast %mul3A_1684 : i32 to vector<16xi32>
      %mul3A_1686 = arith.muli %add3A_1683, %mul3A_1685 : vector<16xi32>
      %add3A_1687 = arith.addi %mul3A_1686, %and3A_1679 : vector<16xi32>
      %ge3A_1688 = arith.constant 999936 : i32
      %ge3A_1689 = vector.broadcast %ge3A_1688 : i32 to vector<16xi32>
      %ge3A_1690 = arith.cmpi sge, %get3A_1676, %ge3A_1689 : vector<16xi32>
      %sub3A_1691 = arith.constant 999936 : i32
      %sub3A_1692 = vector.broadcast %sub3A_1691 : i32 to vector<16xi32>
      %sub3A_1693 = arith.subi %get3A_1676, %sub3A_1692 : vector<16xi32>
      %max3A_1694 = arith.constant 0 : i32
      %max3A_1695 = vector.broadcast %max3A_1694 : i32 to vector<16xi32>
      %max3A_1696 = arith.maxsi %sub3A_1693, %max3A_1695 : vector<16xi32>
      %min3A_1697 = arith.constant 127 : i32
      %min3A_1698 = vector.broadcast %min3A_1697 : i32 to vector<16xi32>
      %min3A_1699 = arith.minsi %max3A_1696, %min3A_1698 : vector<16xi32>
      %broadcast_in_dim3A_1700 = arith.constant 0 : i32
      %broadcast_in_dim3A_1701 = vector.broadcast %broadcast_in_dim3A_1700 : i32 to vector<16xi32>
      %broadcast_in_dim3A_1702 = arith.constant 0 : i32
      %broadcast_in_dim3A_1703 = vector.broadcast %broadcast_in_dim3A_1702 : i32 to vector<16xi32>
      %gather3A_1704 = tpu.vector_load_idx %arg7[%broadcast_in_dim3A_1701, %broadcast_in_dim3A_1703, %add3A_1687] : memref<2x8x4096xf32, #tpu.memory_space<vmem>>[vector<16xi32>, vector<16xi32>, vector<16xi32>], vector<16xf32>,
      %gather3A_1705 = tpu.vector_load_idx %arg9[%broadcast_in_dim3A_1703, %min3A_1699] : memref<8x128xf32, #tpu.memory_space<vmem>>[vector<16xi32>, vector<16xi32>], vector<16xf32>,
      %select_n3A_1706 = arith.select %ge3A_1690, %gather3A_1705, %gather3A_1704 : vector<16xi1>, vector<16xf32>
      %mul3A_1707 = arith.constant 32 : i32
      %mul3A_1708 = arith.muli %mul3A_1621, %mul3A_1707 : i32
      %add3A_1709 = arith.constant 0 : i32
      %add3A_1710 = arith.addi %mul3A_1708, %add3A_1709 : i32
      %swap3A_1711 = arith.constant 0 : i32
      %swap3A_1712 = arith.index_cast %swap3A_1711 : i32 to index
      %swap3A_1713 = arith.index_cast %add3A_1710 : i32 to index
      %swap3A_1714 = tpu.vector_load %arg8[%swap3A_1712, %swap3A_1713] {strides = array<i32>} : memref<8x512xf32, #tpu.memory_space<vmem>>, vector<16xf32>,
      tpu.vector_store %arg8[%swap3A_1712, %swap3A_1713], %select_n3A_1706 {strides = array<i32>} : memref<8x512xf32, #tpu.memory_space<vmem>>, vector<16xf32>,
      %broadcast_in_dim3A_1715 = arith.constant 1 : i32
      %broadcast_in_dim3A_1716 = vector.broadcast %broadcast_in_dim3A_1715 : i32 to vector<16xi32>
      %gather3A_1717 = tpu.vector_load_idx %arg7[%broadcast_in_dim3A_1701, %broadcast_in_dim3A_1716, %add3A_1687] : memref<2x8x4096xf32, #tpu.memory_space<vmem>>[vector<16xi32>, vector<16xi32>, vector<16xi32>], vector<16xf32>,
      %gather3A_1718 = tpu.vector_load_idx %arg9[%broadcast_in_dim3A_1716, %min3A_1699] : memref<8x128xf32, #tpu.memory_space<vmem>>[vector<16xi32>, vector<16xi32>], vector<16xf32>,
      %select_n3A_1719 = arith.select %ge3A_1690, %gather3A_1718, %gather3A_1717 : vector<16xi1>, vector<16xf32>
      %mul3A_1720 = arith.constant 32 : i32
      %mul3A_1721 = arith.muli %mul3A_1621, %mul3A_1720 : i32
      %add3A_1722 = arith.constant 0 : i32
      %add3A_1723 = arith.addi %mul3A_1721, %add3A_1722 : i32
      %swap3A_1724 = arith.constant 1 : i32
      %swap3A_1725 = arith.index_cast %swap3A_1724 : i32 to index
      %swap3A_1726 = arith.index_cast %add3A_1723 : i32 to index
      %swap3A_1727 = tpu.vector_load %arg8[%swap3A_1725, %swap3A_1726] {strides = array<i32>} : memref<8x512xf32, #tpu.memory_space<vmem>>, vector<16xf32>,
      tpu.vector_store %arg8[%swap3A_1725, %swap3A_1726], %select_n3A_1719 {strides = array<i32>} : memref<8x512xf32, #tpu.memory_space<vmem>>, vector<16xf32>,
      %broadcast_in_dim3A_1728 = arith.constant 2 : i32
      %broadcast_in_dim3A_1729 = vector.broadcast %broadcast_in_dim3A_1728 : i32 to vector<16xi32>
      %gather3A_1730 = tpu.vector_load_idx %arg7[%broadcast_in_dim3A_1701, %broadcast_in_dim3A_1729, %add3A_1687] : memref<2x8x4096xf32, #tpu.memory_space<vmem>>[vector<16xi32>, vector<16xi32>, vector<16xi32>], vector<16xf32>,
      %gather3A_1731 = tpu.vector_load_idx %arg9[%broadcast_in_dim3A_1729, %min3A_1699] : memref<8x128xf32, #tpu.memory_space<vmem>>[vector<16xi32>, vector<16xi32>], vector<16xf32>,
      %select_n3A_1732 = arith.select %ge3A_1690, %gather3A_1731, %gather3A_1730 : vector<16xi1>, vector<16xf32>
      %mul3A_1733 = arith.constant 32 : i32
      %mul3A_1734 = arith.muli %mul3A_1621, %mul3A_1733 : i32
      %add3A_1735 = arith.constant 0 : i32
      %add3A_1736 = arith.addi %mul3A_1734, %add3A_1735 : i32
      %swap3A_1737 = arith.constant 2 : i32
      %swap3A_1738 = arith.index_cast %swap3A_1737 : i32 to index
      %swap3A_1739 = arith.index_cast %add3A_1736 : i32 to index
      %swap3A_1740 = tpu.vector_load %arg8[%swap3A_1738, %swap3A_1739] {strides = array<i32>} : memref<8x512xf32, #tpu.memory_space<vmem>>, vector<16xf32>,
      tpu.vector_store %arg8[%swap3A_1738, %swap3A_1739], %select_n3A_1732 {strides = array<i32>} : memref<8x512xf32, #tpu.memory_space<vmem>>, vector<16xf32>,
      %broadcast_in_dim3A_1741 = arith.constant 3 : i32
      %broadcast_in_dim3A_1742 = vector.broadcast %broadcast_in_dim3A_1741 : i32 to vector<16xi32>
      %gather3A_1743 = tpu.vector_load_idx %arg7[%broadcast_in_dim3A_1701, %broadcast_in_dim3A_1742, %add3A_1687] : memref<2x8x4096xf32, #tpu.memory_space<vmem>>[vector<16xi32>, vector<16xi32>, vector<16xi32>], vector<16xf32>,
      %gather3A_1744 = tpu.vector_load_idx %arg9[%broadcast_in_dim3A_1742, %min3A_1699] : memref<8x128xf32, #tpu.memory_space<vmem>>[vector<16xi32>, vector<16xi32>], vector<16xf32>,
      %select_n3A_1745 = arith.select %ge3A_1690, %gather3A_1744, %gather3A_1743 : vector<16xi1>, vector<16xf32>
      %mul3A_1746 = arith.constant 32 : i32
      %mul3A_1747 = arith.muli %mul3A_1621, %mul3A_1746 : i32
      %add3A_1748 = arith.constant 0 : i32
      %add3A_1749 = arith.addi %mul3A_1747, %add3A_1748 : i32
      %swap3A_1750 = arith.constant 3 : i32
      %swap3A_1751 = arith.index_cast %swap3A_1750 : i32 to index
      %swap3A_1752 = arith.index_cast %add3A_1749 : i32 to index
      %swap3A_1753 = tpu.vector_load %arg8[%swap3A_1751, %swap3A_1752] {strides = array<i32>} : memref<8x512xf32, #tpu.memory_space<vmem>>, vector<16xf32>,
      tpu.vector_store %arg8[%swap3A_1751, %swap3A_1752], %select_n3A_1745 {strides = array<i32>} : memref<8x512xf32, #tpu.memory_space<vmem>>, vector<16xf32>,
      %broadcast_in_dim3A_1754 = arith.constant 4 : i32
      %broadcast_in_dim3A_1755 = vector.broadcast %broadcast_in_dim3A_1754 : i32 to vector<16xi32>
      %gather3A_1756 = tpu.vector_load_idx %arg7[%broadcast_in_dim3A_1701, %broadcast_in_dim3A_1755, %add3A_1687] : memref<2x8x4096xf32, #tpu.memory_space<vmem>>[vector<16xi32>, vector<16xi32>, vector<16xi32>], vector<16xf32>,
      %gather3A_1757 = tpu.vector_load_idx %arg9[%broadcast_in_dim3A_1755, %min3A_1699] : memref<8x128xf32, #tpu.memory_space<vmem>>[vector<16xi32>, vector<16xi32>], vector<16xf32>,
      %select_n3A_1758 = arith.select %ge3A_1690, %gather3A_1757, %gather3A_1756 : vector<16xi1>, vector<16xf32>
      %mul3A_1759 = arith.constant 32 : i32
      %mul3A_1760 = arith.muli %mul3A_1621, %mul3A_1759 : i32
      %add3A_1761 = arith.constant 0 : i32
      %add3A_1762 = arith.addi %mul3A_1760, %add3A_1761 : i32
      %swap3A_1763 = arith.constant 4 : i32
      %swap3A_1764 = arith.index_cast %swap3A_1763 : i32 to index
      %swap3A_1765 = arith.index_cast %add3A_1762 : i32 to index
      %swap3A_1766 = tpu.vector_load %arg8[%swap3A_1764, %swap3A_1765] {strides = array<i32>} : memref<8x512xf32, #tpu.memory_space<vmem>>, vector<16xf32>,
      tpu.vector_store %arg8[%swap3A_1764, %swap3A_1765], %select_n3A_1758 {strides = array<i32>} : memref<8x512xf32, #tpu.memory_space<vmem>>, vector<16xf32>,
      %broadcast_in_dim3A_1767 = arith.constant 5 : i32
      %broadcast_in_dim3A_1768 = vector.broadcast %broadcast_in_dim3A_1767 : i32 to vector<16xi32>
      %gather3A_1769 = tpu.vector_load_idx %arg7[%broadcast_in_dim3A_1701, %broadcast_in_dim3A_1768, %add3A_1687] : memref<2x8x4096xf32, #tpu.memory_space<vmem>>[vector<16xi32>, vector<16xi32>, vector<16xi32>], vector<16xf32>,
      %gather3A_1770 = tpu.vector_load_idx %arg9[%broadcast_in_dim3A_1768, %min3A_1699] : memref<8x128xf32, #tpu.memory_space<vmem>>[vector<16xi32>, vector<16xi32>], vector<16xf32>,
      %select_n3A_1771 = arith.select %ge3A_1690, %gather3A_1770, %gather3A_1769 : vector<16xi1>, vector<16xf32>
      %mul3A_1772 = arith.constant 32 : i32
      %mul3A_1773 = arith.muli %mul3A_1621, %mul3A_1772 : i32
      %add3A_1774 = arith.constant 0 : i32
      %add3A_1775 = arith.addi %mul3A_1773, %add3A_1774 : i32
      %swap3A_1776 = arith.constant 5 : i32
      %swap3A_1777 = arith.index_cast %swap3A_1776 : i32 to index
      %swap3A_1778 = arith.index_cast %add3A_1775 : i32 to index
      %swap3A_1779 = tpu.vector_load %arg8[%swap3A_1777, %swap3A_1778] {strides = array<i32>} : memref<8x512xf32, #tpu.memory_space<vmem>>, vector<16xf32>,
      tpu.vector_store %arg8[%swap3A_1777, %swap3A_1778], %select_n3A_1771 {strides = array<i32>} : memref<8x512xf32, #tpu.memory_space<vmem>>, vector<16xf32>,
      %broadcast_in_dim3A_1780 = arith.constant 6 : i32
      %broadcast_in_dim3A_1781 = vector.broadcast %broadcast_in_dim3A_1780 : i32 to vector<16xi32>
      %gather3A_1782 = tpu.vector_load_idx %arg7[%broadcast_in_dim3A_1701, %broadcast_in_dim3A_1781, %add3A_1687] : memref<2x8x4096xf32, #tpu.memory_space<vmem>>[vector<16xi32>, vector<16xi32>, vector<16xi32>], vector<16xf32>,
      %gather3A_1783 = tpu.vector_load_idx %arg9[%broadcast_in_dim3A_1781, %min3A_1699] : memref<8x128xf32, #tpu.memory_space<vmem>>[vector<16xi32>, vector<16xi32>], vector<16xf32>,
      %select_n3A_1784 = arith.select %ge3A_1690, %gather3A_1783, %gather3A_1782 : vector<16xi1>, vector<16xf32>
      %mul3A_1785 = arith.constant 32 : i32
      %mul3A_1786 = arith.muli %mul3A_1621, %mul3A_1785 : i32
      %add3A_1787 = arith.constant 0 : i32
      %add3A_1788 = arith.addi %mul3A_1786, %add3A_1787 : i32
      %swap3A_1789 = arith.constant 6 : i32
      %swap3A_1790 = arith.index_cast %swap3A_1789 : i32 to index
      %swap3A_1791 = arith.index_cast %add3A_1788 : i32 to index
      %swap3A_1792 = tpu.vector_load %arg8[%swap3A_1790, %swap3A_1791] {strides = array<i32>} : memref<8x512xf32, #tpu.memory_space<vmem>>, vector<16xf32>,
      tpu.vector_store %arg8[%swap3A_1790, %swap3A_1791], %select_n3A_1784 {strides = array<i32>} : memref<8x512xf32, #tpu.memory_space<vmem>>, vector<16xf32>,
      %broadcast_in_dim3A_1793 = arith.constant 7 : i32
      %broadcast_in_dim3A_1794 = vector.broadcast %broadcast_in_dim3A_1793 : i32 to vector<16xi32>
      %gather3A_1795 = tpu.vector_load_idx %arg7[%broadcast_in_dim3A_1701, %broadcast_in_dim3A_1794, %add3A_1687] : memref<2x8x4096xf32, #tpu.memory_space<vmem>>[vector<16xi32>, vector<16xi32>, vector<16xi32>], vector<16xf32>,
      %gather3A_1796 = tpu.vector_load_idx %arg9[%broadcast_in_dim3A_1794, %min3A_1699] : memref<8x128xf32, #tpu.memory_space<vmem>>[vector<16xi32>, vector<16xi32>], vector<16xf32>,
      %select_n3A_1797 = arith.select %ge3A_1690, %gather3A_1796, %gather3A_1795 : vector<16xi1>, vector<16xf32>
      %mul3A_1798 = arith.constant 32 : i32
      %mul3A_1799 = arith.muli %mul3A_1621, %mul3A_1798 : i32
      %add3A_1800 = arith.constant 0 : i32
      %add3A_1801 = arith.addi %mul3A_1799, %add3A_1800 : i32
      %swap3A_1802 = arith.constant 7 : i32
      %swap3A_1803 = arith.index_cast %swap3A_1802 : i32 to index
      %swap3A_1804 = arith.index_cast %add3A_1801 : i32 to index
      %swap3A_1805 = tpu.vector_load %arg8[%swap3A_1803, %swap3A_1804] {strides = array<i32>} : memref<8x512xf32, #tpu.memory_space<vmem>>, vector<16xf32>,
      tpu.vector_store %arg8[%swap3A_1803, %swap3A_1804], %select_n3A_1797 {strides = array<i32>} : memref<8x512xf32, #tpu.memory_space<vmem>>, vector<16xf32>,
      %jit3A_1806 = arith.constant 4 : i32
      %div3A_1807 = arith.divsi %mul3A_1621, %jit3A_1806 : i32
      %sign3A_1808 = arith.constant 0 : i32
      %sign3A_1809 = arith.cmpi sgt, %mul3A_1621, %sign3A_1808 : i32
      %sign3A_1810 = arith.extui %sign3A_1809 : i1 to i32
      %sign3A_1811 = arith.constant 0 : i32
      %sign3A_1812 = arith.cmpi slt, %mul3A_1621, %sign3A_1811 : i32
      %sign3A_1813 = arith.extui %sign3A_1812 : i1 to i32
      %sign3A_1814 = arith.subi %sign3A_1810, %sign3A_1813 : i32
      %sign3A_1815 = arith.constant 0 : i32
      %sign3A_1816 = arith.cmpi sgt, %jit3A_1806, %sign3A_1815 : i32
      %sign3A_1817 = arith.extui %sign3A_1816 : i1 to i32
      %sign3A_1818 = arith.constant 0 : i32
      %sign3A_1819 = arith.cmpi slt, %jit3A_1806, %sign3A_1818 : i32
      %sign3A_1820 = arith.extui %sign3A_1819 : i1 to i32
      %sign3A_1821 = arith.subi %sign3A_1817, %sign3A_1820 : i32
      %ne3A_1822 = arith.cmpi ne, %sign3A_1814, %sign3A_1821 : i32
      %rem3A_1823 = arith.remsi %mul3A_1621, %jit3A_1806 : i32
      %ne3A_1824 = arith.constant 0 : i32
      %ne3A_1825 = arith.cmpi ne, %rem3A_1823, %ne3A_1824 : i32
      %and3A_1826 = arith.andi %ne3A_1822, %ne3A_1825 : i1
      %sub3A_1827 = arith.constant 1 : i32
      %sub3A_1828 = arith.subi %div3A_1807, %sub3A_1827 : i32
      %select_n3A_1829 = arith.select %and3A_1826, %sub3A_1828, %div3A_1807 : i32
      %jit3A_1830 = arith.constant 4 : i32
      %eq3A_1831 = arith.constant 0 : i32
      %eq3A_1832 = arith.cmpi eq, %jit3A_1830, %eq3A_1831 : i32
      %jit3A_1833 = arith.constant 1 : i32
      %select_n3A_1834 = arith.select %eq3A_1832, %jit3A_1833, %jit3A_1830 : i32
      %rem3A_1835 = arith.remsi %mul3A_1621, %select_n3A_1834 : i32
      %ne3A_1836 = arith.constant 0 : i32
      %ne3A_1837 = arith.cmpi ne, %rem3A_1835, %ne3A_1836 : i32
      %lt3A_1838 = arith.constant 0 : i32
      %lt3A_1839 = arith.cmpi slt, %rem3A_1835, %lt3A_1838 : i32
      %lt3A_1840 = arith.constant 0 : i32
      %lt3A_1841 = arith.cmpi slt, %select_n3A_1834, %lt3A_1840 : i32
      %ne3A_1842 = arith.xori %lt3A_1839, %lt3A_1841 : i1
      %and3A_1843 = arith.andi %ne3A_1842, %ne3A_1837 : i1
      %add3A_1844 = arith.addi %rem3A_1835, %select_n3A_1834 : i32
      %select_n3A_1845 = arith.select %and3A_1843, %add3A_1844, %rem3A_1835 : i32
      %mul3A_1846 = arith.constant 32 : i32
      %mul3A_1847 = arith.muli %select_n3A_1845, %mul3A_1846 : i32
      %add3A_1848 = arith.constant 16 : i32
      %add3A_1849 = arith.addi %mul3A_1847, %add3A_1848 : i32
      %get3A_1850 = arith.index_cast %select_n3A_1829 : i32 to index
      %get3A_1851 = arith.index_cast %add3A_1849 : i32 to index
      %get3A_1852 = tpu.vector_load %arg6[%get3A_1850, %get3A_1851] {strides = array<i32>} : memref<4x128xi32, #tpu.memory_space<vmem>>, vector<16xi32>,
      %and3A_1853 = arith.constant 127 : i32
      %and3A_1854 = vector.broadcast %and3A_1853 : i32 to vector<16xi32>
      %and3A_1855 = arith.andi %get3A_1852, %and3A_1854 : vector<16xi32>
      %iota3A_1856 = tpu.iota {dimensions = array<i32: 0>} : vector<16xi32>
      %add3A_1857 = arith.constant 16 : i32
      %add3A_1858 = vector.broadcast %add3A_1857 : i32 to vector<16xi32>
      %add3A_1859 = arith.addi %iota3A_1856, %add3A_1858 : vector<16xi32>
      %mul3A_1860 = arith.constant 128 : i32
      %mul3A_1861 = vector.broadcast %mul3A_1860 : i32 to vector<16xi32>
      %mul3A_1862 = arith.muli %add3A_1859, %mul3A_1861 : vector<16xi32>
      %add3A_1863 = arith.addi %mul3A_1862, %and3A_1855 : vector<16xi32>
      %ge3A_1864 = arith.constant 999936 : i32
      %ge3A_1865 = vector.broadcast %ge3A_1864 : i32 to vector<16xi32>
      %ge3A_1866 = arith.cmpi sge, %get3A_1852, %ge3A_1865 : vector<16xi32>
      %sub3A_1867 = arith.constant 999936 : i32
      %sub3A_1868 = vector.broadcast %sub3A_1867 : i32 to vector<16xi32>
      %sub3A_1869 = arith.subi %get3A_1852, %sub3A_1868 : vector<16xi32>
      %max3A_1870 = arith.constant 0 : i32
      %max3A_1871 = vector.broadcast %max3A_1870 : i32 to vector<16xi32>
      %max3A_1872 = arith.maxsi %sub3A_1869, %max3A_1871 : vector<16xi32>
      %min3A_1873 = arith.constant 127 : i32
      %min3A_1874 = vector.broadcast %min3A_1873 : i32 to vector<16xi32>
      %min3A_1875 = arith.minsi %max3A_1872, %min3A_1874 : vector<16xi32>
      %broadcast_in_dim3A_1876 = arith.constant 0 : i32
      %broadcast_in_dim3A_1877 = vector.broadcast %broadcast_in_dim3A_1876 : i32 to vector<16xi32>
      %broadcast_in_dim3A_1878 = arith.constant 0 : i32
      %broadcast_in_dim3A_1879 = vector.broadcast %broadcast_in_dim3A_1878 : i32 to vector<16xi32>
      %gather3A_1880 = tpu.vector_load_idx %arg7[%broadcast_in_dim3A_1877, %broadcast_in_dim3A_1879, %add3A_1863] : memref<2x8x4096xf32, #tpu.memory_space<vmem>>[vector<16xi32>, vector<16xi32>, vector<16xi32>], vector<16xf32>,
      %gather3A_1881 = tpu.vector_load_idx %arg9[%broadcast_in_dim3A_1879, %min3A_1875] : memref<8x128xf32, #tpu.memory_space<vmem>>[vector<16xi32>, vector<16xi32>], vector<16xf32>,
      %select_n3A_1882 = arith.select %ge3A_1866, %gather3A_1881, %gather3A_1880 : vector<16xi1>, vector<16xf32>
      %mul3A_1883 = arith.constant 32 : i32
      %mul3A_1884 = arith.muli %mul3A_1621, %mul3A_1883 : i32
      %add3A_1885 = arith.constant 16 : i32
      %add3A_1886 = arith.addi %mul3A_1884, %add3A_1885 : i32
      %swap3A_1887 = arith.constant 0 : i32
      %swap3A_1888 = arith.index_cast %swap3A_1887 : i32 to index
      %swap3A_1889 = arith.index_cast %add3A_1886 : i32 to index
      %swap3A_1890 = tpu.vector_load %arg8[%swap3A_1888, %swap3A_1889] {strides = array<i32>} : memref<8x512xf32, #tpu.memory_space<vmem>>, vector<16xf32>,
      tpu.vector_store %arg8[%swap3A_1888, %swap3A_1889], %select_n3A_1882 {strides = array<i32>} : memref<8x512xf32, #tpu.memory_space<vmem>>, vector<16xf32>,
      %broadcast_in_dim3A_1891 = arith.constant 1 : i32
      %broadcast_in_dim3A_1892 = vector.broadcast %broadcast_in_dim3A_1891 : i32 to vector<16xi32>
      %gather3A_1893 = tpu.vector_load_idx %arg7[%broadcast_in_dim3A_1877, %broadcast_in_dim3A_1892, %add3A_1863] : memref<2x8x4096xf32, #tpu.memory_space<vmem>>[vector<16xi32>, vector<16xi32>, vector<16xi32>], vector<16xf32>,
      %gather3A_1894 = tpu.vector_load_idx %arg9[%broadcast_in_dim3A_1892, %min3A_1875] : memref<8x128xf32, #tpu.memory_space<vmem>>[vector<16xi32>, vector<16xi32>], vector<16xf32>,
      %select_n3A_1895 = arith.select %ge3A_1866, %gather3A_1894, %gather3A_1893 : vector<16xi1>, vector<16xf32>
      %mul3A_1896 = arith.constant 32 : i32
      %mul3A_1897 = arith.muli %mul3A_1621, %mul3A_1896 : i32
      %add3A_1898 = arith.constant 16 : i32
      %add3A_1899 = arith.addi %mul3A_1897, %add3A_1898 : i32
      %swap3A_1900 = arith.constant 1 : i32
      %swap3A_1901 = arith.index_cast %swap3A_1900 : i32 to index
      %swap3A_1902 = arith.index_cast %add3A_1899 : i32 to index
      %swap3A_1903 = tpu.vector_load %arg8[%swap3A_1901, %swap3A_1902] {strides = array<i32>} : memref<8x512xf32, #tpu.memory_space<vmem>>, vector<16xf32>,
      tpu.vector_store %arg8[%swap3A_1901, %swap3A_1902], %select_n3A_1895 {strides = array<i32>} : memref<8x512xf32, #tpu.memory_space<vmem>>, vector<16xf32>,
      %broadcast_in_dim3A_1904 = arith.constant 2 : i32
      %broadcast_in_dim3A_1905 = vector.broadcast %broadcast_in_dim3A_1904 : i32 to vector<16xi32>
      %gather3A_1906 = tpu.vector_load_idx %arg7[%broadcast_in_dim3A_1877, %broadcast_in_dim3A_1905, %add3A_1863] : memref<2x8x4096xf32, #tpu.memory_space<vmem>>[vector<16xi32>, vector<16xi32>, vector<16xi32>], vector<16xf32>,
      %gather3A_1907 = tpu.vector_load_idx %arg9[%broadcast_in_dim3A_1905, %min3A_1875] : memref<8x128xf32, #tpu.memory_space<vmem>>[vector<16xi32>, vector<16xi32>], vector<16xf32>,
      %select_n3A_1908 = arith.select %ge3A_1866, %gather3A_1907, %gather3A_1906 : vector<16xi1>, vector<16xf32>
      %mul3A_1909 = arith.constant 32 : i32
      %mul3A_1910 = arith.muli %mul3A_1621, %mul3A_1909 : i32
      %add3A_1911 = arith.constant 16 : i32
      %add3A_1912 = arith.addi %mul3A_1910, %add3A_1911 : i32
      %swap3A_1913 = arith.constant 2 : i32
      %swap3A_1914 = arith.index_cast %swap3A_1913 : i32 to index
      %swap3A_1915 = arith.index_cast %add3A_1912 : i32 to index
      %swap3A_1916 = tpu.vector_load %arg8[%swap3A_1914, %swap3A_1915] {strides = array<i32>} : memref<8x512xf32, #tpu.memory_space<vmem>>, vector<16xf32>,
      tpu.vector_store %arg8[%swap3A_1914, %swap3A_1915], %select_n3A_1908 {strides = array<i32>} : memref<8x512xf32, #tpu.memory_space<vmem>>, vector<16xf32>,
      %broadcast_in_dim3A_1917 = arith.constant 3 : i32
      %broadcast_in_dim3A_1918 = vector.broadcast %broadcast_in_dim3A_1917 : i32 to vector<16xi32>
      %gather3A_1919 = tpu.vector_load_idx %arg7[%broadcast_in_dim3A_1877, %broadcast_in_dim3A_1918, %add3A_1863] : memref<2x8x4096xf32, #tpu.memory_space<vmem>>[vector<16xi32>, vector<16xi32>, vector<16xi32>], vector<16xf32>,
      %gather3A_1920 = tpu.vector_load_idx %arg9[%broadcast_in_dim3A_1918, %min3A_1875] : memref<8x128xf32, #tpu.memory_space<vmem>>[vector<16xi32>, vector<16xi32>], vector<16xf32>,
      %select_n3A_1921 = arith.select %ge3A_1866, %gather3A_1920, %gather3A_1919 : vector<16xi1>, vector<16xf32>
      %mul3A_1922 = arith.constant 32 : i32
      %mul3A_1923 = arith.muli %mul3A_1621, %mul3A_1922 : i32
      %add3A_1924 = arith.constant 16 : i32
      %add3A_1925 = arith.addi %mul3A_1923, %add3A_1924 : i32
      %swap3A_1926 = arith.constant 3 : i32
      %swap3A_1927 = arith.index_cast %swap3A_1926 : i32 to index
      %swap3A_1928 = arith.index_cast %add3A_1925 : i32 to index
      %swap3A_1929 = tpu.vector_load %arg8[%swap3A_1927, %swap3A_1928] {strides = array<i32>} : memref<8x512xf32, #tpu.memory_space<vmem>>, vector<16xf32>,
      tpu.vector_store %arg8[%swap3A_1927, %swap3A_1928], %select_n3A_1921 {strides = array<i32>} : memref<8x512xf32, #tpu.memory_space<vmem>>, vector<16xf32>,
      %broadcast_in_dim3A_1930 = arith.constant 4 : i32
      %broadcast_in_dim3A_1931 = vector.broadcast %broadcast_in_dim3A_1930 : i32 to vector<16xi32>
      %gather3A_1932 = tpu.vector_load_idx %arg7[%broadcast_in_dim3A_1877, %broadcast_in_dim3A_1931, %add3A_1863] : memref<2x8x4096xf32, #tpu.memory_space<vmem>>[vector<16xi32>, vector<16xi32>, vector<16xi32>], vector<16xf32>,
      %gather3A_1933 = tpu.vector_load_idx %arg9[%broadcast_in_dim3A_1931, %min3A_1875] : memref<8x128xf32, #tpu.memory_space<vmem>>[vector<16xi32>, vector<16xi32>], vector<16xf32>,
      %select_n3A_1934 = arith.select %ge3A_1866, %gather3A_1933, %gather3A_1932 : vector<16xi1>, vector<16xf32>
      %mul3A_1935 = arith.constant 32 : i32
      %mul3A_1936 = arith.muli %mul3A_1621, %mul3A_1935 : i32
      %add3A_1937 = arith.constant 16 : i32
      %add3A_1938 = arith.addi %mul3A_1936, %add3A_1937 : i32
      %swap3A_1939 = arith.constant 4 : i32
      %swap3A_1940 = arith.index_cast %swap3A_1939 : i32 to index
      %swap3A_1941 = arith.index_cast %add3A_1938 : i32 to index
      %swap3A_1942 = tpu.vector_load %arg8[%swap3A_1940, %swap3A_1941] {strides = array<i32>} : memref<8x512xf32, #tpu.memory_space<vmem>>, vector<16xf32>,
      tpu.vector_store %arg8[%swap3A_1940, %swap3A_1941], %select_n3A_1934 {strides = array<i32>} : memref<8x512xf32, #tpu.memory_space<vmem>>, vector<16xf32>,
      %broadcast_in_dim3A_1943 = arith.constant 5 : i32
      %broadcast_in_dim3A_1944 = vector.broadcast %broadcast_in_dim3A_1943 : i32 to vector<16xi32>
      %gather3A_1945 = tpu.vector_load_idx %arg7[%broadcast_in_dim3A_1877, %broadcast_in_dim3A_1944, %add3A_1863] : memref<2x8x4096xf32, #tpu.memory_space<vmem>>[vector<16xi32>, vector<16xi32>, vector<16xi32>], vector<16xf32>,
      %gather3A_1946 = tpu.vector_load_idx %arg9[%broadcast_in_dim3A_1944, %min3A_1875] : memref<8x128xf32, #tpu.memory_space<vmem>>[vector<16xi32>, vector<16xi32>], vector<16xf32>,
      %select_n3A_1947 = arith.select %ge3A_1866, %gather3A_1946, %gather3A_1945 : vector<16xi1>, vector<16xf32>
      %mul3A_1948 = arith.constant 32 : i32
      %mul3A_1949 = arith.muli %mul3A_1621, %mul3A_1948 : i32
      %add3A_1950 = arith.constant 16 : i32
      %add3A_1951 = arith.addi %mul3A_1949, %add3A_1950 : i32
      %swap3A_1952 = arith.constant 5 : i32
      %swap3A_1953 = arith.index_cast %swap3A_1952 : i32 to index
      %swap3A_1954 = arith.index_cast %add3A_1951 : i32 to index
      %swap3A_1955 = tpu.vector_load %arg8[%swap3A_1953, %swap3A_1954] {strides = array<i32>} : memref<8x512xf32, #tpu.memory_space<vmem>>, vector<16xf32>,
      tpu.vector_store %arg8[%swap3A_1953, %swap3A_1954], %select_n3A_1947 {strides = array<i32>} : memref<8x512xf32, #tpu.memory_space<vmem>>, vector<16xf32>,
      %broadcast_in_dim3A_1956 = arith.constant 6 : i32
      %broadcast_in_dim3A_1957 = vector.broadcast %broadcast_in_dim3A_1956 : i32 to vector<16xi32>
      %gather3A_1958 = tpu.vector_load_idx %arg7[%broadcast_in_dim3A_1877, %broadcast_in_dim3A_1957, %add3A_1863] : memref<2x8x4096xf32, #tpu.memory_space<vmem>>[vector<16xi32>, vector<16xi32>, vector<16xi32>], vector<16xf32>,
      %gather3A_1959 = tpu.vector_load_idx %arg9[%broadcast_in_dim3A_1957, %min3A_1875] : memref<8x128xf32, #tpu.memory_space<vmem>>[vector<16xi32>, vector<16xi32>], vector<16xf32>,
      %select_n3A_1960 = arith.select %ge3A_1866, %gather3A_1959, %gather3A_1958 : vector<16xi1>, vector<16xf32>
      %mul3A_1961 = arith.constant 32 : i32
      %mul3A_1962 = arith.muli %mul3A_1621, %mul3A_1961 : i32
      %add3A_1963 = arith.constant 16 : i32
      %add3A_1964 = arith.addi %mul3A_1962, %add3A_1963 : i32
      %swap3A_1965 = arith.constant 6 : i32
      %swap3A_1966 = arith.index_cast %swap3A_1965 : i32 to index
      %swap3A_1967 = arith.index_cast %add3A_1964 : i32 to index
      %swap3A_1968 = tpu.vector_load %arg8[%swap3A_1966, %swap3A_1967] {strides = array<i32>} : memref<8x512xf32, #tpu.memory_space<vmem>>, vector<16xf32>,
      tpu.vector_store %arg8[%swap3A_1966, %swap3A_1967], %select_n3A_1960 {strides = array<i32>} : memref<8x512xf32, #tpu.memory_space<vmem>>, vector<16xf32>,
      %broadcast_in_dim3A_1969 = arith.constant 7 : i32
      %broadcast_in_dim3A_1970 = vector.broadcast %broadcast_in_dim3A_1969 : i32 to vector<16xi32>
      %gather3A_1971 = tpu.vector_load_idx %arg7[%broadcast_in_dim3A_1877, %broadcast_in_dim3A_1970, %add3A_1863] : memref<2x8x4096xf32, #tpu.memory_space<vmem>>[vector<16xi32>, vector<16xi32>, vector<16xi32>], vector<16xf32>,
      %gather3A_1972 = tpu.vector_load_idx %arg9[%broadcast_in_dim3A_1970, %min3A_1875] : memref<8x128xf32, #tpu.memory_space<vmem>>[vector<16xi32>, vector<16xi32>], vector<16xf32>,
      %select_n3A_1973 = arith.select %ge3A_1866, %gather3A_1972, %gather3A_1971 : vector<16xi1>, vector<16xf32>
      %mul3A_1974 = arith.constant 32 : i32
      %mul3A_1975 = arith.muli %mul3A_1621, %mul3A_1974 : i32
      %add3A_1976 = arith.constant 16 : i32
      %add3A_1977 = arith.addi %mul3A_1975, %add3A_1976 : i32
      %swap3A_1978 = arith.constant 7 : i32
      %swap3A_1979 = arith.index_cast %swap3A_1978 : i32 to index
      %swap3A_1980 = arith.index_cast %add3A_1977 : i32 to index
      %swap3A_1981 = tpu.vector_load %arg8[%swap3A_1979, %swap3A_1980] {strides = array<i32>} : memref<8x512xf32, #tpu.memory_space<vmem>>, vector<16xf32>,
      tpu.vector_store %arg8[%swap3A_1979, %swap3A_1980], %select_n3A_1973 {strides = array<i32>} : memref<8x512xf32, #tpu.memory_space<vmem>>, vector<16xf32>,
      %add3A_1982 = arith.constant 2 : i32
      %add3A_1983 = arith.addi %mul3A_1621, %add3A_1982 : i32
      %jit3A_1984 = arith.constant 4 : i32
      %div3A_1985 = arith.divsi %add3A_1983, %jit3A_1984 : i32
      %sign3A_1986 = arith.constant 0 : i32
      %sign3A_1987 = arith.cmpi sgt, %add3A_1983, %sign3A_1986 : i32
      %sign3A_1988 = arith.extui %sign3A_1987 : i1 to i32
      %sign3A_1989 = arith.constant 0 : i32
      %sign3A_1990 = arith.cmpi slt, %add3A_1983, %sign3A_1989 : i32
      %sign3A_1991 = arith.extui %sign3A_1990 : i1 to i32
      %sign3A_1992 = arith.subi %sign3A_1988, %sign3A_1991 : i32
      %sign3A_1993 = arith.constant 0 : i32
      %sign3A_1994 = arith.cmpi sgt, %jit3A_1984, %sign3A_1993 : i32
      %sign3A_1995 = arith.extui %sign3A_1994 : i1 to i32
      %sign3A_1996 = arith.constant 0 : i32
      %sign3A_1997 = arith.cmpi slt, %jit3A_1984, %sign3A_1996 : i32
      %sign3A_1998 = arith.extui %sign3A_1997 : i1 to i32
      %sign3A_1999 = arith.subi %sign3A_1995, %sign3A_1998 : i32
      %ne3A_2000 = arith.cmpi ne, %sign3A_1992, %sign3A_1999 : i32
      %rem3A_2001 = arith.remsi %add3A_1983, %jit3A_1984 : i32
      %ne3A_2002 = arith.constant 0 : i32
      %ne3A_2003 = arith.cmpi ne, %rem3A_2001, %ne3A_2002 : i32
      %and3A_2004 = arith.andi %ne3A_2000, %ne3A_2003 : i1
      %sub3A_2005 = arith.constant 1 : i32
      %sub3A_2006 = arith.subi %div3A_1985, %sub3A_2005 : i32
      %select_n3A_2007 = arith.select %and3A_2004, %sub3A_2006, %div3A_1985 : i32
      %jit3A_2008 = arith.constant 4 : i32
      %eq3A_2009 = arith.constant 0 : i32
      %eq3A_2010 = arith.cmpi eq, %jit3A_2008, %eq3A_2009 : i32
      %jit3A_2011 = arith.constant 1 : i32
      %select_n3A_2012 = arith.select %eq3A_2010, %jit3A_2011, %jit3A_2008 : i32
      %rem3A_2013 = arith.remsi %add3A_1983, %select_n3A_2012 : i32
      %ne3A_2014 = arith.constant 0 : i32
      %ne3A_2015 = arith.cmpi ne, %rem3A_2013, %ne3A_2014 : i32
      %lt3A_2016 = arith.constant 0 : i32
      %lt3A_2017 = arith.cmpi slt, %rem3A_2013, %lt3A_2016 : i32
      %lt3A_2018 = arith.constant 0 : i32
      %lt3A_2019 = arith.cmpi slt, %select_n3A_2012, %lt3A_2018 : i32
      %ne3A_2020 = arith.xori %lt3A_2017, %lt3A_2019 : i1
      %and3A_2021 = arith.andi %ne3A_2020, %ne3A_2015 : i1
      %add3A_2022 = arith.addi %rem3A_2013, %select_n3A_2012 : i32
      %select_n3A_2023 = arith.select %and3A_2021, %add3A_2022, %rem3A_2013 : i32
      %mul3A_2024 = arith.constant 32 : i32
      %mul3A_2025 = arith.muli %select_n3A_2023, %mul3A_2024 : i32
      %add3A_2026 = arith.constant 0 : i32
      %add3A_2027 = arith.addi %mul3A_2025, %add3A_2026 : i32
      %get3A_2028 = arith.index_cast %select_n3A_2007 : i32 to index
      %get3A_2029 = arith.index_cast %add3A_2027 : i32 to index
      %get3A_2030 = tpu.vector_load %arg6[%get3A_2028, %get3A_2029] {strides = array<i32>} : memref<4x128xi32, #tpu.memory_space<vmem>>, vector<16xi32>,
      %shift_right_logical3A_2031 = arith.constant 7 : i32
      %shift_right_logical3A_2032 = vector.broadcast %shift_right_logical3A_2031 : i32 to vector<16xi32>
      %shift_right_logical3A_2033 = arith.shrui %get3A_2030, %shift_right_logical3A_2032 : vector<16xi32>
      %min3A_2034 = arith.constant 7811 : i32
      %min3A_2035 = vector.broadcast %min3A_2034 : i32 to vector<16xi32>
      %min3A_2036 = arith.minsi %shift_right_logical3A_2033, %min3A_2035 : vector<16xi32>
      %slice3A_2037 = vector.extract_strided_slice %min3A_2036 {offsets = [0], sizes = [1], strides = [1]} : vector<16xi32> to vector<1xi32>
      %squeeze3A_2038 = vector.extract %slice3A_2037[0] : i32 from vector<1xi32>
      %mul3A_2039 = arith.constant 128 : i32
      %mul3A_2040 = arith.muli %squeeze3A_2038, %mul3A_2039 : i32
      %multiple_of3A_2041 = tpu.assume_multiple %mul3A_2040, 128 : i32
      %dma_start3A_2042 = arith.constant 0 : i32
      %dma_start3A_2043 = arith.constant 0 : i32
      %dma_start3A_2044 = arith.constant 0 : i32
      %dma_start3A_2045 = tpu.memref_slice %arg7[%dma_start3A_2042, %dma_start3A_2043, %dma_start3A_2044] : memref<2x8x4096xf32, #tpu.memory_space<vmem>> -> memref<1x8x128xf32, #tpu.memory_space<vmem>>
      %dma_start3A_2046 = tpu.memref_squeeze %dma_start3A_2045 : memref<1x8x128xf32, #tpu.memory_space<vmem>> -> memref<8x128xf32, #tpu.memory_space<vmem>>
      %dma_start3A_2047 = arith.constant 0 : i32
      %dma_start3A_2048 = tpu.memref_slice %arg3[%dma_start3A_2047, %multiple_of3A_2041] : memref<8x1000001xf32, #tpu.memory_space<hbm>> -> memref<8x128xf32, #tpu.memory_space<hbm>>
      %dma_start3A_2049 = arith.constant 0 : i32
      %dma_start3A_2050 = arith.constant 0 : i32
      %dma_start3A_2051 = tpu.memref_slice %arg7[%dma_start3A_2042, %dma_start3A_2049, %dma_start3A_2050] : memref<2x8x4096xf32, #tpu.memory_space<vmem>> -> memref<1x8x128xf32, #tpu.memory_space<vmem>>
      %dma_start3A_2052 = tpu.memref_squeeze %dma_start3A_2051 : memref<1x8x128xf32, #tpu.memory_space<vmem>> -> memref<8x128xf32, #tpu.memory_space<vmem>>
      %dma_start3A_2053 = arith.constant 0 : i32
      %dma_start3A_2054 = tpu.memref_slice %arg3[%dma_start3A_2053, %multiple_of3A_2041] : memref<8x1000001xf32, #tpu.memory_space<hbm>> -> memref<8x128xf32, #tpu.memory_space<hbm>>
      tpu.enqueue_dma source(%dma_start3A_2054 : memref<8x128xf32, #tpu.memory_space<hbm>>) target(%dma_start3A_2052 : memref<8x128xf32, #tpu.memory_space<vmem>>) target_semaphore(%arg10 : memref<!tpu.dma_semaphore, #tpu.memory_space<semaphore_mem>>)
      %slice3A_2055 = vector.extract_strided_slice %min3A_2036 {offsets = [1], sizes = [1], strides = [1]} : vector<16xi32> to vector<1xi32>
      %squeeze3A_2056 = vector.extract %slice3A_2055[0] : i32 from vector<1xi32>
      %mul3A_2057 = arith.constant 128 : i32
      %mul3A_2058 = arith.muli %squeeze3A_2056, %mul3A_2057 : i32
      %multiple_of3A_2059 = tpu.assume_multiple %mul3A_2058, 128 : i32
      %dma_start3A_2060 = arith.constant 0 : i32
      %dma_start3A_2061 = arith.constant 0 : i32
      %dma_start3A_2062 = arith.constant 128 : i32
      %dma_start3A_2063 = tpu.memref_slice %arg7[%dma_start3A_2060, %dma_start3A_2061, %dma_start3A_2062] : memref<2x8x4096xf32, #tpu.memory_space<vmem>> -> memref<1x8x128xf32, #tpu.memory_space<vmem>>
      %dma_start3A_2064 = tpu.memref_squeeze %dma_start3A_2063 : memref<1x8x128xf32, #tpu.memory_space<vmem>> -> memref<8x128xf32, #tpu.memory_space<vmem>>
      %dma_start3A_2065 = arith.constant 0 : i32
      %dma_start3A_2066 = tpu.memref_slice %arg3[%dma_start3A_2065, %multiple_of3A_2059] : memref<8x1000001xf32, #tpu.memory_space<hbm>> -> memref<8x128xf32, #tpu.memory_space<hbm>>
      %dma_start3A_2067 = arith.constant 0 : i32
      %dma_start3A_2068 = arith.constant 128 : i32
      %dma_start3A_2069 = tpu.memref_slice %arg7[%dma_start3A_2060, %dma_start3A_2067, %dma_start3A_2068] : memref<2x8x4096xf32, #tpu.memory_space<vmem>> -> memref<1x8x128xf32, #tpu.memory_space<vmem>>
      %dma_start3A_2070 = tpu.memref_squeeze %dma_start3A_2069 : memref<1x8x128xf32, #tpu.memory_space<vmem>> -> memref<8x128xf32, #tpu.memory_space<vmem>>
      %dma_start3A_2071 = arith.constant 0 : i32
      %dma_start3A_2072 = tpu.memref_slice %arg3[%dma_start3A_2071, %multiple_of3A_2059] : memref<8x1000001xf32, #tpu.memory_space<hbm>> -> memref<8x128xf32, #tpu.memory_space<hbm>>
      tpu.enqueue_dma source(%dma_start3A_2072 : memref<8x128xf32, #tpu.memory_space<hbm>>) target(%dma_start3A_2070 : memref<8x128xf32, #tpu.memory_space<vmem>>) target_semaphore(%arg10 : memref<!tpu.dma_semaphore, #tpu.memory_space<semaphore_mem>>)
      %slice3A_2073 = vector.extract_strided_slice %min3A_2036 {offsets = [2], sizes = [1], strides = [1]} : vector<16xi32> to vector<1xi32>
      %squeeze3A_2074 = vector.extract %slice3A_2073[0] : i32 from vector<1xi32>
      %mul3A_2075 = arith.constant 128 : i32
      %mul3A_2076 = arith.muli %squeeze3A_2074, %mul3A_2075 : i32
      %multiple_of3A_2077 = tpu.assume_multiple %mul3A_2076, 128 : i32
      %dma_start3A_2078 = arith.constant 0 : i32
      %dma_start3A_2079 = arith.constant 0 : i32
      %dma_start3A_2080 = arith.constant 256 : i32
      %dma_start3A_2081 = tpu.memref_slice %arg7[%dma_start3A_2078, %dma_start3A_2079, %dma_start3A_2080] : memref<2x8x4096xf32, #tpu.memory_space<vmem>> -> memref<1x8x128xf32, #tpu.memory_space<vmem>>
      %dma_start3A_2082 = tpu.memref_squeeze %dma_start3A_2081 : memref<1x8x128xf32, #tpu.memory_space<vmem>> -> memref<8x128xf32, #tpu.memory_space<vmem>>
      %dma_start3A_2083 = arith.constant 0 : i32
      %dma_start3A_2084 = tpu.memref_slice %arg3[%dma_start3A_2083, %multiple_of3A_2077] : memref<8x1000001xf32, #tpu.memory_space<hbm>> -> memref<8x128xf32, #tpu.memory_space<hbm>>
      %dma_start3A_2085 = arith.constant 0 : i32
      %dma_start3A_2086 = arith.constant 256 : i32
      %dma_start3A_2087 = tpu.memref_slice %arg7[%dma_start3A_2078, %dma_start3A_2085, %dma_start3A_2086] : memref<2x8x4096xf32, #tpu.memory_space<vmem>> -> memref<1x8x128xf32, #tpu.memory_space<vmem>>
      %dma_start3A_2088 = tpu.memref_squeeze %dma_start3A_2087 : memref<1x8x128xf32, #tpu.memory_space<vmem>> -> memref<8x128xf32, #tpu.memory_space<vmem>>
      %dma_start3A_2089 = arith.constant 0 : i32
      %dma_start3A_2090 = tpu.memref_slice %arg3[%dma_start3A_2089, %multiple_of3A_2077] : memref<8x1000001xf32, #tpu.memory_space<hbm>> -> memref<8x128xf32, #tpu.memory_space<hbm>>
      tpu.enqueue_dma source(%dma_start3A_2090 : memref<8x128xf32, #tpu.memory_space<hbm>>) target(%dma_start3A_2088 : memref<8x128xf32, #tpu.memory_space<vmem>>) target_semaphore(%arg10 : memref<!tpu.dma_semaphore, #tpu.memory_space<semaphore_mem>>)
      %slice3A_2091 = vector.extract_strided_slice %min3A_2036 {offsets = [3], sizes = [1], strides = [1]} : vector<16xi32> to vector<1xi32>
      %squeeze3A_2092 = vector.extract %slice3A_2091[0] : i32 from vector<1xi32>
      %mul3A_2093 = arith.constant 128 : i32
      %mul3A_2094 = arith.muli %squeeze3A_2092, %mul3A_2093 : i32
      %multiple_of3A_2095 = tpu.assume_multiple %mul3A_2094, 128 : i32
      %dma_start3A_2096 = arith.constant 0 : i32
      %dma_start3A_2097 = arith.constant 0 : i32
      %dma_start3A_2098 = arith.constant 384 : i32
      %dma_start3A_2099 = tpu.memref_slice %arg7[%dma_start3A_2096, %dma_start3A_2097, %dma_start3A_2098] : memref<2x8x4096xf32, #tpu.memory_space<vmem>> -> memref<1x8x128xf32, #tpu.memory_space<vmem>>
      %dma_start3A_2100 = tpu.memref_squeeze %dma_start3A_2099 : memref<1x8x128xf32, #tpu.memory_space<vmem>> -> memref<8x128xf32, #tpu.memory_space<vmem>>
      %dma_start3A_2101 = arith.constant 0 : i32
      %dma_start3A_2102 = tpu.memref_slice %arg3[%dma_start3A_2101, %multiple_of3A_2095] : memref<8x1000001xf32, #tpu.memory_space<hbm>> -> memref<8x128xf32, #tpu.memory_space<hbm>>
      %dma_start3A_2103 = arith.constant 0 : i32
      %dma_start3A_2104 = arith.constant 384 : i32
      %dma_start3A_2105 = tpu.memref_slice %arg7[%dma_start3A_2096, %dma_start3A_2103, %dma_start3A_2104] : memref<2x8x4096xf32, #tpu.memory_space<vmem>> -> memref<1x8x128xf32, #tpu.memory_space<vmem>>
      %dma_start3A_2106 = tpu.memref_squeeze %dma_start3A_2105 : memref<1x8x128xf32, #tpu.memory_space<vmem>> -> memref<8x128xf32, #tpu.memory_space<vmem>>
      %dma_start3A_2107 = arith.constant 0 : i32
      %dma_start3A_2108 = tpu.memref_slice %arg3[%dma_start3A_2107, %multiple_of3A_2095] : memref<8x1000001xf32, #tpu.memory_space<hbm>> -> memref<8x128xf32, #tpu.memory_space<hbm>>
      tpu.enqueue_dma source(%dma_start3A_2108 : memref<8x128xf32, #tpu.memory_space<hbm>>) target(%dma_start3A_2106 : memref<8x128xf32, #tpu.memory_space<vmem>>) target_semaphore(%arg10 : memref<!tpu.dma_semaphore, #tpu.memory_space<semaphore_mem>>)
      %slice3A_2109 = vector.extract_strided_slice %min3A_2036 {offsets = [4], sizes = [1], strides = [1]} : vector<16xi32> to vector<1xi32>
      %squeeze3A_2110 = vector.extract %slice3A_2109[0] : i32 from vector<1xi32>
      %mul3A_2111 = arith.constant 128 : i32
      %mul3A_2112 = arith.muli %squeeze3A_2110, %mul3A_2111 : i32
      %multiple_of3A_2113 = tpu.assume_multiple %mul3A_2112, 128 : i32
      %dma_start3A_2114 = arith.constant 0 : i32
      %dma_start3A_2115 = arith.constant 0 : i32
      %dma_start3A_2116 = arith.constant 512 : i32
      %dma_start3A_2117 = tpu.memref_slice %arg7[%dma_start3A_2114, %dma_start3A_2115, %dma_start3A_2116] : memref<2x8x4096xf32, #tpu.memory_space<vmem>> -> memref<1x8x128xf32, #tpu.memory_space<vmem>>
      %dma_start3A_2118 = tpu.memref_squeeze %dma_start3A_2117 : memref<1x8x128xf32, #tpu.memory_space<vmem>> -> memref<8x128xf32, #tpu.memory_space<vmem>>
      %dma_start3A_2119 = arith.constant 0 : i32
      %dma_start3A_2120 = tpu.memref_slice %arg3[%dma_start3A_2119, %multiple_of3A_2113] : memref<8x1000001xf32, #tpu.memory_space<hbm>> -> memref<8x128xf32, #tpu.memory_space<hbm>>
      %dma_start3A_2121 = arith.constant 0 : i32
      %dma_start3A_2122 = arith.constant 512 : i32
      %dma_start3A_2123 = tpu.memref_slice %arg7[%dma_start3A_2114, %dma_start3A_2121, %dma_start3A_2122] : memref<2x8x4096xf32, #tpu.memory_space<vmem>> -> memref<1x8x128xf32, #tpu.memory_space<vmem>>
      %dma_start3A_2124 = tpu.memref_squeeze %dma_start3A_2123 : memref<1x8x128xf32, #tpu.memory_space<vmem>> -> memref<8x128xf32, #tpu.memory_space<vmem>>
      %dma_start3A_2125 = arith.constant 0 : i32
      %dma_start3A_2126 = tpu.memref_slice %arg3[%dma_start3A_2125, %multiple_of3A_2113] : memref<8x1000001xf32, #tpu.memory_space<hbm>> -> memref<8x128xf32, #tpu.memory_space<hbm>>
      tpu.enqueue_dma source(%dma_start3A_2126 : memref<8x128xf32, #tpu.memory_space<hbm>>) target(%dma_start3A_2124 : memref<8x128xf32, #tpu.memory_space<vmem>>) target_semaphore(%arg10 : memref<!tpu.dma_semaphore, #tpu.memory_space<semaphore_mem>>)
      %slice3A_2127 = vector.extract_strided_slice %min3A_2036 {offsets = [5], sizes = [1], strides = [1]} : vector<16xi32> to vector<1xi32>
      %squeeze3A_2128 = vector.extract %slice3A_2127[0] : i32 from vector<1xi32>
      %mul3A_2129 = arith.constant 128 : i32
      %mul3A_2130 = arith.muli %squeeze3A_2128, %mul3A_2129 : i32
      %multiple_of3A_2131 = tpu.assume_multiple %mul3A_2130, 128 : i32
      %dma_start3A_2132 = arith.constant 0 : i32
      %dma_start3A_2133 = arith.constant 0 : i32
      %dma_start3A_2134 = arith.constant 640 : i32
      %dma_start3A_2135 = tpu.memref_slice %arg7[%dma_start3A_2132, %dma_start3A_2133, %dma_start3A_2134] : memref<2x8x4096xf32, #tpu.memory_space<vmem>> -> memref<1x8x128xf32, #tpu.memory_space<vmem>>
      %dma_start3A_2136 = tpu.memref_squeeze %dma_start3A_2135 : memref<1x8x128xf32, #tpu.memory_space<vmem>> -> memref<8x128xf32, #tpu.memory_space<vmem>>
      %dma_start3A_2137 = arith.constant 0 : i32
      %dma_start3A_2138 = tpu.memref_slice %arg3[%dma_start3A_2137, %multiple_of3A_2131] : memref<8x1000001xf32, #tpu.memory_space<hbm>> -> memref<8x128xf32, #tpu.memory_space<hbm>>
      %dma_start3A_2139 = arith.constant 0 : i32
      %dma_start3A_2140 = arith.constant 640 : i32
      %dma_start3A_2141 = tpu.memref_slice %arg7[%dma_start3A_2132, %dma_start3A_2139, %dma_start3A_2140] : memref<2x8x4096xf32, #tpu.memory_space<vmem>> -> memref<1x8x128xf32, #tpu.memory_space<vmem>>
      %dma_start3A_2142 = tpu.memref_squeeze %dma_start3A_2141 : memref<1x8x128xf32, #tpu.memory_space<vmem>> -> memref<8x128xf32, #tpu.memory_space<vmem>>
      %dma_start3A_2143 = arith.constant 0 : i32
      %dma_start3A_2144 = tpu.memref_slice %arg3[%dma_start3A_2143, %multiple_of3A_2131] : memref<8x1000001xf32, #tpu.memory_space<hbm>> -> memref<8x128xf32, #tpu.memory_space<hbm>>
      tpu.enqueue_dma source(%dma_start3A_2144 : memref<8x128xf32, #tpu.memory_space<hbm>>) target(%dma_start3A_2142 : memref<8x128xf32, #tpu.memory_space<vmem>>) target_semaphore(%arg10 : memref<!tpu.dma_semaphore, #tpu.memory_space<semaphore_mem>>)
      %slice3A_2145 = vector.extract_strided_slice %min3A_2036 {offsets = [6], sizes = [1], strides = [1]} : vector<16xi32> to vector<1xi32>
      %squeeze3A_2146 = vector.extract %slice3A_2145[0] : i32 from vector<1xi32>
      %mul3A_2147 = arith.constant 128 : i32
      %mul3A_2148 = arith.muli %squeeze3A_2146, %mul3A_2147 : i32
      %multiple_of3A_2149 = tpu.assume_multiple %mul3A_2148, 128 : i32
      %dma_start3A_2150 = arith.constant 0 : i32
      %dma_start3A_2151 = arith.constant 0 : i32
      %dma_start3A_2152 = arith.constant 768 : i32
      %dma_start3A_2153 = tpu.memref_slice %arg7[%dma_start3A_2150, %dma_start3A_2151, %dma_start3A_2152] : memref<2x8x4096xf32, #tpu.memory_space<vmem>> -> memref<1x8x128xf32, #tpu.memory_space<vmem>>
      %dma_start3A_2154 = tpu.memref_squeeze %dma_start3A_2153 : memref<1x8x128xf32, #tpu.memory_space<vmem>> -> memref<8x128xf32, #tpu.memory_space<vmem>>
      %dma_start3A_2155 = arith.constant 0 : i32
      %dma_start3A_2156 = tpu.memref_slice %arg3[%dma_start3A_2155, %multiple_of3A_2149] : memref<8x1000001xf32, #tpu.memory_space<hbm>> -> memref<8x128xf32, #tpu.memory_space<hbm>>
      %dma_start3A_2157 = arith.constant 0 : i32
      %dma_start3A_2158 = arith.constant 768 : i32
      %dma_start3A_2159 = tpu.memref_slice %arg7[%dma_start3A_2150, %dma_start3A_2157, %dma_start3A_2158] : memref<2x8x4096xf32, #tpu.memory_space<vmem>> -> memref<1x8x128xf32, #tpu.memory_space<vmem>>
      %dma_start3A_2160 = tpu.memref_squeeze %dma_start3A_2159 : memref<1x8x128xf32, #tpu.memory_space<vmem>> -> memref<8x128xf32, #tpu.memory_space<vmem>>
      %dma_start3A_2161 = arith.constant 0 : i32
      %dma_start3A_2162 = tpu.memref_slice %arg3[%dma_start3A_2161, %multiple_of3A_2149] : memref<8x1000001xf32, #tpu.memory_space<hbm>> -> memref<8x128xf32, #tpu.memory_space<hbm>>
      tpu.enqueue_dma source(%dma_start3A_2162 : memref<8x128xf32, #tpu.memory_space<hbm>>) target(%dma_start3A_2160 : memref<8x128xf32, #tpu.memory_space<vmem>>) target_semaphore(%arg10 : memref<!tpu.dma_semaphore, #tpu.memory_space<semaphore_mem>>)
      %slice3A_2163 = vector.extract_strided_slice %min3A_2036 {offsets = [7], sizes = [1], strides = [1]} : vector<16xi32> to vector<1xi32>
      %squeeze3A_2164 = vector.extract %slice3A_2163[0] : i32 from vector<1xi32>
      %mul3A_2165 = arith.constant 128 : i32
      %mul3A_2166 = arith.muli %squeeze3A_2164, %mul3A_2165 : i32
      %multiple_of3A_2167 = tpu.assume_multiple %mul3A_2166, 128 : i32
      %dma_start3A_2168 = arith.constant 0 : i32
      %dma_start3A_2169 = arith.constant 0 : i32
      %dma_start3A_2170 = arith.constant 896 : i32
      %dma_start3A_2171 = tpu.memref_slice %arg7[%dma_start3A_2168, %dma_start3A_2169, %dma_start3A_2170] : memref<2x8x4096xf32, #tpu.memory_space<vmem>> -> memref<1x8x128xf32, #tpu.memory_space<vmem>>
      %dma_start3A_2172 = tpu.memref_squeeze %dma_start3A_2171 : memref<1x8x128xf32, #tpu.memory_space<vmem>> -> memref<8x128xf32, #tpu.memory_space<vmem>>
      %dma_start3A_2173 = arith.constant 0 : i32
      %dma_start3A_2174 = tpu.memref_slice %arg3[%dma_start3A_2173, %multiple_of3A_2167] : memref<8x1000001xf32, #tpu.memory_space<hbm>> -> memref<8x128xf32, #tpu.memory_space<hbm>>
      %dma_start3A_2175 = arith.constant 0 : i32
      %dma_start3A_2176 = arith.constant 896 : i32
      %dma_start3A_2177 = tpu.memref_slice %arg7[%dma_start3A_2168, %dma_start3A_2175, %dma_start3A_2176] : memref<2x8x4096xf32, #tpu.memory_space<vmem>> -> memref<1x8x128xf32, #tpu.memory_space<vmem>>
      %dma_start3A_2178 = tpu.memref_squeeze %dma_start3A_2177 : memref<1x8x128xf32, #tpu.memory_space<vmem>> -> memref<8x128xf32, #tpu.memory_space<vmem>>
      %dma_start3A_2179 = arith.constant 0 : i32
      %dma_start3A_2180 = tpu.memref_slice %arg3[%dma_start3A_2179, %multiple_of3A_2167] : memref<8x1000001xf32, #tpu.memory_space<hbm>> -> memref<8x128xf32, #tpu.memory_space<hbm>>
      tpu.enqueue_dma source(%dma_start3A_2180 : memref<8x128xf32, #tpu.memory_space<hbm>>) target(%dma_start3A_2178 : memref<8x128xf32, #tpu.memory_space<vmem>>) target_semaphore(%arg10 : memref<!tpu.dma_semaphore, #tpu.memory_space<semaphore_mem>>)
      %slice3A_2181 = vector.extract_strided_slice %min3A_2036 {offsets = [8], sizes = [1], strides = [1]} : vector<16xi32> to vector<1xi32>
      %squeeze3A_2182 = vector.extract %slice3A_2181[0] : i32 from vector<1xi32>
      %mul3A_2183 = arith.constant 128 : i32
      %mul3A_2184 = arith.muli %squeeze3A_2182, %mul3A_2183 : i32
      %multiple_of3A_2185 = tpu.assume_multiple %mul3A_2184, 128 : i32
      %dma_start3A_2186 = arith.constant 0 : i32
      %dma_start3A_2187 = arith.constant 0 : i32
      %dma_start3A_2188 = arith.constant 1024 : i32
      %dma_start3A_2189 = tpu.memref_slice %arg7[%dma_start3A_2186, %dma_start3A_2187, %dma_start3A_2188] : memref<2x8x4096xf32, #tpu.memory_space<vmem>> -> memref<1x8x128xf32, #tpu.memory_space<vmem>>
      %dma_start3A_2190 = tpu.memref_squeeze %dma_start3A_2189 : memref<1x8x128xf32, #tpu.memory_space<vmem>> -> memref<8x128xf32, #tpu.memory_space<vmem>>
      %dma_start3A_2191 = arith.constant 0 : i32
      %dma_start3A_2192 = tpu.memref_slice %arg3[%dma_start3A_2191, %multiple_of3A_2185] : memref<8x1000001xf32, #tpu.memory_space<hbm>> -> memref<8x128xf32, #tpu.memory_space<hbm>>
      %dma_start3A_2193 = arith.constant 0 : i32
      %dma_start3A_2194 = arith.constant 1024 : i32
      %dma_start3A_2195 = tpu.memref_slice %arg7[%dma_start3A_2186, %dma_start3A_2193, %dma_start3A_2194] : memref<2x8x4096xf32, #tpu.memory_space<vmem>> -> memref<1x8x128xf32, #tpu.memory_space<vmem>>
      %dma_start3A_2196 = tpu.memref_squeeze %dma_start3A_2195 : memref<1x8x128xf32, #tpu.memory_space<vmem>> -> memref<8x128xf32, #tpu.memory_space<vmem>>
      %dma_start3A_2197 = arith.constant 0 : i32
      %dma_start3A_2198 = tpu.memref_slice %arg3[%dma_start3A_2197, %multiple_of3A_2185] : memref<8x1000001xf32, #tpu.memory_space<hbm>> -> memref<8x128xf32, #tpu.memory_space<hbm>>
      tpu.enqueue_dma source(%dma_start3A_2198 : memref<8x128xf32, #tpu.memory_space<hbm>>) target(%dma_start3A_2196 : memref<8x128xf32, #tpu.memory_space<vmem>>) target_semaphore(%arg10 : memref<!tpu.dma_semaphore, #tpu.memory_space<semaphore_mem>>)
      %slice3A_2199 = vector.extract_strided_slice %min3A_2036 {offsets = [9], sizes = [1], strides = [1]} : vector<16xi32> to vector<1xi32>
      %squeeze3A_2200 = vector.extract %slice3A_2199[0] : i32 from vector<1xi32>
      %mul3A_2201 = arith.constant 128 : i32
      %mul3A_2202 = arith.muli %squeeze3A_2200, %mul3A_2201 : i32
      %multiple_of3A_2203 = tpu.assume_multiple %mul3A_2202, 128 : i32
      %dma_start3A_2204 = arith.constant 0 : i32
      %dma_start3A_2205 = arith.constant 0 : i32
      %dma_start3A_2206 = arith.constant 1152 : i32
      %dma_start3A_2207 = tpu.memref_slice %arg7[%dma_start3A_2204, %dma_start3A_2205, %dma_start3A_2206] : memref<2x8x4096xf32, #tpu.memory_space<vmem>> -> memref<1x8x128xf32, #tpu.memory_space<vmem>>
      %dma_start3A_2208 = tpu.memref_squeeze %dma_start3A_2207 : memref<1x8x128xf32, #tpu.memory_space<vmem>> -> memref<8x128xf32, #tpu.memory_space<vmem>>
      %dma_start3A_2209 = arith.constant 0 : i32
      %dma_start3A_2210 = tpu.memref_slice %arg3[%dma_start3A_2209, %multiple_of3A_2203] : memref<8x1000001xf32, #tpu.memory_space<hbm>> -> memref<8x128xf32, #tpu.memory_space<hbm>>
      %dma_start3A_2211 = arith.constant 0 : i32
      %dma_start3A_2212 = arith.constant 1152 : i32
      %dma_start3A_2213 = tpu.memref_slice %arg7[%dma_start3A_2204, %dma_start3A_2211, %dma_start3A_2212] : memref<2x8x4096xf32, #tpu.memory_space<vmem>> -> memref<1x8x128xf32, #tpu.memory_space<vmem>>
      %dma_start3A_2214 = tpu.memref_squeeze %dma_start3A_2213 : memref<1x8x128xf32, #tpu.memory_space<vmem>> -> memref<8x128xf32, #tpu.memory_space<vmem>>
      %dma_start3A_2215 = arith.constant 0 : i32
      %dma_start3A_2216 = tpu.memref_slice %arg3[%dma_start3A_2215, %multiple_of3A_2203] : memref<8x1000001xf32, #tpu.memory_space<hbm>> -> memref<8x128xf32, #tpu.memory_space<hbm>>
      tpu.enqueue_dma source(%dma_start3A_2216 : memref<8x128xf32, #tpu.memory_space<hbm>>) target(%dma_start3A_2214 : memref<8x128xf32, #tpu.memory_space<vmem>>) target_semaphore(%arg10 : memref<!tpu.dma_semaphore, #tpu.memory_space<semaphore_mem>>)
      %slice3A_2217 = vector.extract_strided_slice %min3A_2036 {offsets = [10], sizes = [1], strides = [1]} : vector<16xi32> to vector<1xi32>
      %squeeze3A_2218 = vector.extract %slice3A_2217[0] : i32 from vector<1xi32>
      %mul3A_2219 = arith.constant 128 : i32
      %mul3A_2220 = arith.muli %squeeze3A_2218, %mul3A_2219 : i32
      %multiple_of3A_2221 = tpu.assume_multiple %mul3A_2220, 128 : i32
      %dma_start3A_2222 = arith.constant 0 : i32
      %dma_start3A_2223 = arith.constant 0 : i32
      %dma_start3A_2224 = arith.constant 1280 : i32
      %dma_start3A_2225 = tpu.memref_slice %arg7[%dma_start3A_2222, %dma_start3A_2223, %dma_start3A_2224] : memref<2x8x4096xf32, #tpu.memory_space<vmem>> -> memref<1x8x128xf32, #tpu.memory_space<vmem>>
      %dma_start3A_2226 = tpu.memref_squeeze %dma_start3A_2225 : memref<1x8x128xf32, #tpu.memory_space<vmem>> -> memref<8x128xf32, #tpu.memory_space<vmem>>
      %dma_start3A_2227 = arith.constant 0 : i32
      %dma_start3A_2228 = tpu.memref_slice %arg3[%dma_start3A_2227, %multiple_of3A_2221] : memref<8x1000001xf32, #tpu.memory_space<hbm>> -> memref<8x128xf32, #tpu.memory_space<hbm>>
      %dma_start3A_2229 = arith.constant 0 : i32
      %dma_start3A_2230 = arith.constant 1280 : i32
      %dma_start3A_2231 = tpu.memref_slice %arg7[%dma_start3A_2222, %dma_start3A_2229, %dma_start3A_2230] : memref<2x8x4096xf32, #tpu.memory_space<vmem>> -> memref<1x8x128xf32, #tpu.memory_space<vmem>>
      %dma_start3A_2232 = tpu.memref_squeeze %dma_start3A_2231 : memref<1x8x128xf32, #tpu.memory_space<vmem>> -> memref<8x128xf32, #tpu.memory_space<vmem>>
      %dma_start3A_2233 = arith.constant 0 : i32
      %dma_start3A_2234 = tpu.memref_slice %arg3[%dma_start3A_2233, %multiple_of3A_2221] : memref<8x1000001xf32, #tpu.memory_space<hbm>> -> memref<8x128xf32, #tpu.memory_space<hbm>>
      tpu.enqueue_dma source(%dma_start3A_2234 : memref<8x128xf32, #tpu.memory_space<hbm>>) target(%dma_start3A_2232 : memref<8x128xf32, #tpu.memory_space<vmem>>) target_semaphore(%arg10 : memref<!tpu.dma_semaphore, #tpu.memory_space<semaphore_mem>>)
      %slice3A_2235 = vector.extract_strided_slice %min3A_2036 {offsets = [11], sizes = [1], strides = [1]} : vector<16xi32> to vector<1xi32>
      %squeeze3A_2236 = vector.extract %slice3A_2235[0] : i32 from vector<1xi32>
      %mul3A_2237 = arith.constant 128 : i32
      %mul3A_2238 = arith.muli %squeeze3A_2236, %mul3A_2237 : i32
      %multiple_of3A_2239 = tpu.assume_multiple %mul3A_2238, 128 : i32
      %dma_start3A_2240 = arith.constant 0 : i32
      %dma_start3A_2241 = arith.constant 0 : i32
      %dma_start3A_2242 = arith.constant 1408 : i32
      %dma_start3A_2243 = tpu.memref_slice %arg7[%dma_start3A_2240, %dma_start3A_2241, %dma_start3A_2242] : memref<2x8x4096xf32, #tpu.memory_space<vmem>> -> memref<1x8x128xf32, #tpu.memory_space<vmem>>
      %dma_start3A_2244 = tpu.memref_squeeze %dma_start3A_2243 : memref<1x8x128xf32, #tpu.memory_space<vmem>> -> memref<8x128xf32, #tpu.memory_space<vmem>>
      %dma_start3A_2245 = arith.constant 0 : i32
      %dma_start3A_2246 = tpu.memref_slice %arg3[%dma_start3A_2245, %multiple_of3A_2239] : memref<8x1000001xf32, #tpu.memory_space<hbm>> -> memref<8x128xf32, #tpu.memory_space<hbm>>
      %dma_start3A_2247 = arith.constant 0 : i32
      %dma_start3A_2248 = arith.constant 1408 : i32
      %dma_start3A_2249 = tpu.memref_slice %arg7[%dma_start3A_2240, %dma_start3A_2247, %dma_start3A_2248] : memref<2x8x4096xf32, #tpu.memory_space<vmem>> -> memref<1x8x128xf32, #tpu.memory_space<vmem>>
      %dma_start3A_2250 = tpu.memref_squeeze %dma_start3A_2249 : memref<1x8x128xf32, #tpu.memory_space<vmem>> -> memref<8x128xf32, #tpu.memory_space<vmem>>
      %dma_start3A_2251 = arith.constant 0 : i32
      %dma_start3A_2252 = tpu.memref_slice %arg3[%dma_start3A_2251, %multiple_of3A_2239] : memref<8x1000001xf32, #tpu.memory_space<hbm>> -> memref<8x128xf32, #tpu.memory_space<hbm>>
      tpu.enqueue_dma source(%dma_start3A_2252 : memref<8x128xf32, #tpu.memory_space<hbm>>) target(%dma_start3A_2250 : memref<8x128xf32, #tpu.memory_space<vmem>>) target_semaphore(%arg10 : memref<!tpu.dma_semaphore, #tpu.memory_space<semaphore_mem>>)
      %slice3A_2253 = vector.extract_strided_slice %min3A_2036 {offsets = [12], sizes = [1], strides = [1]} : vector<16xi32> to vector<1xi32>
      %squeeze3A_2254 = vector.extract %slice3A_2253[0] : i32 from vector<1xi32>
      %mul3A_2255 = arith.constant 128 : i32
      %mul3A_2256 = arith.muli %squeeze3A_2254, %mul3A_2255 : i32
      %multiple_of3A_2257 = tpu.assume_multiple %mul3A_2256, 128 : i32
      %dma_start3A_2258 = arith.constant 0 : i32
      %dma_start3A_2259 = arith.constant 0 : i32
      %dma_start3A_2260 = arith.constant 1536 : i32
      %dma_start3A_2261 = tpu.memref_slice %arg7[%dma_start3A_2258, %dma_start3A_2259, %dma_start3A_2260] : memref<2x8x4096xf32, #tpu.memory_space<vmem>> -> memref<1x8x128xf32, #tpu.memory_space<vmem>>
      %dma_start3A_2262 = tpu.memref_squeeze %dma_start3A_2261 : memref<1x8x128xf32, #tpu.memory_space<vmem>> -> memref<8x128xf32, #tpu.memory_space<vmem>>
      %dma_start3A_2263 = arith.constant 0 : i32
      %dma_start3A_2264 = tpu.memref_slice %arg3[%dma_start3A_2263, %multiple_of3A_2257] : memref<8x1000001xf32, #tpu.memory_space<hbm>> -> memref<8x128xf32, #tpu.memory_space<hbm>>
      %dma_start3A_2265 = arith.constant 0 : i32
      %dma_start3A_2266 = arith.constant 1536 : i32
      %dma_start3A_2267 = tpu.memref_slice %arg7[%dma_start3A_2258, %dma_start3A_2265, %dma_start3A_2266] : memref<2x8x4096xf32, #tpu.memory_space<vmem>> -> memref<1x8x128xf32, #tpu.memory_space<vmem>>
      %dma_start3A_2268 = tpu.memref_squeeze %dma_start3A_2267 : memref<1x8x128xf32, #tpu.memory_space<vmem>> -> memref<8x128xf32, #tpu.memory_space<vmem>>
      %dma_start3A_2269 = arith.constant 0 : i32
      %dma_start3A_2270 = tpu.memref_slice %arg3[%dma_start3A_2269, %multiple_of3A_2257] : memref<8x1000001xf32, #tpu.memory_space<hbm>> -> memref<8x128xf32, #tpu.memory_space<hbm>>
      tpu.enqueue_dma source(%dma_start3A_2270 : memref<8x128xf32, #tpu.memory_space<hbm>>) target(%dma_start3A_2268 : memref<8x128xf32, #tpu.memory_space<vmem>>) target_semaphore(%arg10 : memref<!tpu.dma_semaphore, #tpu.memory_space<semaphore_mem>>)
      %slice3A_2271 = vector.extract_strided_slice %min3A_2036 {offsets = [13], sizes = [1], strides = [1]} : vector<16xi32> to vector<1xi32>
      %squeeze3A_2272 = vector.extract %slice3A_2271[0] : i32 from vector<1xi32>
      %mul3A_2273 = arith.constant 128 : i32
      %mul3A_2274 = arith.muli %squeeze3A_2272, %mul3A_2273 : i32
      %multiple_of3A_2275 = tpu.assume_multiple %mul3A_2274, 128 : i32
      %dma_start3A_2276 = arith.constant 0 : i32
      %dma_start3A_2277 = arith.constant 0 : i32
      %dma_start3A_2278 = arith.constant 1664 : i32
      %dma_start3A_2279 = tpu.memref_slice %arg7[%dma_start3A_2276, %dma_start3A_2277, %dma_start3A_2278] : memref<2x8x4096xf32, #tpu.memory_space<vmem>> -> memref<1x8x128xf32, #tpu.memory_space<vmem>>
      %dma_start3A_2280 = tpu.memref_squeeze %dma_start3A_2279 : memref<1x8x128xf32, #tpu.memory_space<vmem>> -> memref<8x128xf32, #tpu.memory_space<vmem>>
      %dma_start3A_2281 = arith.constant 0 : i32
      %dma_start3A_2282 = tpu.memref_slice %arg3[%dma_start3A_2281, %multiple_of3A_2275] : memref<8x1000001xf32, #tpu.memory_space<hbm>> -> memref<8x128xf32, #tpu.memory_space<hbm>>
      %dma_start3A_2283 = arith.constant 0 : i32
      %dma_start3A_2284 = arith.constant 1664 : i32
      %dma_start3A_2285 = tpu.memref_slice %arg7[%dma_start3A_2276, %dma_start3A_2283, %dma_start3A_2284] : memref<2x8x4096xf32, #tpu.memory_space<vmem>> -> memref<1x8x128xf32, #tpu.memory_space<vmem>>
      %dma_start3A_2286 = tpu.memref_squeeze %dma_start3A_2285 : memref<1x8x128xf32, #tpu.memory_space<vmem>> -> memref<8x128xf32, #tpu.memory_space<vmem>>
      %dma_start3A_2287 = arith.constant 0 : i32
      %dma_start3A_2288 = tpu.memref_slice %arg3[%dma_start3A_2287, %multiple_of3A_2275] : memref<8x1000001xf32, #tpu.memory_space<hbm>> -> memref<8x128xf32, #tpu.memory_space<hbm>>
      tpu.enqueue_dma source(%dma_start3A_2288 : memref<8x128xf32, #tpu.memory_space<hbm>>) target(%dma_start3A_2286 : memref<8x128xf32, #tpu.memory_space<vmem>>) target_semaphore(%arg10 : memref<!tpu.dma_semaphore, #tpu.memory_space<semaphore_mem>>)
      %slice3A_2289 = vector.extract_strided_slice %min3A_2036 {offsets = [14], sizes = [1], strides = [1]} : vector<16xi32> to vector<1xi32>
      %squeeze3A_2290 = vector.extract %slice3A_2289[0] : i32 from vector<1xi32>
      %mul3A_2291 = arith.constant 128 : i32
      %mul3A_2292 = arith.muli %squeeze3A_2290, %mul3A_2291 : i32
      %multiple_of3A_2293 = tpu.assume_multiple %mul3A_2292, 128 : i32
      %dma_start3A_2294 = arith.constant 0 : i32
      %dma_start3A_2295 = arith.constant 0 : i32
      %dma_start3A_2296 = arith.constant 1792 : i32
      %dma_start3A_2297 = tpu.memref_slice %arg7[%dma_start3A_2294, %dma_start3A_2295, %dma_start3A_2296] : memref<2x8x4096xf32, #tpu.memory_space<vmem>> -> memref<1x8x128xf32, #tpu.memory_space<vmem>>
      %dma_start3A_2298 = tpu.memref_squeeze %dma_start3A_2297 : memref<1x8x128xf32, #tpu.memory_space<vmem>> -> memref<8x128xf32, #tpu.memory_space<vmem>>
      %dma_start3A_2299 = arith.constant 0 : i32
      %dma_start3A_2300 = tpu.memref_slice %arg3[%dma_start3A_2299, %multiple_of3A_2293] : memref<8x1000001xf32, #tpu.memory_space<hbm>> -> memref<8x128xf32, #tpu.memory_space<hbm>>
      %dma_start3A_2301 = arith.constant 0 : i32
      %dma_start3A_2302 = arith.constant 1792 : i32
      %dma_start3A_2303 = tpu.memref_slice %arg7[%dma_start3A_2294, %dma_start3A_2301, %dma_start3A_2302] : memref<2x8x4096xf32, #tpu.memory_space<vmem>> -> memref<1x8x128xf32, #tpu.memory_space<vmem>>
      %dma_start3A_2304 = tpu.memref_squeeze %dma_start3A_2303 : memref<1x8x128xf32, #tpu.memory_space<vmem>> -> memref<8x128xf32, #tpu.memory_space<vmem>>
      %dma_start3A_2305 = arith.constant 0 : i32
      %dma_start3A_2306 = tpu.memref_slice %arg3[%dma_start3A_2305, %multiple_of3A_2293] : memref<8x1000001xf32, #tpu.memory_space<hbm>> -> memref<8x128xf32, #tpu.memory_space<hbm>>
      tpu.enqueue_dma source(%dma_start3A_2306 : memref<8x128xf32, #tpu.memory_space<hbm>>) target(%dma_start3A_2304 : memref<8x128xf32, #tpu.memory_space<vmem>>) target_semaphore(%arg10 : memref<!tpu.dma_semaphore, #tpu.memory_space<semaphore_mem>>)
      %slice3A_2307 = vector.extract_strided_slice %min3A_2036 {offsets = [15], sizes = [1], strides = [1]} : vector<16xi32> to vector<1xi32>
      %squeeze3A_2308 = vector.extract %slice3A_2307[0] : i32 from vector<1xi32>
      %mul3A_2309 = arith.constant 128 : i32
      %mul3A_2310 = arith.muli %squeeze3A_2308, %mul3A_2309 : i32
      %multiple_of3A_2311 = tpu.assume_multiple %mul3A_2310, 128 : i32
      %dma_start3A_2312 = arith.constant 0 : i32
      %dma_start3A_2313 = arith.constant 0 : i32
      %dma_start3A_2314 = arith.constant 1920 : i32
      %dma_start3A_2315 = tpu.memref_slice %arg7[%dma_start3A_2312, %dma_start3A_2313, %dma_start3A_2314] : memref<2x8x4096xf32, #tpu.memory_space<vmem>> -> memref<1x8x128xf32, #tpu.memory_space<vmem>>
      %dma_start3A_2316 = tpu.memref_squeeze %dma_start3A_2315 : memref<1x8x128xf32, #tpu.memory_space<vmem>> -> memref<8x128xf32, #tpu.memory_space<vmem>>
      %dma_start3A_2317 = arith.constant 0 : i32
      %dma_start3A_2318 = tpu.memref_slice %arg3[%dma_start3A_2317, %multiple_of3A_2311] : memref<8x1000001xf32, #tpu.memory_space<hbm>> -> memref<8x128xf32, #tpu.memory_space<hbm>>
      %dma_start3A_2319 = arith.constant 0 : i32
      %dma_start3A_2320 = arith.constant 1920 : i32
      %dma_start3A_2321 = tpu.memref_slice %arg7[%dma_start3A_2312, %dma_start3A_2319, %dma_start3A_2320] : memref<2x8x4096xf32, #tpu.memory_space<vmem>> -> memref<1x8x128xf32, #tpu.memory_space<vmem>>
      %dma_start3A_2322 = tpu.memref_squeeze %dma_start3A_2321 : memref<1x8x128xf32, #tpu.memory_space<vmem>> -> memref<8x128xf32, #tpu.memory_space<vmem>>
      %dma_start3A_2323 = arith.constant 0 : i32
      %dma_start3A_2324 = tpu.memref_slice %arg3[%dma_start3A_2323, %multiple_of3A_2311] : memref<8x1000001xf32, #tpu.memory_space<hbm>> -> memref<8x128xf32, #tpu.memory_space<hbm>>
      tpu.enqueue_dma source(%dma_start3A_2324 : memref<8x128xf32, #tpu.memory_space<hbm>>) target(%dma_start3A_2322 : memref<8x128xf32, #tpu.memory_space<vmem>>) target_semaphore(%arg10 : memref<!tpu.dma_semaphore, #tpu.memory_space<semaphore_mem>>)
      %jit3A_2325 = arith.constant 4 : i32
      %div3A_2326 = arith.divsi %add3A_1983, %jit3A_2325 : i32
      %sign3A_2327 = arith.constant 0 : i32
      %sign3A_2328 = arith.cmpi sgt, %add3A_1983, %sign3A_2327 : i32
      %sign3A_2329 = arith.extui %sign3A_2328 : i1 to i32
      %sign3A_2330 = arith.constant 0 : i32
      %sign3A_2331 = arith.cmpi slt, %add3A_1983, %sign3A_2330 : i32
      %sign3A_2332 = arith.extui %sign3A_2331 : i1 to i32
      %sign3A_2333 = arith.subi %sign3A_2329, %sign3A_2332 : i32
      %sign3A_2334 = arith.constant 0 : i32
      %sign3A_2335 = arith.cmpi sgt, %jit3A_2325, %sign3A_2334 : i32
      %sign3A_2336 = arith.extui %sign3A_2335 : i1 to i32
      %sign3A_2337 = arith.constant 0 : i32
      %sign3A_2338 = arith.cmpi slt, %jit3A_2325, %sign3A_2337 : i32
      %sign3A_2339 = arith.extui %sign3A_2338 : i1 to i32
      %sign3A_2340 = arith.subi %sign3A_2336, %sign3A_2339 : i32
      %ne3A_2341 = arith.cmpi ne, %sign3A_2333, %sign3A_2340 : i32
      %rem3A_2342 = arith.remsi %add3A_1983, %jit3A_2325 : i32
      %ne3A_2343 = arith.constant 0 : i32
      %ne3A_2344 = arith.cmpi ne, %rem3A_2342, %ne3A_2343 : i32
      %and3A_2345 = arith.andi %ne3A_2341, %ne3A_2344 : i1
      %sub3A_2346 = arith.constant 1 : i32
      %sub3A_2347 = arith.subi %div3A_2326, %sub3A_2346 : i32
      %select_n3A_2348 = arith.select %and3A_2345, %sub3A_2347, %div3A_2326 : i32
      %jit3A_2349 = arith.constant 4 : i32
      %eq3A_2350 = arith.constant 0 : i32
      %eq3A_2351 = arith.cmpi eq, %jit3A_2349, %eq3A_2350 : i32
      %jit3A_2352 = arith.constant 1 : i32
      %select_n3A_2353 = arith.select %eq3A_2351, %jit3A_2352, %jit3A_2349 : i32
      %rem3A_2354 = arith.remsi %add3A_1983, %select_n3A_2353 : i32
      %ne3A_2355 = arith.constant 0 : i32
      %ne3A_2356 = arith.cmpi ne, %rem3A_2354, %ne3A_2355 : i32
      %lt3A_2357 = arith.constant 0 : i32
      %lt3A_2358 = arith.cmpi slt, %rem3A_2354, %lt3A_2357 : i32
      %lt3A_2359 = arith.constant 0 : i32
      %lt3A_2360 = arith.cmpi slt, %select_n3A_2353, %lt3A_2359 : i32
      %ne3A_2361 = arith.xori %lt3A_2358, %lt3A_2360 : i1
      %and3A_2362 = arith.andi %ne3A_2361, %ne3A_2356 : i1
      %add3A_2363 = arith.addi %rem3A_2354, %select_n3A_2353 : i32
      %select_n3A_2364 = arith.select %and3A_2362, %add3A_2363, %rem3A_2354 : i32
      %mul3A_2365 = arith.constant 32 : i32
      %mul3A_2366 = arith.muli %select_n3A_2364, %mul3A_2365 : i32
      %add3A_2367 = arith.constant 16 : i32
      %add3A_2368 = arith.addi %mul3A_2366, %add3A_2367 : i32
      %get3A_2369 = arith.index_cast %select_n3A_2348 : i32 to index
      %get3A_2370 = arith.index_cast %add3A_2368 : i32 to index
      %get3A_2371 = tpu.vector_load %arg6[%get3A_2369, %get3A_2370] {strides = array<i32>} : memref<4x128xi32, #tpu.memory_space<vmem>>, vector<16xi32>,
      %shift_right_logical3A_2372 = arith.constant 7 : i32
      %shift_right_logical3A_2373 = vector.broadcast %shift_right_logical3A_2372 : i32 to vector<16xi32>
      %shift_right_logical3A_2374 = arith.shrui %get3A_2371, %shift_right_logical3A_2373 : vector<16xi32>
      %min3A_2375 = arith.constant 7811 : i32
      %min3A_2376 = vector.broadcast %min3A_2375 : i32 to vector<16xi32>
      %min3A_2377 = arith.minsi %shift_right_logical3A_2374, %min3A_2376 : vector<16xi32>
      %slice3A_2378 = vector.extract_strided_slice %min3A_2377 {offsets = [0], sizes = [1], strides = [1]} : vector<16xi32> to vector<1xi32>
      %squeeze3A_2379 = vector.extract %slice3A_2378[0] : i32 from vector<1xi32>
      %mul3A_2380 = arith.constant 128 : i32
      %mul3A_2381 = arith.muli %squeeze3A_2379, %mul3A_2380 : i32
      %multiple_of3A_2382 = tpu.assume_multiple %mul3A_2381, 128 : i32
      %dma_start3A_2383 = arith.constant 0 : i32
      %dma_start3A_2384 = arith.constant 0 : i32
      %dma_start3A_2385 = arith.constant 2048 : i32
      %dma_start3A_2386 = tpu.memref_slice %arg7[%dma_start3A_2383, %dma_start3A_2384, %dma_start3A_2385] : memref<2x8x4096xf32, #tpu.memory_space<vmem>> -> memref<1x8x128xf32, #tpu.memory_space<vmem>>
      %dma_start3A_2387 = tpu.memref_squeeze %dma_start3A_2386 : memref<1x8x128xf32, #tpu.memory_space<vmem>> -> memref<8x128xf32, #tpu.memory_space<vmem>>
      %dma_start3A_2388 = arith.constant 0 : i32
      %dma_start3A_2389 = tpu.memref_slice %arg3[%dma_start3A_2388, %multiple_of3A_2382] : memref<8x1000001xf32, #tpu.memory_space<hbm>> -> memref<8x128xf32, #tpu.memory_space<hbm>>
      %dma_start3A_2390 = arith.constant 0 : i32
      %dma_start3A_2391 = arith.constant 2048 : i32
      %dma_start3A_2392 = tpu.memref_slice %arg7[%dma_start3A_2383, %dma_start3A_2390, %dma_start3A_2391] : memref<2x8x4096xf32, #tpu.memory_space<vmem>> -> memref<1x8x128xf32, #tpu.memory_space<vmem>>
      %dma_start3A_2393 = tpu.memref_squeeze %dma_start3A_2392 : memref<1x8x128xf32, #tpu.memory_space<vmem>> -> memref<8x128xf32, #tpu.memory_space<vmem>>
      %dma_start3A_2394 = arith.constant 0 : i32
      %dma_start3A_2395 = tpu.memref_slice %arg3[%dma_start3A_2394, %multiple_of3A_2382] : memref<8x1000001xf32, #tpu.memory_space<hbm>> -> memref<8x128xf32, #tpu.memory_space<hbm>>
      tpu.enqueue_dma source(%dma_start3A_2395 : memref<8x128xf32, #tpu.memory_space<hbm>>) target(%dma_start3A_2393 : memref<8x128xf32, #tpu.memory_space<vmem>>) target_semaphore(%arg10 : memref<!tpu.dma_semaphore, #tpu.memory_space<semaphore_mem>>)
      %slice3A_2396 = vector.extract_strided_slice %min3A_2377 {offsets = [1], sizes = [1], strides = [1]} : vector<16xi32> to vector<1xi32>
      %squeeze3A_2397 = vector.extract %slice3A_2396[0] : i32 from vector<1xi32>
      %mul3A_2398 = arith.constant 128 : i32
      %mul3A_2399 = arith.muli %squeeze3A_2397, %mul3A_2398 : i32
      %multiple_of3A_2400 = tpu.assume_multiple %mul3A_2399, 128 : i32
      %dma_start3A_2401 = arith.constant 0 : i32
      %dma_start3A_2402 = arith.constant 0 : i32
      %dma_start3A_2403 = arith.constant 2176 : i32
      %dma_start3A_2404 = tpu.memref_slice %arg7[%dma_start3A_2401, %dma_start3A_2402, %dma_start3A_2403] : memref<2x8x4096xf32, #tpu.memory_space<vmem>> -> memref<1x8x128xf32, #tpu.memory_space<vmem>>
      %dma_start3A_2405 = tpu.memref_squeeze %dma_start3A_2404 : memref<1x8x128xf32, #tpu.memory_space<vmem>> -> memref<8x128xf32, #tpu.memory_space<vmem>>
      %dma_start3A_2406 = arith.constant 0 : i32
      %dma_start3A_2407 = tpu.memref_slice %arg3[%dma_start3A_2406, %multiple_of3A_2400] : memref<8x1000001xf32, #tpu.memory_space<hbm>> -> memref<8x128xf32, #tpu.memory_space<hbm>>
      %dma_start3A_2408 = arith.constant 0 : i32
      %dma_start3A_2409 = arith.constant 2176 : i32
      %dma_start3A_2410 = tpu.memref_slice %arg7[%dma_start3A_2401, %dma_start3A_2408, %dma_start3A_2409] : memref<2x8x4096xf32, #tpu.memory_space<vmem>> -> memref<1x8x128xf32, #tpu.memory_space<vmem>>
      %dma_start3A_2411 = tpu.memref_squeeze %dma_start3A_2410 : memref<1x8x128xf32, #tpu.memory_space<vmem>> -> memref<8x128xf32, #tpu.memory_space<vmem>>
      %dma_start3A_2412 = arith.constant 0 : i32
      %dma_start3A_2413 = tpu.memref_slice %arg3[%dma_start3A_2412, %multiple_of3A_2400] : memref<8x1000001xf32, #tpu.memory_space<hbm>> -> memref<8x128xf32, #tpu.memory_space<hbm>>
      tpu.enqueue_dma source(%dma_start3A_2413 : memref<8x128xf32, #tpu.memory_space<hbm>>) target(%dma_start3A_2411 : memref<8x128xf32, #tpu.memory_space<vmem>>) target_semaphore(%arg10 : memref<!tpu.dma_semaphore, #tpu.memory_space<semaphore_mem>>)
      %slice3A_2414 = vector.extract_strided_slice %min3A_2377 {offsets = [2], sizes = [1], strides = [1]} : vector<16xi32> to vector<1xi32>
      %squeeze3A_2415 = vector.extract %slice3A_2414[0] : i32 from vector<1xi32>
      %mul3A_2416 = arith.constant 128 : i32
      %mul3A_2417 = arith.muli %squeeze3A_2415, %mul3A_2416 : i32
      %multiple_of3A_2418 = tpu.assume_multiple %mul3A_2417, 128 : i32
      %dma_start3A_2419 = arith.constant 0 : i32
      %dma_start3A_2420 = arith.constant 0 : i32
      %dma_start3A_2421 = arith.constant 2304 : i32
      %dma_start3A_2422 = tpu.memref_slice %arg7[%dma_start3A_2419, %dma_start3A_2420, %dma_start3A_2421] : memref<2x8x4096xf32, #tpu.memory_space<vmem>> -> memref<1x8x128xf32, #tpu.memory_space<vmem>>
      %dma_start3A_2423 = tpu.memref_squeeze %dma_start3A_2422 : memref<1x8x128xf32, #tpu.memory_space<vmem>> -> memref<8x128xf32, #tpu.memory_space<vmem>>
      %dma_start3A_2424 = arith.constant 0 : i32
      %dma_start3A_2425 = tpu.memref_slice %arg3[%dma_start3A_2424, %multiple_of3A_2418] : memref<8x1000001xf32, #tpu.memory_space<hbm>> -> memref<8x128xf32, #tpu.memory_space<hbm>>
      %dma_start3A_2426 = arith.constant 0 : i32
      %dma_start3A_2427 = arith.constant 2304 : i32
      %dma_start3A_2428 = tpu.memref_slice %arg7[%dma_start3A_2419, %dma_start3A_2426, %dma_start3A_2427] : memref<2x8x4096xf32, #tpu.memory_space<vmem>> -> memref<1x8x128xf32, #tpu.memory_space<vmem>>
      %dma_start3A_2429 = tpu.memref_squeeze %dma_start3A_2428 : memref<1x8x128xf32, #tpu.memory_space<vmem>> -> memref<8x128xf32, #tpu.memory_space<vmem>>
      %dma_start3A_2430 = arith.constant 0 : i32
      %dma_start3A_2431 = tpu.memref_slice %arg3[%dma_start3A_2430, %multiple_of3A_2418] : memref<8x1000001xf32, #tpu.memory_space<hbm>> -> memref<8x128xf32, #tpu.memory_space<hbm>>
      tpu.enqueue_dma source(%dma_start3A_2431 : memref<8x128xf32, #tpu.memory_space<hbm>>) target(%dma_start3A_2429 : memref<8x128xf32, #tpu.memory_space<vmem>>) target_semaphore(%arg10 : memref<!tpu.dma_semaphore, #tpu.memory_space<semaphore_mem>>)
      %slice3A_2432 = vector.extract_strided_slice %min3A_2377 {offsets = [3], sizes = [1], strides = [1]} : vector<16xi32> to vector<1xi32>
      %squeeze3A_2433 = vector.extract %slice3A_2432[0] : i32 from vector<1xi32>
      %mul3A_2434 = arith.constant 128 : i32
      %mul3A_2435 = arith.muli %squeeze3A_2433, %mul3A_2434 : i32
      %multiple_of3A_2436 = tpu.assume_multiple %mul3A_2435, 128 : i32
      %dma_start3A_2437 = arith.constant 0 : i32
      %dma_start3A_2438 = arith.constant 0 : i32
      %dma_start3A_2439 = arith.constant 2432 : i32
      %dma_start3A_2440 = tpu.memref_slice %arg7[%dma_start3A_2437, %dma_start3A_2438, %dma_start3A_2439] : memref<2x8x4096xf32, #tpu.memory_space<vmem>> -> memref<1x8x128xf32, #tpu.memory_space<vmem>>
      %dma_start3A_2441 = tpu.memref_squeeze %dma_start3A_2440 : memref<1x8x128xf32, #tpu.memory_space<vmem>> -> memref<8x128xf32, #tpu.memory_space<vmem>>
      %dma_start3A_2442 = arith.constant 0 : i32
      %dma_start3A_2443 = tpu.memref_slice %arg3[%dma_start3A_2442, %multiple_of3A_2436] : memref<8x1000001xf32, #tpu.memory_space<hbm>> -> memref<8x128xf32, #tpu.memory_space<hbm>>
      %dma_start3A_2444 = arith.constant 0 : i32
      %dma_start3A_2445 = arith.constant 2432 : i32
      %dma_start3A_2446 = tpu.memref_slice %arg7[%dma_start3A_2437, %dma_start3A_2444, %dma_start3A_2445] : memref<2x8x4096xf32, #tpu.memory_space<vmem>> -> memref<1x8x128xf32, #tpu.memory_space<vmem>>
      %dma_start3A_2447 = tpu.memref_squeeze %dma_start3A_2446 : memref<1x8x128xf32, #tpu.memory_space<vmem>> -> memref<8x128xf32, #tpu.memory_space<vmem>>
      %dma_start3A_2448 = arith.constant 0 : i32
      %dma_start3A_2449 = tpu.memref_slice %arg3[%dma_start3A_2448, %multiple_of3A_2436] : memref<8x1000001xf32, #tpu.memory_space<hbm>> -> memref<8x128xf32, #tpu.memory_space<hbm>>
      tpu.enqueue_dma source(%dma_start3A_2449 : memref<8x128xf32, #tpu.memory_space<hbm>>) target(%dma_start3A_2447 : memref<8x128xf32, #tpu.memory_space<vmem>>) target_semaphore(%arg10 : memref<!tpu.dma_semaphore, #tpu.memory_space<semaphore_mem>>)
      %slice3A_2450 = vector.extract_strided_slice %min3A_2377 {offsets = [4], sizes = [1], strides = [1]} : vector<16xi32> to vector<1xi32>
      %squeeze3A_2451 = vector.extract %slice3A_2450[0] : i32 from vector<1xi32>
      %mul3A_2452 = arith.constant 128 : i32
      %mul3A_2453 = arith.muli %squeeze3A_2451, %mul3A_2452 : i32
      %multiple_of3A_2454 = tpu.assume_multiple %mul3A_2453, 128 : i32
      %dma_start3A_2455 = arith.constant 0 : i32
      %dma_start3A_2456 = arith.constant 0 : i32
      %dma_start3A_2457 = arith.constant 2560 : i32
      %dma_start3A_2458 = tpu.memref_slice %arg7[%dma_start3A_2455, %dma_start3A_2456, %dma_start3A_2457] : memref<2x8x4096xf32, #tpu.memory_space<vmem>> -> memref<1x8x128xf32, #tpu.memory_space<vmem>>
      %dma_start3A_2459 = tpu.memref_squeeze %dma_start3A_2458 : memref<1x8x128xf32, #tpu.memory_space<vmem>> -> memref<8x128xf32, #tpu.memory_space<vmem>>
      %dma_start3A_2460 = arith.constant 0 : i32
      %dma_start3A_2461 = tpu.memref_slice %arg3[%dma_start3A_2460, %multiple_of3A_2454] : memref<8x1000001xf32, #tpu.memory_space<hbm>> -> memref<8x128xf32, #tpu.memory_space<hbm>>
      %dma_start3A_2462 = arith.constant 0 : i32
      %dma_start3A_2463 = arith.constant 2560 : i32
      %dma_start3A_2464 = tpu.memref_slice %arg7[%dma_start3A_2455, %dma_start3A_2462, %dma_start3A_2463] : memref<2x8x4096xf32, #tpu.memory_space<vmem>> -> memref<1x8x128xf32, #tpu.memory_space<vmem>>
      %dma_start3A_2465 = tpu.memref_squeeze %dma_start3A_2464 : memref<1x8x128xf32, #tpu.memory_space<vmem>> -> memref<8x128xf32, #tpu.memory_space<vmem>>
      %dma_start3A_2466 = arith.constant 0 : i32
      %dma_start3A_2467 = tpu.memref_slice %arg3[%dma_start3A_2466, %multiple_of3A_2454] : memref<8x1000001xf32, #tpu.memory_space<hbm>> -> memref<8x128xf32, #tpu.memory_space<hbm>>
      tpu.enqueue_dma source(%dma_start3A_2467 : memref<8x128xf32, #tpu.memory_space<hbm>>) target(%dma_start3A_2465 : memref<8x128xf32, #tpu.memory_space<vmem>>) target_semaphore(%arg10 : memref<!tpu.dma_semaphore, #tpu.memory_space<semaphore_mem>>)
      %slice3A_2468 = vector.extract_strided_slice %min3A_2377 {offsets = [5], sizes = [1], strides = [1]} : vector<16xi32> to vector<1xi32>
      %squeeze3A_2469 = vector.extract %slice3A_2468[0] : i32 from vector<1xi32>
      %mul3A_2470 = arith.constant 128 : i32
      %mul3A_2471 = arith.muli %squeeze3A_2469, %mul3A_2470 : i32
      %multiple_of3A_2472 = tpu.assume_multiple %mul3A_2471, 128 : i32
      %dma_start3A_2473 = arith.constant 0 : i32
      %dma_start3A_2474 = arith.constant 0 : i32
      %dma_start3A_2475 = arith.constant 2688 : i32
      %dma_start3A_2476 = tpu.memref_slice %arg7[%dma_start3A_2473, %dma_start3A_2474, %dma_start3A_2475] : memref<2x8x4096xf32, #tpu.memory_space<vmem>> -> memref<1x8x128xf32, #tpu.memory_space<vmem>>
      %dma_start3A_2477 = tpu.memref_squeeze %dma_start3A_2476 : memref<1x8x128xf32, #tpu.memory_space<vmem>> -> memref<8x128xf32, #tpu.memory_space<vmem>>
      %dma_start3A_2478 = arith.constant 0 : i32
      %dma_start3A_2479 = tpu.memref_slice %arg3[%dma_start3A_2478, %multiple_of3A_2472] : memref<8x1000001xf32, #tpu.memory_space<hbm>> -> memref<8x128xf32, #tpu.memory_space<hbm>>
      %dma_start3A_2480 = arith.constant 0 : i32
      %dma_start3A_2481 = arith.constant 2688 : i32
      %dma_start3A_2482 = tpu.memref_slice %arg7[%dma_start3A_2473, %dma_start3A_2480, %dma_start3A_2481] : memref<2x8x4096xf32, #tpu.memory_space<vmem>> -> memref<1x8x128xf32, #tpu.memory_space<vmem>>
      %dma_start3A_2483 = tpu.memref_squeeze %dma_start3A_2482 : memref<1x8x128xf32, #tpu.memory_space<vmem>> -> memref<8x128xf32, #tpu.memory_space<vmem>>
      %dma_start3A_2484 = arith.constant 0 : i32
      %dma_start3A_2485 = tpu.memref_slice %arg3[%dma_start3A_2484, %multiple_of3A_2472] : memref<8x1000001xf32, #tpu.memory_space<hbm>> -> memref<8x128xf32, #tpu.memory_space<hbm>>
      tpu.enqueue_dma source(%dma_start3A_2485 : memref<8x128xf32, #tpu.memory_space<hbm>>) target(%dma_start3A_2483 : memref<8x128xf32, #tpu.memory_space<vmem>>) target_semaphore(%arg10 : memref<!tpu.dma_semaphore, #tpu.memory_space<semaphore_mem>>)
      %slice3A_2486 = vector.extract_strided_slice %min3A_2377 {offsets = [6], sizes = [1], strides = [1]} : vector<16xi32> to vector<1xi32>
      %squeeze3A_2487 = vector.extract %slice3A_2486[0] : i32 from vector<1xi32>
      %mul3A_2488 = arith.constant 128 : i32
      %mul3A_2489 = arith.muli %squeeze3A_2487, %mul3A_2488 : i32
      %multiple_of3A_2490 = tpu.assume_multiple %mul3A_2489, 128 : i32
      %dma_start3A_2491 = arith.constant 0 : i32
      %dma_start3A_2492 = arith.constant 0 : i32
      %dma_start3A_2493 = arith.constant 2816 : i32
      %dma_start3A_2494 = tpu.memref_slice %arg7[%dma_start3A_2491, %dma_start3A_2492, %dma_start3A_2493] : memref<2x8x4096xf32, #tpu.memory_space<vmem>> -> memref<1x8x128xf32, #tpu.memory_space<vmem>>
      %dma_start3A_2495 = tpu.memref_squeeze %dma_start3A_2494 : memref<1x8x128xf32, #tpu.memory_space<vmem>> -> memref<8x128xf32, #tpu.memory_space<vmem>>
      %dma_start3A_2496 = arith.constant 0 : i32
      %dma_start3A_2497 = tpu.memref_slice %arg3[%dma_start3A_2496, %multiple_of3A_2490] : memref<8x1000001xf32, #tpu.memory_space<hbm>> -> memref<8x128xf32, #tpu.memory_space<hbm>>
      %dma_start3A_2498 = arith.constant 0 : i32
      %dma_start3A_2499 = arith.constant 2816 : i32
      %dma_start3A_2500 = tpu.memref_slice %arg7[%dma_start3A_2491, %dma_start3A_2498, %dma_start3A_2499] : memref<2x8x4096xf32, #tpu.memory_space<vmem>> -> memref<1x8x128xf32, #tpu.memory_space<vmem>>
      %dma_start3A_2501 = tpu.memref_squeeze %dma_start3A_2500 : memref<1x8x128xf32, #tpu.memory_space<vmem>> -> memref<8x128xf32, #tpu.memory_space<vmem>>
      %dma_start3A_2502 = arith.constant 0 : i32
      %dma_start3A_2503 = tpu.memref_slice %arg3[%dma_start3A_2502, %multiple_of3A_2490] : memref<8x1000001xf32, #tpu.memory_space<hbm>> -> memref<8x128xf32, #tpu.memory_space<hbm>>
      tpu.enqueue_dma source(%dma_start3A_2503 : memref<8x128xf32, #tpu.memory_space<hbm>>) target(%dma_start3A_2501 : memref<8x128xf32, #tpu.memory_space<vmem>>) target_semaphore(%arg10 : memref<!tpu.dma_semaphore, #tpu.memory_space<semaphore_mem>>)
      %slice3A_2504 = vector.extract_strided_slice %min3A_2377 {offsets = [7], sizes = [1], strides = [1]} : vector<16xi32> to vector<1xi32>
      %squeeze3A_2505 = vector.extract %slice3A_2504[0] : i32 from vector<1xi32>
      %mul3A_2506 = arith.constant 128 : i32
      %mul3A_2507 = arith.muli %squeeze3A_2505, %mul3A_2506 : i32
      %multiple_of3A_2508 = tpu.assume_multiple %mul3A_2507, 128 : i32
      %dma_start3A_2509 = arith.constant 0 : i32
      %dma_start3A_2510 = arith.constant 0 : i32
      %dma_start3A_2511 = arith.constant 2944 : i32
      %dma_start3A_2512 = tpu.memref_slice %arg7[%dma_start3A_2509, %dma_start3A_2510, %dma_start3A_2511] : memref<2x8x4096xf32, #tpu.memory_space<vmem>> -> memref<1x8x128xf32, #tpu.memory_space<vmem>>
      %dma_start3A_2513 = tpu.memref_squeeze %dma_start3A_2512 : memref<1x8x128xf32, #tpu.memory_space<vmem>> -> memref<8x128xf32, #tpu.memory_space<vmem>>
      %dma_start3A_2514 = arith.constant 0 : i32
      %dma_start3A_2515 = tpu.memref_slice %arg3[%dma_start3A_2514, %multiple_of3A_2508] : memref<8x1000001xf32, #tpu.memory_space<hbm>> -> memref<8x128xf32, #tpu.memory_space<hbm>>
      %dma_start3A_2516 = arith.constant 0 : i32
      %dma_start3A_2517 = arith.constant 2944 : i32
      %dma_start3A_2518 = tpu.memref_slice %arg7[%dma_start3A_2509, %dma_start3A_2516, %dma_start3A_2517] : memref<2x8x4096xf32, #tpu.memory_space<vmem>> -> memref<1x8x128xf32, #tpu.memory_space<vmem>>
      %dma_start3A_2519 = tpu.memref_squeeze %dma_start3A_2518 : memref<1x8x128xf32, #tpu.memory_space<vmem>> -> memref<8x128xf32, #tpu.memory_space<vmem>>
      %dma_start3A_2520 = arith.constant 0 : i32
      %dma_start3A_2521 = tpu.memref_slice %arg3[%dma_start3A_2520, %multiple_of3A_2508] : memref<8x1000001xf32, #tpu.memory_space<hbm>> -> memref<8x128xf32, #tpu.memory_space<hbm>>
      tpu.enqueue_dma source(%dma_start3A_2521 : memref<8x128xf32, #tpu.memory_space<hbm>>) target(%dma_start3A_2519 : memref<8x128xf32, #tpu.memory_space<vmem>>) target_semaphore(%arg10 : memref<!tpu.dma_semaphore, #tpu.memory_space<semaphore_mem>>)
      %slice3A_2522 = vector.extract_strided_slice %min3A_2377 {offsets = [8], sizes = [1], strides = [1]} : vector<16xi32> to vector<1xi32>
      %squeeze3A_2523 = vector.extract %slice3A_2522[0] : i32 from vector<1xi32>
      %mul3A_2524 = arith.constant 128 : i32
      %mul3A_2525 = arith.muli %squeeze3A_2523, %mul3A_2524 : i32
      %multiple_of3A_2526 = tpu.assume_multiple %mul3A_2525, 128 : i32
      %dma_start3A_2527 = arith.constant 0 : i32
      %dma_start3A_2528 = arith.constant 0 : i32
      %dma_start3A_2529 = arith.constant 3072 : i32
      %dma_start3A_2530 = tpu.memref_slice %arg7[%dma_start3A_2527, %dma_start3A_2528, %dma_start3A_2529] : memref<2x8x4096xf32, #tpu.memory_space<vmem>> -> memref<1x8x128xf32, #tpu.memory_space<vmem>>
      %dma_start3A_2531 = tpu.memref_squeeze %dma_start3A_2530 : memref<1x8x128xf32, #tpu.memory_space<vmem>> -> memref<8x128xf32, #tpu.memory_space<vmem>>
      %dma_start3A_2532 = arith.constant 0 : i32
      %dma_start3A_2533 = tpu.memref_slice %arg3[%dma_start3A_2532, %multiple_of3A_2526] : memref<8x1000001xf32, #tpu.memory_space<hbm>> -> memref<8x128xf32, #tpu.memory_space<hbm>>
      %dma_start3A_2534 = arith.constant 0 : i32
      %dma_start3A_2535 = arith.constant 3072 : i32
      %dma_start3A_2536 = tpu.memref_slice %arg7[%dma_start3A_2527, %dma_start3A_2534, %dma_start3A_2535] : memref<2x8x4096xf32, #tpu.memory_space<vmem>> -> memref<1x8x128xf32, #tpu.memory_space<vmem>>
      %dma_start3A_2537 = tpu.memref_squeeze %dma_start3A_2536 : memref<1x8x128xf32, #tpu.memory_space<vmem>> -> memref<8x128xf32, #tpu.memory_space<vmem>>
      %dma_start3A_2538 = arith.constant 0 : i32
      %dma_start3A_2539 = tpu.memref_slice %arg3[%dma_start3A_2538, %multiple_of3A_2526] : memref<8x1000001xf32, #tpu.memory_space<hbm>> -> memref<8x128xf32, #tpu.memory_space<hbm>>
      tpu.enqueue_dma source(%dma_start3A_2539 : memref<8x128xf32, #tpu.memory_space<hbm>>) target(%dma_start3A_2537 : memref<8x128xf32, #tpu.memory_space<vmem>>) target_semaphore(%arg10 : memref<!tpu.dma_semaphore, #tpu.memory_space<semaphore_mem>>)
      %slice3A_2540 = vector.extract_strided_slice %min3A_2377 {offsets = [9], sizes = [1], strides = [1]} : vector<16xi32> to vector<1xi32>
      %squeeze3A_2541 = vector.extract %slice3A_2540[0] : i32 from vector<1xi32>
      %mul3A_2542 = arith.constant 128 : i32
      %mul3A_2543 = arith.muli %squeeze3A_2541, %mul3A_2542 : i32
      %multiple_of3A_2544 = tpu.assume_multiple %mul3A_2543, 128 : i32
      %dma_start3A_2545 = arith.constant 0 : i32
      %dma_start3A_2546 = arith.constant 0 : i32
      %dma_start3A_2547 = arith.constant 3200 : i32
      %dma_start3A_2548 = tpu.memref_slice %arg7[%dma_start3A_2545, %dma_start3A_2546, %dma_start3A_2547] : memref<2x8x4096xf32, #tpu.memory_space<vmem>> -> memref<1x8x128xf32, #tpu.memory_space<vmem>>
      %dma_start3A_2549 = tpu.memref_squeeze %dma_start3A_2548 : memref<1x8x128xf32, #tpu.memory_space<vmem>> -> memref<8x128xf32, #tpu.memory_space<vmem>>
      %dma_start3A_2550 = arith.constant 0 : i32
      %dma_start3A_2551 = tpu.memref_slice %arg3[%dma_start3A_2550, %multiple_of3A_2544] : memref<8x1000001xf32, #tpu.memory_space<hbm>> -> memref<8x128xf32, #tpu.memory_space<hbm>>
      %dma_start3A_2552 = arith.constant 0 : i32
      %dma_start3A_2553 = arith.constant 3200 : i32
      %dma_start3A_2554 = tpu.memref_slice %arg7[%dma_start3A_2545, %dma_start3A_2552, %dma_start3A_2553] : memref<2x8x4096xf32, #tpu.memory_space<vmem>> -> memref<1x8x128xf32, #tpu.memory_space<vmem>>
      %dma_start3A_2555 = tpu.memref_squeeze %dma_start3A_2554 : memref<1x8x128xf32, #tpu.memory_space<vmem>> -> memref<8x128xf32, #tpu.memory_space<vmem>>
      %dma_start3A_2556 = arith.constant 0 : i32
      %dma_start3A_2557 = tpu.memref_slice %arg3[%dma_start3A_2556, %multiple_of3A_2544] : memref<8x1000001xf32, #tpu.memory_space<hbm>> -> memref<8x128xf32, #tpu.memory_space<hbm>>
      tpu.enqueue_dma source(%dma_start3A_2557 : memref<8x128xf32, #tpu.memory_space<hbm>>) target(%dma_start3A_2555 : memref<8x128xf32, #tpu.memory_space<vmem>>) target_semaphore(%arg10 : memref<!tpu.dma_semaphore, #tpu.memory_space<semaphore_mem>>)
      %slice3A_2558 = vector.extract_strided_slice %min3A_2377 {offsets = [10], sizes = [1], strides = [1]} : vector<16xi32> to vector<1xi32>
      %squeeze3A_2559 = vector.extract %slice3A_2558[0] : i32 from vector<1xi32>
      %mul3A_2560 = arith.constant 128 : i32
      %mul3A_2561 = arith.muli %squeeze3A_2559, %mul3A_2560 : i32
      %multiple_of3A_2562 = tpu.assume_multiple %mul3A_2561, 128 : i32
      %dma_start3A_2563 = arith.constant 0 : i32
      %dma_start3A_2564 = arith.constant 0 : i32
      %dma_start3A_2565 = arith.constant 3328 : i32
      %dma_start3A_2566 = tpu.memref_slice %arg7[%dma_start3A_2563, %dma_start3A_2564, %dma_start3A_2565] : memref<2x8x4096xf32, #tpu.memory_space<vmem>> -> memref<1x8x128xf32, #tpu.memory_space<vmem>>
      %dma_start3A_2567 = tpu.memref_squeeze %dma_start3A_2566 : memref<1x8x128xf32, #tpu.memory_space<vmem>> -> memref<8x128xf32, #tpu.memory_space<vmem>>
      %dma_start3A_2568 = arith.constant 0 : i32
      %dma_start3A_2569 = tpu.memref_slice %arg3[%dma_start3A_2568, %multiple_of3A_2562] : memref<8x1000001xf32, #tpu.memory_space<hbm>> -> memref<8x128xf32, #tpu.memory_space<hbm>>
      %dma_start3A_2570 = arith.constant 0 : i32
      %dma_start3A_2571 = arith.constant 3328 : i32
      %dma_start3A_2572 = tpu.memref_slice %arg7[%dma_start3A_2563, %dma_start3A_2570, %dma_start3A_2571] : memref<2x8x4096xf32, #tpu.memory_space<vmem>> -> memref<1x8x128xf32, #tpu.memory_space<vmem>>
      %dma_start3A_2573 = tpu.memref_squeeze %dma_start3A_2572 : memref<1x8x128xf32, #tpu.memory_space<vmem>> -> memref<8x128xf32, #tpu.memory_space<vmem>>
      %dma_start3A_2574 = arith.constant 0 : i32
      %dma_start3A_2575 = tpu.memref_slice %arg3[%dma_start3A_2574, %multiple_of3A_2562] : memref<8x1000001xf32, #tpu.memory_space<hbm>> -> memref<8x128xf32, #tpu.memory_space<hbm>>
      tpu.enqueue_dma source(%dma_start3A_2575 : memref<8x128xf32, #tpu.memory_space<hbm>>) target(%dma_start3A_2573 : memref<8x128xf32, #tpu.memory_space<vmem>>) target_semaphore(%arg10 : memref<!tpu.dma_semaphore, #tpu.memory_space<semaphore_mem>>)
      %slice3A_2576 = vector.extract_strided_slice %min3A_2377 {offsets = [11], sizes = [1], strides = [1]} : vector<16xi32> to vector<1xi32>
      %squeeze3A_2577 = vector.extract %slice3A_2576[0] : i32 from vector<1xi32>
      %mul3A_2578 = arith.constant 128 : i32
      %mul3A_2579 = arith.muli %squeeze3A_2577, %mul3A_2578 : i32
      %multiple_of3A_2580 = tpu.assume_multiple %mul3A_2579, 128 : i32
      %dma_start3A_2581 = arith.constant 0 : i32
      %dma_start3A_2582 = arith.constant 0 : i32
      %dma_start3A_2583 = arith.constant 3456 : i32
      %dma_start3A_2584 = tpu.memref_slice %arg7[%dma_start3A_2581, %dma_start3A_2582, %dma_start3A_2583] : memref<2x8x4096xf32, #tpu.memory_space<vmem>> -> memref<1x8x128xf32, #tpu.memory_space<vmem>>
      %dma_start3A_2585 = tpu.memref_squeeze %dma_start3A_2584 : memref<1x8x128xf32, #tpu.memory_space<vmem>> -> memref<8x128xf32, #tpu.memory_space<vmem>>
      %dma_start3A_2586 = arith.constant 0 : i32
      %dma_start3A_2587 = tpu.memref_slice %arg3[%dma_start3A_2586, %multiple_of3A_2580] : memref<8x1000001xf32, #tpu.memory_space<hbm>> -> memref<8x128xf32, #tpu.memory_space<hbm>>
      %dma_start3A_2588 = arith.constant 0 : i32
      %dma_start3A_2589 = arith.constant 3456 : i32
      %dma_start3A_2590 = tpu.memref_slice %arg7[%dma_start3A_2581, %dma_start3A_2588, %dma_start3A_2589] : memref<2x8x4096xf32, #tpu.memory_space<vmem>> -> memref<1x8x128xf32, #tpu.memory_space<vmem>>
      %dma_start3A_2591 = tpu.memref_squeeze %dma_start3A_2590 : memref<1x8x128xf32, #tpu.memory_space<vmem>> -> memref<8x128xf32, #tpu.memory_space<vmem>>
      %dma_start3A_2592 = arith.constant 0 : i32
      %dma_start3A_2593 = tpu.memref_slice %arg3[%dma_start3A_2592, %multiple_of3A_2580] : memref<8x1000001xf32, #tpu.memory_space<hbm>> -> memref<8x128xf32, #tpu.memory_space<hbm>>
      tpu.enqueue_dma source(%dma_start3A_2593 : memref<8x128xf32, #tpu.memory_space<hbm>>) target(%dma_start3A_2591 : memref<8x128xf32, #tpu.memory_space<vmem>>) target_semaphore(%arg10 : memref<!tpu.dma_semaphore, #tpu.memory_space<semaphore_mem>>)
      %slice3A_2594 = vector.extract_strided_slice %min3A_2377 {offsets = [12], sizes = [1], strides = [1]} : vector<16xi32> to vector<1xi32>
      %squeeze3A_2595 = vector.extract %slice3A_2594[0] : i32 from vector<1xi32>
      %mul3A_2596 = arith.constant 128 : i32
      %mul3A_2597 = arith.muli %squeeze3A_2595, %mul3A_2596 : i32
      %multiple_of3A_2598 = tpu.assume_multiple %mul3A_2597, 128 : i32
      %dma_start3A_2599 = arith.constant 0 : i32
      %dma_start3A_2600 = arith.constant 0 : i32
      %dma_start3A_2601 = arith.constant 3584 : i32
      %dma_start3A_2602 = tpu.memref_slice %arg7[%dma_start3A_2599, %dma_start3A_2600, %dma_start3A_2601] : memref<2x8x4096xf32, #tpu.memory_space<vmem>> -> memref<1x8x128xf32, #tpu.memory_space<vmem>>
      %dma_start3A_2603 = tpu.memref_squeeze %dma_start3A_2602 : memref<1x8x128xf32, #tpu.memory_space<vmem>> -> memref<8x128xf32, #tpu.memory_space<vmem>>
      %dma_start3A_2604 = arith.constant 0 : i32
      %dma_start3A_2605 = tpu.memref_slice %arg3[%dma_start3A_2604, %multiple_of3A_2598] : memref<8x1000001xf32, #tpu.memory_space<hbm>> -> memref<8x128xf32, #tpu.memory_space<hbm>>
      %dma_start3A_2606 = arith.constant 0 : i32
      %dma_start3A_2607 = arith.constant 3584 : i32
      %dma_start3A_2608 = tpu.memref_slice %arg7[%dma_start3A_2599, %dma_start3A_2606, %dma_start3A_2607] : memref<2x8x4096xf32, #tpu.memory_space<vmem>> -> memref<1x8x128xf32, #tpu.memory_space<vmem>>
      %dma_start3A_2609 = tpu.memref_squeeze %dma_start3A_2608 : memref<1x8x128xf32, #tpu.memory_space<vmem>> -> memref<8x128xf32, #tpu.memory_space<vmem>>
      %dma_start3A_2610 = arith.constant 0 : i32
      %dma_start3A_2611 = tpu.memref_slice %arg3[%dma_start3A_2610, %multiple_of3A_2598] : memref<8x1000001xf32, #tpu.memory_space<hbm>> -> memref<8x128xf32, #tpu.memory_space<hbm>>
      tpu.enqueue_dma source(%dma_start3A_2611 : memref<8x128xf32, #tpu.memory_space<hbm>>) target(%dma_start3A_2609 : memref<8x128xf32, #tpu.memory_space<vmem>>) target_semaphore(%arg10 : memref<!tpu.dma_semaphore, #tpu.memory_space<semaphore_mem>>)
      %slice3A_2612 = vector.extract_strided_slice %min3A_2377 {offsets = [13], sizes = [1], strides = [1]} : vector<16xi32> to vector<1xi32>
      %squeeze3A_2613 = vector.extract %slice3A_2612[0] : i32 from vector<1xi32>
      %mul3A_2614 = arith.constant 128 : i32
      %mul3A_2615 = arith.muli %squeeze3A_2613, %mul3A_2614 : i32
      %multiple_of3A_2616 = tpu.assume_multiple %mul3A_2615, 128 : i32
      %dma_start3A_2617 = arith.constant 0 : i32
      %dma_start3A_2618 = arith.constant 0 : i32
      %dma_start3A_2619 = arith.constant 3712 : i32
      %dma_start3A_2620 = tpu.memref_slice %arg7[%dma_start3A_2617, %dma_start3A_2618, %dma_start3A_2619] : memref<2x8x4096xf32, #tpu.memory_space<vmem>> -> memref<1x8x128xf32, #tpu.memory_space<vmem>>
      %dma_start3A_2621 = tpu.memref_squeeze %dma_start3A_2620 : memref<1x8x128xf32, #tpu.memory_space<vmem>> -> memref<8x128xf32, #tpu.memory_space<vmem>>
      %dma_start3A_2622 = arith.constant 0 : i32
      %dma_start3A_2623 = tpu.memref_slice %arg3[%dma_start3A_2622, %multiple_of3A_2616] : memref<8x1000001xf32, #tpu.memory_space<hbm>> -> memref<8x128xf32, #tpu.memory_space<hbm>>
      %dma_start3A_2624 = arith.constant 0 : i32
      %dma_start3A_2625 = arith.constant 3712 : i32
      %dma_start3A_2626 = tpu.memref_slice %arg7[%dma_start3A_2617, %dma_start3A_2624, %dma_start3A_2625] : memref<2x8x4096xf32, #tpu.memory_space<vmem>> -> memref<1x8x128xf32, #tpu.memory_space<vmem>>
      %dma_start3A_2627 = tpu.memref_squeeze %dma_start3A_2626 : memref<1x8x128xf32, #tpu.memory_space<vmem>> -> memref<8x128xf32, #tpu.memory_space<vmem>>
      %dma_start3A_2628 = arith.constant 0 : i32
      %dma_start3A_2629 = tpu.memref_slice %arg3[%dma_start3A_2628, %multiple_of3A_2616] : memref<8x1000001xf32, #tpu.memory_space<hbm>> -> memref<8x128xf32, #tpu.memory_space<hbm>>
      tpu.enqueue_dma source(%dma_start3A_2629 : memref<8x128xf32, #tpu.memory_space<hbm>>) target(%dma_start3A_2627 : memref<8x128xf32, #tpu.memory_space<vmem>>) target_semaphore(%arg10 : memref<!tpu.dma_semaphore, #tpu.memory_space<semaphore_mem>>)
      %slice3A_2630 = vector.extract_strided_slice %min3A_2377 {offsets = [14], sizes = [1], strides = [1]} : vector<16xi32> to vector<1xi32>
      %squeeze3A_2631 = vector.extract %slice3A_2630[0] : i32 from vector<1xi32>
      %mul3A_2632 = arith.constant 128 : i32
      %mul3A_2633 = arith.muli %squeeze3A_2631, %mul3A_2632 : i32
      %multiple_of3A_2634 = tpu.assume_multiple %mul3A_2633, 128 : i32
      %dma_start3A_2635 = arith.constant 0 : i32
      %dma_start3A_2636 = arith.constant 0 : i32
      %dma_start3A_2637 = arith.constant 3840 : i32
      %dma_start3A_2638 = tpu.memref_slice %arg7[%dma_start3A_2635, %dma_start3A_2636, %dma_start3A_2637] : memref<2x8x4096xf32, #tpu.memory_space<vmem>> -> memref<1x8x128xf32, #tpu.memory_space<vmem>>
      %dma_start3A_2639 = tpu.memref_squeeze %dma_start3A_2638 : memref<1x8x128xf32, #tpu.memory_space<vmem>> -> memref<8x128xf32, #tpu.memory_space<vmem>>
      %dma_start3A_2640 = arith.constant 0 : i32
      %dma_start3A_2641 = tpu.memref_slice %arg3[%dma_start3A_2640, %multiple_of3A_2634] : memref<8x1000001xf32, #tpu.memory_space<hbm>> -> memref<8x128xf32, #tpu.memory_space<hbm>>
      %dma_start3A_2642 = arith.constant 0 : i32
      %dma_start3A_2643 = arith.constant 3840 : i32
      %dma_start3A_2644 = tpu.memref_slice %arg7[%dma_start3A_2635, %dma_start3A_2642, %dma_start3A_2643] : memref<2x8x4096xf32, #tpu.memory_space<vmem>> -> memref<1x8x128xf32, #tpu.memory_space<vmem>>
      %dma_start3A_2645 = tpu.memref_squeeze %dma_start3A_2644 : memref<1x8x128xf32, #tpu.memory_space<vmem>> -> memref<8x128xf32, #tpu.memory_space<vmem>>
      %dma_start3A_2646 = arith.constant 0 : i32
      %dma_start3A_2647 = tpu.memref_slice %arg3[%dma_start3A_2646, %multiple_of3A_2634] : memref<8x1000001xf32, #tpu.memory_space<hbm>> -> memref<8x128xf32, #tpu.memory_space<hbm>>
      tpu.enqueue_dma source(%dma_start3A_2647 : memref<8x128xf32, #tpu.memory_space<hbm>>) target(%dma_start3A_2645 : memref<8x128xf32, #tpu.memory_space<vmem>>) target_semaphore(%arg10 : memref<!tpu.dma_semaphore, #tpu.memory_space<semaphore_mem>>)
      %slice3A_2648 = vector.extract_strided_slice %min3A_2377 {offsets = [15], sizes = [1], strides = [1]} : vector<16xi32> to vector<1xi32>
      %squeeze3A_2649 = vector.extract %slice3A_2648[0] : i32 from vector<1xi32>
      %mul3A_2650 = arith.constant 128 : i32
      %mul3A_2651 = arith.muli %squeeze3A_2649, %mul3A_2650 : i32
      %multiple_of3A_2652 = tpu.assume_multiple %mul3A_2651, 128 : i32
      %dma_start3A_2653 = arith.constant 0 : i32
      %dma_start3A_2654 = arith.constant 0 : i32
      %dma_start3A_2655 = arith.constant 3968 : i32
      %dma_start3A_2656 = tpu.memref_slice %arg7[%dma_start3A_2653, %dma_start3A_2654, %dma_start3A_2655] : memref<2x8x4096xf32, #tpu.memory_space<vmem>> -> memref<1x8x128xf32, #tpu.memory_space<vmem>>
      %dma_start3A_2657 = tpu.memref_squeeze %dma_start3A_2656 : memref<1x8x128xf32, #tpu.memory_space<vmem>> -> memref<8x128xf32, #tpu.memory_space<vmem>>
      %dma_start3A_2658 = arith.constant 0 : i32
      %dma_start3A_2659 = tpu.memref_slice %arg3[%dma_start3A_2658, %multiple_of3A_2652] : memref<8x1000001xf32, #tpu.memory_space<hbm>> -> memref<8x128xf32, #tpu.memory_space<hbm>>
      %dma_start3A_2660 = arith.constant 0 : i32
      %dma_start3A_2661 = arith.constant 3968 : i32
      %dma_start3A_2662 = tpu.memref_slice %arg7[%dma_start3A_2653, %dma_start3A_2660, %dma_start3A_2661] : memref<2x8x4096xf32, #tpu.memory_space<vmem>> -> memref<1x8x128xf32, #tpu.memory_space<vmem>>
      %dma_start3A_2663 = tpu.memref_squeeze %dma_start3A_2662 : memref<1x8x128xf32, #tpu.memory_space<vmem>> -> memref<8x128xf32, #tpu.memory_space<vmem>>
      %dma_start3A_2664 = arith.constant 0 : i32
      %dma_start3A_2665 = tpu.memref_slice %arg3[%dma_start3A_2664, %multiple_of3A_2652] : memref<8x1000001xf32, #tpu.memory_space<hbm>> -> memref<8x128xf32, #tpu.memory_space<hbm>>
      tpu.enqueue_dma source(%dma_start3A_2665 : memref<8x128xf32, #tpu.memory_space<hbm>>) target(%dma_start3A_2663 : memref<8x128xf32, #tpu.memory_space<vmem>>) target_semaphore(%arg10 : memref<!tpu.dma_semaphore, #tpu.memory_space<semaphore_mem>>)
      %dma_wait3A_2666 = arith.constant 0 : i32
      %dma_wait3A_2667 = arith.constant 0 : i32
      %dma_wait3A_2668 = arith.constant 0 : i32
      %dma_wait3A_2669 = tpu.memref_slice %arg7[%dma_wait3A_2666, %dma_wait3A_2667, %dma_wait3A_2668] : memref<2x8x4096xf32, #tpu.memory_space<vmem>> -> memref<1x8x4096xf32, #tpu.memory_space<vmem>>
      %dma_wait3A_2670 = tpu.memref_squeeze %dma_wait3A_2669 : memref<1x8x4096xf32, #tpu.memory_space<vmem>> -> memref<8x4096xf32, #tpu.memory_space<vmem>>
      %dma_wait3A_2671 = arith.constant 0 : i32
      %dma_wait3A_2672 = arith.constant 0 : i32
      %dma_wait3A_2673 = tpu.memref_slice %arg3[%dma_wait3A_2671, %dma_wait3A_2672] : memref<8x1000001xf32, #tpu.memory_space<hbm>> -> memref<8x4096xf32, #tpu.memory_space<hbm>>
      %dma_wait3A_2674 = arith.constant 0 : i32
      %dma_wait3A_2675 = arith.constant 0 : i32
      %dma_wait3A_2676 = tpu.memref_slice %arg7[%dma_wait3A_2666, %dma_wait3A_2674, %dma_wait3A_2675] : memref<2x8x4096xf32, #tpu.memory_space<vmem>> -> memref<1x8x4096xf32, #tpu.memory_space<vmem>>
      %dma_wait3A_2677 = tpu.memref_squeeze %dma_wait3A_2676 : memref<1x8x4096xf32, #tpu.memory_space<vmem>> -> memref<8x4096xf32, #tpu.memory_space<vmem>>
      %dma_wait3A_2678 = arith.constant 0 : i32
      %dma_wait3A_2679 = arith.constant 0 : i32
      %dma_wait3A_2680 = tpu.memref_slice %arg3[%dma_wait3A_2678, %dma_wait3A_2679] : memref<8x1000001xf32, #tpu.memory_space<hbm>> -> memref<8x4096xf32, #tpu.memory_space<hbm>>
      tpu.wait_dma2 semaphore(%arg11 : memref<!tpu.dma_semaphore, #tpu.memory_space<semaphore_mem>>) src(%dma_wait3A_2680 : memref<8x4096xf32, #tpu.memory_space<hbm>>) dst(%dma_wait3A_2677 : memref<8x4096xf32, #tpu.memory_space<vmem>>)
      %add3A_2681 = arith.constant 1 : i32
      %add3A_2682 = arith.addi %mul3A_1621, %add3A_2681 : i32
      %jit3A_2683 = arith.constant 4 : i32
      %div3A_2684 = arith.divsi %add3A_2682, %jit3A_2683 : i32
      %sign3A_2685 = arith.constant 0 : i32
      %sign3A_2686 = arith.cmpi sgt, %add3A_2682, %sign3A_2685 : i32
      %sign3A_2687 = arith.extui %sign3A_2686 : i1 to i32
      %sign3A_2688 = arith.constant 0 : i32
      %sign3A_2689 = arith.cmpi slt, %add3A_2682, %sign3A_2688 : i32
      %sign3A_2690 = arith.extui %sign3A_2689 : i1 to i32
      %sign3A_2691 = arith.subi %sign3A_2687, %sign3A_2690 : i32
      %sign3A_2692 = arith.constant 0 : i32
      %sign3A_2693 = arith.cmpi sgt, %jit3A_2683, %sign3A_2692 : i32
      %sign3A_2694 = arith.extui %sign3A_2693 : i1 to i32
      %sign3A_2695 = arith.constant 0 : i32
      %sign3A_2696 = arith.cmpi slt, %jit3A_2683, %sign3A_2695 : i32
      %sign3A_2697 = arith.extui %sign3A_2696 : i1 to i32
      %sign3A_2698 = arith.subi %sign3A_2694, %sign3A_2697 : i32
      %ne3A_2699 = arith.cmpi ne, %sign3A_2691, %sign3A_2698 : i32
      %rem3A_2700 = arith.remsi %add3A_2682, %jit3A_2683 : i32
      %ne3A_2701 = arith.constant 0 : i32
      %ne3A_2702 = arith.cmpi ne, %rem3A_2700, %ne3A_2701 : i32
      %and3A_2703 = arith.andi %ne3A_2699, %ne3A_2702 : i1
      %sub3A_2704 = arith.constant 1 : i32
      %sub3A_2705 = arith.subi %div3A_2684, %sub3A_2704 : i32
      %select_n3A_2706 = arith.select %and3A_2703, %sub3A_2705, %div3A_2684 : i32
      %jit3A_2707 = arith.constant 4 : i32
      %eq3A_2708 = arith.constant 0 : i32
      %eq3A_2709 = arith.cmpi eq, %jit3A_2707, %eq3A_2708 : i32
      %jit3A_2710 = arith.constant 1 : i32
      %select_n3A_2711 = arith.select %eq3A_2709, %jit3A_2710, %jit3A_2707 : i32
      %rem3A_2712 = arith.remsi %add3A_2682, %select_n3A_2711 : i32
      %ne3A_2713 = arith.constant 0 : i32
      %ne3A_2714 = arith.cmpi ne, %rem3A_2712, %ne3A_2713 : i32
      %lt3A_2715 = arith.constant 0 : i32
      %lt3A_2716 = arith.cmpi slt, %rem3A_2712, %lt3A_2715 : i32
      %lt3A_2717 = arith.constant 0 : i32
      %lt3A_2718 = arith.cmpi slt, %select_n3A_2711, %lt3A_2717 : i32
      %ne3A_2719 = arith.xori %lt3A_2716, %lt3A_2718 : i1
      %and3A_2720 = arith.andi %ne3A_2719, %ne3A_2714 : i1
      %add3A_2721 = arith.addi %rem3A_2712, %select_n3A_2711 : i32
      %select_n3A_2722 = arith.select %and3A_2720, %add3A_2721, %rem3A_2712 : i32
      %mul3A_2723 = arith.constant 32 : i32
      %mul3A_2724 = arith.muli %select_n3A_2722, %mul3A_2723 : i32
      %add3A_2725 = arith.constant 0 : i32
      %add3A_2726 = arith.addi %mul3A_2724, %add3A_2725 : i32
      %get3A_2727 = arith.index_cast %select_n3A_2706 : i32 to index
      %get3A_2728 = arith.index_cast %add3A_2726 : i32 to index
      %get3A_2729 = tpu.vector_load %arg6[%get3A_2727, %get3A_2728] {strides = array<i32>} : memref<4x128xi32, #tpu.memory_space<vmem>>, vector<16xi32>,
      %and3A_2730 = arith.constant 127 : i32
      %and3A_2731 = vector.broadcast %and3A_2730 : i32 to vector<16xi32>
      %and3A_2732 = arith.andi %get3A_2729, %and3A_2731 : vector<16xi32>
      %iota3A_2733 = tpu.iota {dimensions = array<i32: 0>} : vector<16xi32>
      %add3A_2734 = arith.constant 0 : i32
      %add3A_2735 = vector.broadcast %add3A_2734 : i32 to vector<16xi32>
      %add3A_2736 = arith.addi %iota3A_2733, %add3A_2735 : vector<16xi32>
      %mul3A_2737 = arith.constant 128 : i32
      %mul3A_2738 = vector.broadcast %mul3A_2737 : i32 to vector<16xi32>
      %mul3A_2739 = arith.muli %add3A_2736, %mul3A_2738 : vector<16xi32>
      %add3A_2740 = arith.addi %mul3A_2739, %and3A_2732 : vector<16xi32>
      %ge3A_2741 = arith.constant 999936 : i32
      %ge3A_2742 = vector.broadcast %ge3A_2741 : i32 to vector<16xi32>
      %ge3A_2743 = arith.cmpi sge, %get3A_2729, %ge3A_2742 : vector<16xi32>
      %sub3A_2744 = arith.constant 999936 : i32
      %sub3A_2745 = vector.broadcast %sub3A_2744 : i32 to vector<16xi32>
      %sub3A_2746 = arith.subi %get3A_2729, %sub3A_2745 : vector<16xi32>
      %max3A_2747 = arith.constant 0 : i32
      %max3A_2748 = vector.broadcast %max3A_2747 : i32 to vector<16xi32>
      %max3A_2749 = arith.maxsi %sub3A_2746, %max3A_2748 : vector<16xi32>
      %min3A_2750 = arith.constant 127 : i32
      %min3A_2751 = vector.broadcast %min3A_2750 : i32 to vector<16xi32>
      %min3A_2752 = arith.minsi %max3A_2749, %min3A_2751 : vector<16xi32>
      %broadcast_in_dim3A_2753 = arith.constant 1 : i32
      %broadcast_in_dim3A_2754 = vector.broadcast %broadcast_in_dim3A_2753 : i32 to vector<16xi32>
      %broadcast_in_dim3A_2755 = arith.constant 0 : i32
      %broadcast_in_dim3A_2756 = vector.broadcast %broadcast_in_dim3A_2755 : i32 to vector<16xi32>
      %gather3A_2757 = tpu.vector_load_idx %arg7[%broadcast_in_dim3A_2754, %broadcast_in_dim3A_2756, %add3A_2740] : memref<2x8x4096xf32, #tpu.memory_space<vmem>>[vector<16xi32>, vector<16xi32>, vector<16xi32>], vector<16xf32>,
      %gather3A_2758 = tpu.vector_load_idx %arg9[%broadcast_in_dim3A_2756, %min3A_2752] : memref<8x128xf32, #tpu.memory_space<vmem>>[vector<16xi32>, vector<16xi32>], vector<16xf32>,
      %select_n3A_2759 = arith.select %ge3A_2743, %gather3A_2758, %gather3A_2757 : vector<16xi1>, vector<16xf32>
      %mul3A_2760 = arith.constant 32 : i32
      %mul3A_2761 = arith.muli %add3A_2682, %mul3A_2760 : i32
      %add3A_2762 = arith.constant 0 : i32
      %add3A_2763 = arith.addi %mul3A_2761, %add3A_2762 : i32
      %swap3A_2764 = arith.constant 0 : i32
      %swap3A_2765 = arith.index_cast %swap3A_2764 : i32 to index
      %swap3A_2766 = arith.index_cast %add3A_2763 : i32 to index
      %swap3A_2767 = tpu.vector_load %arg8[%swap3A_2765, %swap3A_2766] {strides = array<i32>} : memref<8x512xf32, #tpu.memory_space<vmem>>, vector<16xf32>,
      tpu.vector_store %arg8[%swap3A_2765, %swap3A_2766], %select_n3A_2759 {strides = array<i32>} : memref<8x512xf32, #tpu.memory_space<vmem>>, vector<16xf32>,
      %broadcast_in_dim3A_2768 = arith.constant 1 : i32
      %broadcast_in_dim3A_2769 = vector.broadcast %broadcast_in_dim3A_2768 : i32 to vector<16xi32>
      %gather3A_2770 = tpu.vector_load_idx %arg7[%broadcast_in_dim3A_2754, %broadcast_in_dim3A_2769, %add3A_2740] : memref<2x8x4096xf32, #tpu.memory_space<vmem>>[vector<16xi32>, vector<16xi32>, vector<16xi32>], vector<16xf32>,
      %gather3A_2771 = tpu.vector_load_idx %arg9[%broadcast_in_dim3A_2769, %min3A_2752] : memref<8x128xf32, #tpu.memory_space<vmem>>[vector<16xi32>, vector<16xi32>], vector<16xf32>,
      %select_n3A_2772 = arith.select %ge3A_2743, %gather3A_2771, %gather3A_2770 : vector<16xi1>, vector<16xf32>
      %mul3A_2773 = arith.constant 32 : i32
      %mul3A_2774 = arith.muli %add3A_2682, %mul3A_2773 : i32
      %add3A_2775 = arith.constant 0 : i32
      %add3A_2776 = arith.addi %mul3A_2774, %add3A_2775 : i32
      %swap3A_2777 = arith.constant 1 : i32
      %swap3A_2778 = arith.index_cast %swap3A_2777 : i32 to index
      %swap3A_2779 = arith.index_cast %add3A_2776 : i32 to index
      %swap3A_2780 = tpu.vector_load %arg8[%swap3A_2778, %swap3A_2779] {strides = array<i32>} : memref<8x512xf32, #tpu.memory_space<vmem>>, vector<16xf32>,
      tpu.vector_store %arg8[%swap3A_2778, %swap3A_2779], %select_n3A_2772 {strides = array<i32>} : memref<8x512xf32, #tpu.memory_space<vmem>>, vector<16xf32>,
      %broadcast_in_dim3A_2781 = arith.constant 2 : i32
      %broadcast_in_dim3A_2782 = vector.broadcast %broadcast_in_dim3A_2781 : i32 to vector<16xi32>
      %gather3A_2783 = tpu.vector_load_idx %arg7[%broadcast_in_dim3A_2754, %broadcast_in_dim3A_2782, %add3A_2740] : memref<2x8x4096xf32, #tpu.memory_space<vmem>>[vector<16xi32>, vector<16xi32>, vector<16xi32>], vector<16xf32>,
      %gather3A_2784 = tpu.vector_load_idx %arg9[%broadcast_in_dim3A_2782, %min3A_2752] : memref<8x128xf32, #tpu.memory_space<vmem>>[vector<16xi32>, vector<16xi32>], vector<16xf32>,
      %select_n3A_2785 = arith.select %ge3A_2743, %gather3A_2784, %gather3A_2783 : vector<16xi1>, vector<16xf32>
      %mul3A_2786 = arith.constant 32 : i32
      %mul3A_2787 = arith.muli %add3A_2682, %mul3A_2786 : i32
      %add3A_2788 = arith.constant 0 : i32
      %add3A_2789 = arith.addi %mul3A_2787, %add3A_2788 : i32
      %swap3A_2790 = arith.constant 2 : i32
      %swap3A_2791 = arith.index_cast %swap3A_2790 : i32 to index
      %swap3A_2792 = arith.index_cast %add3A_2789 : i32 to index
      %swap3A_2793 = tpu.vector_load %arg8[%swap3A_2791, %swap3A_2792] {strides = array<i32>} : memref<8x512xf32, #tpu.memory_space<vmem>>, vector<16xf32>,
      tpu.vector_store %arg8[%swap3A_2791, %swap3A_2792], %select_n3A_2785 {strides = array<i32>} : memref<8x512xf32, #tpu.memory_space<vmem>>, vector<16xf32>,
      %broadcast_in_dim3A_2794 = arith.constant 3 : i32
      %broadcast_in_dim3A_2795 = vector.broadcast %broadcast_in_dim3A_2794 : i32 to vector<16xi32>
      %gather3A_2796 = tpu.vector_load_idx %arg7[%broadcast_in_dim3A_2754, %broadcast_in_dim3A_2795, %add3A_2740] : memref<2x8x4096xf32, #tpu.memory_space<vmem>>[vector<16xi32>, vector<16xi32>, vector<16xi32>], vector<16xf32>,
      %gather3A_2797 = tpu.vector_load_idx %arg9[%broadcast_in_dim3A_2795, %min3A_2752] : memref<8x128xf32, #tpu.memory_space<vmem>>[vector<16xi32>, vector<16xi32>], vector<16xf32>,
      %select_n3A_2798 = arith.select %ge3A_2743, %gather3A_2797, %gather3A_2796 : vector<16xi1>, vector<16xf32>
      %mul3A_2799 = arith.constant 32 : i32
      %mul3A_2800 = arith.muli %add3A_2682, %mul3A_2799 : i32
      %add3A_2801 = arith.constant 0 : i32
      %add3A_2802 = arith.addi %mul3A_2800, %add3A_2801 : i32
      %swap3A_2803 = arith.constant 3 : i32
      %swap3A_2804 = arith.index_cast %swap3A_2803 : i32 to index
      %swap3A_2805 = arith.index_cast %add3A_2802 : i32 to index
      %swap3A_2806 = tpu.vector_load %arg8[%swap3A_2804, %swap3A_2805] {strides = array<i32>} : memref<8x512xf32, #tpu.memory_space<vmem>>, vector<16xf32>,
      tpu.vector_store %arg8[%swap3A_2804, %swap3A_2805], %select_n3A_2798 {strides = array<i32>} : memref<8x512xf32, #tpu.memory_space<vmem>>, vector<16xf32>,
      %broadcast_in_dim3A_2807 = arith.constant 4 : i32
      %broadcast_in_dim3A_2808 = vector.broadcast %broadcast_in_dim3A_2807 : i32 to vector<16xi32>
      %gather3A_2809 = tpu.vector_load_idx %arg7[%broadcast_in_dim3A_2754, %broadcast_in_dim3A_2808, %add3A_2740] : memref<2x8x4096xf32, #tpu.memory_space<vmem>>[vector<16xi32>, vector<16xi32>, vector<16xi32>], vector<16xf32>,
      %gather3A_2810 = tpu.vector_load_idx %arg9[%broadcast_in_dim3A_2808, %min3A_2752] : memref<8x128xf32, #tpu.memory_space<vmem>>[vector<16xi32>, vector<16xi32>], vector<16xf32>,
      %select_n3A_2811 = arith.select %ge3A_2743, %gather3A_2810, %gather3A_2809 : vector<16xi1>, vector<16xf32>
      %mul3A_2812 = arith.constant 32 : i32
      %mul3A_2813 = arith.muli %add3A_2682, %mul3A_2812 : i32
      %add3A_2814 = arith.constant 0 : i32
      %add3A_2815 = arith.addi %mul3A_2813, %add3A_2814 : i32
      %swap3A_2816 = arith.constant 4 : i32
      %swap3A_2817 = arith.index_cast %swap3A_2816 : i32 to index
      %swap3A_2818 = arith.index_cast %add3A_2815 : i32 to index
      %swap3A_2819 = tpu.vector_load %arg8[%swap3A_2817, %swap3A_2818] {strides = array<i32>} : memref<8x512xf32, #tpu.memory_space<vmem>>, vector<16xf32>,
      tpu.vector_store %arg8[%swap3A_2817, %swap3A_2818], %select_n3A_2811 {strides = array<i32>} : memref<8x512xf32, #tpu.memory_space<vmem>>, vector<16xf32>,
      %broadcast_in_dim3A_2820 = arith.constant 5 : i32
      %broadcast_in_dim3A_2821 = vector.broadcast %broadcast_in_dim3A_2820 : i32 to vector<16xi32>
      %gather3A_2822 = tpu.vector_load_idx %arg7[%broadcast_in_dim3A_2754, %broadcast_in_dim3A_2821, %add3A_2740] : memref<2x8x4096xf32, #tpu.memory_space<vmem>>[vector<16xi32>, vector<16xi32>, vector<16xi32>], vector<16xf32>,
      %gather3A_2823 = tpu.vector_load_idx %arg9[%broadcast_in_dim3A_2821, %min3A_2752] : memref<8x128xf32, #tpu.memory_space<vmem>>[vector<16xi32>, vector<16xi32>], vector<16xf32>,
      %select_n3A_2824 = arith.select %ge3A_2743, %gather3A_2823, %gather3A_2822 : vector<16xi1>, vector<16xf32>
      %mul3A_2825 = arith.constant 32 : i32
      %mul3A_2826 = arith.muli %add3A_2682, %mul3A_2825 : i32
      %add3A_2827 = arith.constant 0 : i32
      %add3A_2828 = arith.addi %mul3A_2826, %add3A_2827 : i32
      %swap3A_2829 = arith.constant 5 : i32
      %swap3A_2830 = arith.index_cast %swap3A_2829 : i32 to index
      %swap3A_2831 = arith.index_cast %add3A_2828 : i32 to index
      %swap3A_2832 = tpu.vector_load %arg8[%swap3A_2830, %swap3A_2831] {strides = array<i32>} : memref<8x512xf32, #tpu.memory_space<vmem>>, vector<16xf32>,
      tpu.vector_store %arg8[%swap3A_2830, %swap3A_2831], %select_n3A_2824 {strides = array<i32>} : memref<8x512xf32, #tpu.memory_space<vmem>>, vector<16xf32>,
      %broadcast_in_dim3A_2833 = arith.constant 6 : i32
      %broadcast_in_dim3A_2834 = vector.broadcast %broadcast_in_dim3A_2833 : i32 to vector<16xi32>
      %gather3A_2835 = tpu.vector_load_idx %arg7[%broadcast_in_dim3A_2754, %broadcast_in_dim3A_2834, %add3A_2740] : memref<2x8x4096xf32, #tpu.memory_space<vmem>>[vector<16xi32>, vector<16xi32>, vector<16xi32>], vector<16xf32>,
      %gather3A_2836 = tpu.vector_load_idx %arg9[%broadcast_in_dim3A_2834, %min3A_2752] : memref<8x128xf32, #tpu.memory_space<vmem>>[vector<16xi32>, vector<16xi32>], vector<16xf32>,
      %select_n3A_2837 = arith.select %ge3A_2743, %gather3A_2836, %gather3A_2835 : vector<16xi1>, vector<16xf32>
      %mul3A_2838 = arith.constant 32 : i32
      %mul3A_2839 = arith.muli %add3A_2682, %mul3A_2838 : i32
      %add3A_2840 = arith.constant 0 : i32
      %add3A_2841 = arith.addi %mul3A_2839, %add3A_2840 : i32
      %swap3A_2842 = arith.constant 6 : i32
      %swap3A_2843 = arith.index_cast %swap3A_2842 : i32 to index
      %swap3A_2844 = arith.index_cast %add3A_2841 : i32 to index
      %swap3A_2845 = tpu.vector_load %arg8[%swap3A_2843, %swap3A_2844] {strides = array<i32>} : memref<8x512xf32, #tpu.memory_space<vmem>>, vector<16xf32>,
      tpu.vector_store %arg8[%swap3A_2843, %swap3A_2844], %select_n3A_2837 {strides = array<i32>} : memref<8x512xf32, #tpu.memory_space<vmem>>, vector<16xf32>,
      %broadcast_in_dim3A_2846 = arith.constant 7 : i32
      %broadcast_in_dim3A_2847 = vector.broadcast %broadcast_in_dim3A_2846 : i32 to vector<16xi32>
      %gather3A_2848 = tpu.vector_load_idx %arg7[%broadcast_in_dim3A_2754, %broadcast_in_dim3A_2847, %add3A_2740] : memref<2x8x4096xf32, #tpu.memory_space<vmem>>[vector<16xi32>, vector<16xi32>, vector<16xi32>], vector<16xf32>,
      %gather3A_2849 = tpu.vector_load_idx %arg9[%broadcast_in_dim3A_2847, %min3A_2752] : memref<8x128xf32, #tpu.memory_space<vmem>>[vector<16xi32>, vector<16xi32>], vector<16xf32>,
      %select_n3A_2850 = arith.select %ge3A_2743, %gather3A_2849, %gather3A_2848 : vector<16xi1>, vector<16xf32>
      %mul3A_2851 = arith.constant 32 : i32
      %mul3A_2852 = arith.muli %add3A_2682, %mul3A_2851 : i32
      %add3A_2853 = arith.constant 0 : i32
      %add3A_2854 = arith.addi %mul3A_2852, %add3A_2853 : i32
      %swap3A_2855 = arith.constant 7 : i32
      %swap3A_2856 = arith.index_cast %swap3A_2855 : i32 to index
      %swap3A_2857 = arith.index_cast %add3A_2854 : i32 to index
      %swap3A_2858 = tpu.vector_load %arg8[%swap3A_2856, %swap3A_2857] {strides = array<i32>} : memref<8x512xf32, #tpu.memory_space<vmem>>, vector<16xf32>,
      tpu.vector_store %arg8[%swap3A_2856, %swap3A_2857], %select_n3A_2850 {strides = array<i32>} : memref<8x512xf32, #tpu.memory_space<vmem>>, vector<16xf32>,
      %jit3A_2859 = arith.constant 4 : i32
      %div3A_2860 = arith.divsi %add3A_2682, %jit3A_2859 : i32
      %sign3A_2861 = arith.constant 0 : i32
      %sign3A_2862 = arith.cmpi sgt, %add3A_2682, %sign3A_2861 : i32
      %sign3A_2863 = arith.extui %sign3A_2862 : i1 to i32
      %sign3A_2864 = arith.constant 0 : i32
      %sign3A_2865 = arith.cmpi slt, %add3A_2682, %sign3A_2864 : i32
      %sign3A_2866 = arith.extui %sign3A_2865 : i1 to i32
      %sign3A_2867 = arith.subi %sign3A_2863, %sign3A_2866 : i32
      %sign3A_2868 = arith.constant 0 : i32
      %sign3A_2869 = arith.cmpi sgt, %jit3A_2859, %sign3A_2868 : i32
      %sign3A_2870 = arith.extui %sign3A_2869 : i1 to i32
      %sign3A_2871 = arith.constant 0 : i32
      %sign3A_2872 = arith.cmpi slt, %jit3A_2859, %sign3A_2871 : i32
      %sign3A_2873 = arith.extui %sign3A_2872 : i1 to i32
      %sign3A_2874 = arith.subi %sign3A_2870, %sign3A_2873 : i32
      %ne3A_2875 = arith.cmpi ne, %sign3A_2867, %sign3A_2874 : i32
      %rem3A_2876 = arith.remsi %add3A_2682, %jit3A_2859 : i32
      %ne3A_2877 = arith.constant 0 : i32
      %ne3A_2878 = arith.cmpi ne, %rem3A_2876, %ne3A_2877 : i32
      %and3A_2879 = arith.andi %ne3A_2875, %ne3A_2878 : i1
      %sub3A_2880 = arith.constant 1 : i32
      %sub3A_2881 = arith.subi %div3A_2860, %sub3A_2880 : i32
      %select_n3A_2882 = arith.select %and3A_2879, %sub3A_2881, %div3A_2860 : i32
      %jit3A_2883 = arith.constant 4 : i32
      %eq3A_2884 = arith.constant 0 : i32
      %eq3A_2885 = arith.cmpi eq, %jit3A_2883, %eq3A_2884 : i32
      %jit3A_2886 = arith.constant 1 : i32
      %select_n3A_2887 = arith.select %eq3A_2885, %jit3A_2886, %jit3A_2883 : i32
      %rem3A_2888 = arith.remsi %add3A_2682, %select_n3A_2887 : i32
      %ne3A_2889 = arith.constant 0 : i32
      %ne3A_2890 = arith.cmpi ne, %rem3A_2888, %ne3A_2889 : i32
      %lt3A_2891 = arith.constant 0 : i32
      %lt3A_2892 = arith.cmpi slt, %rem3A_2888, %lt3A_2891 : i32
      %lt3A_2893 = arith.constant 0 : i32
      %lt3A_2894 = arith.cmpi slt, %select_n3A_2887, %lt3A_2893 : i32
      %ne3A_2895 = arith.xori %lt3A_2892, %lt3A_2894 : i1
      %and3A_2896 = arith.andi %ne3A_2895, %ne3A_2890 : i1
      %add3A_2897 = arith.addi %rem3A_2888, %select_n3A_2887 : i32
      %select_n3A_2898 = arith.select %and3A_2896, %add3A_2897, %rem3A_2888 : i32
      %mul3A_2899 = arith.constant 32 : i32
      %mul3A_2900 = arith.muli %select_n3A_2898, %mul3A_2899 : i32
      %add3A_2901 = arith.constant 16 : i32
      %add3A_2902 = arith.addi %mul3A_2900, %add3A_2901 : i32
      %get3A_2903 = arith.index_cast %select_n3A_2882 : i32 to index
      %get3A_2904 = arith.index_cast %add3A_2902 : i32 to index
      %get3A_2905 = tpu.vector_load %arg6[%get3A_2903, %get3A_2904] {strides = array<i32>} : memref<4x128xi32, #tpu.memory_space<vmem>>, vector<16xi32>,
      %and3A_2906 = arith.constant 127 : i32
      %and3A_2907 = vector.broadcast %and3A_2906 : i32 to vector<16xi32>
      %and3A_2908 = arith.andi %get3A_2905, %and3A_2907 : vector<16xi32>
      %iota3A_2909 = tpu.iota {dimensions = array<i32: 0>} : vector<16xi32>
      %add3A_2910 = arith.constant 16 : i32
      %add3A_2911 = vector.broadcast %add3A_2910 : i32 to vector<16xi32>
      %add3A_2912 = arith.addi %iota3A_2909, %add3A_2911 : vector<16xi32>
      %mul3A_2913 = arith.constant 128 : i32
      %mul3A_2914 = vector.broadcast %mul3A_2913 : i32 to vector<16xi32>
      %mul3A_2915 = arith.muli %add3A_2912, %mul3A_2914 : vector<16xi32>
      %add3A_2916 = arith.addi %mul3A_2915, %and3A_2908 : vector<16xi32>
      %ge3A_2917 = arith.constant 999936 : i32
      %ge3A_2918 = vector.broadcast %ge3A_2917 : i32 to vector<16xi32>
      %ge3A_2919 = arith.cmpi sge, %get3A_2905, %ge3A_2918 : vector<16xi32>
      %sub3A_2920 = arith.constant 999936 : i32
      %sub3A_2921 = vector.broadcast %sub3A_2920 : i32 to vector<16xi32>
      %sub3A_2922 = arith.subi %get3A_2905, %sub3A_2921 : vector<16xi32>
      %max3A_2923 = arith.constant 0 : i32
      %max3A_2924 = vector.broadcast %max3A_2923 : i32 to vector<16xi32>
      %max3A_2925 = arith.maxsi %sub3A_2922, %max3A_2924 : vector<16xi32>
      %min3A_2926 = arith.constant 127 : i32
      %min3A_2927 = vector.broadcast %min3A_2926 : i32 to vector<16xi32>
      %min3A_2928 = arith.minsi %max3A_2925, %min3A_2927 : vector<16xi32>
      %broadcast_in_dim3A_2929 = arith.constant 1 : i32
      %broadcast_in_dim3A_2930 = vector.broadcast %broadcast_in_dim3A_2929 : i32 to vector<16xi32>
      %broadcast_in_dim3A_2931 = arith.constant 0 : i32
      %broadcast_in_dim3A_2932 = vector.broadcast %broadcast_in_dim3A_2931 : i32 to vector<16xi32>
      %gather3A_2933 = tpu.vector_load_idx %arg7[%broadcast_in_dim3A_2930, %broadcast_in_dim3A_2932, %add3A_2916] : memref<2x8x4096xf32, #tpu.memory_space<vmem>>[vector<16xi32>, vector<16xi32>, vector<16xi32>], vector<16xf32>,
      %gather3A_2934 = tpu.vector_load_idx %arg9[%broadcast_in_dim3A_2932, %min3A_2928] : memref<8x128xf32, #tpu.memory_space<vmem>>[vector<16xi32>, vector<16xi32>], vector<16xf32>,
      %select_n3A_2935 = arith.select %ge3A_2919, %gather3A_2934, %gather3A_2933 : vector<16xi1>, vector<16xf32>
      %mul3A_2936 = arith.constant 32 : i32
      %mul3A_2937 = arith.muli %add3A_2682, %mul3A_2936 : i32
      %add3A_2938 = arith.constant 16 : i32
      %add3A_2939 = arith.addi %mul3A_2937, %add3A_2938 : i32
      %swap3A_2940 = arith.constant 0 : i32
      %swap3A_2941 = arith.index_cast %swap3A_2940 : i32 to index
      %swap3A_2942 = arith.index_cast %add3A_2939 : i32 to index
      %swap3A_2943 = tpu.vector_load %arg8[%swap3A_2941, %swap3A_2942] {strides = array<i32>} : memref<8x512xf32, #tpu.memory_space<vmem>>, vector<16xf32>,
      tpu.vector_store %arg8[%swap3A_2941, %swap3A_2942], %select_n3A_2935 {strides = array<i32>} : memref<8x512xf32, #tpu.memory_space<vmem>>, vector<16xf32>,
      %broadcast_in_dim3A_2944 = arith.constant 1 : i32
      %broadcast_in_dim3A_2945 = vector.broadcast %broadcast_in_dim3A_2944 : i32 to vector<16xi32>
      %gather3A_2946 = tpu.vector_load_idx %arg7[%broadcast_in_dim3A_2930, %broadcast_in_dim3A_2945, %add3A_2916] : memref<2x8x4096xf32, #tpu.memory_space<vmem>>[vector<16xi32>, vector<16xi32>, vector<16xi32>], vector<16xf32>,
      %gather3A_2947 = tpu.vector_load_idx %arg9[%broadcast_in_dim3A_2945, %min3A_2928] : memref<8x128xf32, #tpu.memory_space<vmem>>[vector<16xi32>, vector<16xi32>], vector<16xf32>,
      %select_n3A_2948 = arith.select %ge3A_2919, %gather3A_2947, %gather3A_2946 : vector<16xi1>, vector<16xf32>
      %mul3A_2949 = arith.constant 32 : i32
      %mul3A_2950 = arith.muli %add3A_2682, %mul3A_2949 : i32
      %add3A_2951 = arith.constant 16 : i32
      %add3A_2952 = arith.addi %mul3A_2950, %add3A_2951 : i32
      %swap3A_2953 = arith.constant 1 : i32
      %swap3A_2954 = arith.index_cast %swap3A_2953 : i32 to index
      %swap3A_2955 = arith.index_cast %add3A_2952 : i32 to index
      %swap3A_2956 = tpu.vector_load %arg8[%swap3A_2954, %swap3A_2955] {strides = array<i32>} : memref<8x512xf32, #tpu.memory_space<vmem>>, vector<16xf32>,
      tpu.vector_store %arg8[%swap3A_2954, %swap3A_2955], %select_n3A_2948 {strides = array<i32>} : memref<8x512xf32, #tpu.memory_space<vmem>>, vector<16xf32>,
      %broadcast_in_dim3A_2957 = arith.constant 2 : i32
      %broadcast_in_dim3A_2958 = vector.broadcast %broadcast_in_dim3A_2957 : i32 to vector<16xi32>
      %gather3A_2959 = tpu.vector_load_idx %arg7[%broadcast_in_dim3A_2930, %broadcast_in_dim3A_2958, %add3A_2916] : memref<2x8x4096xf32, #tpu.memory_space<vmem>>[vector<16xi32>, vector<16xi32>, vector<16xi32>], vector<16xf32>,
      %gather3A_2960 = tpu.vector_load_idx %arg9[%broadcast_in_dim3A_2958, %min3A_2928] : memref<8x128xf32, #tpu.memory_space<vmem>>[vector<16xi32>, vector<16xi32>], vector<16xf32>,
      %select_n3A_2961 = arith.select %ge3A_2919, %gather3A_2960, %gather3A_2959 : vector<16xi1>, vector<16xf32>
      %mul3A_2962 = arith.constant 32 : i32
      %mul3A_2963 = arith.muli %add3A_2682, %mul3A_2962 : i32
      %add3A_2964 = arith.constant 16 : i32
      %add3A_2965 = arith.addi %mul3A_2963, %add3A_2964 : i32
      %swap3A_2966 = arith.constant 2 : i32
      %swap3A_2967 = arith.index_cast %swap3A_2966 : i32 to index
      %swap3A_2968 = arith.index_cast %add3A_2965 : i32 to index
      %swap3A_2969 = tpu.vector_load %arg8[%swap3A_2967, %swap3A_2968] {strides = array<i32>} : memref<8x512xf32, #tpu.memory_space<vmem>>, vector<16xf32>,
      tpu.vector_store %arg8[%swap3A_2967, %swap3A_2968], %select_n3A_2961 {strides = array<i32>} : memref<8x512xf32, #tpu.memory_space<vmem>>, vector<16xf32>,
      %broadcast_in_dim3A_2970 = arith.constant 3 : i32
      %broadcast_in_dim3A_2971 = vector.broadcast %broadcast_in_dim3A_2970 : i32 to vector<16xi32>
      %gather3A_2972 = tpu.vector_load_idx %arg7[%broadcast_in_dim3A_2930, %broadcast_in_dim3A_2971, %add3A_2916] : memref<2x8x4096xf32, #tpu.memory_space<vmem>>[vector<16xi32>, vector<16xi32>, vector<16xi32>], vector<16xf32>,
      %gather3A_2973 = tpu.vector_load_idx %arg9[%broadcast_in_dim3A_2971, %min3A_2928] : memref<8x128xf32, #tpu.memory_space<vmem>>[vector<16xi32>, vector<16xi32>], vector<16xf32>,
      %select_n3A_2974 = arith.select %ge3A_2919, %gather3A_2973, %gather3A_2972 : vector<16xi1>, vector<16xf32>
      %mul3A_2975 = arith.constant 32 : i32
      %mul3A_2976 = arith.muli %add3A_2682, %mul3A_2975 : i32
      %add3A_2977 = arith.constant 16 : i32
      %add3A_2978 = arith.addi %mul3A_2976, %add3A_2977 : i32
      %swap3A_2979 = arith.constant 3 : i32
      %swap3A_2980 = arith.index_cast %swap3A_2979 : i32 to index
      %swap3A_2981 = arith.index_cast %add3A_2978 : i32 to index
      %swap3A_2982 = tpu.vector_load %arg8[%swap3A_2980, %swap3A_2981] {strides = array<i32>} : memref<8x512xf32, #tpu.memory_space<vmem>>, vector<16xf32>,
      tpu.vector_store %arg8[%swap3A_2980, %swap3A_2981], %select_n3A_2974 {strides = array<i32>} : memref<8x512xf32, #tpu.memory_space<vmem>>, vector<16xf32>,
      %broadcast_in_dim3A_2983 = arith.constant 4 : i32
      %broadcast_in_dim3A_2984 = vector.broadcast %broadcast_in_dim3A_2983 : i32 to vector<16xi32>
      %gather3A_2985 = tpu.vector_load_idx %arg7[%broadcast_in_dim3A_2930, %broadcast_in_dim3A_2984, %add3A_2916] : memref<2x8x4096xf32, #tpu.memory_space<vmem>>[vector<16xi32>, vector<16xi32>, vector<16xi32>], vector<16xf32>,
      %gather3A_2986 = tpu.vector_load_idx %arg9[%broadcast_in_dim3A_2984, %min3A_2928] : memref<8x128xf32, #tpu.memory_space<vmem>>[vector<16xi32>, vector<16xi32>], vector<16xf32>,
      %select_n3A_2987 = arith.select %ge3A_2919, %gather3A_2986, %gather3A_2985 : vector<16xi1>, vector<16xf32>
      %mul3A_2988 = arith.constant 32 : i32
      %mul3A_2989 = arith.muli %add3A_2682, %mul3A_2988 : i32
      %add3A_2990 = arith.constant 16 : i32
      %add3A_2991 = arith.addi %mul3A_2989, %add3A_2990 : i32
      %swap3A_2992 = arith.constant 4 : i32
      %swap3A_2993 = arith.index_cast %swap3A_2992 : i32 to index
      %swap3A_2994 = arith.index_cast %add3A_2991 : i32 to index
      %swap3A_2995 = tpu.vector_load %arg8[%swap3A_2993, %swap3A_2994] {strides = array<i32>} : memref<8x512xf32, #tpu.memory_space<vmem>>, vector<16xf32>,
      tpu.vector_store %arg8[%swap3A_2993, %swap3A_2994], %select_n3A_2987 {strides = array<i32>} : memref<8x512xf32, #tpu.memory_space<vmem>>, vector<16xf32>,
      %broadcast_in_dim3A_2996 = arith.constant 5 : i32
      %broadcast_in_dim3A_2997 = vector.broadcast %broadcast_in_dim3A_2996 : i32 to vector<16xi32>
      %gather3A_2998 = tpu.vector_load_idx %arg7[%broadcast_in_dim3A_2930, %broadcast_in_dim3A_2997, %add3A_2916] : memref<2x8x4096xf32, #tpu.memory_space<vmem>>[vector<16xi32>, vector<16xi32>, vector<16xi32>], vector<16xf32>,
      %gather3A_2999 = tpu.vector_load_idx %arg9[%broadcast_in_dim3A_2997, %min3A_2928] : memref<8x128xf32, #tpu.memory_space<vmem>>[vector<16xi32>, vector<16xi32>], vector<16xf32>,
      %select_n3A_3000 = arith.select %ge3A_2919, %gather3A_2999, %gather3A_2998 : vector<16xi1>, vector<16xf32>
      %mul3A_3001 = arith.constant 32 : i32
      %mul3A_3002 = arith.muli %add3A_2682, %mul3A_3001 : i32
      %add3A_3003 = arith.constant 16 : i32
      %add3A_3004 = arith.addi %mul3A_3002, %add3A_3003 : i32
      %swap3A_3005 = arith.constant 5 : i32
      %swap3A_3006 = arith.index_cast %swap3A_3005 : i32 to index
      %swap3A_3007 = arith.index_cast %add3A_3004 : i32 to index
      %swap3A_3008 = tpu.vector_load %arg8[%swap3A_3006, %swap3A_3007] {strides = array<i32>} : memref<8x512xf32, #tpu.memory_space<vmem>>, vector<16xf32>,
      tpu.vector_store %arg8[%swap3A_3006, %swap3A_3007], %select_n3A_3000 {strides = array<i32>} : memref<8x512xf32, #tpu.memory_space<vmem>>, vector<16xf32>,
      %broadcast_in_dim3A_3009 = arith.constant 6 : i32
      %broadcast_in_dim3A_3010 = vector.broadcast %broadcast_in_dim3A_3009 : i32 to vector<16xi32>
      %gather3A_3011 = tpu.vector_load_idx %arg7[%broadcast_in_dim3A_2930, %broadcast_in_dim3A_3010, %add3A_2916] : memref<2x8x4096xf32, #tpu.memory_space<vmem>>[vector<16xi32>, vector<16xi32>, vector<16xi32>], vector<16xf32>,
      %gather3A_3012 = tpu.vector_load_idx %arg9[%broadcast_in_dim3A_3010, %min3A_2928] : memref<8x128xf32, #tpu.memory_space<vmem>>[vector<16xi32>, vector<16xi32>], vector<16xf32>,
      %select_n3A_3013 = arith.select %ge3A_2919, %gather3A_3012, %gather3A_3011 : vector<16xi1>, vector<16xf32>
      %mul3A_3014 = arith.constant 32 : i32
      %mul3A_3015 = arith.muli %add3A_2682, %mul3A_3014 : i32
      %add3A_3016 = arith.constant 16 : i32
      %add3A_3017 = arith.addi %mul3A_3015, %add3A_3016 : i32
      %swap3A_3018 = arith.constant 6 : i32
      %swap3A_3019 = arith.index_cast %swap3A_3018 : i32 to index
      %swap3A_3020 = arith.index_cast %add3A_3017 : i32 to index
      %swap3A_3021 = tpu.vector_load %arg8[%swap3A_3019, %swap3A_3020] {strides = array<i32>} : memref<8x512xf32, #tpu.memory_space<vmem>>, vector<16xf32>,
      tpu.vector_store %arg8[%swap3A_3019, %swap3A_3020], %select_n3A_3013 {strides = array<i32>} : memref<8x512xf32, #tpu.memory_space<vmem>>, vector<16xf32>,
      %broadcast_in_dim3A_3022 = arith.constant 7 : i32
      %broadcast_in_dim3A_3023 = vector.broadcast %broadcast_in_dim3A_3022 : i32 to vector<16xi32>
      %gather3A_3024 = tpu.vector_load_idx %arg7[%broadcast_in_dim3A_2930, %broadcast_in_dim3A_3023, %add3A_2916] : memref<2x8x4096xf32, #tpu.memory_space<vmem>>[vector<16xi32>, vector<16xi32>, vector<16xi32>], vector<16xf32>,
      %gather3A_3025 = tpu.vector_load_idx %arg9[%broadcast_in_dim3A_3023, %min3A_2928] : memref<8x128xf32, #tpu.memory_space<vmem>>[vector<16xi32>, vector<16xi32>], vector<16xf32>,
      %select_n3A_3026 = arith.select %ge3A_2919, %gather3A_3025, %gather3A_3024 : vector<16xi1>, vector<16xf32>
      %mul3A_3027 = arith.constant 32 : i32
      %mul3A_3028 = arith.muli %add3A_2682, %mul3A_3027 : i32
      %add3A_3029 = arith.constant 16 : i32
      %add3A_3030 = arith.addi %mul3A_3028, %add3A_3029 : i32
      %swap3A_3031 = arith.constant 7 : i32
      %swap3A_3032 = arith.index_cast %swap3A_3031 : i32 to index
      %swap3A_3033 = arith.index_cast %add3A_3030 : i32 to index
      %swap3A_3034 = tpu.vector_load %arg8[%swap3A_3032, %swap3A_3033] {strides = array<i32>} : memref<8x512xf32, #tpu.memory_space<vmem>>, vector<16xf32>,
      tpu.vector_store %arg8[%swap3A_3032, %swap3A_3033], %select_n3A_3026 {strides = array<i32>} : memref<8x512xf32, #tpu.memory_space<vmem>>, vector<16xf32>,
      %add3A_3035 = arith.constant 3 : i32
      %add3A_3036 = arith.addi %mul3A_1621, %add3A_3035 : i32
      %jit3A_3037 = arith.constant 4 : i32
      %div3A_3038 = arith.divsi %add3A_3036, %jit3A_3037 : i32
      %sign3A_3039 = arith.constant 0 : i32
      %sign3A_3040 = arith.cmpi sgt, %add3A_3036, %sign3A_3039 : i32
      %sign3A_3041 = arith.extui %sign3A_3040 : i1 to i32
      %sign3A_3042 = arith.constant 0 : i32
      %sign3A_3043 = arith.cmpi slt, %add3A_3036, %sign3A_3042 : i32
      %sign3A_3044 = arith.extui %sign3A_3043 : i1 to i32
      %sign3A_3045 = arith.subi %sign3A_3041, %sign3A_3044 : i32
      %sign3A_3046 = arith.constant 0 : i32
      %sign3A_3047 = arith.cmpi sgt, %jit3A_3037, %sign3A_3046 : i32
      %sign3A_3048 = arith.extui %sign3A_3047 : i1 to i32
      %sign3A_3049 = arith.constant 0 : i32
      %sign3A_3050 = arith.cmpi slt, %jit3A_3037, %sign3A_3049 : i32
      %sign3A_3051 = arith.extui %sign3A_3050 : i1 to i32
      %sign3A_3052 = arith.subi %sign3A_3048, %sign3A_3051 : i32
      %ne3A_3053 = arith.cmpi ne, %sign3A_3045, %sign3A_3052 : i32
      %rem3A_3054 = arith.remsi %add3A_3036, %jit3A_3037 : i32
      %ne3A_3055 = arith.constant 0 : i32
      %ne3A_3056 = arith.cmpi ne, %rem3A_3054, %ne3A_3055 : i32
      %and3A_3057 = arith.andi %ne3A_3053, %ne3A_3056 : i1
      %sub3A_3058 = arith.constant 1 : i32
      %sub3A_3059 = arith.subi %div3A_3038, %sub3A_3058 : i32
      %select_n3A_3060 = arith.select %and3A_3057, %sub3A_3059, %div3A_3038 : i32
      %jit3A_3061 = arith.constant 4 : i32
      %eq3A_3062 = arith.constant 0 : i32
      %eq3A_3063 = arith.cmpi eq, %jit3A_3061, %eq3A_3062 : i32
      %jit3A_3064 = arith.constant 1 : i32
      %select_n3A_3065 = arith.select %eq3A_3063, %jit3A_3064, %jit3A_3061 : i32
      %rem3A_3066 = arith.remsi %add3A_3036, %select_n3A_3065 : i32
      %ne3A_3067 = arith.constant 0 : i32
      %ne3A_3068 = arith.cmpi ne, %rem3A_3066, %ne3A_3067 : i32
      %lt3A_3069 = arith.constant 0 : i32
      %lt3A_3070 = arith.cmpi slt, %rem3A_3066, %lt3A_3069 : i32
      %lt3A_3071 = arith.constant 0 : i32
      %lt3A_3072 = arith.cmpi slt, %select_n3A_3065, %lt3A_3071 : i32
      %ne3A_3073 = arith.xori %lt3A_3070, %lt3A_3072 : i1
      %and3A_3074 = arith.andi %ne3A_3073, %ne3A_3068 : i1
      %add3A_3075 = arith.addi %rem3A_3066, %select_n3A_3065 : i32
      %select_n3A_3076 = arith.select %and3A_3074, %add3A_3075, %rem3A_3066 : i32
      %mul3A_3077 = arith.constant 32 : i32
      %mul3A_3078 = arith.muli %select_n3A_3076, %mul3A_3077 : i32
      %add3A_3079 = arith.constant 0 : i32
      %add3A_3080 = arith.addi %mul3A_3078, %add3A_3079 : i32
      %get3A_3081 = arith.index_cast %select_n3A_3060 : i32 to index
      %get3A_3082 = arith.index_cast %add3A_3080 : i32 to index
      %get3A_3083 = tpu.vector_load %arg6[%get3A_3081, %get3A_3082] {strides = array<i32>} : memref<4x128xi32, #tpu.memory_space<vmem>>, vector<16xi32>,
      %shift_right_logical3A_3084 = arith.constant 7 : i32
      %shift_right_logical3A_3085 = vector.broadcast %shift_right_logical3A_3084 : i32 to vector<16xi32>
      %shift_right_logical3A_3086 = arith.shrui %get3A_3083, %shift_right_logical3A_3085 : vector<16xi32>
      %min3A_3087 = arith.constant 7811 : i32
      %min3A_3088 = vector.broadcast %min3A_3087 : i32 to vector<16xi32>
      %min3A_3089 = arith.minsi %shift_right_logical3A_3086, %min3A_3088 : vector<16xi32>
      %slice3A_3090 = vector.extract_strided_slice %min3A_3089 {offsets = [0], sizes = [1], strides = [1]} : vector<16xi32> to vector<1xi32>
      %squeeze3A_3091 = vector.extract %slice3A_3090[0] : i32 from vector<1xi32>
      %mul3A_3092 = arith.constant 128 : i32
      %mul3A_3093 = arith.muli %squeeze3A_3091, %mul3A_3092 : i32
      %multiple_of3A_3094 = tpu.assume_multiple %mul3A_3093, 128 : i32
      %dma_start3A_3095 = arith.constant 1 : i32
      %dma_start3A_3096 = arith.constant 0 : i32
      %dma_start3A_3097 = arith.constant 0 : i32
      %dma_start3A_3098 = tpu.memref_slice %arg7[%dma_start3A_3095, %dma_start3A_3096, %dma_start3A_3097] : memref<2x8x4096xf32, #tpu.memory_space<vmem>> -> memref<1x8x128xf32, #tpu.memory_space<vmem>>
      %dma_start3A_3099 = tpu.memref_squeeze %dma_start3A_3098 : memref<1x8x128xf32, #tpu.memory_space<vmem>> -> memref<8x128xf32, #tpu.memory_space<vmem>>
      %dma_start3A_3100 = arith.constant 0 : i32
      %dma_start3A_3101 = tpu.memref_slice %arg3[%dma_start3A_3100, %multiple_of3A_3094] : memref<8x1000001xf32, #tpu.memory_space<hbm>> -> memref<8x128xf32, #tpu.memory_space<hbm>>
      %dma_start3A_3102 = arith.constant 0 : i32
      %dma_start3A_3103 = arith.constant 0 : i32
      %dma_start3A_3104 = tpu.memref_slice %arg7[%dma_start3A_3095, %dma_start3A_3102, %dma_start3A_3103] : memref<2x8x4096xf32, #tpu.memory_space<vmem>> -> memref<1x8x128xf32, #tpu.memory_space<vmem>>
      %dma_start3A_3105 = tpu.memref_squeeze %dma_start3A_3104 : memref<1x8x128xf32, #tpu.memory_space<vmem>> -> memref<8x128xf32, #tpu.memory_space<vmem>>
      %dma_start3A_3106 = arith.constant 0 : i32
      %dma_start3A_3107 = tpu.memref_slice %arg3[%dma_start3A_3106, %multiple_of3A_3094] : memref<8x1000001xf32, #tpu.memory_space<hbm>> -> memref<8x128xf32, #tpu.memory_space<hbm>>
      tpu.enqueue_dma source(%dma_start3A_3107 : memref<8x128xf32, #tpu.memory_space<hbm>>) target(%dma_start3A_3105 : memref<8x128xf32, #tpu.memory_space<vmem>>) target_semaphore(%arg11 : memref<!tpu.dma_semaphore, #tpu.memory_space<semaphore_mem>>)
      %slice3A_3108 = vector.extract_strided_slice %min3A_3089 {offsets = [1], sizes = [1], strides = [1]} : vector<16xi32> to vector<1xi32>
      %squeeze3A_3109 = vector.extract %slice3A_3108[0] : i32 from vector<1xi32>
      %mul3A_3110 = arith.constant 128 : i32
      %mul3A_3111 = arith.muli %squeeze3A_3109, %mul3A_3110 : i32
      %multiple_of3A_3112 = tpu.assume_multiple %mul3A_3111, 128 : i32
      %dma_start3A_3113 = arith.constant 1 : i32
      %dma_start3A_3114 = arith.constant 0 : i32
      %dma_start3A_3115 = arith.constant 128 : i32
      %dma_start3A_3116 = tpu.memref_slice %arg7[%dma_start3A_3113, %dma_start3A_3114, %dma_start3A_3115] : memref<2x8x4096xf32, #tpu.memory_space<vmem>> -> memref<1x8x128xf32, #tpu.memory_space<vmem>>
      %dma_start3A_3117 = tpu.memref_squeeze %dma_start3A_3116 : memref<1x8x128xf32, #tpu.memory_space<vmem>> -> memref<8x128xf32, #tpu.memory_space<vmem>>
      %dma_start3A_3118 = arith.constant 0 : i32
      %dma_start3A_3119 = tpu.memref_slice %arg3[%dma_start3A_3118, %multiple_of3A_3112] : memref<8x1000001xf32, #tpu.memory_space<hbm>> -> memref<8x128xf32, #tpu.memory_space<hbm>>
      %dma_start3A_3120 = arith.constant 0 : i32
      %dma_start3A_3121 = arith.constant 128 : i32
      %dma_start3A_3122 = tpu.memref_slice %arg7[%dma_start3A_3113, %dma_start3A_3120, %dma_start3A_3121] : memref<2x8x4096xf32, #tpu.memory_space<vmem>> -> memref<1x8x128xf32, #tpu.memory_space<vmem>>
      %dma_start3A_3123 = tpu.memref_squeeze %dma_start3A_3122 : memref<1x8x128xf32, #tpu.memory_space<vmem>> -> memref<8x128xf32, #tpu.memory_space<vmem>>
      %dma_start3A_3124 = arith.constant 0 : i32
      %dma_start3A_3125 = tpu.memref_slice %arg3[%dma_start3A_3124, %multiple_of3A_3112] : memref<8x1000001xf32, #tpu.memory_space<hbm>> -> memref<8x128xf32, #tpu.memory_space<hbm>>
      tpu.enqueue_dma source(%dma_start3A_3125 : memref<8x128xf32, #tpu.memory_space<hbm>>) target(%dma_start3A_3123 : memref<8x128xf32, #tpu.memory_space<vmem>>) target_semaphore(%arg11 : memref<!tpu.dma_semaphore, #tpu.memory_space<semaphore_mem>>)
      %slice3A_3126 = vector.extract_strided_slice %min3A_3089 {offsets = [2], sizes = [1], strides = [1]} : vector<16xi32> to vector<1xi32>
      %squeeze3A_3127 = vector.extract %slice3A_3126[0] : i32 from vector<1xi32>
      %mul3A_3128 = arith.constant 128 : i32
      %mul3A_3129 = arith.muli %squeeze3A_3127, %mul3A_3128 : i32
      %multiple_of3A_3130 = tpu.assume_multiple %mul3A_3129, 128 : i32
      %dma_start3A_3131 = arith.constant 1 : i32
      %dma_start3A_3132 = arith.constant 0 : i32
      %dma_start3A_3133 = arith.constant 256 : i32
      %dma_start3A_3134 = tpu.memref_slice %arg7[%dma_start3A_3131, %dma_start3A_3132, %dma_start3A_3133] : memref<2x8x4096xf32, #tpu.memory_space<vmem>> -> memref<1x8x128xf32, #tpu.memory_space<vmem>>
      %dma_start3A_3135 = tpu.memref_squeeze %dma_start3A_3134 : memref<1x8x128xf32, #tpu.memory_space<vmem>> -> memref<8x128xf32, #tpu.memory_space<vmem>>
      %dma_start3A_3136 = arith.constant 0 : i32
      %dma_start3A_3137 = tpu.memref_slice %arg3[%dma_start3A_3136, %multiple_of3A_3130] : memref<8x1000001xf32, #tpu.memory_space<hbm>> -> memref<8x128xf32, #tpu.memory_space<hbm>>
      %dma_start3A_3138 = arith.constant 0 : i32
      %dma_start3A_3139 = arith.constant 256 : i32
      %dma_start3A_3140 = tpu.memref_slice %arg7[%dma_start3A_3131, %dma_start3A_3138, %dma_start3A_3139] : memref<2x8x4096xf32, #tpu.memory_space<vmem>> -> memref<1x8x128xf32, #tpu.memory_space<vmem>>
      %dma_start3A_3141 = tpu.memref_squeeze %dma_start3A_3140 : memref<1x8x128xf32, #tpu.memory_space<vmem>> -> memref<8x128xf32, #tpu.memory_space<vmem>>
      %dma_start3A_3142 = arith.constant 0 : i32
      %dma_start3A_3143 = tpu.memref_slice %arg3[%dma_start3A_3142, %multiple_of3A_3130] : memref<8x1000001xf32, #tpu.memory_space<hbm>> -> memref<8x128xf32, #tpu.memory_space<hbm>>
      tpu.enqueue_dma source(%dma_start3A_3143 : memref<8x128xf32, #tpu.memory_space<hbm>>) target(%dma_start3A_3141 : memref<8x128xf32, #tpu.memory_space<vmem>>) target_semaphore(%arg11 : memref<!tpu.dma_semaphore, #tpu.memory_space<semaphore_mem>>)
      %slice3A_3144 = vector.extract_strided_slice %min3A_3089 {offsets = [3], sizes = [1], strides = [1]} : vector<16xi32> to vector<1xi32>
      %squeeze3A_3145 = vector.extract %slice3A_3144[0] : i32 from vector<1xi32>
      %mul3A_3146 = arith.constant 128 : i32
      %mul3A_3147 = arith.muli %squeeze3A_3145, %mul3A_3146 : i32
      %multiple_of3A_3148 = tpu.assume_multiple %mul3A_3147, 128 : i32
      %dma_start3A_3149 = arith.constant 1 : i32
      %dma_start3A_3150 = arith.constant 0 : i32
      %dma_start3A_3151 = arith.constant 384 : i32
      %dma_start3A_3152 = tpu.memref_slice %arg7[%dma_start3A_3149, %dma_start3A_3150, %dma_start3A_3151] : memref<2x8x4096xf32, #tpu.memory_space<vmem>> -> memref<1x8x128xf32, #tpu.memory_space<vmem>>
      %dma_start3A_3153 = tpu.memref_squeeze %dma_start3A_3152 : memref<1x8x128xf32, #tpu.memory_space<vmem>> -> memref<8x128xf32, #tpu.memory_space<vmem>>
      %dma_start3A_3154 = arith.constant 0 : i32
      %dma_start3A_3155 = tpu.memref_slice %arg3[%dma_start3A_3154, %multiple_of3A_3148] : memref<8x1000001xf32, #tpu.memory_space<hbm>> -> memref<8x128xf32, #tpu.memory_space<hbm>>
      %dma_start3A_3156 = arith.constant 0 : i32
      %dma_start3A_3157 = arith.constant 384 : i32
      %dma_start3A_3158 = tpu.memref_slice %arg7[%dma_start3A_3149, %dma_start3A_3156, %dma_start3A_3157] : memref<2x8x4096xf32, #tpu.memory_space<vmem>> -> memref<1x8x128xf32, #tpu.memory_space<vmem>>
      %dma_start3A_3159 = tpu.memref_squeeze %dma_start3A_3158 : memref<1x8x128xf32, #tpu.memory_space<vmem>> -> memref<8x128xf32, #tpu.memory_space<vmem>>
      %dma_start3A_3160 = arith.constant 0 : i32
      %dma_start3A_3161 = tpu.memref_slice %arg3[%dma_start3A_3160, %multiple_of3A_3148] : memref<8x1000001xf32, #tpu.memory_space<hbm>> -> memref<8x128xf32, #tpu.memory_space<hbm>>
      tpu.enqueue_dma source(%dma_start3A_3161 : memref<8x128xf32, #tpu.memory_space<hbm>>) target(%dma_start3A_3159 : memref<8x128xf32, #tpu.memory_space<vmem>>) target_semaphore(%arg11 : memref<!tpu.dma_semaphore, #tpu.memory_space<semaphore_mem>>)
      %slice3A_3162 = vector.extract_strided_slice %min3A_3089 {offsets = [4], sizes = [1], strides = [1]} : vector<16xi32> to vector<1xi32>
      %squeeze3A_3163 = vector.extract %slice3A_3162[0] : i32 from vector<1xi32>
      %mul3A_3164 = arith.constant 128 : i32
      %mul3A_3165 = arith.muli %squeeze3A_3163, %mul3A_3164 : i32
      %multiple_of3A_3166 = tpu.assume_multiple %mul3A_3165, 128 : i32
      %dma_start3A_3167 = arith.constant 1 : i32
      %dma_start3A_3168 = arith.constant 0 : i32
      %dma_start3A_3169 = arith.constant 512 : i32
      %dma_start3A_3170 = tpu.memref_slice %arg7[%dma_start3A_3167, %dma_start3A_3168, %dma_start3A_3169] : memref<2x8x4096xf32, #tpu.memory_space<vmem>> -> memref<1x8x128xf32, #tpu.memory_space<vmem>>
      %dma_start3A_3171 = tpu.memref_squeeze %dma_start3A_3170 : memref<1x8x128xf32, #tpu.memory_space<vmem>> -> memref<8x128xf32, #tpu.memory_space<vmem>>
      %dma_start3A_3172 = arith.constant 0 : i32
      %dma_start3A_3173 = tpu.memref_slice %arg3[%dma_start3A_3172, %multiple_of3A_3166] : memref<8x1000001xf32, #tpu.memory_space<hbm>> -> memref<8x128xf32, #tpu.memory_space<hbm>>
      %dma_start3A_3174 = arith.constant 0 : i32
      %dma_start3A_3175 = arith.constant 512 : i32
      %dma_start3A_3176 = tpu.memref_slice %arg7[%dma_start3A_3167, %dma_start3A_3174, %dma_start3A_3175] : memref<2x8x4096xf32, #tpu.memory_space<vmem>> -> memref<1x8x128xf32, #tpu.memory_space<vmem>>
      %dma_start3A_3177 = tpu.memref_squeeze %dma_start3A_3176 : memref<1x8x128xf32, #tpu.memory_space<vmem>> -> memref<8x128xf32, #tpu.memory_space<vmem>>
      %dma_start3A_3178 = arith.constant 0 : i32
      %dma_start3A_3179 = tpu.memref_slice %arg3[%dma_start3A_3178, %multiple_of3A_3166] : memref<8x1000001xf32, #tpu.memory_space<hbm>> -> memref<8x128xf32, #tpu.memory_space<hbm>>
      tpu.enqueue_dma source(%dma_start3A_3179 : memref<8x128xf32, #tpu.memory_space<hbm>>) target(%dma_start3A_3177 : memref<8x128xf32, #tpu.memory_space<vmem>>) target_semaphore(%arg11 : memref<!tpu.dma_semaphore, #tpu.memory_space<semaphore_mem>>)
      %slice3A_3180 = vector.extract_strided_slice %min3A_3089 {offsets = [5], sizes = [1], strides = [1]} : vector<16xi32> to vector<1xi32>
      %squeeze3A_3181 = vector.extract %slice3A_3180[0] : i32 from vector<1xi32>
      %mul3A_3182 = arith.constant 128 : i32
      %mul3A_3183 = arith.muli %squeeze3A_3181, %mul3A_3182 : i32
      %multiple_of3A_3184 = tpu.assume_multiple %mul3A_3183, 128 : i32
      %dma_start3A_3185 = arith.constant 1 : i32
      %dma_start3A_3186 = arith.constant 0 : i32
      %dma_start3A_3187 = arith.constant 640 : i32
      %dma_start3A_3188 = tpu.memref_slice %arg7[%dma_start3A_3185, %dma_start3A_3186, %dma_start3A_3187] : memref<2x8x4096xf32, #tpu.memory_space<vmem>> -> memref<1x8x128xf32, #tpu.memory_space<vmem>>
      %dma_start3A_3189 = tpu.memref_squeeze %dma_start3A_3188 : memref<1x8x128xf32, #tpu.memory_space<vmem>> -> memref<8x128xf32, #tpu.memory_space<vmem>>
      %dma_start3A_3190 = arith.constant 0 : i32
      %dma_start3A_3191 = tpu.memref_slice %arg3[%dma_start3A_3190, %multiple_of3A_3184] : memref<8x1000001xf32, #tpu.memory_space<hbm>> -> memref<8x128xf32, #tpu.memory_space<hbm>>
      %dma_start3A_3192 = arith.constant 0 : i32
      %dma_start3A_3193 = arith.constant 640 : i32
      %dma_start3A_3194 = tpu.memref_slice %arg7[%dma_start3A_3185, %dma_start3A_3192, %dma_start3A_3193] : memref<2x8x4096xf32, #tpu.memory_space<vmem>> -> memref<1x8x128xf32, #tpu.memory_space<vmem>>
      %dma_start3A_3195 = tpu.memref_squeeze %dma_start3A_3194 : memref<1x8x128xf32, #tpu.memory_space<vmem>> -> memref<8x128xf32, #tpu.memory_space<vmem>>
      %dma_start3A_3196 = arith.constant 0 : i32
      %dma_start3A_3197 = tpu.memref_slice %arg3[%dma_start3A_3196, %multiple_of3A_3184] : memref<8x1000001xf32, #tpu.memory_space<hbm>> -> memref<8x128xf32, #tpu.memory_space<hbm>>
      tpu.enqueue_dma source(%dma_start3A_3197 : memref<8x128xf32, #tpu.memory_space<hbm>>) target(%dma_start3A_3195 : memref<8x128xf32, #tpu.memory_space<vmem>>) target_semaphore(%arg11 : memref<!tpu.dma_semaphore, #tpu.memory_space<semaphore_mem>>)
      %slice3A_3198 = vector.extract_strided_slice %min3A_3089 {offsets = [6], sizes = [1], strides = [1]} : vector<16xi32> to vector<1xi32>
      %squeeze3A_3199 = vector.extract %slice3A_3198[0] : i32 from vector<1xi32>
      %mul3A_3200 = arith.constant 128 : i32
      %mul3A_3201 = arith.muli %squeeze3A_3199, %mul3A_3200 : i32
      %multiple_of3A_3202 = tpu.assume_multiple %mul3A_3201, 128 : i32
      %dma_start3A_3203 = arith.constant 1 : i32
      %dma_start3A_3204 = arith.constant 0 : i32
      %dma_start3A_3205 = arith.constant 768 : i32
      %dma_start3A_3206 = tpu.memref_slice %arg7[%dma_start3A_3203, %dma_start3A_3204, %dma_start3A_3205] : memref<2x8x4096xf32, #tpu.memory_space<vmem>> -> memref<1x8x128xf32, #tpu.memory_space<vmem>>
      %dma_start3A_3207 = tpu.memref_squeeze %dma_start3A_3206 : memref<1x8x128xf32, #tpu.memory_space<vmem>> -> memref<8x128xf32, #tpu.memory_space<vmem>>
      %dma_start3A_3208 = arith.constant 0 : i32
      %dma_start3A_3209 = tpu.memref_slice %arg3[%dma_start3A_3208, %multiple_of3A_3202] : memref<8x1000001xf32, #tpu.memory_space<hbm>> -> memref<8x128xf32, #tpu.memory_space<hbm>>
      %dma_start3A_3210 = arith.constant 0 : i32
      %dma_start3A_3211 = arith.constant 768 : i32
      %dma_start3A_3212 = tpu.memref_slice %arg7[%dma_start3A_3203, %dma_start3A_3210, %dma_start3A_3211] : memref<2x8x4096xf32, #tpu.memory_space<vmem>> -> memref<1x8x128xf32, #tpu.memory_space<vmem>>
      %dma_start3A_3213 = tpu.memref_squeeze %dma_start3A_3212 : memref<1x8x128xf32, #tpu.memory_space<vmem>> -> memref<8x128xf32, #tpu.memory_space<vmem>>
      %dma_start3A_3214 = arith.constant 0 : i32
      %dma_start3A_3215 = tpu.memref_slice %arg3[%dma_start3A_3214, %multiple_of3A_3202] : memref<8x1000001xf32, #tpu.memory_space<hbm>> -> memref<8x128xf32, #tpu.memory_space<hbm>>
      tpu.enqueue_dma source(%dma_start3A_3215 : memref<8x128xf32, #tpu.memory_space<hbm>>) target(%dma_start3A_3213 : memref<8x128xf32, #tpu.memory_space<vmem>>) target_semaphore(%arg11 : memref<!tpu.dma_semaphore, #tpu.memory_space<semaphore_mem>>)
      %slice3A_3216 = vector.extract_strided_slice %min3A_3089 {offsets = [7], sizes = [1], strides = [1]} : vector<16xi32> to vector<1xi32>
      %squeeze3A_3217 = vector.extract %slice3A_3216[0] : i32 from vector<1xi32>
      %mul3A_3218 = arith.constant 128 : i32
      %mul3A_3219 = arith.muli %squeeze3A_3217, %mul3A_3218 : i32
      %multiple_of3A_3220 = tpu.assume_multiple %mul3A_3219, 128 : i32
      %dma_start3A_3221 = arith.constant 1 : i32
      %dma_start3A_3222 = arith.constant 0 : i32
      %dma_start3A_3223 = arith.constant 896 : i32
      %dma_start3A_3224 = tpu.memref_slice %arg7[%dma_start3A_3221, %dma_start3A_3222, %dma_start3A_3223] : memref<2x8x4096xf32, #tpu.memory_space<vmem>> -> memref<1x8x128xf32, #tpu.memory_space<vmem>>
      %dma_start3A_3225 = tpu.memref_squeeze %dma_start3A_3224 : memref<1x8x128xf32, #tpu.memory_space<vmem>> -> memref<8x128xf32, #tpu.memory_space<vmem>>
      %dma_start3A_3226 = arith.constant 0 : i32
      %dma_start3A_3227 = tpu.memref_slice %arg3[%dma_start3A_3226, %multiple_of3A_3220] : memref<8x1000001xf32, #tpu.memory_space<hbm>> -> memref<8x128xf32, #tpu.memory_space<hbm>>
      %dma_start3A_3228 = arith.constant 0 : i32
      %dma_start3A_3229 = arith.constant 896 : i32
      %dma_start3A_3230 = tpu.memref_slice %arg7[%dma_start3A_3221, %dma_start3A_3228, %dma_start3A_3229] : memref<2x8x4096xf32, #tpu.memory_space<vmem>> -> memref<1x8x128xf32, #tpu.memory_space<vmem>>
      %dma_start3A_3231 = tpu.memref_squeeze %dma_start3A_3230 : memref<1x8x128xf32, #tpu.memory_space<vmem>> -> memref<8x128xf32, #tpu.memory_space<vmem>>
      %dma_start3A_3232 = arith.constant 0 : i32
      %dma_start3A_3233 = tpu.memref_slice %arg3[%dma_start3A_3232, %multiple_of3A_3220] : memref<8x1000001xf32, #tpu.memory_space<hbm>> -> memref<8x128xf32, #tpu.memory_space<hbm>>
      tpu.enqueue_dma source(%dma_start3A_3233 : memref<8x128xf32, #tpu.memory_space<hbm>>) target(%dma_start3A_3231 : memref<8x128xf32, #tpu.memory_space<vmem>>) target_semaphore(%arg11 : memref<!tpu.dma_semaphore, #tpu.memory_space<semaphore_mem>>)
      %slice3A_3234 = vector.extract_strided_slice %min3A_3089 {offsets = [8], sizes = [1], strides = [1]} : vector<16xi32> to vector<1xi32>
      %squeeze3A_3235 = vector.extract %slice3A_3234[0] : i32 from vector<1xi32>
      %mul3A_3236 = arith.constant 128 : i32
      %mul3A_3237 = arith.muli %squeeze3A_3235, %mul3A_3236 : i32
      %multiple_of3A_3238 = tpu.assume_multiple %mul3A_3237, 128 : i32
      %dma_start3A_3239 = arith.constant 1 : i32
      %dma_start3A_3240 = arith.constant 0 : i32
      %dma_start3A_3241 = arith.constant 1024 : i32
      %dma_start3A_3242 = tpu.memref_slice %arg7[%dma_start3A_3239, %dma_start3A_3240, %dma_start3A_3241] : memref<2x8x4096xf32, #tpu.memory_space<vmem>> -> memref<1x8x128xf32, #tpu.memory_space<vmem>>
      %dma_start3A_3243 = tpu.memref_squeeze %dma_start3A_3242 : memref<1x8x128xf32, #tpu.memory_space<vmem>> -> memref<8x128xf32, #tpu.memory_space<vmem>>
      %dma_start3A_3244 = arith.constant 0 : i32
      %dma_start3A_3245 = tpu.memref_slice %arg3[%dma_start3A_3244, %multiple_of3A_3238] : memref<8x1000001xf32, #tpu.memory_space<hbm>> -> memref<8x128xf32, #tpu.memory_space<hbm>>
      %dma_start3A_3246 = arith.constant 0 : i32
      %dma_start3A_3247 = arith.constant 1024 : i32
      %dma_start3A_3248 = tpu.memref_slice %arg7[%dma_start3A_3239, %dma_start3A_3246, %dma_start3A_3247] : memref<2x8x4096xf32, #tpu.memory_space<vmem>> -> memref<1x8x128xf32, #tpu.memory_space<vmem>>
      %dma_start3A_3249 = tpu.memref_squeeze %dma_start3A_3248 : memref<1x8x128xf32, #tpu.memory_space<vmem>> -> memref<8x128xf32, #tpu.memory_space<vmem>>
      %dma_start3A_3250 = arith.constant 0 : i32
      %dma_start3A_3251 = tpu.memref_slice %arg3[%dma_start3A_3250, %multiple_of3A_3238] : memref<8x1000001xf32, #tpu.memory_space<hbm>> -> memref<8x128xf32, #tpu.memory_space<hbm>>
      tpu.enqueue_dma source(%dma_start3A_3251 : memref<8x128xf32, #tpu.memory_space<hbm>>) target(%dma_start3A_3249 : memref<8x128xf32, #tpu.memory_space<vmem>>) target_semaphore(%arg11 : memref<!tpu.dma_semaphore, #tpu.memory_space<semaphore_mem>>)
      %slice3A_3252 = vector.extract_strided_slice %min3A_3089 {offsets = [9], sizes = [1], strides = [1]} : vector<16xi32> to vector<1xi32>
      %squeeze3A_3253 = vector.extract %slice3A_3252[0] : i32 from vector<1xi32>
      %mul3A_3254 = arith.constant 128 : i32
      %mul3A_3255 = arith.muli %squeeze3A_3253, %mul3A_3254 : i32
      %multiple_of3A_3256 = tpu.assume_multiple %mul3A_3255, 128 : i32
      %dma_start3A_3257 = arith.constant 1 : i32
      %dma_start3A_3258 = arith.constant 0 : i32
      %dma_start3A_3259 = arith.constant 1152 : i32
      %dma_start3A_3260 = tpu.memref_slice %arg7[%dma_start3A_3257, %dma_start3A_3258, %dma_start3A_3259] : memref<2x8x4096xf32, #tpu.memory_space<vmem>> -> memref<1x8x128xf32, #tpu.memory_space<vmem>>
      %dma_start3A_3261 = tpu.memref_squeeze %dma_start3A_3260 : memref<1x8x128xf32, #tpu.memory_space<vmem>> -> memref<8x128xf32, #tpu.memory_space<vmem>>
      %dma_start3A_3262 = arith.constant 0 : i32
      %dma_start3A_3263 = tpu.memref_slice %arg3[%dma_start3A_3262, %multiple_of3A_3256] : memref<8x1000001xf32, #tpu.memory_space<hbm>> -> memref<8x128xf32, #tpu.memory_space<hbm>>
      %dma_start3A_3264 = arith.constant 0 : i32
      %dma_start3A_3265 = arith.constant 1152 : i32
      %dma_start3A_3266 = tpu.memref_slice %arg7[%dma_start3A_3257, %dma_start3A_3264, %dma_start3A_3265] : memref<2x8x4096xf32, #tpu.memory_space<vmem>> -> memref<1x8x128xf32, #tpu.memory_space<vmem>>
      %dma_start3A_3267 = tpu.memref_squeeze %dma_start3A_3266 : memref<1x8x128xf32, #tpu.memory_space<vmem>> -> memref<8x128xf32, #tpu.memory_space<vmem>>
      %dma_start3A_3268 = arith.constant 0 : i32
      %dma_start3A_3269 = tpu.memref_slice %arg3[%dma_start3A_3268, %multiple_of3A_3256] : memref<8x1000001xf32, #tpu.memory_space<hbm>> -> memref<8x128xf32, #tpu.memory_space<hbm>>
      tpu.enqueue_dma source(%dma_start3A_3269 : memref<8x128xf32, #tpu.memory_space<hbm>>) target(%dma_start3A_3267 : memref<8x128xf32, #tpu.memory_space<vmem>>) target_semaphore(%arg11 : memref<!tpu.dma_semaphore, #tpu.memory_space<semaphore_mem>>)
      %slice3A_3270 = vector.extract_strided_slice %min3A_3089 {offsets = [10], sizes = [1], strides = [1]} : vector<16xi32> to vector<1xi32>
      %squeeze3A_3271 = vector.extract %slice3A_3270[0] : i32 from vector<1xi32>
      %mul3A_3272 = arith.constant 128 : i32
      %mul3A_3273 = arith.muli %squeeze3A_3271, %mul3A_3272 : i32
      %multiple_of3A_3274 = tpu.assume_multiple %mul3A_3273, 128 : i32
      %dma_start3A_3275 = arith.constant 1 : i32
      %dma_start3A_3276 = arith.constant 0 : i32
      %dma_start3A_3277 = arith.constant 1280 : i32
      %dma_start3A_3278 = tpu.memref_slice %arg7[%dma_start3A_3275, %dma_start3A_3276, %dma_start3A_3277] : memref<2x8x4096xf32, #tpu.memory_space<vmem>> -> memref<1x8x128xf32, #tpu.memory_space<vmem>>
      %dma_start3A_3279 = tpu.memref_squeeze %dma_start3A_3278 : memref<1x8x128xf32, #tpu.memory_space<vmem>> -> memref<8x128xf32, #tpu.memory_space<vmem>>
      %dma_start3A_3280 = arith.constant 0 : i32
      %dma_start3A_3281 = tpu.memref_slice %arg3[%dma_start3A_3280, %multiple_of3A_3274] : memref<8x1000001xf32, #tpu.memory_space<hbm>> -> memref<8x128xf32, #tpu.memory_space<hbm>>
      %dma_start3A_3282 = arith.constant 0 : i32
      %dma_start3A_3283 = arith.constant 1280 : i32
      %dma_start3A_3284 = tpu.memref_slice %arg7[%dma_start3A_3275, %dma_start3A_3282, %dma_start3A_3283] : memref<2x8x4096xf32, #tpu.memory_space<vmem>> -> memref<1x8x128xf32, #tpu.memory_space<vmem>>
      %dma_start3A_3285 = tpu.memref_squeeze %dma_start3A_3284 : memref<1x8x128xf32, #tpu.memory_space<vmem>> -> memref<8x128xf32, #tpu.memory_space<vmem>>
      %dma_start3A_3286 = arith.constant 0 : i32
      %dma_start3A_3287 = tpu.memref_slice %arg3[%dma_start3A_3286, %multiple_of3A_3274] : memref<8x1000001xf32, #tpu.memory_space<hbm>> -> memref<8x128xf32, #tpu.memory_space<hbm>>
      tpu.enqueue_dma source(%dma_start3A_3287 : memref<8x128xf32, #tpu.memory_space<hbm>>) target(%dma_start3A_3285 : memref<8x128xf32, #tpu.memory_space<vmem>>) target_semaphore(%arg11 : memref<!tpu.dma_semaphore, #tpu.memory_space<semaphore_mem>>)
      %slice3A_3288 = vector.extract_strided_slice %min3A_3089 {offsets = [11], sizes = [1], strides = [1]} : vector<16xi32> to vector<1xi32>
      %squeeze3A_3289 = vector.extract %slice3A_3288[0] : i32 from vector<1xi32>
      %mul3A_3290 = arith.constant 128 : i32
      %mul3A_3291 = arith.muli %squeeze3A_3289, %mul3A_3290 : i32
      %multiple_of3A_3292 = tpu.assume_multiple %mul3A_3291, 128 : i32
      %dma_start3A_3293 = arith.constant 1 : i32
      %dma_start3A_3294 = arith.constant 0 : i32
      %dma_start3A_3295 = arith.constant 1408 : i32
      %dma_start3A_3296 = tpu.memref_slice %arg7[%dma_start3A_3293, %dma_start3A_3294, %dma_start3A_3295] : memref<2x8x4096xf32, #tpu.memory_space<vmem>> -> memref<1x8x128xf32, #tpu.memory_space<vmem>>
      %dma_start3A_3297 = tpu.memref_squeeze %dma_start3A_3296 : memref<1x8x128xf32, #tpu.memory_space<vmem>> -> memref<8x128xf32, #tpu.memory_space<vmem>>
      %dma_start3A_3298 = arith.constant 0 : i32
      %dma_start3A_3299 = tpu.memref_slice %arg3[%dma_start3A_3298, %multiple_of3A_3292] : memref<8x1000001xf32, #tpu.memory_space<hbm>> -> memref<8x128xf32, #tpu.memory_space<hbm>>
      %dma_start3A_3300 = arith.constant 0 : i32
      %dma_start3A_3301 = arith.constant 1408 : i32
      %dma_start3A_3302 = tpu.memref_slice %arg7[%dma_start3A_3293, %dma_start3A_3300, %dma_start3A_3301] : memref<2x8x4096xf32, #tpu.memory_space<vmem>> -> memref<1x8x128xf32, #tpu.memory_space<vmem>>
      %dma_start3A_3303 = tpu.memref_squeeze %dma_start3A_3302 : memref<1x8x128xf32, #tpu.memory_space<vmem>> -> memref<8x128xf32, #tpu.memory_space<vmem>>
      %dma_start3A_3304 = arith.constant 0 : i32
      %dma_start3A_3305 = tpu.memref_slice %arg3[%dma_start3A_3304, %multiple_of3A_3292] : memref<8x1000001xf32, #tpu.memory_space<hbm>> -> memref<8x128xf32, #tpu.memory_space<hbm>>
      tpu.enqueue_dma source(%dma_start3A_3305 : memref<8x128xf32, #tpu.memory_space<hbm>>) target(%dma_start3A_3303 : memref<8x128xf32, #tpu.memory_space<vmem>>) target_semaphore(%arg11 : memref<!tpu.dma_semaphore, #tpu.memory_space<semaphore_mem>>)
      %slice3A_3306 = vector.extract_strided_slice %min3A_3089 {offsets = [12], sizes = [1], strides = [1]} : vector<16xi32> to vector<1xi32>
      %squeeze3A_3307 = vector.extract %slice3A_3306[0] : i32 from vector<1xi32>
      %mul3A_3308 = arith.constant 128 : i32
      %mul3A_3309 = arith.muli %squeeze3A_3307, %mul3A_3308 : i32
      %multiple_of3A_3310 = tpu.assume_multiple %mul3A_3309, 128 : i32
      %dma_start3A_3311 = arith.constant 1 : i32
      %dma_start3A_3312 = arith.constant 0 : i32
      %dma_start3A_3313 = arith.constant 1536 : i32
      %dma_start3A_3314 = tpu.memref_slice %arg7[%dma_start3A_3311, %dma_start3A_3312, %dma_start3A_3313] : memref<2x8x4096xf32, #tpu.memory_space<vmem>> -> memref<1x8x128xf32, #tpu.memory_space<vmem>>
      %dma_start3A_3315 = tpu.memref_squeeze %dma_start3A_3314 : memref<1x8x128xf32, #tpu.memory_space<vmem>> -> memref<8x128xf32, #tpu.memory_space<vmem>>
      %dma_start3A_3316 = arith.constant 0 : i32
      %dma_start3A_3317 = tpu.memref_slice %arg3[%dma_start3A_3316, %multiple_of3A_3310] : memref<8x1000001xf32, #tpu.memory_space<hbm>> -> memref<8x128xf32, #tpu.memory_space<hbm>>
      %dma_start3A_3318 = arith.constant 0 : i32
      %dma_start3A_3319 = arith.constant 1536 : i32
      %dma_start3A_3320 = tpu.memref_slice %arg7[%dma_start3A_3311, %dma_start3A_3318, %dma_start3A_3319] : memref<2x8x4096xf32, #tpu.memory_space<vmem>> -> memref<1x8x128xf32, #tpu.memory_space<vmem>>
      %dma_start3A_3321 = tpu.memref_squeeze %dma_start3A_3320 : memref<1x8x128xf32, #tpu.memory_space<vmem>> -> memref<8x128xf32, #tpu.memory_space<vmem>>
      %dma_start3A_3322 = arith.constant 0 : i32
      %dma_start3A_3323 = tpu.memref_slice %arg3[%dma_start3A_3322, %multiple_of3A_3310] : memref<8x1000001xf32, #tpu.memory_space<hbm>> -> memref<8x128xf32, #tpu.memory_space<hbm>>
      tpu.enqueue_dma source(%dma_start3A_3323 : memref<8x128xf32, #tpu.memory_space<hbm>>) target(%dma_start3A_3321 : memref<8x128xf32, #tpu.memory_space<vmem>>) target_semaphore(%arg11 : memref<!tpu.dma_semaphore, #tpu.memory_space<semaphore_mem>>)
      %slice3A_3324 = vector.extract_strided_slice %min3A_3089 {offsets = [13], sizes = [1], strides = [1]} : vector<16xi32> to vector<1xi32>
      %squeeze3A_3325 = vector.extract %slice3A_3324[0] : i32 from vector<1xi32>
      %mul3A_3326 = arith.constant 128 : i32
      %mul3A_3327 = arith.muli %squeeze3A_3325, %mul3A_3326 : i32
      %multiple_of3A_3328 = tpu.assume_multiple %mul3A_3327, 128 : i32
      %dma_start3A_3329 = arith.constant 1 : i32
      %dma_start3A_3330 = arith.constant 0 : i32
      %dma_start3A_3331 = arith.constant 1664 : i32
      %dma_start3A_3332 = tpu.memref_slice %arg7[%dma_start3A_3329, %dma_start3A_3330, %dma_start3A_3331] : memref<2x8x4096xf32, #tpu.memory_space<vmem>> -> memref<1x8x128xf32, #tpu.memory_space<vmem>>
      %dma_start3A_3333 = tpu.memref_squeeze %dma_start3A_3332 : memref<1x8x128xf32, #tpu.memory_space<vmem>> -> memref<8x128xf32, #tpu.memory_space<vmem>>
      %dma_start3A_3334 = arith.constant 0 : i32
      %dma_start3A_3335 = tpu.memref_slice %arg3[%dma_start3A_3334, %multiple_of3A_3328] : memref<8x1000001xf32, #tpu.memory_space<hbm>> -> memref<8x128xf32, #tpu.memory_space<hbm>>
      %dma_start3A_3336 = arith.constant 0 : i32
      %dma_start3A_3337 = arith.constant 1664 : i32
      %dma_start3A_3338 = tpu.memref_slice %arg7[%dma_start3A_3329, %dma_start3A_3336, %dma_start3A_3337] : memref<2x8x4096xf32, #tpu.memory_space<vmem>> -> memref<1x8x128xf32, #tpu.memory_space<vmem>>
      %dma_start3A_3339 = tpu.memref_squeeze %dma_start3A_3338 : memref<1x8x128xf32, #tpu.memory_space<vmem>> -> memref<8x128xf32, #tpu.memory_space<vmem>>
      %dma_start3A_3340 = arith.constant 0 : i32
      %dma_start3A_3341 = tpu.memref_slice %arg3[%dma_start3A_3340, %multiple_of3A_3328] : memref<8x1000001xf32, #tpu.memory_space<hbm>> -> memref<8x128xf32, #tpu.memory_space<hbm>>
      tpu.enqueue_dma source(%dma_start3A_3341 : memref<8x128xf32, #tpu.memory_space<hbm>>) target(%dma_start3A_3339 : memref<8x128xf32, #tpu.memory_space<vmem>>) target_semaphore(%arg11 : memref<!tpu.dma_semaphore, #tpu.memory_space<semaphore_mem>>)
      %slice3A_3342 = vector.extract_strided_slice %min3A_3089 {offsets = [14], sizes = [1], strides = [1]} : vector<16xi32> to vector<1xi32>
      %squeeze3A_3343 = vector.extract %slice3A_3342[0] : i32 from vector<1xi32>
      %mul3A_3344 = arith.constant 128 : i32
      %mul3A_3345 = arith.muli %squeeze3A_3343, %mul3A_3344 : i32
      %multiple_of3A_3346 = tpu.assume_multiple %mul3A_3345, 128 : i32
      %dma_start3A_3347 = arith.constant 1 : i32
      %dma_start3A_3348 = arith.constant 0 : i32
      %dma_start3A_3349 = arith.constant 1792 : i32
      %dma_start3A_3350 = tpu.memref_slice %arg7[%dma_start3A_3347, %dma_start3A_3348, %dma_start3A_3349] : memref<2x8x4096xf32, #tpu.memory_space<vmem>> -> memref<1x8x128xf32, #tpu.memory_space<vmem>>
      %dma_start3A_3351 = tpu.memref_squeeze %dma_start3A_3350 : memref<1x8x128xf32, #tpu.memory_space<vmem>> -> memref<8x128xf32, #tpu.memory_space<vmem>>
      %dma_start3A_3352 = arith.constant 0 : i32
      %dma_start3A_3353 = tpu.memref_slice %arg3[%dma_start3A_3352, %multiple_of3A_3346] : memref<8x1000001xf32, #tpu.memory_space<hbm>> -> memref<8x128xf32, #tpu.memory_space<hbm>>
      %dma_start3A_3354 = arith.constant 0 : i32
      %dma_start3A_3355 = arith.constant 1792 : i32
      %dma_start3A_3356 = tpu.memref_slice %arg7[%dma_start3A_3347, %dma_start3A_3354, %dma_start3A_3355] : memref<2x8x4096xf32, #tpu.memory_space<vmem>> -> memref<1x8x128xf32, #tpu.memory_space<vmem>>
      %dma_start3A_3357 = tpu.memref_squeeze %dma_start3A_3356 : memref<1x8x128xf32, #tpu.memory_space<vmem>> -> memref<8x128xf32, #tpu.memory_space<vmem>>
      %dma_start3A_3358 = arith.constant 0 : i32
      %dma_start3A_3359 = tpu.memref_slice %arg3[%dma_start3A_3358, %multiple_of3A_3346] : memref<8x1000001xf32, #tpu.memory_space<hbm>> -> memref<8x128xf32, #tpu.memory_space<hbm>>
      tpu.enqueue_dma source(%dma_start3A_3359 : memref<8x128xf32, #tpu.memory_space<hbm>>) target(%dma_start3A_3357 : memref<8x128xf32, #tpu.memory_space<vmem>>) target_semaphore(%arg11 : memref<!tpu.dma_semaphore, #tpu.memory_space<semaphore_mem>>)
      %slice3A_3360 = vector.extract_strided_slice %min3A_3089 {offsets = [15], sizes = [1], strides = [1]} : vector<16xi32> to vector<1xi32>
      %squeeze3A_3361 = vector.extract %slice3A_3360[0] : i32 from vector<1xi32>
      %mul3A_3362 = arith.constant 128 : i32
      %mul3A_3363 = arith.muli %squeeze3A_3361, %mul3A_3362 : i32
      %multiple_of3A_3364 = tpu.assume_multiple %mul3A_3363, 128 : i32
      %dma_start3A_3365 = arith.constant 1 : i32
      %dma_start3A_3366 = arith.constant 0 : i32
      %dma_start3A_3367 = arith.constant 1920 : i32
      %dma_start3A_3368 = tpu.memref_slice %arg7[%dma_start3A_3365, %dma_start3A_3366, %dma_start3A_3367] : memref<2x8x4096xf32, #tpu.memory_space<vmem>> -> memref<1x8x128xf32, #tpu.memory_space<vmem>>
      %dma_start3A_3369 = tpu.memref_squeeze %dma_start3A_3368 : memref<1x8x128xf32, #tpu.memory_space<vmem>> -> memref<8x128xf32, #tpu.memory_space<vmem>>
      %dma_start3A_3370 = arith.constant 0 : i32
      %dma_start3A_3371 = tpu.memref_slice %arg3[%dma_start3A_3370, %multiple_of3A_3364] : memref<8x1000001xf32, #tpu.memory_space<hbm>> -> memref<8x128xf32, #tpu.memory_space<hbm>>
      %dma_start3A_3372 = arith.constant 0 : i32
      %dma_start3A_3373 = arith.constant 1920 : i32
      %dma_start3A_3374 = tpu.memref_slice %arg7[%dma_start3A_3365, %dma_start3A_3372, %dma_start3A_3373] : memref<2x8x4096xf32, #tpu.memory_space<vmem>> -> memref<1x8x128xf32, #tpu.memory_space<vmem>>
      %dma_start3A_3375 = tpu.memref_squeeze %dma_start3A_3374 : memref<1x8x128xf32, #tpu.memory_space<vmem>> -> memref<8x128xf32, #tpu.memory_space<vmem>>
      %dma_start3A_3376 = arith.constant 0 : i32
      %dma_start3A_3377 = tpu.memref_slice %arg3[%dma_start3A_3376, %multiple_of3A_3364] : memref<8x1000001xf32, #tpu.memory_space<hbm>> -> memref<8x128xf32, #tpu.memory_space<hbm>>
      tpu.enqueue_dma source(%dma_start3A_3377 : memref<8x128xf32, #tpu.memory_space<hbm>>) target(%dma_start3A_3375 : memref<8x128xf32, #tpu.memory_space<vmem>>) target_semaphore(%arg11 : memref<!tpu.dma_semaphore, #tpu.memory_space<semaphore_mem>>)
      %jit3A_3378 = arith.constant 4 : i32
      %div3A_3379 = arith.divsi %add3A_3036, %jit3A_3378 : i32
      %sign3A_3380 = arith.constant 0 : i32
      %sign3A_3381 = arith.cmpi sgt, %add3A_3036, %sign3A_3380 : i32
      %sign3A_3382 = arith.extui %sign3A_3381 : i1 to i32
      %sign3A_3383 = arith.constant 0 : i32
      %sign3A_3384 = arith.cmpi slt, %add3A_3036, %sign3A_3383 : i32
      %sign3A_3385 = arith.extui %sign3A_3384 : i1 to i32
      %sign3A_3386 = arith.subi %sign3A_3382, %sign3A_3385 : i32
      %sign3A_3387 = arith.constant 0 : i32
      %sign3A_3388 = arith.cmpi sgt, %jit3A_3378, %sign3A_3387 : i32
      %sign3A_3389 = arith.extui %sign3A_3388 : i1 to i32
      %sign3A_3390 = arith.constant 0 : i32
      %sign3A_3391 = arith.cmpi slt, %jit3A_3378, %sign3A_3390 : i32
      %sign3A_3392 = arith.extui %sign3A_3391 : i1 to i32
      %sign3A_3393 = arith.subi %sign3A_3389, %sign3A_3392 : i32
      %ne3A_3394 = arith.cmpi ne, %sign3A_3386, %sign3A_3393 : i32
      %rem3A_3395 = arith.remsi %add3A_3036, %jit3A_3378 : i32
      %ne3A_3396 = arith.constant 0 : i32
      %ne3A_3397 = arith.cmpi ne, %rem3A_3395, %ne3A_3396 : i32
      %and3A_3398 = arith.andi %ne3A_3394, %ne3A_3397 : i1
      %sub3A_3399 = arith.constant 1 : i32
      %sub3A_3400 = arith.subi %div3A_3379, %sub3A_3399 : i32
      %select_n3A_3401 = arith.select %and3A_3398, %sub3A_3400, %div3A_3379 : i32
      %jit3A_3402 = arith.constant 4 : i32
      %eq3A_3403 = arith.constant 0 : i32
      %eq3A_3404 = arith.cmpi eq, %jit3A_3402, %eq3A_3403 : i32
      %jit3A_3405 = arith.constant 1 : i32
      %select_n3A_3406 = arith.select %eq3A_3404, %jit3A_3405, %jit3A_3402 : i32
      %rem3A_3407 = arith.remsi %add3A_3036, %select_n3A_3406 : i32
      %ne3A_3408 = arith.constant 0 : i32
      %ne3A_3409 = arith.cmpi ne, %rem3A_3407, %ne3A_3408 : i32
      %lt3A_3410 = arith.constant 0 : i32
      %lt3A_3411 = arith.cmpi slt, %rem3A_3407, %lt3A_3410 : i32
      %lt3A_3412 = arith.constant 0 : i32
      %lt3A_3413 = arith.cmpi slt, %select_n3A_3406, %lt3A_3412 : i32
      %ne3A_3414 = arith.xori %lt3A_3411, %lt3A_3413 : i1
      %and3A_3415 = arith.andi %ne3A_3414, %ne3A_3409 : i1
      %add3A_3416 = arith.addi %rem3A_3407, %select_n3A_3406 : i32
      %select_n3A_3417 = arith.select %and3A_3415, %add3A_3416, %rem3A_3407 : i32
      %mul3A_3418 = arith.constant 32 : i32
      %mul3A_3419 = arith.muli %select_n3A_3417, %mul3A_3418 : i32
      %add3A_3420 = arith.constant 16 : i32
      %add3A_3421 = arith.addi %mul3A_3419, %add3A_3420 : i32
      %get3A_3422 = arith.index_cast %select_n3A_3401 : i32 to index
      %get3A_3423 = arith.index_cast %add3A_3421 : i32 to index
      %get3A_3424 = tpu.vector_load %arg6[%get3A_3422, %get3A_3423] {strides = array<i32>} : memref<4x128xi32, #tpu.memory_space<vmem>>, vector<16xi32>,
      %shift_right_logical3A_3425 = arith.constant 7 : i32
      %shift_right_logical3A_3426 = vector.broadcast %shift_right_logical3A_3425 : i32 to vector<16xi32>
      %shift_right_logical3A_3427 = arith.shrui %get3A_3424, %shift_right_logical3A_3426 : vector<16xi32>
      %min3A_3428 = arith.constant 7811 : i32
      %min3A_3429 = vector.broadcast %min3A_3428 : i32 to vector<16xi32>
      %min3A_3430 = arith.minsi %shift_right_logical3A_3427, %min3A_3429 : vector<16xi32>
      %slice3A_3431 = vector.extract_strided_slice %min3A_3430 {offsets = [0], sizes = [1], strides = [1]} : vector<16xi32> to vector<1xi32>
      %squeeze3A_3432 = vector.extract %slice3A_3431[0] : i32 from vector<1xi32>
      %mul3A_3433 = arith.constant 128 : i32
      %mul3A_3434 = arith.muli %squeeze3A_3432, %mul3A_3433 : i32
      %multiple_of3A_3435 = tpu.assume_multiple %mul3A_3434, 128 : i32
      %dma_start3A_3436 = arith.constant 1 : i32
      %dma_start3A_3437 = arith.constant 0 : i32
      %dma_start3A_3438 = arith.constant 2048 : i32
      %dma_start3A_3439 = tpu.memref_slice %arg7[%dma_start3A_3436, %dma_start3A_3437, %dma_start3A_3438] : memref<2x8x4096xf32, #tpu.memory_space<vmem>> -> memref<1x8x128xf32, #tpu.memory_space<vmem>>
      %dma_start3A_3440 = tpu.memref_squeeze %dma_start3A_3439 : memref<1x8x128xf32, #tpu.memory_space<vmem>> -> memref<8x128xf32, #tpu.memory_space<vmem>>
      %dma_start3A_3441 = arith.constant 0 : i32
      %dma_start3A_3442 = tpu.memref_slice %arg3[%dma_start3A_3441, %multiple_of3A_3435] : memref<8x1000001xf32, #tpu.memory_space<hbm>> -> memref<8x128xf32, #tpu.memory_space<hbm>>
      %dma_start3A_3443 = arith.constant 0 : i32
      %dma_start3A_3444 = arith.constant 2048 : i32
      %dma_start3A_3445 = tpu.memref_slice %arg7[%dma_start3A_3436, %dma_start3A_3443, %dma_start3A_3444] : memref<2x8x4096xf32, #tpu.memory_space<vmem>> -> memref<1x8x128xf32, #tpu.memory_space<vmem>>
      %dma_start3A_3446 = tpu.memref_squeeze %dma_start3A_3445 : memref<1x8x128xf32, #tpu.memory_space<vmem>> -> memref<8x128xf32, #tpu.memory_space<vmem>>
      %dma_start3A_3447 = arith.constant 0 : i32
      %dma_start3A_3448 = tpu.memref_slice %arg3[%dma_start3A_3447, %multiple_of3A_3435] : memref<8x1000001xf32, #tpu.memory_space<hbm>> -> memref<8x128xf32, #tpu.memory_space<hbm>>
      tpu.enqueue_dma source(%dma_start3A_3448 : memref<8x128xf32, #tpu.memory_space<hbm>>) target(%dma_start3A_3446 : memref<8x128xf32, #tpu.memory_space<vmem>>) target_semaphore(%arg11 : memref<!tpu.dma_semaphore, #tpu.memory_space<semaphore_mem>>)
      %slice3A_3449 = vector.extract_strided_slice %min3A_3430 {offsets = [1], sizes = [1], strides = [1]} : vector<16xi32> to vector<1xi32>
      %squeeze3A_3450 = vector.extract %slice3A_3449[0] : i32 from vector<1xi32>
      %mul3A_3451 = arith.constant 128 : i32
      %mul3A_3452 = arith.muli %squeeze3A_3450, %mul3A_3451 : i32
      %multiple_of3A_3453 = tpu.assume_multiple %mul3A_3452, 128 : i32
      %dma_start3A_3454 = arith.constant 1 : i32
      %dma_start3A_3455 = arith.constant 0 : i32
      %dma_start3A_3456 = arith.constant 2176 : i32
      %dma_start3A_3457 = tpu.memref_slice %arg7[%dma_start3A_3454, %dma_start3A_3455, %dma_start3A_3456] : memref<2x8x4096xf32, #tpu.memory_space<vmem>> -> memref<1x8x128xf32, #tpu.memory_space<vmem>>
      %dma_start3A_3458 = tpu.memref_squeeze %dma_start3A_3457 : memref<1x8x128xf32, #tpu.memory_space<vmem>> -> memref<8x128xf32, #tpu.memory_space<vmem>>
      %dma_start3A_3459 = arith.constant 0 : i32
      %dma_start3A_3460 = tpu.memref_slice %arg3[%dma_start3A_3459, %multiple_of3A_3453] : memref<8x1000001xf32, #tpu.memory_space<hbm>> -> memref<8x128xf32, #tpu.memory_space<hbm>>
      %dma_start3A_3461 = arith.constant 0 : i32
      %dma_start3A_3462 = arith.constant 2176 : i32
      %dma_start3A_3463 = tpu.memref_slice %arg7[%dma_start3A_3454, %dma_start3A_3461, %dma_start3A_3462] : memref<2x8x4096xf32, #tpu.memory_space<vmem>> -> memref<1x8x128xf32, #tpu.memory_space<vmem>>
      %dma_start3A_3464 = tpu.memref_squeeze %dma_start3A_3463 : memref<1x8x128xf32, #tpu.memory_space<vmem>> -> memref<8x128xf32, #tpu.memory_space<vmem>>
      %dma_start3A_3465 = arith.constant 0 : i32
      %dma_start3A_3466 = tpu.memref_slice %arg3[%dma_start3A_3465, %multiple_of3A_3453] : memref<8x1000001xf32, #tpu.memory_space<hbm>> -> memref<8x128xf32, #tpu.memory_space<hbm>>
      tpu.enqueue_dma source(%dma_start3A_3466 : memref<8x128xf32, #tpu.memory_space<hbm>>) target(%dma_start3A_3464 : memref<8x128xf32, #tpu.memory_space<vmem>>) target_semaphore(%arg11 : memref<!tpu.dma_semaphore, #tpu.memory_space<semaphore_mem>>)
      %slice3A_3467 = vector.extract_strided_slice %min3A_3430 {offsets = [2], sizes = [1], strides = [1]} : vector<16xi32> to vector<1xi32>
      %squeeze3A_3468 = vector.extract %slice3A_3467[0] : i32 from vector<1xi32>
      %mul3A_3469 = arith.constant 128 : i32
      %mul3A_3470 = arith.muli %squeeze3A_3468, %mul3A_3469 : i32
      %multiple_of3A_3471 = tpu.assume_multiple %mul3A_3470, 128 : i32
      %dma_start3A_3472 = arith.constant 1 : i32
      %dma_start3A_3473 = arith.constant 0 : i32
      %dma_start3A_3474 = arith.constant 2304 : i32
      %dma_start3A_3475 = tpu.memref_slice %arg7[%dma_start3A_3472, %dma_start3A_3473, %dma_start3A_3474] : memref<2x8x4096xf32, #tpu.memory_space<vmem>> -> memref<1x8x128xf32, #tpu.memory_space<vmem>>
      %dma_start3A_3476 = tpu.memref_squeeze %dma_start3A_3475 : memref<1x8x128xf32, #tpu.memory_space<vmem>> -> memref<8x128xf32, #tpu.memory_space<vmem>>
      %dma_start3A_3477 = arith.constant 0 : i32
      %dma_start3A_3478 = tpu.memref_slice %arg3[%dma_start3A_3477, %multiple_of3A_3471] : memref<8x1000001xf32, #tpu.memory_space<hbm>> -> memref<8x128xf32, #tpu.memory_space<hbm>>
      %dma_start3A_3479 = arith.constant 0 : i32
      %dma_start3A_3480 = arith.constant 2304 : i32
      %dma_start3A_3481 = tpu.memref_slice %arg7[%dma_start3A_3472, %dma_start3A_3479, %dma_start3A_3480] : memref<2x8x4096xf32, #tpu.memory_space<vmem>> -> memref<1x8x128xf32, #tpu.memory_space<vmem>>
      %dma_start3A_3482 = tpu.memref_squeeze %dma_start3A_3481 : memref<1x8x128xf32, #tpu.memory_space<vmem>> -> memref<8x128xf32, #tpu.memory_space<vmem>>
      %dma_start3A_3483 = arith.constant 0 : i32
      %dma_start3A_3484 = tpu.memref_slice %arg3[%dma_start3A_3483, %multiple_of3A_3471] : memref<8x1000001xf32, #tpu.memory_space<hbm>> -> memref<8x128xf32, #tpu.memory_space<hbm>>
      tpu.enqueue_dma source(%dma_start3A_3484 : memref<8x128xf32, #tpu.memory_space<hbm>>) target(%dma_start3A_3482 : memref<8x128xf32, #tpu.memory_space<vmem>>) target_semaphore(%arg11 : memref<!tpu.dma_semaphore, #tpu.memory_space<semaphore_mem>>)
      %slice3A_3485 = vector.extract_strided_slice %min3A_3430 {offsets = [3], sizes = [1], strides = [1]} : vector<16xi32> to vector<1xi32>
      %squeeze3A_3486 = vector.extract %slice3A_3485[0] : i32 from vector<1xi32>
      %mul3A_3487 = arith.constant 128 : i32
      %mul3A_3488 = arith.muli %squeeze3A_3486, %mul3A_3487 : i32
      %multiple_of3A_3489 = tpu.assume_multiple %mul3A_3488, 128 : i32
      %dma_start3A_3490 = arith.constant 1 : i32
      %dma_start3A_3491 = arith.constant 0 : i32
      %dma_start3A_3492 = arith.constant 2432 : i32
      %dma_start3A_3493 = tpu.memref_slice %arg7[%dma_start3A_3490, %dma_start3A_3491, %dma_start3A_3492] : memref<2x8x4096xf32, #tpu.memory_space<vmem>> -> memref<1x8x128xf32, #tpu.memory_space<vmem>>
      %dma_start3A_3494 = tpu.memref_squeeze %dma_start3A_3493 : memref<1x8x128xf32, #tpu.memory_space<vmem>> -> memref<8x128xf32, #tpu.memory_space<vmem>>
      %dma_start3A_3495 = arith.constant 0 : i32
      %dma_start3A_3496 = tpu.memref_slice %arg3[%dma_start3A_3495, %multiple_of3A_3489] : memref<8x1000001xf32, #tpu.memory_space<hbm>> -> memref<8x128xf32, #tpu.memory_space<hbm>>
      %dma_start3A_3497 = arith.constant 0 : i32
      %dma_start3A_3498 = arith.constant 2432 : i32
      %dma_start3A_3499 = tpu.memref_slice %arg7[%dma_start3A_3490, %dma_start3A_3497, %dma_start3A_3498] : memref<2x8x4096xf32, #tpu.memory_space<vmem>> -> memref<1x8x128xf32, #tpu.memory_space<vmem>>
      %dma_start3A_3500 = tpu.memref_squeeze %dma_start3A_3499 : memref<1x8x128xf32, #tpu.memory_space<vmem>> -> memref<8x128xf32, #tpu.memory_space<vmem>>
      %dma_start3A_3501 = arith.constant 0 : i32
      %dma_start3A_3502 = tpu.memref_slice %arg3[%dma_start3A_3501, %multiple_of3A_3489] : memref<8x1000001xf32, #tpu.memory_space<hbm>> -> memref<8x128xf32, #tpu.memory_space<hbm>>
      tpu.enqueue_dma source(%dma_start3A_3502 : memref<8x128xf32, #tpu.memory_space<hbm>>) target(%dma_start3A_3500 : memref<8x128xf32, #tpu.memory_space<vmem>>) target_semaphore(%arg11 : memref<!tpu.dma_semaphore, #tpu.memory_space<semaphore_mem>>)
      %slice3A_3503 = vector.extract_strided_slice %min3A_3430 {offsets = [4], sizes = [1], strides = [1]} : vector<16xi32> to vector<1xi32>
      %squeeze3A_3504 = vector.extract %slice3A_3503[0] : i32 from vector<1xi32>
      %mul3A_3505 = arith.constant 128 : i32
      %mul3A_3506 = arith.muli %squeeze3A_3504, %mul3A_3505 : i32
      %multiple_of3A_3507 = tpu.assume_multiple %mul3A_3506, 128 : i32
      %dma_start3A_3508 = arith.constant 1 : i32
      %dma_start3A_3509 = arith.constant 0 : i32
      %dma_start3A_3510 = arith.constant 2560 : i32
      %dma_start3A_3511 = tpu.memref_slice %arg7[%dma_start3A_3508, %dma_start3A_3509, %dma_start3A_3510] : memref<2x8x4096xf32, #tpu.memory_space<vmem>> -> memref<1x8x128xf32, #tpu.memory_space<vmem>>
      %dma_start3A_3512 = tpu.memref_squeeze %dma_start3A_3511 : memref<1x8x128xf32, #tpu.memory_space<vmem>> -> memref<8x128xf32, #tpu.memory_space<vmem>>
      %dma_start3A_3513 = arith.constant 0 : i32
      %dma_start3A_3514 = tpu.memref_slice %arg3[%dma_start3A_3513, %multiple_of3A_3507] : memref<8x1000001xf32, #tpu.memory_space<hbm>> -> memref<8x128xf32, #tpu.memory_space<hbm>>
      %dma_start3A_3515 = arith.constant 0 : i32
      %dma_start3A_3516 = arith.constant 2560 : i32
      %dma_start3A_3517 = tpu.memref_slice %arg7[%dma_start3A_3508, %dma_start3A_3515, %dma_start3A_3516] : memref<2x8x4096xf32, #tpu.memory_space<vmem>> -> memref<1x8x128xf32, #tpu.memory_space<vmem>>
      %dma_start3A_3518 = tpu.memref_squeeze %dma_start3A_3517 : memref<1x8x128xf32, #tpu.memory_space<vmem>> -> memref<8x128xf32, #tpu.memory_space<vmem>>
      %dma_start3A_3519 = arith.constant 0 : i32
      %dma_start3A_3520 = tpu.memref_slice %arg3[%dma_start3A_3519, %multiple_of3A_3507] : memref<8x1000001xf32, #tpu.memory_space<hbm>> -> memref<8x128xf32, #tpu.memory_space<hbm>>
      tpu.enqueue_dma source(%dma_start3A_3520 : memref<8x128xf32, #tpu.memory_space<hbm>>) target(%dma_start3A_3518 : memref<8x128xf32, #tpu.memory_space<vmem>>) target_semaphore(%arg11 : memref<!tpu.dma_semaphore, #tpu.memory_space<semaphore_mem>>)
      %slice3A_3521 = vector.extract_strided_slice %min3A_3430 {offsets = [5], sizes = [1], strides = [1]} : vector<16xi32> to vector<1xi32>
      %squeeze3A_3522 = vector.extract %slice3A_3521[0] : i32 from vector<1xi32>
      %mul3A_3523 = arith.constant 128 : i32
      %mul3A_3524 = arith.muli %squeeze3A_3522, %mul3A_3523 : i32
      %multiple_of3A_3525 = tpu.assume_multiple %mul3A_3524, 128 : i32
      %dma_start3A_3526 = arith.constant 1 : i32
      %dma_start3A_3527 = arith.constant 0 : i32
      %dma_start3A_3528 = arith.constant 2688 : i32
      %dma_start3A_3529 = tpu.memref_slice %arg7[%dma_start3A_3526, %dma_start3A_3527, %dma_start3A_3528] : memref<2x8x4096xf32, #tpu.memory_space<vmem>> -> memref<1x8x128xf32, #tpu.memory_space<vmem>>
      %dma_start3A_3530 = tpu.memref_squeeze %dma_start3A_3529 : memref<1x8x128xf32, #tpu.memory_space<vmem>> -> memref<8x128xf32, #tpu.memory_space<vmem>>
      %dma_start3A_3531 = arith.constant 0 : i32
      %dma_start3A_3532 = tpu.memref_slice %arg3[%dma_start3A_3531, %multiple_of3A_3525] : memref<8x1000001xf32, #tpu.memory_space<hbm>> -> memref<8x128xf32, #tpu.memory_space<hbm>>
      %dma_start3A_3533 = arith.constant 0 : i32
      %dma_start3A_3534 = arith.constant 2688 : i32
      %dma_start3A_3535 = tpu.memref_slice %arg7[%dma_start3A_3526, %dma_start3A_3533, %dma_start3A_3534] : memref<2x8x4096xf32, #tpu.memory_space<vmem>> -> memref<1x8x128xf32, #tpu.memory_space<vmem>>
      %dma_start3A_3536 = tpu.memref_squeeze %dma_start3A_3535 : memref<1x8x128xf32, #tpu.memory_space<vmem>> -> memref<8x128xf32, #tpu.memory_space<vmem>>
      %dma_start3A_3537 = arith.constant 0 : i32
      %dma_start3A_3538 = tpu.memref_slice %arg3[%dma_start3A_3537, %multiple_of3A_3525] : memref<8x1000001xf32, #tpu.memory_space<hbm>> -> memref<8x128xf32, #tpu.memory_space<hbm>>
      tpu.enqueue_dma source(%dma_start3A_3538 : memref<8x128xf32, #tpu.memory_space<hbm>>) target(%dma_start3A_3536 : memref<8x128xf32, #tpu.memory_space<vmem>>) target_semaphore(%arg11 : memref<!tpu.dma_semaphore, #tpu.memory_space<semaphore_mem>>)
      %slice3A_3539 = vector.extract_strided_slice %min3A_3430 {offsets = [6], sizes = [1], strides = [1]} : vector<16xi32> to vector<1xi32>
      %squeeze3A_3540 = vector.extract %slice3A_3539[0] : i32 from vector<1xi32>
      %mul3A_3541 = arith.constant 128 : i32
      %mul3A_3542 = arith.muli %squeeze3A_3540, %mul3A_3541 : i32
      %multiple_of3A_3543 = tpu.assume_multiple %mul3A_3542, 128 : i32
      %dma_start3A_3544 = arith.constant 1 : i32
      %dma_start3A_3545 = arith.constant 0 : i32
      %dma_start3A_3546 = arith.constant 2816 : i32
      %dma_start3A_3547 = tpu.memref_slice %arg7[%dma_start3A_3544, %dma_start3A_3545, %dma_start3A_3546] : memref<2x8x4096xf32, #tpu.memory_space<vmem>> -> memref<1x8x128xf32, #tpu.memory_space<vmem>>
      %dma_start3A_3548 = tpu.memref_squeeze %dma_start3A_3547 : memref<1x8x128xf32, #tpu.memory_space<vmem>> -> memref<8x128xf32, #tpu.memory_space<vmem>>
      %dma_start3A_3549 = arith.constant 0 : i32
      %dma_start3A_3550 = tpu.memref_slice %arg3[%dma_start3A_3549, %multiple_of3A_3543] : memref<8x1000001xf32, #tpu.memory_space<hbm>> -> memref<8x128xf32, #tpu.memory_space<hbm>>
      %dma_start3A_3551 = arith.constant 0 : i32
      %dma_start3A_3552 = arith.constant 2816 : i32
      %dma_start3A_3553 = tpu.memref_slice %arg7[%dma_start3A_3544, %dma_start3A_3551, %dma_start3A_3552] : memref<2x8x4096xf32, #tpu.memory_space<vmem>> -> memref<1x8x128xf32, #tpu.memory_space<vmem>>
      %dma_start3A_3554 = tpu.memref_squeeze %dma_start3A_3553 : memref<1x8x128xf32, #tpu.memory_space<vmem>> -> memref<8x128xf32, #tpu.memory_space<vmem>>
      %dma_start3A_3555 = arith.constant 0 : i32
      %dma_start3A_3556 = tpu.memref_slice %arg3[%dma_start3A_3555, %multiple_of3A_3543] : memref<8x1000001xf32, #tpu.memory_space<hbm>> -> memref<8x128xf32, #tpu.memory_space<hbm>>
      tpu.enqueue_dma source(%dma_start3A_3556 : memref<8x128xf32, #tpu.memory_space<hbm>>) target(%dma_start3A_3554 : memref<8x128xf32, #tpu.memory_space<vmem>>) target_semaphore(%arg11 : memref<!tpu.dma_semaphore, #tpu.memory_space<semaphore_mem>>)
      %slice3A_3557 = vector.extract_strided_slice %min3A_3430 {offsets = [7], sizes = [1], strides = [1]} : vector<16xi32> to vector<1xi32>
      %squeeze3A_3558 = vector.extract %slice3A_3557[0] : i32 from vector<1xi32>
      %mul3A_3559 = arith.constant 128 : i32
      %mul3A_3560 = arith.muli %squeeze3A_3558, %mul3A_3559 : i32
      %multiple_of3A_3561 = tpu.assume_multiple %mul3A_3560, 128 : i32
      %dma_start3A_3562 = arith.constant 1 : i32
      %dma_start3A_3563 = arith.constant 0 : i32
      %dma_start3A_3564 = arith.constant 2944 : i32
      %dma_start3A_3565 = tpu.memref_slice %arg7[%dma_start3A_3562, %dma_start3A_3563, %dma_start3A_3564] : memref<2x8x4096xf32, #tpu.memory_space<vmem>> -> memref<1x8x128xf32, #tpu.memory_space<vmem>>
      %dma_start3A_3566 = tpu.memref_squeeze %dma_start3A_3565 : memref<1x8x128xf32, #tpu.memory_space<vmem>> -> memref<8x128xf32, #tpu.memory_space<vmem>>
      %dma_start3A_3567 = arith.constant 0 : i32
      %dma_start3A_3568 = tpu.memref_slice %arg3[%dma_start3A_3567, %multiple_of3A_3561] : memref<8x1000001xf32, #tpu.memory_space<hbm>> -> memref<8x128xf32, #tpu.memory_space<hbm>>
      %dma_start3A_3569 = arith.constant 0 : i32
      %dma_start3A_3570 = arith.constant 2944 : i32
      %dma_start3A_3571 = tpu.memref_slice %arg7[%dma_start3A_3562, %dma_start3A_3569, %dma_start3A_3570] : memref<2x8x4096xf32, #tpu.memory_space<vmem>> -> memref<1x8x128xf32, #tpu.memory_space<vmem>>
      %dma_start3A_3572 = tpu.memref_squeeze %dma_start3A_3571 : memref<1x8x128xf32, #tpu.memory_space<vmem>> -> memref<8x128xf32, #tpu.memory_space<vmem>>
      %dma_start3A_3573 = arith.constant 0 : i32
      %dma_start3A_3574 = tpu.memref_slice %arg3[%dma_start3A_3573, %multiple_of3A_3561] : memref<8x1000001xf32, #tpu.memory_space<hbm>> -> memref<8x128xf32, #tpu.memory_space<hbm>>
      tpu.enqueue_dma source(%dma_start3A_3574 : memref<8x128xf32, #tpu.memory_space<hbm>>) target(%dma_start3A_3572 : memref<8x128xf32, #tpu.memory_space<vmem>>) target_semaphore(%arg11 : memref<!tpu.dma_semaphore, #tpu.memory_space<semaphore_mem>>)
      %slice3A_3575 = vector.extract_strided_slice %min3A_3430 {offsets = [8], sizes = [1], strides = [1]} : vector<16xi32> to vector<1xi32>
      %squeeze3A_3576 = vector.extract %slice3A_3575[0] : i32 from vector<1xi32>
      %mul3A_3577 = arith.constant 128 : i32
      %mul3A_3578 = arith.muli %squeeze3A_3576, %mul3A_3577 : i32
      %multiple_of3A_3579 = tpu.assume_multiple %mul3A_3578, 128 : i32
      %dma_start3A_3580 = arith.constant 1 : i32
      %dma_start3A_3581 = arith.constant 0 : i32
      %dma_start3A_3582 = arith.constant 3072 : i32
      %dma_start3A_3583 = tpu.memref_slice %arg7[%dma_start3A_3580, %dma_start3A_3581, %dma_start3A_3582] : memref<2x8x4096xf32, #tpu.memory_space<vmem>> -> memref<1x8x128xf32, #tpu.memory_space<vmem>>
      %dma_start3A_3584 = tpu.memref_squeeze %dma_start3A_3583 : memref<1x8x128xf32, #tpu.memory_space<vmem>> -> memref<8x128xf32, #tpu.memory_space<vmem>>
      %dma_start3A_3585 = arith.constant 0 : i32
      %dma_start3A_3586 = tpu.memref_slice %arg3[%dma_start3A_3585, %multiple_of3A_3579] : memref<8x1000001xf32, #tpu.memory_space<hbm>> -> memref<8x128xf32, #tpu.memory_space<hbm>>
      %dma_start3A_3587 = arith.constant 0 : i32
      %dma_start3A_3588 = arith.constant 3072 : i32
      %dma_start3A_3589 = tpu.memref_slice %arg7[%dma_start3A_3580, %dma_start3A_3587, %dma_start3A_3588] : memref<2x8x4096xf32, #tpu.memory_space<vmem>> -> memref<1x8x128xf32, #tpu.memory_space<vmem>>
      %dma_start3A_3590 = tpu.memref_squeeze %dma_start3A_3589 : memref<1x8x128xf32, #tpu.memory_space<vmem>> -> memref<8x128xf32, #tpu.memory_space<vmem>>
      %dma_start3A_3591 = arith.constant 0 : i32
      %dma_start3A_3592 = tpu.memref_slice %arg3[%dma_start3A_3591, %multiple_of3A_3579] : memref<8x1000001xf32, #tpu.memory_space<hbm>> -> memref<8x128xf32, #tpu.memory_space<hbm>>
      tpu.enqueue_dma source(%dma_start3A_3592 : memref<8x128xf32, #tpu.memory_space<hbm>>) target(%dma_start3A_3590 : memref<8x128xf32, #tpu.memory_space<vmem>>) target_semaphore(%arg11 : memref<!tpu.dma_semaphore, #tpu.memory_space<semaphore_mem>>)
      %slice3A_3593 = vector.extract_strided_slice %min3A_3430 {offsets = [9], sizes = [1], strides = [1]} : vector<16xi32> to vector<1xi32>
      %squeeze3A_3594 = vector.extract %slice3A_3593[0] : i32 from vector<1xi32>
      %mul3A_3595 = arith.constant 128 : i32
      %mul3A_3596 = arith.muli %squeeze3A_3594, %mul3A_3595 : i32
      %multiple_of3A_3597 = tpu.assume_multiple %mul3A_3596, 128 : i32
      %dma_start3A_3598 = arith.constant 1 : i32
      %dma_start3A_3599 = arith.constant 0 : i32
      %dma_start3A_3600 = arith.constant 3200 : i32
      %dma_start3A_3601 = tpu.memref_slice %arg7[%dma_start3A_3598, %dma_start3A_3599, %dma_start3A_3600] : memref<2x8x4096xf32, #tpu.memory_space<vmem>> -> memref<1x8x128xf32, #tpu.memory_space<vmem>>
      %dma_start3A_3602 = tpu.memref_squeeze %dma_start3A_3601 : memref<1x8x128xf32, #tpu.memory_space<vmem>> -> memref<8x128xf32, #tpu.memory_space<vmem>>
      %dma_start3A_3603 = arith.constant 0 : i32
      %dma_start3A_3604 = tpu.memref_slice %arg3[%dma_start3A_3603, %multiple_of3A_3597] : memref<8x1000001xf32, #tpu.memory_space<hbm>> -> memref<8x128xf32, #tpu.memory_space<hbm>>
      %dma_start3A_3605 = arith.constant 0 : i32
      %dma_start3A_3606 = arith.constant 3200 : i32
      %dma_start3A_3607 = tpu.memref_slice %arg7[%dma_start3A_3598, %dma_start3A_3605, %dma_start3A_3606] : memref<2x8x4096xf32, #tpu.memory_space<vmem>> -> memref<1x8x128xf32, #tpu.memory_space<vmem>>
      %dma_start3A_3608 = tpu.memref_squeeze %dma_start3A_3607 : memref<1x8x128xf32, #tpu.memory_space<vmem>> -> memref<8x128xf32, #tpu.memory_space<vmem>>
      %dma_start3A_3609 = arith.constant 0 : i32
      %dma_start3A_3610 = tpu.memref_slice %arg3[%dma_start3A_3609, %multiple_of3A_3597] : memref<8x1000001xf32, #tpu.memory_space<hbm>> -> memref<8x128xf32, #tpu.memory_space<hbm>>
      tpu.enqueue_dma source(%dma_start3A_3610 : memref<8x128xf32, #tpu.memory_space<hbm>>) target(%dma_start3A_3608 : memref<8x128xf32, #tpu.memory_space<vmem>>) target_semaphore(%arg11 : memref<!tpu.dma_semaphore, #tpu.memory_space<semaphore_mem>>)
      %slice3A_3611 = vector.extract_strided_slice %min3A_3430 {offsets = [10], sizes = [1], strides = [1]} : vector<16xi32> to vector<1xi32>
      %squeeze3A_3612 = vector.extract %slice3A_3611[0] : i32 from vector<1xi32>
      %mul3A_3613 = arith.constant 128 : i32
      %mul3A_3614 = arith.muli %squeeze3A_3612, %mul3A_3613 : i32
      %multiple_of3A_3615 = tpu.assume_multiple %mul3A_3614, 128 : i32
      %dma_start3A_3616 = arith.constant 1 : i32
      %dma_start3A_3617 = arith.constant 0 : i32
      %dma_start3A_3618 = arith.constant 3328 : i32
      %dma_start3A_3619 = tpu.memref_slice %arg7[%dma_start3A_3616, %dma_start3A_3617, %dma_start3A_3618] : memref<2x8x4096xf32, #tpu.memory_space<vmem>> -> memref<1x8x128xf32, #tpu.memory_space<vmem>>
      %dma_start3A_3620 = tpu.memref_squeeze %dma_start3A_3619 : memref<1x8x128xf32, #tpu.memory_space<vmem>> -> memref<8x128xf32, #tpu.memory_space<vmem>>
      %dma_start3A_3621 = arith.constant 0 : i32
      %dma_start3A_3622 = tpu.memref_slice %arg3[%dma_start3A_3621, %multiple_of3A_3615] : memref<8x1000001xf32, #tpu.memory_space<hbm>> -> memref<8x128xf32, #tpu.memory_space<hbm>>
      %dma_start3A_3623 = arith.constant 0 : i32
      %dma_start3A_3624 = arith.constant 3328 : i32
      %dma_start3A_3625 = tpu.memref_slice %arg7[%dma_start3A_3616, %dma_start3A_3623, %dma_start3A_3624] : memref<2x8x4096xf32, #tpu.memory_space<vmem>> -> memref<1x8x128xf32, #tpu.memory_space<vmem>>
      %dma_start3A_3626 = tpu.memref_squeeze %dma_start3A_3625 : memref<1x8x128xf32, #tpu.memory_space<vmem>> -> memref<8x128xf32, #tpu.memory_space<vmem>>
      %dma_start3A_3627 = arith.constant 0 : i32
      %dma_start3A_3628 = tpu.memref_slice %arg3[%dma_start3A_3627, %multiple_of3A_3615] : memref<8x1000001xf32, #tpu.memory_space<hbm>> -> memref<8x128xf32, #tpu.memory_space<hbm>>
      tpu.enqueue_dma source(%dma_start3A_3628 : memref<8x128xf32, #tpu.memory_space<hbm>>) target(%dma_start3A_3626 : memref<8x128xf32, #tpu.memory_space<vmem>>) target_semaphore(%arg11 : memref<!tpu.dma_semaphore, #tpu.memory_space<semaphore_mem>>)
      %slice3A_3629 = vector.extract_strided_slice %min3A_3430 {offsets = [11], sizes = [1], strides = [1]} : vector<16xi32> to vector<1xi32>
      %squeeze3A_3630 = vector.extract %slice3A_3629[0] : i32 from vector<1xi32>
      %mul3A_3631 = arith.constant 128 : i32
      %mul3A_3632 = arith.muli %squeeze3A_3630, %mul3A_3631 : i32
      %multiple_of3A_3633 = tpu.assume_multiple %mul3A_3632, 128 : i32
      %dma_start3A_3634 = arith.constant 1 : i32
      %dma_start3A_3635 = arith.constant 0 : i32
      %dma_start3A_3636 = arith.constant 3456 : i32
      %dma_start3A_3637 = tpu.memref_slice %arg7[%dma_start3A_3634, %dma_start3A_3635, %dma_start3A_3636] : memref<2x8x4096xf32, #tpu.memory_space<vmem>> -> memref<1x8x128xf32, #tpu.memory_space<vmem>>
      %dma_start3A_3638 = tpu.memref_squeeze %dma_start3A_3637 : memref<1x8x128xf32, #tpu.memory_space<vmem>> -> memref<8x128xf32, #tpu.memory_space<vmem>>
      %dma_start3A_3639 = arith.constant 0 : i32
      %dma_start3A_3640 = tpu.memref_slice %arg3[%dma_start3A_3639, %multiple_of3A_3633] : memref<8x1000001xf32, #tpu.memory_space<hbm>> -> memref<8x128xf32, #tpu.memory_space<hbm>>
      %dma_start3A_3641 = arith.constant 0 : i32
      %dma_start3A_3642 = arith.constant 3456 : i32
      %dma_start3A_3643 = tpu.memref_slice %arg7[%dma_start3A_3634, %dma_start3A_3641, %dma_start3A_3642] : memref<2x8x4096xf32, #tpu.memory_space<vmem>> -> memref<1x8x128xf32, #tpu.memory_space<vmem>>
      %dma_start3A_3644 = tpu.memref_squeeze %dma_start3A_3643 : memref<1x8x128xf32, #tpu.memory_space<vmem>> -> memref<8x128xf32, #tpu.memory_space<vmem>>
      %dma_start3A_3645 = arith.constant 0 : i32
      %dma_start3A_3646 = tpu.memref_slice %arg3[%dma_start3A_3645, %multiple_of3A_3633] : memref<8x1000001xf32, #tpu.memory_space<hbm>> -> memref<8x128xf32, #tpu.memory_space<hbm>>
      tpu.enqueue_dma source(%dma_start3A_3646 : memref<8x128xf32, #tpu.memory_space<hbm>>) target(%dma_start3A_3644 : memref<8x128xf32, #tpu.memory_space<vmem>>) target_semaphore(%arg11 : memref<!tpu.dma_semaphore, #tpu.memory_space<semaphore_mem>>)
      %slice3A_3647 = vector.extract_strided_slice %min3A_3430 {offsets = [12], sizes = [1], strides = [1]} : vector<16xi32> to vector<1xi32>
      %squeeze3A_3648 = vector.extract %slice3A_3647[0] : i32 from vector<1xi32>
      %mul3A_3649 = arith.constant 128 : i32
      %mul3A_3650 = arith.muli %squeeze3A_3648, %mul3A_3649 : i32
      %multiple_of3A_3651 = tpu.assume_multiple %mul3A_3650, 128 : i32
      %dma_start3A_3652 = arith.constant 1 : i32
      %dma_start3A_3653 = arith.constant 0 : i32
      %dma_start3A_3654 = arith.constant 3584 : i32
      %dma_start3A_3655 = tpu.memref_slice %arg7[%dma_start3A_3652, %dma_start3A_3653, %dma_start3A_3654] : memref<2x8x4096xf32, #tpu.memory_space<vmem>> -> memref<1x8x128xf32, #tpu.memory_space<vmem>>
      %dma_start3A_3656 = tpu.memref_squeeze %dma_start3A_3655 : memref<1x8x128xf32, #tpu.memory_space<vmem>> -> memref<8x128xf32, #tpu.memory_space<vmem>>
      %dma_start3A_3657 = arith.constant 0 : i32
      %dma_start3A_3658 = tpu.memref_slice %arg3[%dma_start3A_3657, %multiple_of3A_3651] : memref<8x1000001xf32, #tpu.memory_space<hbm>> -> memref<8x128xf32, #tpu.memory_space<hbm>>
      %dma_start3A_3659 = arith.constant 0 : i32
      %dma_start3A_3660 = arith.constant 3584 : i32
      %dma_start3A_3661 = tpu.memref_slice %arg7[%dma_start3A_3652, %dma_start3A_3659, %dma_start3A_3660] : memref<2x8x4096xf32, #tpu.memory_space<vmem>> -> memref<1x8x128xf32, #tpu.memory_space<vmem>>
      %dma_start3A_3662 = tpu.memref_squeeze %dma_start3A_3661 : memref<1x8x128xf32, #tpu.memory_space<vmem>> -> memref<8x128xf32, #tpu.memory_space<vmem>>
      %dma_start3A_3663 = arith.constant 0 : i32
      %dma_start3A_3664 = tpu.memref_slice %arg3[%dma_start3A_3663, %multiple_of3A_3651] : memref<8x1000001xf32, #tpu.memory_space<hbm>> -> memref<8x128xf32, #tpu.memory_space<hbm>>
      tpu.enqueue_dma source(%dma_start3A_3664 : memref<8x128xf32, #tpu.memory_space<hbm>>) target(%dma_start3A_3662 : memref<8x128xf32, #tpu.memory_space<vmem>>) target_semaphore(%arg11 : memref<!tpu.dma_semaphore, #tpu.memory_space<semaphore_mem>>)
      %slice3A_3665 = vector.extract_strided_slice %min3A_3430 {offsets = [13], sizes = [1], strides = [1]} : vector<16xi32> to vector<1xi32>
      %squeeze3A_3666 = vector.extract %slice3A_3665[0] : i32 from vector<1xi32>
      %mul3A_3667 = arith.constant 128 : i32
      %mul3A_3668 = arith.muli %squeeze3A_3666, %mul3A_3667 : i32
      %multiple_of3A_3669 = tpu.assume_multiple %mul3A_3668, 128 : i32
      %dma_start3A_3670 = arith.constant 1 : i32
      %dma_start3A_3671 = arith.constant 0 : i32
      %dma_start3A_3672 = arith.constant 3712 : i32
      %dma_start3A_3673 = tpu.memref_slice %arg7[%dma_start3A_3670, %dma_start3A_3671, %dma_start3A_3672] : memref<2x8x4096xf32, #tpu.memory_space<vmem>> -> memref<1x8x128xf32, #tpu.memory_space<vmem>>
      %dma_start3A_3674 = tpu.memref_squeeze %dma_start3A_3673 : memref<1x8x128xf32, #tpu.memory_space<vmem>> -> memref<8x128xf32, #tpu.memory_space<vmem>>
      %dma_start3A_3675 = arith.constant 0 : i32
      %dma_start3A_3676 = tpu.memref_slice %arg3[%dma_start3A_3675, %multiple_of3A_3669] : memref<8x1000001xf32, #tpu.memory_space<hbm>> -> memref<8x128xf32, #tpu.memory_space<hbm>>
      %dma_start3A_3677 = arith.constant 0 : i32
      %dma_start3A_3678 = arith.constant 3712 : i32
      %dma_start3A_3679 = tpu.memref_slice %arg7[%dma_start3A_3670, %dma_start3A_3677, %dma_start3A_3678] : memref<2x8x4096xf32, #tpu.memory_space<vmem>> -> memref<1x8x128xf32, #tpu.memory_space<vmem>>
      %dma_start3A_3680 = tpu.memref_squeeze %dma_start3A_3679 : memref<1x8x128xf32, #tpu.memory_space<vmem>> -> memref<8x128xf32, #tpu.memory_space<vmem>>
      %dma_start3A_3681 = arith.constant 0 : i32
      %dma_start3A_3682 = tpu.memref_slice %arg3[%dma_start3A_3681, %multiple_of3A_3669] : memref<8x1000001xf32, #tpu.memory_space<hbm>> -> memref<8x128xf32, #tpu.memory_space<hbm>>
      tpu.enqueue_dma source(%dma_start3A_3682 : memref<8x128xf32, #tpu.memory_space<hbm>>) target(%dma_start3A_3680 : memref<8x128xf32, #tpu.memory_space<vmem>>) target_semaphore(%arg11 : memref<!tpu.dma_semaphore, #tpu.memory_space<semaphore_mem>>)
      %slice3A_3683 = vector.extract_strided_slice %min3A_3430 {offsets = [14], sizes = [1], strides = [1]} : vector<16xi32> to vector<1xi32>
      %squeeze3A_3684 = vector.extract %slice3A_3683[0] : i32 from vector<1xi32>
      %mul3A_3685 = arith.constant 128 : i32
      %mul3A_3686 = arith.muli %squeeze3A_3684, %mul3A_3685 : i32
      %multiple_of3A_3687 = tpu.assume_multiple %mul3A_3686, 128 : i32
      %dma_start3A_3688 = arith.constant 1 : i32
      %dma_start3A_3689 = arith.constant 0 : i32
      %dma_start3A_3690 = arith.constant 3840 : i32
      %dma_start3A_3691 = tpu.memref_slice %arg7[%dma_start3A_3688, %dma_start3A_3689, %dma_start3A_3690] : memref<2x8x4096xf32, #tpu.memory_space<vmem>> -> memref<1x8x128xf32, #tpu.memory_space<vmem>>
      %dma_start3A_3692 = tpu.memref_squeeze %dma_start3A_3691 : memref<1x8x128xf32, #tpu.memory_space<vmem>> -> memref<8x128xf32, #tpu.memory_space<vmem>>
      %dma_start3A_3693 = arith.constant 0 : i32
      %dma_start3A_3694 = tpu.memref_slice %arg3[%dma_start3A_3693, %multiple_of3A_3687] : memref<8x1000001xf32, #tpu.memory_space<hbm>> -> memref<8x128xf32, #tpu.memory_space<hbm>>
      %dma_start3A_3695 = arith.constant 0 : i32
      %dma_start3A_3696 = arith.constant 3840 : i32
      %dma_start3A_3697 = tpu.memref_slice %arg7[%dma_start3A_3688, %dma_start3A_3695, %dma_start3A_3696] : memref<2x8x4096xf32, #tpu.memory_space<vmem>> -> memref<1x8x128xf32, #tpu.memory_space<vmem>>
      %dma_start3A_3698 = tpu.memref_squeeze %dma_start3A_3697 : memref<1x8x128xf32, #tpu.memory_space<vmem>> -> memref<8x128xf32, #tpu.memory_space<vmem>>
      %dma_start3A_3699 = arith.constant 0 : i32
      %dma_start3A_3700 = tpu.memref_slice %arg3[%dma_start3A_3699, %multiple_of3A_3687] : memref<8x1000001xf32, #tpu.memory_space<hbm>> -> memref<8x128xf32, #tpu.memory_space<hbm>>
      tpu.enqueue_dma source(%dma_start3A_3700 : memref<8x128xf32, #tpu.memory_space<hbm>>) target(%dma_start3A_3698 : memref<8x128xf32, #tpu.memory_space<vmem>>) target_semaphore(%arg11 : memref<!tpu.dma_semaphore, #tpu.memory_space<semaphore_mem>>)
      %slice3A_3701 = vector.extract_strided_slice %min3A_3430 {offsets = [15], sizes = [1], strides = [1]} : vector<16xi32> to vector<1xi32>
      %squeeze3A_3702 = vector.extract %slice3A_3701[0] : i32 from vector<1xi32>
      %mul3A_3703 = arith.constant 128 : i32
      %mul3A_3704 = arith.muli %squeeze3A_3702, %mul3A_3703 : i32
      %multiple_of3A_3705 = tpu.assume_multiple %mul3A_3704, 128 : i32
      %dma_start3A_3706 = arith.constant 1 : i32
      %dma_start3A_3707 = arith.constant 0 : i32
      %dma_start3A_3708 = arith.constant 3968 : i32
      %dma_start3A_3709 = tpu.memref_slice %arg7[%dma_start3A_3706, %dma_start3A_3707, %dma_start3A_3708] : memref<2x8x4096xf32, #tpu.memory_space<vmem>> -> memref<1x8x128xf32, #tpu.memory_space<vmem>>
      %dma_start3A_3710 = tpu.memref_squeeze %dma_start3A_3709 : memref<1x8x128xf32, #tpu.memory_space<vmem>> -> memref<8x128xf32, #tpu.memory_space<vmem>>
      %dma_start3A_3711 = arith.constant 0 : i32
      %dma_start3A_3712 = tpu.memref_slice %arg3[%dma_start3A_3711, %multiple_of3A_3705] : memref<8x1000001xf32, #tpu.memory_space<hbm>> -> memref<8x128xf32, #tpu.memory_space<hbm>>
      %dma_start3A_3713 = arith.constant 0 : i32
      %dma_start3A_3714 = arith.constant 3968 : i32
      %dma_start3A_3715 = tpu.memref_slice %arg7[%dma_start3A_3706, %dma_start3A_3713, %dma_start3A_3714] : memref<2x8x4096xf32, #tpu.memory_space<vmem>> -> memref<1x8x128xf32, #tpu.memory_space<vmem>>
      %dma_start3A_3716 = tpu.memref_squeeze %dma_start3A_3715 : memref<1x8x128xf32, #tpu.memory_space<vmem>> -> memref<8x128xf32, #tpu.memory_space<vmem>>
      %dma_start3A_3717 = arith.constant 0 : i32
      %dma_start3A_3718 = tpu.memref_slice %arg3[%dma_start3A_3717, %multiple_of3A_3705] : memref<8x1000001xf32, #tpu.memory_space<hbm>> -> memref<8x128xf32, #tpu.memory_space<hbm>>
      tpu.enqueue_dma source(%dma_start3A_3718 : memref<8x128xf32, #tpu.memory_space<hbm>>) target(%dma_start3A_3716 : memref<8x128xf32, #tpu.memory_space<vmem>>) target_semaphore(%arg11 : memref<!tpu.dma_semaphore, #tpu.memory_space<semaphore_mem>>)
    }
    %scan3A_1192 = arith.constant 7 : i32
    %dma_wait3A = arith.constant 0 : i32
    %dma_wait3A_1193 = arith.constant 0 : i32
    %dma_wait3A_1194 = arith.constant 0 : i32
    %dma_wait3A_1195 = tpu.memref_slice %arg7[%dma_wait3A, %dma_wait3A_1193, %dma_wait3A_1194] : memref<2x8x4096xf32, #tpu.memory_space<vmem>> -> memref<1x8x4096xf32, #tpu.memory_space<vmem>>
    %dma_wait3A_1196 = tpu.memref_squeeze %dma_wait3A_1195 : memref<1x8x4096xf32, #tpu.memory_space<vmem>> -> memref<8x4096xf32, #tpu.memory_space<vmem>>
    %dma_wait3A_1197 = arith.constant 0 : i32
    %dma_wait3A_1198 = arith.constant 0 : i32
    %dma_wait3A_1199 = tpu.memref_slice %arg3[%dma_wait3A_1197, %dma_wait3A_1198] : memref<8x1000001xf32, #tpu.memory_space<hbm>> -> memref<8x4096xf32, #tpu.memory_space<hbm>>
    %dma_wait3A_1200 = arith.constant 0 : i32
    %dma_wait3A_1201 = arith.constant 0 : i32
    %dma_wait3A_1202 = tpu.memref_slice %arg7[%dma_wait3A, %dma_wait3A_1200, %dma_wait3A_1201] : memref<2x8x4096xf32, #tpu.memory_space<vmem>> -> memref<1x8x4096xf32, #tpu.memory_space<vmem>>
    %dma_wait3A_1203 = tpu.memref_squeeze %dma_wait3A_1202 : memref<1x8x4096xf32, #tpu.memory_space<vmem>> -> memref<8x4096xf32, #tpu.memory_space<vmem>>
    %dma_wait3A_1204 = arith.constant 0 : i32
    %dma_wait3A_1205 = arith.constant 0 : i32
    %dma_wait3A_1206 = tpu.memref_slice %arg3[%dma_wait3A_1204, %dma_wait3A_1205] : memref<8x1000001xf32, #tpu.memory_space<hbm>> -> memref<8x4096xf32, #tpu.memory_space<hbm>>
    tpu.wait_dma2 semaphore(%arg10 : memref<!tpu.dma_semaphore, #tpu.memory_space<semaphore_mem>>) src(%dma_wait3A_1206 : memref<8x4096xf32, #tpu.memory_space<hbm>>) dst(%dma_wait3A_1203 : memref<8x4096xf32, #tpu.memory_space<vmem>>)
    %get3A_1207 = arith.constant 3 : i32
    %get3A_1208 = arith.index_cast %get3A_1207 : i32 to index
    %get3A_1209 = arith.constant 64 : index
    %get3A_1210 = tpu.vector_load %arg6[%get3A_1208, %get3A_1209] {strides = array<i32>} : memref<4x128xi32, #tpu.memory_space<vmem>>, vector<16xi32>,
    %and3A = arith.constant 127 : i32
    %and3A_1211 = vector.broadcast %and3A : i32 to vector<16xi32>
    %and3A_1212 = arith.andi %get3A_1210, %and3A_1211 : vector<16xi32>
    %iota3A = tpu.iota {dimensions = array<i32: 0>} : vector<16xi32>
    %add3A_1213 = arith.constant 0 : i32
    %add3A_1214 = vector.broadcast %add3A_1213 : i32 to vector<16xi32>
    %add3A_1215 = arith.addi %iota3A, %add3A_1214 : vector<16xi32>
    %mul3A_1216 = arith.constant 128 : i32
    %mul3A_1217 = vector.broadcast %mul3A_1216 : i32 to vector<16xi32>
    %mul3A_1218 = arith.muli %add3A_1215, %mul3A_1217 : vector<16xi32>
    %add3A_1219 = arith.addi %mul3A_1218, %and3A_1212 : vector<16xi32>
    %ge3A = arith.constant 999936 : i32
    %ge3A_1220 = vector.broadcast %ge3A : i32 to vector<16xi32>
    %ge3A_1221 = arith.cmpi sge, %get3A_1210, %ge3A_1220 : vector<16xi32>
    %sub3A = arith.constant 999936 : i32
    %sub3A_1222 = vector.broadcast %sub3A : i32 to vector<16xi32>
    %sub3A_1223 = arith.subi %get3A_1210, %sub3A_1222 : vector<16xi32>
    %max3A = arith.constant 0 : i32
    %max3A_1224 = vector.broadcast %max3A : i32 to vector<16xi32>
    %max3A_1225 = arith.maxsi %sub3A_1223, %max3A_1224 : vector<16xi32>
    %min3A_1226 = arith.constant 127 : i32
    %min3A_1227 = vector.broadcast %min3A_1226 : i32 to vector<16xi32>
    %min3A_1228 = arith.minsi %max3A_1225, %min3A_1227 : vector<16xi32>
    %broadcast_in_dim3A = arith.constant 0 : i32
    %broadcast_in_dim3A_1229 = vector.broadcast %broadcast_in_dim3A : i32 to vector<16xi32>
    %broadcast_in_dim3A_1230 = arith.constant 0 : i32
    %broadcast_in_dim3A_1231 = vector.broadcast %broadcast_in_dim3A_1230 : i32 to vector<16xi32>
    %gather3A = tpu.vector_load_idx %arg7[%broadcast_in_dim3A_1229, %broadcast_in_dim3A_1231, %add3A_1219] : memref<2x8x4096xf32, #tpu.memory_space<vmem>>[vector<16xi32>, vector<16xi32>, vector<16xi32>], vector<16xf32>,
    %gather3A_1232 = tpu.vector_load_idx %arg9[%broadcast_in_dim3A_1231, %min3A_1228] : memref<8x128xf32, #tpu.memory_space<vmem>>[vector<16xi32>, vector<16xi32>], vector<16xf32>,
    %select_n3A = arith.select %ge3A_1221, %gather3A_1232, %gather3A : vector<16xi1>, vector<16xf32>
    %swap3A = arith.constant 0 : i32
    %swap3A_1233 = arith.index_cast %swap3A : i32 to index
    %swap3A_1234 = arith.constant 448 : index
    %swap3A_1235 = tpu.vector_load %arg8[%swap3A_1233, %swap3A_1234] {strides = array<i32>} : memref<8x512xf32, #tpu.memory_space<vmem>>, vector<16xf32>,
    tpu.vector_store %arg8[%swap3A_1233, %swap3A_1234], %select_n3A {strides = array<i32>} : memref<8x512xf32, #tpu.memory_space<vmem>>, vector<16xf32>,
    %broadcast_in_dim3A_1236 = arith.constant 1 : i32
    %broadcast_in_dim3A_1237 = vector.broadcast %broadcast_in_dim3A_1236 : i32 to vector<16xi32>
    %gather3A_1238 = tpu.vector_load_idx %arg7[%broadcast_in_dim3A_1229, %broadcast_in_dim3A_1237, %add3A_1219] : memref<2x8x4096xf32, #tpu.memory_space<vmem>>[vector<16xi32>, vector<16xi32>, vector<16xi32>], vector<16xf32>,
    %gather3A_1239 = tpu.vector_load_idx %arg9[%broadcast_in_dim3A_1237, %min3A_1228] : memref<8x128xf32, #tpu.memory_space<vmem>>[vector<16xi32>, vector<16xi32>], vector<16xf32>,
    %select_n3A_1240 = arith.select %ge3A_1221, %gather3A_1239, %gather3A_1238 : vector<16xi1>, vector<16xf32>
    %swap3A_1241 = arith.constant 1 : i32
    %swap3A_1242 = arith.index_cast %swap3A_1241 : i32 to index
    %swap3A_1243 = arith.constant 448 : index
    %swap3A_1244 = tpu.vector_load %arg8[%swap3A_1242, %swap3A_1243] {strides = array<i32>} : memref<8x512xf32, #tpu.memory_space<vmem>>, vector<16xf32>,
    tpu.vector_store %arg8[%swap3A_1242, %swap3A_1243], %select_n3A_1240 {strides = array<i32>} : memref<8x512xf32, #tpu.memory_space<vmem>>, vector<16xf32>,
    %broadcast_in_dim3A_1245 = arith.constant 2 : i32
    %broadcast_in_dim3A_1246 = vector.broadcast %broadcast_in_dim3A_1245 : i32 to vector<16xi32>
    %gather3A_1247 = tpu.vector_load_idx %arg7[%broadcast_in_dim3A_1229, %broadcast_in_dim3A_1246, %add3A_1219] : memref<2x8x4096xf32, #tpu.memory_space<vmem>>[vector<16xi32>, vector<16xi32>, vector<16xi32>], vector<16xf32>,
    %gather3A_1248 = tpu.vector_load_idx %arg9[%broadcast_in_dim3A_1246, %min3A_1228] : memref<8x128xf32, #tpu.memory_space<vmem>>[vector<16xi32>, vector<16xi32>], vector<16xf32>,
    %select_n3A_1249 = arith.select %ge3A_1221, %gather3A_1248, %gather3A_1247 : vector<16xi1>, vector<16xf32>
    %swap3A_1250 = arith.constant 2 : i32
    %swap3A_1251 = arith.index_cast %swap3A_1250 : i32 to index
    %swap3A_1252 = arith.constant 448 : index
    %swap3A_1253 = tpu.vector_load %arg8[%swap3A_1251, %swap3A_1252] {strides = array<i32>} : memref<8x512xf32, #tpu.memory_space<vmem>>, vector<16xf32>,
    tpu.vector_store %arg8[%swap3A_1251, %swap3A_1252], %select_n3A_1249 {strides = array<i32>} : memref<8x512xf32, #tpu.memory_space<vmem>>, vector<16xf32>,
    %broadcast_in_dim3A_1254 = arith.constant 3 : i32
    %broadcast_in_dim3A_1255 = vector.broadcast %broadcast_in_dim3A_1254 : i32 to vector<16xi32>
    %gather3A_1256 = tpu.vector_load_idx %arg7[%broadcast_in_dim3A_1229, %broadcast_in_dim3A_1255, %add3A_1219] : memref<2x8x4096xf32, #tpu.memory_space<vmem>>[vector<16xi32>, vector<16xi32>, vector<16xi32>], vector<16xf32>,
    %gather3A_1257 = tpu.vector_load_idx %arg9[%broadcast_in_dim3A_1255, %min3A_1228] : memref<8x128xf32, #tpu.memory_space<vmem>>[vector<16xi32>, vector<16xi32>], vector<16xf32>,
    %select_n3A_1258 = arith.select %ge3A_1221, %gather3A_1257, %gather3A_1256 : vector<16xi1>, vector<16xf32>
    %swap3A_1259 = arith.constant 3 : i32
    %swap3A_1260 = arith.index_cast %swap3A_1259 : i32 to index
    %swap3A_1261 = arith.constant 448 : index
    %swap3A_1262 = tpu.vector_load %arg8[%swap3A_1260, %swap3A_1261] {strides = array<i32>} : memref<8x512xf32, #tpu.memory_space<vmem>>, vector<16xf32>,
    tpu.vector_store %arg8[%swap3A_1260, %swap3A_1261], %select_n3A_1258 {strides = array<i32>} : memref<8x512xf32, #tpu.memory_space<vmem>>, vector<16xf32>,
    %broadcast_in_dim3A_1263 = arith.constant 4 : i32
    %broadcast_in_dim3A_1264 = vector.broadcast %broadcast_in_dim3A_1263 : i32 to vector<16xi32>
    %gather3A_1265 = tpu.vector_load_idx %arg7[%broadcast_in_dim3A_1229, %broadcast_in_dim3A_1264, %add3A_1219] : memref<2x8x4096xf32, #tpu.memory_space<vmem>>[vector<16xi32>, vector<16xi32>, vector<16xi32>], vector<16xf32>,
    %gather3A_1266 = tpu.vector_load_idx %arg9[%broadcast_in_dim3A_1264, %min3A_1228] : memref<8x128xf32, #tpu.memory_space<vmem>>[vector<16xi32>, vector<16xi32>], vector<16xf32>,
    %select_n3A_1267 = arith.select %ge3A_1221, %gather3A_1266, %gather3A_1265 : vector<16xi1>, vector<16xf32>
    %swap3A_1268 = arith.constant 4 : i32
    %swap3A_1269 = arith.index_cast %swap3A_1268 : i32 to index
    %swap3A_1270 = arith.constant 448 : index
    %swap3A_1271 = tpu.vector_load %arg8[%swap3A_1269, %swap3A_1270] {strides = array<i32>} : memref<8x512xf32, #tpu.memory_space<vmem>>, vector<16xf32>,
    tpu.vector_store %arg8[%swap3A_1269, %swap3A_1270], %select_n3A_1267 {strides = array<i32>} : memref<8x512xf32, #tpu.memory_space<vmem>>, vector<16xf32>,
    %broadcast_in_dim3A_1272 = arith.constant 5 : i32
    %broadcast_in_dim3A_1273 = vector.broadcast %broadcast_in_dim3A_1272 : i32 to vector<16xi32>
    %gather3A_1274 = tpu.vector_load_idx %arg7[%broadcast_in_dim3A_1229, %broadcast_in_dim3A_1273, %add3A_1219] : memref<2x8x4096xf32, #tpu.memory_space<vmem>>[vector<16xi32>, vector<16xi32>, vector<16xi32>], vector<16xf32>,
    %gather3A_1275 = tpu.vector_load_idx %arg9[%broadcast_in_dim3A_1273, %min3A_1228] : memref<8x128xf32, #tpu.memory_space<vmem>>[vector<16xi32>, vector<16xi32>], vector<16xf32>,
    %select_n3A_1276 = arith.select %ge3A_1221, %gather3A_1275, %gather3A_1274 : vector<16xi1>, vector<16xf32>
    %swap3A_1277 = arith.constant 5 : i32
    %swap3A_1278 = arith.index_cast %swap3A_1277 : i32 to index
    %swap3A_1279 = arith.constant 448 : index
    %swap3A_1280 = tpu.vector_load %arg8[%swap3A_1278, %swap3A_1279] {strides = array<i32>} : memref<8x512xf32, #tpu.memory_space<vmem>>, vector<16xf32>,
    tpu.vector_store %arg8[%swap3A_1278, %swap3A_1279], %select_n3A_1276 {strides = array<i32>} : memref<8x512xf32, #tpu.memory_space<vmem>>, vector<16xf32>,
    %broadcast_in_dim3A_1281 = arith.constant 6 : i32
    %broadcast_in_dim3A_1282 = vector.broadcast %broadcast_in_dim3A_1281 : i32 to vector<16xi32>
    %gather3A_1283 = tpu.vector_load_idx %arg7[%broadcast_in_dim3A_1229, %broadcast_in_dim3A_1282, %add3A_1219] : memref<2x8x4096xf32, #tpu.memory_space<vmem>>[vector<16xi32>, vector<16xi32>, vector<16xi32>], vector<16xf32>,
    %gather3A_1284 = tpu.vector_load_idx %arg9[%broadcast_in_dim3A_1282, %min3A_1228] : memref<8x128xf32, #tpu.memory_space<vmem>>[vector<16xi32>, vector<16xi32>], vector<16xf32>,
    %select_n3A_1285 = arith.select %ge3A_1221, %gather3A_1284, %gather3A_1283 : vector<16xi1>, vector<16xf32>
    %swap3A_1286 = arith.constant 6 : i32
    %swap3A_1287 = arith.index_cast %swap3A_1286 : i32 to index
    %swap3A_1288 = arith.constant 448 : index
    %swap3A_1289 = tpu.vector_load %arg8[%swap3A_1287, %swap3A_1288] {strides = array<i32>} : memref<8x512xf32, #tpu.memory_space<vmem>>, vector<16xf32>,
    tpu.vector_store %arg8[%swap3A_1287, %swap3A_1288], %select_n3A_1285 {strides = array<i32>} : memref<8x512xf32, #tpu.memory_space<vmem>>, vector<16xf32>,
    %broadcast_in_dim3A_1290 = arith.constant 7 : i32
    %broadcast_in_dim3A_1291 = vector.broadcast %broadcast_in_dim3A_1290 : i32 to vector<16xi32>
    %gather3A_1292 = tpu.vector_load_idx %arg7[%broadcast_in_dim3A_1229, %broadcast_in_dim3A_1291, %add3A_1219] : memref<2x8x4096xf32, #tpu.memory_space<vmem>>[vector<16xi32>, vector<16xi32>, vector<16xi32>], vector<16xf32>,
    %gather3A_1293 = tpu.vector_load_idx %arg9[%broadcast_in_dim3A_1291, %min3A_1228] : memref<8x128xf32, #tpu.memory_space<vmem>>[vector<16xi32>, vector<16xi32>], vector<16xf32>,
    %select_n3A_1294 = arith.select %ge3A_1221, %gather3A_1293, %gather3A_1292 : vector<16xi1>, vector<16xf32>
    %swap3A_1295 = arith.constant 7 : i32
    %swap3A_1296 = arith.index_cast %swap3A_1295 : i32 to index
    %swap3A_1297 = arith.constant 448 : index
    %swap3A_1298 = tpu.vector_load %arg8[%swap3A_1296, %swap3A_1297] {strides = array<i32>} : memref<8x512xf32, #tpu.memory_space<vmem>>, vector<16xf32>,
    tpu.vector_store %arg8[%swap3A_1296, %swap3A_1297], %select_n3A_1294 {strides = array<i32>} : memref<8x512xf32, #tpu.memory_space<vmem>>, vector<16xf32>,
    %get3A_1299 = arith.constant 3 : i32
    %get3A_1300 = arith.index_cast %get3A_1299 : i32 to index
    %get3A_1301 = arith.constant 80 : index
    %get3A_1302 = tpu.vector_load %arg6[%get3A_1300, %get3A_1301] {strides = array<i32>} : memref<4x128xi32, #tpu.memory_space<vmem>>, vector<16xi32>,
    %and3A_1303 = arith.constant 127 : i32
    %and3A_1304 = vector.broadcast %and3A_1303 : i32 to vector<16xi32>
    %and3A_1305 = arith.andi %get3A_1302, %and3A_1304 : vector<16xi32>
    %iota3A_1306 = tpu.iota {dimensions = array<i32: 0>} : vector<16xi32>
    %add3A_1307 = arith.constant 16 : i32
    %add3A_1308 = vector.broadcast %add3A_1307 : i32 to vector<16xi32>
    %add3A_1309 = arith.addi %iota3A_1306, %add3A_1308 : vector<16xi32>
    %mul3A_1310 = arith.constant 128 : i32
    %mul3A_1311 = vector.broadcast %mul3A_1310 : i32 to vector<16xi32>
    %mul3A_1312 = arith.muli %add3A_1309, %mul3A_1311 : vector<16xi32>
    %add3A_1313 = arith.addi %mul3A_1312, %and3A_1305 : vector<16xi32>
    %ge3A_1314 = arith.constant 999936 : i32
    %ge3A_1315 = vector.broadcast %ge3A_1314 : i32 to vector<16xi32>
    %ge3A_1316 = arith.cmpi sge, %get3A_1302, %ge3A_1315 : vector<16xi32>
    %sub3A_1317 = arith.constant 999936 : i32
    %sub3A_1318 = vector.broadcast %sub3A_1317 : i32 to vector<16xi32>
    %sub3A_1319 = arith.subi %get3A_1302, %sub3A_1318 : vector<16xi32>
    %max3A_1320 = arith.constant 0 : i32
    %max3A_1321 = vector.broadcast %max3A_1320 : i32 to vector<16xi32>
    %max3A_1322 = arith.maxsi %sub3A_1319, %max3A_1321 : vector<16xi32>
    %min3A_1323 = arith.constant 127 : i32
    %min3A_1324 = vector.broadcast %min3A_1323 : i32 to vector<16xi32>
    %min3A_1325 = arith.minsi %max3A_1322, %min3A_1324 : vector<16xi32>
    %broadcast_in_dim3A_1326 = arith.constant 0 : i32
    %broadcast_in_dim3A_1327 = vector.broadcast %broadcast_in_dim3A_1326 : i32 to vector<16xi32>
    %broadcast_in_dim3A_1328 = arith.constant 0 : i32
    %broadcast_in_dim3A_1329 = vector.broadcast %broadcast_in_dim3A_1328 : i32 to vector<16xi32>
    %gather3A_1330 = tpu.vector_load_idx %arg7[%broadcast_in_dim3A_1327, %broadcast_in_dim3A_1329, %add3A_1313] : memref<2x8x4096xf32, #tpu.memory_space<vmem>>[vector<16xi32>, vector<16xi32>, vector<16xi32>], vector<16xf32>,
    %gather3A_1331 = tpu.vector_load_idx %arg9[%broadcast_in_dim3A_1329, %min3A_1325] : memref<8x128xf32, #tpu.memory_space<vmem>>[vector<16xi32>, vector<16xi32>], vector<16xf32>,
    %select_n3A_1332 = arith.select %ge3A_1316, %gather3A_1331, %gather3A_1330 : vector<16xi1>, vector<16xf32>
    %swap3A_1333 = arith.constant 0 : i32
    %swap3A_1334 = arith.index_cast %swap3A_1333 : i32 to index
    %swap3A_1335 = arith.constant 464 : index
    %swap3A_1336 = tpu.vector_load %arg8[%swap3A_1334, %swap3A_1335] {strides = array<i32>} : memref<8x512xf32, #tpu.memory_space<vmem>>, vector<16xf32>,
    tpu.vector_store %arg8[%swap3A_1334, %swap3A_1335], %select_n3A_1332 {strides = array<i32>} : memref<8x512xf32, #tpu.memory_space<vmem>>, vector<16xf32>,
    %broadcast_in_dim3A_1337 = arith.constant 1 : i32
    %broadcast_in_dim3A_1338 = vector.broadcast %broadcast_in_dim3A_1337 : i32 to vector<16xi32>
    %gather3A_1339 = tpu.vector_load_idx %arg7[%broadcast_in_dim3A_1327, %broadcast_in_dim3A_1338, %add3A_1313] : memref<2x8x4096xf32, #tpu.memory_space<vmem>>[vector<16xi32>, vector<16xi32>, vector<16xi32>], vector<16xf32>,
    %gather3A_1340 = tpu.vector_load_idx %arg9[%broadcast_in_dim3A_1338, %min3A_1325] : memref<8x128xf32, #tpu.memory_space<vmem>>[vector<16xi32>, vector<16xi32>], vector<16xf32>,
    %select_n3A_1341 = arith.select %ge3A_1316, %gather3A_1340, %gather3A_1339 : vector<16xi1>, vector<16xf32>
    %swap3A_1342 = arith.constant 1 : i32
    %swap3A_1343 = arith.index_cast %swap3A_1342 : i32 to index
    %swap3A_1344 = arith.constant 464 : index
    %swap3A_1345 = tpu.vector_load %arg8[%swap3A_1343, %swap3A_1344] {strides = array<i32>} : memref<8x512xf32, #tpu.memory_space<vmem>>, vector<16xf32>,
    tpu.vector_store %arg8[%swap3A_1343, %swap3A_1344], %select_n3A_1341 {strides = array<i32>} : memref<8x512xf32, #tpu.memory_space<vmem>>, vector<16xf32>,
    %broadcast_in_dim3A_1346 = arith.constant 2 : i32
    %broadcast_in_dim3A_1347 = vector.broadcast %broadcast_in_dim3A_1346 : i32 to vector<16xi32>
    %gather3A_1348 = tpu.vector_load_idx %arg7[%broadcast_in_dim3A_1327, %broadcast_in_dim3A_1347, %add3A_1313] : memref<2x8x4096xf32, #tpu.memory_space<vmem>>[vector<16xi32>, vector<16xi32>, vector<16xi32>], vector<16xf32>,
    %gather3A_1349 = tpu.vector_load_idx %arg9[%broadcast_in_dim3A_1347, %min3A_1325] : memref<8x128xf32, #tpu.memory_space<vmem>>[vector<16xi32>, vector<16xi32>], vector<16xf32>,
    %select_n3A_1350 = arith.select %ge3A_1316, %gather3A_1349, %gather3A_1348 : vector<16xi1>, vector<16xf32>
    %swap3A_1351 = arith.constant 2 : i32
    %swap3A_1352 = arith.index_cast %swap3A_1351 : i32 to index
    %swap3A_1353 = arith.constant 464 : index
    %swap3A_1354 = tpu.vector_load %arg8[%swap3A_1352, %swap3A_1353] {strides = array<i32>} : memref<8x512xf32, #tpu.memory_space<vmem>>, vector<16xf32>,
    tpu.vector_store %arg8[%swap3A_1352, %swap3A_1353], %select_n3A_1350 {strides = array<i32>} : memref<8x512xf32, #tpu.memory_space<vmem>>, vector<16xf32>,
    %broadcast_in_dim3A_1355 = arith.constant 3 : i32
    %broadcast_in_dim3A_1356 = vector.broadcast %broadcast_in_dim3A_1355 : i32 to vector<16xi32>
    %gather3A_1357 = tpu.vector_load_idx %arg7[%broadcast_in_dim3A_1327, %broadcast_in_dim3A_1356, %add3A_1313] : memref<2x8x4096xf32, #tpu.memory_space<vmem>>[vector<16xi32>, vector<16xi32>, vector<16xi32>], vector<16xf32>,
    %gather3A_1358 = tpu.vector_load_idx %arg9[%broadcast_in_dim3A_1356, %min3A_1325] : memref<8x128xf32, #tpu.memory_space<vmem>>[vector<16xi32>, vector<16xi32>], vector<16xf32>,
    %select_n3A_1359 = arith.select %ge3A_1316, %gather3A_1358, %gather3A_1357 : vector<16xi1>, vector<16xf32>
    %swap3A_1360 = arith.constant 3 : i32
    %swap3A_1361 = arith.index_cast %swap3A_1360 : i32 to index
    %swap3A_1362 = arith.constant 464 : index
    %swap3A_1363 = tpu.vector_load %arg8[%swap3A_1361, %swap3A_1362] {strides = array<i32>} : memref<8x512xf32, #tpu.memory_space<vmem>>, vector<16xf32>,
    tpu.vector_store %arg8[%swap3A_1361, %swap3A_1362], %select_n3A_1359 {strides = array<i32>} : memref<8x512xf32, #tpu.memory_space<vmem>>, vector<16xf32>,
    %broadcast_in_dim3A_1364 = arith.constant 4 : i32
    %broadcast_in_dim3A_1365 = vector.broadcast %broadcast_in_dim3A_1364 : i32 to vector<16xi32>
    %gather3A_1366 = tpu.vector_load_idx %arg7[%broadcast_in_dim3A_1327, %broadcast_in_dim3A_1365, %add3A_1313] : memref<2x8x4096xf32, #tpu.memory_space<vmem>>[vector<16xi32>, vector<16xi32>, vector<16xi32>], vector<16xf32>,
    %gather3A_1367 = tpu.vector_load_idx %arg9[%broadcast_in_dim3A_1365, %min3A_1325] : memref<8x128xf32, #tpu.memory_space<vmem>>[vector<16xi32>, vector<16xi32>], vector<16xf32>,
    %select_n3A_1368 = arith.select %ge3A_1316, %gather3A_1367, %gather3A_1366 : vector<16xi1>, vector<16xf32>
    %swap3A_1369 = arith.constant 4 : i32
    %swap3A_1370 = arith.index_cast %swap3A_1369 : i32 to index
    %swap3A_1371 = arith.constant 464 : index
    %swap3A_1372 = tpu.vector_load %arg8[%swap3A_1370, %swap3A_1371] {strides = array<i32>} : memref<8x512xf32, #tpu.memory_space<vmem>>, vector<16xf32>,
    tpu.vector_store %arg8[%swap3A_1370, %swap3A_1371], %select_n3A_1368 {strides = array<i32>} : memref<8x512xf32, #tpu.memory_space<vmem>>, vector<16xf32>,
    %broadcast_in_dim3A_1373 = arith.constant 5 : i32
    %broadcast_in_dim3A_1374 = vector.broadcast %broadcast_in_dim3A_1373 : i32 to vector<16xi32>
    %gather3A_1375 = tpu.vector_load_idx %arg7[%broadcast_in_dim3A_1327, %broadcast_in_dim3A_1374, %add3A_1313] : memref<2x8x4096xf32, #tpu.memory_space<vmem>>[vector<16xi32>, vector<16xi32>, vector<16xi32>], vector<16xf32>,
    %gather3A_1376 = tpu.vector_load_idx %arg9[%broadcast_in_dim3A_1374, %min3A_1325] : memref<8x128xf32, #tpu.memory_space<vmem>>[vector<16xi32>, vector<16xi32>], vector<16xf32>,
    %select_n3A_1377 = arith.select %ge3A_1316, %gather3A_1376, %gather3A_1375 : vector<16xi1>, vector<16xf32>
    %swap3A_1378 = arith.constant 5 : i32
    %swap3A_1379 = arith.index_cast %swap3A_1378 : i32 to index
    %swap3A_1380 = arith.constant 464 : index
    %swap3A_1381 = tpu.vector_load %arg8[%swap3A_1379, %swap3A_1380] {strides = array<i32>} : memref<8x512xf32, #tpu.memory_space<vmem>>, vector<16xf32>,
    tpu.vector_store %arg8[%swap3A_1379, %swap3A_1380], %select_n3A_1377 {strides = array<i32>} : memref<8x512xf32, #tpu.memory_space<vmem>>, vector<16xf32>,
    %broadcast_in_dim3A_1382 = arith.constant 6 : i32
    %broadcast_in_dim3A_1383 = vector.broadcast %broadcast_in_dim3A_1382 : i32 to vector<16xi32>
    %gather3A_1384 = tpu.vector_load_idx %arg7[%broadcast_in_dim3A_1327, %broadcast_in_dim3A_1383, %add3A_1313] : memref<2x8x4096xf32, #tpu.memory_space<vmem>>[vector<16xi32>, vector<16xi32>, vector<16xi32>], vector<16xf32>,
    %gather3A_1385 = tpu.vector_load_idx %arg9[%broadcast_in_dim3A_1383, %min3A_1325] : memref<8x128xf32, #tpu.memory_space<vmem>>[vector<16xi32>, vector<16xi32>], vector<16xf32>,
    %select_n3A_1386 = arith.select %ge3A_1316, %gather3A_1385, %gather3A_1384 : vector<16xi1>, vector<16xf32>
    %swap3A_1387 = arith.constant 6 : i32
    %swap3A_1388 = arith.index_cast %swap3A_1387 : i32 to index
    %swap3A_1389 = arith.constant 464 : index
    %swap3A_1390 = tpu.vector_load %arg8[%swap3A_1388, %swap3A_1389] {strides = array<i32>} : memref<8x512xf32, #tpu.memory_space<vmem>>, vector<16xf32>,
    tpu.vector_store %arg8[%swap3A_1388, %swap3A_1389], %select_n3A_1386 {strides = array<i32>} : memref<8x512xf32, #tpu.memory_space<vmem>>, vector<16xf32>,
    %broadcast_in_dim3A_1391 = arith.constant 7 : i32
    %broadcast_in_dim3A_1392 = vector.broadcast %broadcast_in_dim3A_1391 : i32 to vector<16xi32>
    %gather3A_1393 = tpu.vector_load_idx %arg7[%broadcast_in_dim3A_1327, %broadcast_in_dim3A_1392, %add3A_1313] : memref<2x8x4096xf32, #tpu.memory_space<vmem>>[vector<16xi32>, vector<16xi32>, vector<16xi32>], vector<16xf32>,
    %gather3A_1394 = tpu.vector_load_idx %arg9[%broadcast_in_dim3A_1392, %min3A_1325] : memref<8x128xf32, #tpu.memory_space<vmem>>[vector<16xi32>, vector<16xi32>], vector<16xf32>,
    %select_n3A_1395 = arith.select %ge3A_1316, %gather3A_1394, %gather3A_1393 : vector<16xi1>, vector<16xf32>
    %swap3A_1396 = arith.constant 7 : i32
    %swap3A_1397 = arith.index_cast %swap3A_1396 : i32 to index
    %swap3A_1398 = arith.constant 464 : index
    %swap3A_1399 = tpu.vector_load %arg8[%swap3A_1397, %swap3A_1398] {strides = array<i32>} : memref<8x512xf32, #tpu.memory_space<vmem>>, vector<16xf32>,
    tpu.vector_store %arg8[%swap3A_1397, %swap3A_1398], %select_n3A_1395 {strides = array<i32>} : memref<8x512xf32, #tpu.memory_space<vmem>>, vector<16xf32>,
    %dma_wait3A_1400 = arith.constant 0 : i32
    %dma_wait3A_1401 = arith.constant 0 : i32
    %dma_wait3A_1402 = arith.constant 0 : i32
    %dma_wait3A_1403 = tpu.memref_slice %arg7[%dma_wait3A_1400, %dma_wait3A_1401, %dma_wait3A_1402] : memref<2x8x4096xf32, #tpu.memory_space<vmem>> -> memref<1x8x4096xf32, #tpu.memory_space<vmem>>
    %dma_wait3A_1404 = tpu.memref_squeeze %dma_wait3A_1403 : memref<1x8x4096xf32, #tpu.memory_space<vmem>> -> memref<8x4096xf32, #tpu.memory_space<vmem>>
    %dma_wait3A_1405 = arith.constant 0 : i32
    %dma_wait3A_1406 = arith.constant 0 : i32
    %dma_wait3A_1407 = tpu.memref_slice %arg3[%dma_wait3A_1405, %dma_wait3A_1406] : memref<8x1000001xf32, #tpu.memory_space<hbm>> -> memref<8x4096xf32, #tpu.memory_space<hbm>>
    %dma_wait3A_1408 = arith.constant 0 : i32
    %dma_wait3A_1409 = arith.constant 0 : i32
    %dma_wait3A_1410 = tpu.memref_slice %arg7[%dma_wait3A_1400, %dma_wait3A_1408, %dma_wait3A_1409] : memref<2x8x4096xf32, #tpu.memory_space<vmem>> -> memref<1x8x4096xf32, #tpu.memory_space<vmem>>
    %dma_wait3A_1411 = tpu.memref_squeeze %dma_wait3A_1410 : memref<1x8x4096xf32, #tpu.memory_space<vmem>> -> memref<8x4096xf32, #tpu.memory_space<vmem>>
    %dma_wait3A_1412 = arith.constant 0 : i32
    %dma_wait3A_1413 = arith.constant 0 : i32
    %dma_wait3A_1414 = tpu.memref_slice %arg3[%dma_wait3A_1412, %dma_wait3A_1413] : memref<8x1000001xf32, #tpu.memory_space<hbm>> -> memref<8x4096xf32, #tpu.memory_space<hbm>>
    tpu.wait_dma2 semaphore(%arg11 : memref<!tpu.dma_semaphore, #tpu.memory_space<semaphore_mem>>) src(%dma_wait3A_1414 : memref<8x4096xf32, #tpu.memory_space<hbm>>) dst(%dma_wait3A_1411 : memref<8x4096xf32, #tpu.memory_space<vmem>>)
    %get3A_1415 = arith.constant 3 : i32
    %get3A_1416 = arith.index_cast %get3A_1415 : i32 to index
    %get3A_1417 = arith.constant 96 : index
    %get3A_1418 = tpu.vector_load %arg6[%get3A_1416, %get3A_1417] {strides = array<i32>} : memref<4x128xi32, #tpu.memory_space<vmem>>, vector<16xi32>,
    %and3A_1419 = arith.constant 127 : i32
    %and3A_1420 = vector.broadcast %and3A_1419 : i32 to vector<16xi32>
    %and3A_1421 = arith.andi %get3A_1418, %and3A_1420 : vector<16xi32>
    %iota3A_1422 = tpu.iota {dimensions = array<i32: 0>} : vector<16xi32>
    %add3A_1423 = arith.constant 0 : i32
    %add3A_1424 = vector.broadcast %add3A_1423 : i32 to vector<16xi32>
    %add3A_1425 = arith.addi %iota3A_1422, %add3A_1424 : vector<16xi32>
    %mul3A_1426 = arith.constant 128 : i32
    %mul3A_1427 = vector.broadcast %mul3A_1426 : i32 to vector<16xi32>
    %mul3A_1428 = arith.muli %add3A_1425, %mul3A_1427 : vector<16xi32>
    %add3A_1429 = arith.addi %mul3A_1428, %and3A_1421 : vector<16xi32>
    %ge3A_1430 = arith.constant 999936 : i32
    %ge3A_1431 = vector.broadcast %ge3A_1430 : i32 to vector<16xi32>
    %ge3A_1432 = arith.cmpi sge, %get3A_1418, %ge3A_1431 : vector<16xi32>
    %sub3A_1433 = arith.constant 999936 : i32
    %sub3A_1434 = vector.broadcast %sub3A_1433 : i32 to vector<16xi32>
    %sub3A_1435 = arith.subi %get3A_1418, %sub3A_1434 : vector<16xi32>
    %max3A_1436 = arith.constant 0 : i32
    %max3A_1437 = vector.broadcast %max3A_1436 : i32 to vector<16xi32>
    %max3A_1438 = arith.maxsi %sub3A_1435, %max3A_1437 : vector<16xi32>
    %min3A_1439 = arith.constant 127 : i32
    %min3A_1440 = vector.broadcast %min3A_1439 : i32 to vector<16xi32>
    %min3A_1441 = arith.minsi %max3A_1438, %min3A_1440 : vector<16xi32>
    %broadcast_in_dim3A_1442 = arith.constant 1 : i32
    %broadcast_in_dim3A_1443 = vector.broadcast %broadcast_in_dim3A_1442 : i32 to vector<16xi32>
    %broadcast_in_dim3A_1444 = arith.constant 0 : i32
    %broadcast_in_dim3A_1445 = vector.broadcast %broadcast_in_dim3A_1444 : i32 to vector<16xi32>
    %gather3A_1446 = tpu.vector_load_idx %arg7[%broadcast_in_dim3A_1443, %broadcast_in_dim3A_1445, %add3A_1429] : memref<2x8x4096xf32, #tpu.memory_space<vmem>>[vector<16xi32>, vector<16xi32>, vector<16xi32>], vector<16xf32>,
    %gather3A_1447 = tpu.vector_load_idx %arg9[%broadcast_in_dim3A_1445, %min3A_1441] : memref<8x128xf32, #tpu.memory_space<vmem>>[vector<16xi32>, vector<16xi32>], vector<16xf32>,
    %select_n3A_1448 = arith.select %ge3A_1432, %gather3A_1447, %gather3A_1446 : vector<16xi1>, vector<16xf32>
    %swap3A_1449 = arith.constant 0 : i32
    %swap3A_1450 = arith.index_cast %swap3A_1449 : i32 to index
    %swap3A_1451 = arith.constant 480 : index
    %swap3A_1452 = tpu.vector_load %arg8[%swap3A_1450, %swap3A_1451] {strides = array<i32>} : memref<8x512xf32, #tpu.memory_space<vmem>>, vector<16xf32>,
    tpu.vector_store %arg8[%swap3A_1450, %swap3A_1451], %select_n3A_1448 {strides = array<i32>} : memref<8x512xf32, #tpu.memory_space<vmem>>, vector<16xf32>,
    %broadcast_in_dim3A_1453 = arith.constant 1 : i32
    %broadcast_in_dim3A_1454 = vector.broadcast %broadcast_in_dim3A_1453 : i32 to vector<16xi32>
    %gather3A_1455 = tpu.vector_load_idx %arg7[%broadcast_in_dim3A_1443, %broadcast_in_dim3A_1454, %add3A_1429] : memref<2x8x4096xf32, #tpu.memory_space<vmem>>[vector<16xi32>, vector<16xi32>, vector<16xi32>], vector<16xf32>,
    %gather3A_1456 = tpu.vector_load_idx %arg9[%broadcast_in_dim3A_1454, %min3A_1441] : memref<8x128xf32, #tpu.memory_space<vmem>>[vector<16xi32>, vector<16xi32>], vector<16xf32>,
    %select_n3A_1457 = arith.select %ge3A_1432, %gather3A_1456, %gather3A_1455 : vector<16xi1>, vector<16xf32>
    %swap3A_1458 = arith.constant 1 : i32
    %swap3A_1459 = arith.index_cast %swap3A_1458 : i32 to index
    %swap3A_1460 = arith.constant 480 : index
    %swap3A_1461 = tpu.vector_load %arg8[%swap3A_1459, %swap3A_1460] {strides = array<i32>} : memref<8x512xf32, #tpu.memory_space<vmem>>, vector<16xf32>,
    tpu.vector_store %arg8[%swap3A_1459, %swap3A_1460], %select_n3A_1457 {strides = array<i32>} : memref<8x512xf32, #tpu.memory_space<vmem>>, vector<16xf32>,
    %broadcast_in_dim3A_1462 = arith.constant 2 : i32
    %broadcast_in_dim3A_1463 = vector.broadcast %broadcast_in_dim3A_1462 : i32 to vector<16xi32>
    %gather3A_1464 = tpu.vector_load_idx %arg7[%broadcast_in_dim3A_1443, %broadcast_in_dim3A_1463, %add3A_1429] : memref<2x8x4096xf32, #tpu.memory_space<vmem>>[vector<16xi32>, vector<16xi32>, vector<16xi32>], vector<16xf32>,
    %gather3A_1465 = tpu.vector_load_idx %arg9[%broadcast_in_dim3A_1463, %min3A_1441] : memref<8x128xf32, #tpu.memory_space<vmem>>[vector<16xi32>, vector<16xi32>], vector<16xf32>,
    %select_n3A_1466 = arith.select %ge3A_1432, %gather3A_1465, %gather3A_1464 : vector<16xi1>, vector<16xf32>
    %swap3A_1467 = arith.constant 2 : i32
    %swap3A_1468 = arith.index_cast %swap3A_1467 : i32 to index
    %swap3A_1469 = arith.constant 480 : index
    %swap3A_1470 = tpu.vector_load %arg8[%swap3A_1468, %swap3A_1469] {strides = array<i32>} : memref<8x512xf32, #tpu.memory_space<vmem>>, vector<16xf32>,
    tpu.vector_store %arg8[%swap3A_1468, %swap3A_1469], %select_n3A_1466 {strides = array<i32>} : memref<8x512xf32, #tpu.memory_space<vmem>>, vector<16xf32>,
    %broadcast_in_dim3A_1471 = arith.constant 3 : i32
    %broadcast_in_dim3A_1472 = vector.broadcast %broadcast_in_dim3A_1471 : i32 to vector<16xi32>
    %gather3A_1473 = tpu.vector_load_idx %arg7[%broadcast_in_dim3A_1443, %broadcast_in_dim3A_1472, %add3A_1429] : memref<2x8x4096xf32, #tpu.memory_space<vmem>>[vector<16xi32>, vector<16xi32>, vector<16xi32>], vector<16xf32>,
    %gather3A_1474 = tpu.vector_load_idx %arg9[%broadcast_in_dim3A_1472, %min3A_1441] : memref<8x128xf32, #tpu.memory_space<vmem>>[vector<16xi32>, vector<16xi32>], vector<16xf32>,
    %select_n3A_1475 = arith.select %ge3A_1432, %gather3A_1474, %gather3A_1473 : vector<16xi1>, vector<16xf32>
    %swap3A_1476 = arith.constant 3 : i32
    %swap3A_1477 = arith.index_cast %swap3A_1476 : i32 to index
    %swap3A_1478 = arith.constant 480 : index
    %swap3A_1479 = tpu.vector_load %arg8[%swap3A_1477, %swap3A_1478] {strides = array<i32>} : memref<8x512xf32, #tpu.memory_space<vmem>>, vector<16xf32>,
    tpu.vector_store %arg8[%swap3A_1477, %swap3A_1478], %select_n3A_1475 {strides = array<i32>} : memref<8x512xf32, #tpu.memory_space<vmem>>, vector<16xf32>,
    %broadcast_in_dim3A_1480 = arith.constant 4 : i32
    %broadcast_in_dim3A_1481 = vector.broadcast %broadcast_in_dim3A_1480 : i32 to vector<16xi32>
    %gather3A_1482 = tpu.vector_load_idx %arg7[%broadcast_in_dim3A_1443, %broadcast_in_dim3A_1481, %add3A_1429] : memref<2x8x4096xf32, #tpu.memory_space<vmem>>[vector<16xi32>, vector<16xi32>, vector<16xi32>], vector<16xf32>,
    %gather3A_1483 = tpu.vector_load_idx %arg9[%broadcast_in_dim3A_1481, %min3A_1441] : memref<8x128xf32, #tpu.memory_space<vmem>>[vector<16xi32>, vector<16xi32>], vector<16xf32>,
    %select_n3A_1484 = arith.select %ge3A_1432, %gather3A_1483, %gather3A_1482 : vector<16xi1>, vector<16xf32>
    %swap3A_1485 = arith.constant 4 : i32
    %swap3A_1486 = arith.index_cast %swap3A_1485 : i32 to index
    %swap3A_1487 = arith.constant 480 : index
    %swap3A_1488 = tpu.vector_load %arg8[%swap3A_1486, %swap3A_1487] {strides = array<i32>} : memref<8x512xf32, #tpu.memory_space<vmem>>, vector<16xf32>,
    tpu.vector_store %arg8[%swap3A_1486, %swap3A_1487], %select_n3A_1484 {strides = array<i32>} : memref<8x512xf32, #tpu.memory_space<vmem>>, vector<16xf32>,
    %broadcast_in_dim3A_1489 = arith.constant 5 : i32
    %broadcast_in_dim3A_1490 = vector.broadcast %broadcast_in_dim3A_1489 : i32 to vector<16xi32>
    %gather3A_1491 = tpu.vector_load_idx %arg7[%broadcast_in_dim3A_1443, %broadcast_in_dim3A_1490, %add3A_1429] : memref<2x8x4096xf32, #tpu.memory_space<vmem>>[vector<16xi32>, vector<16xi32>, vector<16xi32>], vector<16xf32>,
    %gather3A_1492 = tpu.vector_load_idx %arg9[%broadcast_in_dim3A_1490, %min3A_1441] : memref<8x128xf32, #tpu.memory_space<vmem>>[vector<16xi32>, vector<16xi32>], vector<16xf32>,
    %select_n3A_1493 = arith.select %ge3A_1432, %gather3A_1492, %gather3A_1491 : vector<16xi1>, vector<16xf32>
    %swap3A_1494 = arith.constant 5 : i32
    %swap3A_1495 = arith.index_cast %swap3A_1494 : i32 to index
    %swap3A_1496 = arith.constant 480 : index
    %swap3A_1497 = tpu.vector_load %arg8[%swap3A_1495, %swap3A_1496] {strides = array<i32>} : memref<8x512xf32, #tpu.memory_space<vmem>>, vector<16xf32>,
    tpu.vector_store %arg8[%swap3A_1495, %swap3A_1496], %select_n3A_1493 {strides = array<i32>} : memref<8x512xf32, #tpu.memory_space<vmem>>, vector<16xf32>,
    %broadcast_in_dim3A_1498 = arith.constant 6 : i32
    %broadcast_in_dim3A_1499 = vector.broadcast %broadcast_in_dim3A_1498 : i32 to vector<16xi32>
    %gather3A_1500 = tpu.vector_load_idx %arg7[%broadcast_in_dim3A_1443, %broadcast_in_dim3A_1499, %add3A_1429] : memref<2x8x4096xf32, #tpu.memory_space<vmem>>[vector<16xi32>, vector<16xi32>, vector<16xi32>], vector<16xf32>,
    %gather3A_1501 = tpu.vector_load_idx %arg9[%broadcast_in_dim3A_1499, %min3A_1441] : memref<8x128xf32, #tpu.memory_space<vmem>>[vector<16xi32>, vector<16xi32>], vector<16xf32>,
    %select_n3A_1502 = arith.select %ge3A_1432, %gather3A_1501, %gather3A_1500 : vector<16xi1>, vector<16xf32>
    %swap3A_1503 = arith.constant 6 : i32
    %swap3A_1504 = arith.index_cast %swap3A_1503 : i32 to index
    %swap3A_1505 = arith.constant 480 : index
    %swap3A_1506 = tpu.vector_load %arg8[%swap3A_1504, %swap3A_1505] {strides = array<i32>} : memref<8x512xf32, #tpu.memory_space<vmem>>, vector<16xf32>,
    tpu.vector_store %arg8[%swap3A_1504, %swap3A_1505], %select_n3A_1502 {strides = array<i32>} : memref<8x512xf32, #tpu.memory_space<vmem>>, vector<16xf32>,
    %broadcast_in_dim3A_1507 = arith.constant 7 : i32
    %broadcast_in_dim3A_1508 = vector.broadcast %broadcast_in_dim3A_1507 : i32 to vector<16xi32>
    %gather3A_1509 = tpu.vector_load_idx %arg7[%broadcast_in_dim3A_1443, %broadcast_in_dim3A_1508, %add3A_1429] : memref<2x8x4096xf32, #tpu.memory_space<vmem>>[vector<16xi32>, vector<16xi32>, vector<16xi32>], vector<16xf32>,
    %gather3A_1510 = tpu.vector_load_idx %arg9[%broadcast_in_dim3A_1508, %min3A_1441] : memref<8x128xf32, #tpu.memory_space<vmem>>[vector<16xi32>, vector<16xi32>], vector<16xf32>,
    %select_n3A_1511 = arith.select %ge3A_1432, %gather3A_1510, %gather3A_1509 : vector<16xi1>, vector<16xf32>
    %swap3A_1512 = arith.constant 7 : i32
    %swap3A_1513 = arith.index_cast %swap3A_1512 : i32 to index
    %swap3A_1514 = arith.constant 480 : index
    %swap3A_1515 = tpu.vector_load %arg8[%swap3A_1513, %swap3A_1514] {strides = array<i32>} : memref<8x512xf32, #tpu.memory_space<vmem>>, vector<16xf32>,
    tpu.vector_store %arg8[%swap3A_1513, %swap3A_1514], %select_n3A_1511 {strides = array<i32>} : memref<8x512xf32, #tpu.memory_space<vmem>>, vector<16xf32>,
    %get3A_1516 = arith.constant 3 : i32
    %get3A_1517 = arith.index_cast %get3A_1516 : i32 to index
    %get3A_1518 = arith.constant 112 : index
    %get3A_1519 = tpu.vector_load %arg6[%get3A_1517, %get3A_1518] {strides = array<i32>} : memref<4x128xi32, #tpu.memory_space<vmem>>, vector<16xi32>,
    %and3A_1520 = arith.constant 127 : i32
    %and3A_1521 = vector.broadcast %and3A_1520 : i32 to vector<16xi32>
    %and3A_1522 = arith.andi %get3A_1519, %and3A_1521 : vector<16xi32>
    %iota3A_1523 = tpu.iota {dimensions = array<i32: 0>} : vector<16xi32>
    %add3A_1524 = arith.constant 16 : i32
    %add3A_1525 = vector.broadcast %add3A_1524 : i32 to vector<16xi32>
    %add3A_1526 = arith.addi %iota3A_1523, %add3A_1525 : vector<16xi32>
    %mul3A_1527 = arith.constant 128 : i32
    %mul3A_1528 = vector.broadcast %mul3A_1527 : i32 to vector<16xi32>
    %mul3A_1529 = arith.muli %add3A_1526, %mul3A_1528 : vector<16xi32>
    %add3A_1530 = arith.addi %mul3A_1529, %and3A_1522 : vector<16xi32>
    %ge3A_1531 = arith.constant 999936 : i32
    %ge3A_1532 = vector.broadcast %ge3A_1531 : i32 to vector<16xi32>
    %ge3A_1533 = arith.cmpi sge, %get3A_1519, %ge3A_1532 : vector<16xi32>
    %sub3A_1534 = arith.constant 999936 : i32
    %sub3A_1535 = vector.broadcast %sub3A_1534 : i32 to vector<16xi32>
    %sub3A_1536 = arith.subi %get3A_1519, %sub3A_1535 : vector<16xi32>
    %max3A_1537 = arith.constant 0 : i32
    %max3A_1538 = vector.broadcast %max3A_1537 : i32 to vector<16xi32>
    %max3A_1539 = arith.maxsi %sub3A_1536, %max3A_1538 : vector<16xi32>
    %min3A_1540 = arith.constant 127 : i32
    %min3A_1541 = vector.broadcast %min3A_1540 : i32 to vector<16xi32>
    %min3A_1542 = arith.minsi %max3A_1539, %min3A_1541 : vector<16xi32>
    %broadcast_in_dim3A_1543 = arith.constant 1 : i32
    %broadcast_in_dim3A_1544 = vector.broadcast %broadcast_in_dim3A_1543 : i32 to vector<16xi32>
    %broadcast_in_dim3A_1545 = arith.constant 0 : i32
    %broadcast_in_dim3A_1546 = vector.broadcast %broadcast_in_dim3A_1545 : i32 to vector<16xi32>
    %gather3A_1547 = tpu.vector_load_idx %arg7[%broadcast_in_dim3A_1544, %broadcast_in_dim3A_1546, %add3A_1530] : memref<2x8x4096xf32, #tpu.memory_space<vmem>>[vector<16xi32>, vector<16xi32>, vector<16xi32>], vector<16xf32>,
    %gather3A_1548 = tpu.vector_load_idx %arg9[%broadcast_in_dim3A_1546, %min3A_1542] : memref<8x128xf32, #tpu.memory_space<vmem>>[vector<16xi32>, vector<16xi32>], vector<16xf32>,
    %select_n3A_1549 = arith.select %ge3A_1533, %gather3A_1548, %gather3A_1547 : vector<16xi1>, vector<16xf32>
    %swap3A_1550 = arith.constant 0 : i32
    %swap3A_1551 = arith.index_cast %swap3A_1550 : i32 to index
    %swap3A_1552 = arith.constant 496 : index
    %swap3A_1553 = tpu.vector_load %arg8[%swap3A_1551, %swap3A_1552] {strides = array<i32>} : memref<8x512xf32, #tpu.memory_space<vmem>>, vector<16xf32>,
    tpu.vector_store %arg8[%swap3A_1551, %swap3A_1552], %select_n3A_1549 {strides = array<i32>} : memref<8x512xf32, #tpu.memory_space<vmem>>, vector<16xf32>,
    %broadcast_in_dim3A_1554 = arith.constant 1 : i32
    %broadcast_in_dim3A_1555 = vector.broadcast %broadcast_in_dim3A_1554 : i32 to vector<16xi32>
    %gather3A_1556 = tpu.vector_load_idx %arg7[%broadcast_in_dim3A_1544, %broadcast_in_dim3A_1555, %add3A_1530] : memref<2x8x4096xf32, #tpu.memory_space<vmem>>[vector<16xi32>, vector<16xi32>, vector<16xi32>], vector<16xf32>,
    %gather3A_1557 = tpu.vector_load_idx %arg9[%broadcast_in_dim3A_1555, %min3A_1542] : memref<8x128xf32, #tpu.memory_space<vmem>>[vector<16xi32>, vector<16xi32>], vector<16xf32>,
    %select_n3A_1558 = arith.select %ge3A_1533, %gather3A_1557, %gather3A_1556 : vector<16xi1>, vector<16xf32>
    %swap3A_1559 = arith.constant 1 : i32
    %swap3A_1560 = arith.index_cast %swap3A_1559 : i32 to index
    %swap3A_1561 = arith.constant 496 : index
    %swap3A_1562 = tpu.vector_load %arg8[%swap3A_1560, %swap3A_1561] {strides = array<i32>} : memref<8x512xf32, #tpu.memory_space<vmem>>, vector<16xf32>,
    tpu.vector_store %arg8[%swap3A_1560, %swap3A_1561], %select_n3A_1558 {strides = array<i32>} : memref<8x512xf32, #tpu.memory_space<vmem>>, vector<16xf32>,
    %broadcast_in_dim3A_1563 = arith.constant 2 : i32
    %broadcast_in_dim3A_1564 = vector.broadcast %broadcast_in_dim3A_1563 : i32 to vector<16xi32>
    %gather3A_1565 = tpu.vector_load_idx %arg7[%broadcast_in_dim3A_1544, %broadcast_in_dim3A_1564, %add3A_1530] : memref<2x8x4096xf32, #tpu.memory_space<vmem>>[vector<16xi32>, vector<16xi32>, vector<16xi32>], vector<16xf32>,
    %gather3A_1566 = tpu.vector_load_idx %arg9[%broadcast_in_dim3A_1564, %min3A_1542] : memref<8x128xf32, #tpu.memory_space<vmem>>[vector<16xi32>, vector<16xi32>], vector<16xf32>,
    %select_n3A_1567 = arith.select %ge3A_1533, %gather3A_1566, %gather3A_1565 : vector<16xi1>, vector<16xf32>
    %swap3A_1568 = arith.constant 2 : i32
    %swap3A_1569 = arith.index_cast %swap3A_1568 : i32 to index
    %swap3A_1570 = arith.constant 496 : index
    %swap3A_1571 = tpu.vector_load %arg8[%swap3A_1569, %swap3A_1570] {strides = array<i32>} : memref<8x512xf32, #tpu.memory_space<vmem>>, vector<16xf32>,
    tpu.vector_store %arg8[%swap3A_1569, %swap3A_1570], %select_n3A_1567 {strides = array<i32>} : memref<8x512xf32, #tpu.memory_space<vmem>>, vector<16xf32>,
    %broadcast_in_dim3A_1572 = arith.constant 3 : i32
    %broadcast_in_dim3A_1573 = vector.broadcast %broadcast_in_dim3A_1572 : i32 to vector<16xi32>
    %gather3A_1574 = tpu.vector_load_idx %arg7[%broadcast_in_dim3A_1544, %broadcast_in_dim3A_1573, %add3A_1530] : memref<2x8x4096xf32, #tpu.memory_space<vmem>>[vector<16xi32>, vector<16xi32>, vector<16xi32>], vector<16xf32>,
    %gather3A_1575 = tpu.vector_load_idx %arg9[%broadcast_in_dim3A_1573, %min3A_1542] : memref<8x128xf32, #tpu.memory_space<vmem>>[vector<16xi32>, vector<16xi32>], vector<16xf32>,
    %select_n3A_1576 = arith.select %ge3A_1533, %gather3A_1575, %gather3A_1574 : vector<16xi1>, vector<16xf32>
    %swap3A_1577 = arith.constant 3 : i32
    %swap3A_1578 = arith.index_cast %swap3A_1577 : i32 to index
    %swap3A_1579 = arith.constant 496 : index
    %swap3A_1580 = tpu.vector_load %arg8[%swap3A_1578, %swap3A_1579] {strides = array<i32>} : memref<8x512xf32, #tpu.memory_space<vmem>>, vector<16xf32>,
    tpu.vector_store %arg8[%swap3A_1578, %swap3A_1579], %select_n3A_1576 {strides = array<i32>} : memref<8x512xf32, #tpu.memory_space<vmem>>, vector<16xf32>,
    %broadcast_in_dim3A_1581 = arith.constant 4 : i32
    %broadcast_in_dim3A_1582 = vector.broadcast %broadcast_in_dim3A_1581 : i32 to vector<16xi32>
    %gather3A_1583 = tpu.vector_load_idx %arg7[%broadcast_in_dim3A_1544, %broadcast_in_dim3A_1582, %add3A_1530] : memref<2x8x4096xf32, #tpu.memory_space<vmem>>[vector<16xi32>, vector<16xi32>, vector<16xi32>], vector<16xf32>,
    %gather3A_1584 = tpu.vector_load_idx %arg9[%broadcast_in_dim3A_1582, %min3A_1542] : memref<8x128xf32, #tpu.memory_space<vmem>>[vector<16xi32>, vector<16xi32>], vector<16xf32>,
    %select_n3A_1585 = arith.select %ge3A_1533, %gather3A_1584, %gather3A_1583 : vector<16xi1>, vector<16xf32>
    %swap3A_1586 = arith.constant 4 : i32
    %swap3A_1587 = arith.index_cast %swap3A_1586 : i32 to index
    %swap3A_1588 = arith.constant 496 : index
    %swap3A_1589 = tpu.vector_load %arg8[%swap3A_1587, %swap3A_1588] {strides = array<i32>} : memref<8x512xf32, #tpu.memory_space<vmem>>, vector<16xf32>,
    tpu.vector_store %arg8[%swap3A_1587, %swap3A_1588], %select_n3A_1585 {strides = array<i32>} : memref<8x512xf32, #tpu.memory_space<vmem>>, vector<16xf32>,
    %broadcast_in_dim3A_1590 = arith.constant 5 : i32
    %broadcast_in_dim3A_1591 = vector.broadcast %broadcast_in_dim3A_1590 : i32 to vector<16xi32>
    %gather3A_1592 = tpu.vector_load_idx %arg7[%broadcast_in_dim3A_1544, %broadcast_in_dim3A_1591, %add3A_1530] : memref<2x8x4096xf32, #tpu.memory_space<vmem>>[vector<16xi32>, vector<16xi32>, vector<16xi32>], vector<16xf32>,
    %gather3A_1593 = tpu.vector_load_idx %arg9[%broadcast_in_dim3A_1591, %min3A_1542] : memref<8x128xf32, #tpu.memory_space<vmem>>[vector<16xi32>, vector<16xi32>], vector<16xf32>,
    %select_n3A_1594 = arith.select %ge3A_1533, %gather3A_1593, %gather3A_1592 : vector<16xi1>, vector<16xf32>
    %swap3A_1595 = arith.constant 5 : i32
    %swap3A_1596 = arith.index_cast %swap3A_1595 : i32 to index
    %swap3A_1597 = arith.constant 496 : index
    %swap3A_1598 = tpu.vector_load %arg8[%swap3A_1596, %swap3A_1597] {strides = array<i32>} : memref<8x512xf32, #tpu.memory_space<vmem>>, vector<16xf32>,
    tpu.vector_store %arg8[%swap3A_1596, %swap3A_1597], %select_n3A_1594 {strides = array<i32>} : memref<8x512xf32, #tpu.memory_space<vmem>>, vector<16xf32>,
    %broadcast_in_dim3A_1599 = arith.constant 6 : i32
    %broadcast_in_dim3A_1600 = vector.broadcast %broadcast_in_dim3A_1599 : i32 to vector<16xi32>
    %gather3A_1601 = tpu.vector_load_idx %arg7[%broadcast_in_dim3A_1544, %broadcast_in_dim3A_1600, %add3A_1530] : memref<2x8x4096xf32, #tpu.memory_space<vmem>>[vector<16xi32>, vector<16xi32>, vector<16xi32>], vector<16xf32>,
    %gather3A_1602 = tpu.vector_load_idx %arg9[%broadcast_in_dim3A_1600, %min3A_1542] : memref<8x128xf32, #tpu.memory_space<vmem>>[vector<16xi32>, vector<16xi32>], vector<16xf32>,
    %select_n3A_1603 = arith.select %ge3A_1533, %gather3A_1602, %gather3A_1601 : vector<16xi1>, vector<16xf32>
    %swap3A_1604 = arith.constant 6 : i32
    %swap3A_1605 = arith.index_cast %swap3A_1604 : i32 to index
    %swap3A_1606 = arith.constant 496 : index
    %swap3A_1607 = tpu.vector_load %arg8[%swap3A_1605, %swap3A_1606] {strides = array<i32>} : memref<8x512xf32, #tpu.memory_space<vmem>>, vector<16xf32>,
    tpu.vector_store %arg8[%swap3A_1605, %swap3A_1606], %select_n3A_1603 {strides = array<i32>} : memref<8x512xf32, #tpu.memory_space<vmem>>, vector<16xf32>,
    %broadcast_in_dim3A_1608 = arith.constant 7 : i32
    %broadcast_in_dim3A_1609 = vector.broadcast %broadcast_in_dim3A_1608 : i32 to vector<16xi32>
    %gather3A_1610 = tpu.vector_load_idx %arg7[%broadcast_in_dim3A_1544, %broadcast_in_dim3A_1609, %add3A_1530] : memref<2x8x4096xf32, #tpu.memory_space<vmem>>[vector<16xi32>, vector<16xi32>, vector<16xi32>], vector<16xf32>,
    %gather3A_1611 = tpu.vector_load_idx %arg9[%broadcast_in_dim3A_1609, %min3A_1542] : memref<8x128xf32, #tpu.memory_space<vmem>>[vector<16xi32>, vector<16xi32>], vector<16xf32>,
    %select_n3A_1612 = arith.select %ge3A_1533, %gather3A_1611, %gather3A_1610 : vector<16xi1>, vector<16xf32>
    %swap3A_1613 = arith.constant 7 : i32
    %swap3A_1614 = arith.index_cast %swap3A_1613 : i32 to index
    %swap3A_1615 = arith.constant 496 : index
    %swap3A_1616 = tpu.vector_load %arg8[%swap3A_1614, %swap3A_1615] {strides = array<i32>} : memref<8x512xf32, #tpu.memory_space<vmem>>, vector<16xf32>,
    tpu.vector_store %arg8[%swap3A_1614, %swap3A_1615], %select_n3A_1612 {strides = array<i32>} : memref<8x512xf32, #tpu.memory_space<vmem>>, vector<16xf32>,
    %mul3A_1617 = arith.constant 512 : i32
    %mul3A_1618 = arith.muli %mul3A_1617, %add3A : i32
    "tpu.region"() ({
      %run_scoped3A = tpu.sem_alloc : memref<!tpu.dma_semaphore, #tpu.memory_space<semaphore_mem>>
      %dma_start3A_1619 = arith.constant 0 : i32
      %dma_start3A_1620 = tpu.memref_slice %arg5[%dma_start3A_1619, %mul3A_1618] : memref<8x16384xf32, #tpu.memory_space<hbm>> -> memref<8x512xf32, #tpu.memory_space<hbm>>
      %dma_start3A_1621 = arith.constant 0 : i32
      %dma_start3A_1622 = tpu.memref_slice %arg5[%dma_start3A_1621, %mul3A_1618] : memref<8x16384xf32, #tpu.memory_space<hbm>> -> memref<8x512xf32, #tpu.memory_space<hbm>>
      tpu.enqueue_dma source(%arg8 : memref<8x512xf32, #tpu.memory_space<vmem>>) target(%dma_start3A_1622 : memref<8x512xf32, #tpu.memory_space<hbm>>) target_semaphore(%run_scoped3A : memref<!tpu.dma_semaphore, #tpu.memory_space<semaphore_mem>>)
      %dma_wait3A_1623 = arith.constant 0 : i32
      %dma_wait3A_1624 = tpu.memref_slice %arg5[%dma_wait3A_1623, %mul3A_1618] : memref<8x16384xf32, #tpu.memory_space<hbm>> -> memref<8x512xf32, #tpu.memory_space<hbm>>
      %dma_wait3A_1625 = arith.constant 0 : i32
      %dma_wait3A_1626 = tpu.memref_slice %arg5[%dma_wait3A_1625, %mul3A_1618] : memref<8x16384xf32, #tpu.memory_space<hbm>> -> memref<8x512xf32, #tpu.memory_space<hbm>>
      tpu.wait_dma2 semaphore(%run_scoped3A : memref<!tpu.dma_semaphore, #tpu.memory_space<semaphore_mem>>) src(%arg8 : memref<8x512xf32, #tpu.memory_space<vmem>>) dst(%dma_wait3A_1626 : memref<8x512xf32, #tpu.memory_space<hbm>>)
      tpu.yield
    }) : () -> ()
    return
  }
}

</mosaic_0001>

<sc_bundles>
// kernel: kernel.3.cloned.1.call-start
scs
__scs_entry_jumppad:
0x0: {  	(pc) =	sbr.rel $0x88, $3  }
0x1: {  	(tag) =	ssettag $0x0;
	lr =	simm.s32 $0x1  }
0x2: {  	[smem:$0x3F9F] =	sst lr;
	_ =	strace $0xD0000000  }
0x3: {  	_ = 	snop  }
0x4: {  	_ = 	snop  }
0x5: {  	_ = 	snop  }
0x6: {  	_ = 	snop  }
0x7: {  	_ = 	snop  }
__scs_overlays_trampoline_lowered:
0x8: {  	[smem:$0x3FAE] =	sst s0  }
0x9: {  	[smem:$0x3FAF] =	sst s1  }
0xa: {  	[smem:$0x3FB0] =	sst s2  }
0xb: {  	[smem:$0x3FB1] =	sst s3  }
0xc: {  	[smem:$0x3FB2] =	sst s4  }
0xd: {  	[smem:$0x3FB3] =	sst s5  }
0xe: {  	[smem:$0x3FB4] =	sst s6  }
0xf: {  	[smem:$0x3FB5] =	sst s7  }
0x10: {  	[smem:$0x3FB6] =	sst s8  }
0x11: {  	[smem:$0x3FB7] =	sst s9;
	s0 =	simm.s32 @!p0 $0x0  }
0x12: {  	s1 =	sld [smem:$0x3F9D];
	s0 =	simm.s32 @p0 $0x1  }
0x13: {  	[smem:$0x3FB8] =	sst s0;
	s0 =	simm.s32 @!p1 $0x0  }
0x14: {  	s2 =	sld [smem:$0x3F9C];
	s0 =	simm.s32 @p1 $0x1  }
0x15: {  	[smem:$0x3FB9] =	sst s0;
	s0 =	simm.s32 @!p2 $0x0  }
0x16: {  	s3 =	sld [smem:$0x3FDB];
	s0 =	simm.s32 @p2 $0x1  }
0x17: {  	s4 =	simm.s32 $0x1BF5;
	[smem:$0x3FBB] =	sst s0  }
0x18: {  	s0 =	sld [smem:$0x3F9E];
	_ =	swait.ge [sflag:s4], $0x0  }
0x19: {  	s7 =	sld [smem:$0x3F9F]  }
0x1a: {  	s8 =	sadd.s32 $0xFFFFE003, lr  }
0x1b: {  	s9 =	sadd.s32 $0xFFFFFEF7, lr;
	s5 =	simm.s32 $0xFFFFFFFF;
	p2 =	slt.u32 s8, $0xFFFFF086  }
0x1c: {  	p1 =	slt.u32 s9, $0xF7A;
	s5 =	simm.s32 @!p2 $0x0  }
0x1d: {  	s5 =	simm.s32 @p1 $0x1;
	p0 =	seq.s32 s7, s2  }
0x1e: {  	s7 =	smul.u32 @!p0 $0xF7A, s2;
	p2 =	seq.s32 @!p0 s5, $0x0  }
0x1f: {  	s9 =	smul.u32 $0xF7A, s1;
	s8 =	simm.s32 @!p0 $0x1BF5;
	p2 =	por !p2, p0  }
0x20: {  	[sflag:s8] =	ssyncset.s32 @!p0 $0xFFFFF086;
	s6 =	sadd.s32 @!p0 s3, s7;
	s7 =	simm.s32 @!p0 $0x108  }
0x21: {  	s3 =	sadd.s32 s3, s9;
	s6 =	sadd.s32 @!p0 $0x88, s6;
	s7 =	simm.s32 @p2 $0x1082  }
0x22: {  	[simem:s7], [sflag:s8] =	dma.local @!p0 [hbm:s6], $0xF7A  }
0x23: {  	s9 =	sor.u32 $0xD0000000, s2;
	s6 =	simm.s32 $0x108;
	_ =	swait.ge @!p0 [sflag:s8], $0x0  }
0x24: {  	s3 =	sadd.s32 $0x88, s3;
	s6 =	simm.s32 @!p1 $0x1082;
	[sflag:s4] =	ssyncset.s32 $0xFFFFF086  }
0x25: {  	[simem:s6], [sflag:s4] =	dma.local [hbm:s3], $0xF7A  }
0x26: {  	[smem:$0x3F9F] =	sst s1;
	(tag) =	ssettag s2;
	_ =	strace s9  }
0x27: {  	s1 =	sld [smem:$0x3FAF]  }
0x28: {  	s2 =	sld [smem:$0x3FB0]  }
0x29: {  	s4 =	sld [smem:$0x3FB2]  }
0x2a: {  	p0 =	seq.s32 s5, $0x0;
	s5 =	sld [smem:$0x3FB3]  }
0x2b: {  	s6 =	sld [smem:$0x3FB4]  }
0x2c: {  	s7 =	sld [smem:$0x3FB5]  }
0x2d: {  	s3 =	simm.s32 $0x108;
	s8 =	sld [smem:$0x3FB6]  }
0x2e: {  	s3 =	simm.s32 @!p0 $0x1082;
	s9 =	sld [smem:$0x3FB7]  }
0x2f: {  	lr =	sadd.s32 s0, s3;
	s0 =	sld [smem:$0x3FAE]  }
0x30: {  	s3 =	sld [smem:$0x3FB1]  }
0x31: {  	[smem:$0x3FBA] =	sst s10  }
0x32: {  	s10 =	sld [smem:$0x3FB8];
	_ =	sdelay $0x3  }
0x33: {  	p0 =	seq.s32 s10, $0x1;
	s10 =	sld [smem:$0x3FBA];
	_ =	sdelay $0x3  }
0x34: {  	[smem:$0x3FBA] =	sst s10  }
0x35: {  	s10 =	sld [smem:$0x3FB9];
	_ =	sdelay $0x3  }
0x36: {  	p1 =	seq.s32 s10, $0x1;
	s10 =	sld [smem:$0x3FBA];
	_ =	sdelay $0x3  }
0x37: {  	[smem:$0x3FBA] =	sst s10  }
0x38: {  	s10 =	sld [smem:$0x3FBB]  }
0x39: {  	_ = 	snop;
	(pc) =	sbr.ind lr, $3  }
0x3a: {  	_ = 	snop  }
0x3b: {  	_ = 	snop  }
0x3c: {  	p2 =	seq.s32 s10, $0x1;
	s10 =	sld [smem:$0x3FBA]  }
0x3d: {  	_ =	shalt  }
0x3e: {  	_ =	shalt  }
0x3f: {  	_ =	shalt  }
0x40: {  	_ =	shalt  }
0x41: {  	_ =	shalt  }
0x42: {  	_ =	shalt  }
0x43: {  	_ =	shalt  }
0x44: {  	_ =	shalt  }
0x45: {  	_ =	shalt  }
0x46: {  	_ =	shalt  }
0x47: {  	_ =	shalt  }
0x48: {  	_ =	shalt  }
0x49: {  	_ =	shalt  }
0x4a: {  	_ =	shalt  }
0x4b: {  	_ =	shalt  }
0x4c: {  	_ =	shalt  }
0x4d: {  	_ =	shalt  }
0x4e: {  	_ =	shalt  }
0x4f: {  	_ =	shalt  }
0x50: {  	_ =	shalt  }
0x51: {  	_ =	shalt  }
0x52: {  	_ =	shalt  }
0x53: {  	_ =	shalt  }
0x54: {  	_ =	shalt  }
0x55: {  	_ =	shalt  }
0x56: {  	_ =	shalt  }
0x57: {  	_ =	shalt  }
0x58: {  	_ =	shalt  }
0x59: {  	_ =	shalt  }
0x5a: {  	_ =	shalt  }
0x5b: {  	_ =	shalt  }
0x5c: {  	_ =	shalt  }
0x5d: {  	_ =	shalt  }
0x5e: {  	_ =	shalt  }
0x5f: {  	_ =	shalt  }
0x60: {  	_ =	shalt  }
0x61: {  	_ =	shalt  }
0x62: {  	_ =	shalt  }
0x63: {  	_ =	shalt  }
0x64: {  	_ =	shalt  }
0x65: {  	_ =	shalt  }
0x66: {  	_ =	shalt  }
0x67: {  	_ =	shalt  }
0x68: {  	_ =	shalt  }
0x69: {  	_ =	shalt  }
0x6a: {  	_ =	shalt  }
0x6b: {  	_ =	shalt  }
0x6c: {  	_ =	shalt  }
0x6d: {  	_ =	shalt  }
0x6e: {  	_ =	shalt  }
0x6f: {  	_ =	shalt  }
0x70: {  	_ =	shalt  }
0x71: {  	_ =	shalt  }
0x72: {  	_ =	shalt  }
0x73: {  	_ =	shalt  }
0x74: {  	_ =	shalt  }
0x75: {  	_ =	shalt  }
0x76: {  	_ =	shalt  }
0x77: {  	_ =	shalt  }
0x78: {  	_ =	shalt  }
0x79: {  	_ =	shalt  }
0x7a: {  	_ =	shalt  }
0x7b: {  	_ =	shalt  }
0x7c: {  	_ =	shalt  }
0x7d: {  	_ =	shalt  }
0x7e: {  	_ =	shalt  }
0x7f: {  	_ =	shalt  }
0x80: {  	_ =	shalt  }
0x81: {  	_ =	shalt  }
0x82: {  	_ =	shalt  }
0x83: {  	_ =	shalt  }
0x84: {  	_ =	shalt  }
0x85: {  	_ =	shalt  }
0x86: {  	_ =	shalt  }
0x87: {  	_ =	shalt  }
.Lfunc_end0:
.L_simem_size_0:
called_computation_lowered:
.L_overlay_start_0:
0x88: {  	s2 =	sld [smem:$0x3FD9]  }
0x89: {  	s3 =	sld [smem:$0x3FFE];
	_ =	sdelay $0x1  }
0x8a: {  	s1 =	srdreg.scid  }
0x8b: {  	s0 =	sand.u32 $0x1, s1  }
0x8c: {  	s17 =	sshll.u32 s0, $0xA;
	s2 =	sadd.s32 s3, s2  }
0x8d: {  	s2 =	sadd.s32 s2, s17  }
0x8e: {  	[smem:$0x3FC6] =	sst s2  }
0x8f: {  	_ = 	snop  }
0x90: {  	s2 =	sld [smem:$0x3FC9]  }
0x91: {  	s18 =	sld [smem:$0x3FC8]  }
0x92: {  	s4 =	sld [smem:$0x3FD0];
	(tm) =	ssettm $0x1  }
0x93: {  	s5 =	sld [smem:$0x3FFB];
	_ =	sdelay $0x3  }
0x94: {  	_ =	strace s5  }
0x95: {  	s5 =	sld [smem:$0x3FFC];
	_ =	sdelay $0x3  }
0x96: {  	_ =	strace s5  }
0x97: {  	s5 =	sld [smem:$0x3FFD];
	_ =	sdelay $0x3  }
0x98: {  	_ =	strace s5  }
0x99: {  	_ =	strace $0x8FFFFFFF  }
0x9a: {  	s19 =	sld [smem:$0x3FDB];
	_ =	sdelay $0x1  }
0x9b: {  	s6 =	simm.s32 $_scs_section_size  }
0x9c: {  	s7 =	simm.s32 $_size__tile_overlayer_lowered;
	s8 =	simm.s32 $_tile_overlayer_lowered  }
0x9d: {  	s22 =	simm.s32 $0x1BFF;
	s21 =	sshll.u32 s8, $0x1;
	s5 =	sadd.s32 s6, s19  }
0x9e: {  	s9 =	simm.s32 $0x0;
	s20 =	sshll.u32 s7, $0x1;
	s7 =	sadd.s32 s21, s5  }
0x9f: {  	[timem:s9], [sflag:s22] =	dma.local [hbm:s7], s20  }
0xa0: {  	_ =	swait.ge [sflag:s22], s20  }
0xa1: {  	s6 =	ssub.s32 $0x0, s20;
	[sflag:s22] =	ssyncset.done $0x0  }
0xa2: {  	[sflag:s22] =	ssyncadd.s32 s6;
	_ =	sdelay $0x1  }
0xa3: {  	s23 =	simm.s32 $0x1B8B  }
0xa4: {  	_ =	swait.ge [sflag:s23], $0x1  }
0xa5: {  	[sflag:s23] =	ssyncset.done $0x0  }
0xa6: {  	s25 =	simm.s32 $0x1B8E;
	s24 =	sld [smem:$0x3FFE];
	[sflag:s23] =	ssyncadd.s32 $0xFFFFFFFF  }
0xa7: {  	s26 =	simm.s32 $execute0_lowered;
	[smem:$0x3FD2] =	sst s25  }
0xa8: {  	s7 =	sshll.u32 s26, $0x1;
	_ =	strace $0x80000046;
	[dreg:$0x1] =	wrdreg $0xFFFFFFFF  }
0xa9: {  	s28 =	simm.s32 $_size_execute0_lowered;
	s5 =	sadd.s32 s5, s7;
	[dreg:$0x0] =	wrdreg $0x0  }
0xaa: {  	s7 =	sshll.u32 s28, $0x1;
	[dreg:$0x2] =	wrdreg s5  }
0xab: {  	[dreg:$0x3] =	wrdreg s7  }
0xac: {  	[dreg:$0x4] =	wrdreg $0xC0  }
0xad: {  	_ =	task [dreg:s9], $0x5FFFF  }
0xae: {  	[dreg:$0x1] =	wrdreg $0xFFFFFFFF  }
0xaf: {  	[dreg:$0x0] =	wrdreg $0x60  }
0xb0: {  	[dreg:$0x2] =	wrdreg s2  }
0xb1: {  	[dreg:$0x3] =	wrdreg s18  }
0xb2: {  	[dreg:$0x4] =	wrdreg s24  }
0xb3: {  	[dreg:$0x5] =	wrdreg s4  }
0xb4: {  	[dreg:$0x6] =	wrdreg $0x9  }
0xb5: {  	_ =	task.clear_ibuf [dreg:s9], $0x7FFFF;
	_ =	strace $0x90000046  }
0xb6: {  	s29 =	simm.s32 $0x9;
	_ =	strace $0x80000048  }
0xb7: {  	_ =	swait.ge [sflag:s29], $0x1  }
0xb8: {  	[sflag:s29] =	ssyncadd.s32 $0xFFFFFFFF  }
0xb9: {  	_ =	strace $0x90000048  }
0xba: {  	_ =	sfence  }
0xbb: {  	s30 =	sld [smem:$0x0];
	_ =	sdelay $0x2  }
0xbc: {  	s31 =	sshll.u32 s1, $0xD;
	s1 =	sshrl.u32 s1, $0x2  }
0xbd: {  	s3 =	sand.u32 $0x4000, s31;
	s1 =	sadd.s32 s1, s30  }
0xbe: {  	s0 =	sor.u32 s3, s0;
	s1 =	sshll.u32 s1, $0x11  }
0xbf: {  	s0 =	sor.u32 s1, s0  }
0xc0: {  	s0 =	sadd.s32 $0x8F2B, s0  }
0xc1: {  	[sflag:s0] =	ssyncadd.remote.s32 $0x1  }
0xc2: {  	_ =	sfence.sel $0xFFFF  }
0xc3: {  	[dreg:$0x0] =	wrdreg $0xFFFFFFFF;
	(pc) =	sbr.abs _section_cstart, $3  }
0xc4: {  	[dreg:$0x1] =	wrdreg $0xFFFFFFFF  }
0xc5: {  	_ =	task.clear_ibuf [dreg:s9], $0x2FFFF;
	_ =	strace $0x9FFFFFFF  }
0xc6: {  	(tm) =	ssettm $0x7FFFFFFF  }
0xc7: {  	_ =	shalt  }
tec
execute0_lowered:
.L_overlay_start_1:
0x0: {  	(tag) =	ssettag $0x1  }
0x1: {  	s0 =	rddreg [dreg:$0x0]  }
0x2: {  	s1 =	rddreg [dreg:$0x1]  }
0x3: {  	s2 =	rddreg [dreg:$0x2]  }
0x4: {  	s4 =	rddreg [dreg:$0x3];
	s5 =	srdreg.scid  }
0x5: {  	s3 =	simm.s32 $0x0;
	s6 =	stileid.u32;
	s22 =	simm.s32 $0x3  }
0x6: {  	s9 =	simm.s32 $0x11200;
	s10 =	simm.s32 $0x200;
	s11 =	simm.s32 $0x1E00  }
0x7: {  	s12 =	simm.s32 $0x2200;
	s13 =	simm.s32 $0x2600;
	s14 =	simm.s32 $0x2A00  }
0x8: {  	s15 =	simm.s32 $0x2E00;
	s16 =	simm.s32 $0x3200;
	s17 =	simm.s32 $0x3600;
	v0 =	vlaneseq.u32  }
0x9: {  	s18 =	simm.s32 $0x3A00;
	s19 =	simm.s32 $0x3E00;
	s31 =	simm.s32 $0x4200;
	v0 =	vmul.u32 $0x400, v0  }
0xa: {  	s23 =	simm.s32 $0x4600;
	s28 =	simm.s32 $0x5600;
	s29 =	simm.s32 $0x5A00  }
0xb: {  	s30 =	simm.s32 $0x5E00;
	s20 =	simm.s32 $0x1;
	s5 =	sand.u32 $0x1, s5;
	v1 =	vor.u32 $0x80, v0  }
0xc: {  	[smem:$0x7FF] =	sst s3;
	s6 =	sshll.u32 s6, $0xA;
	s2 =	sadd.s32 $0x400, s2;
	v2 =	vor.u32 $0x100, v0;
	v3 =	vor.u32 $0x180, v0;
	v4 =	vor.u32 $0x200, v0  }
0xd: {  	s21 =	simm.s32 $0x2;
	s7 =	sshll.u32 s5, $0x9;
	_ =	strace $0x80000047;
	v5 =	vor.u32 $0x280, v0;
	v6 =	vor.u32 $0x300, v0;
	v7 =	vor.u32 $0x380, v0  }
0xe: {  	s5 =	ssub.s32 $0x2, s5;
	[dreg:$0x5] =	wrdreg s2;
	s8 =	sor.u32 s7, s6;
	v8 =	vor.u32 $0x4000, v0;
	v9 =	vor.u32 $0x4080, v0;
	v10 =	vor.u32 $0x4100, v0  }
0xf: {  	s24 =	sshrl.u32 s5, $0x1;
	s25 =	sadd.s32 s4, s7;
	s4 =	simm.s32 $0xA00;
	v11 =	vor.u32 $0x4180, v0;
	v12 =	vor.u32 $0x4200, v0;
	v13 =	vor.u32 $0x4280, v0  }
0x10: {  	s7 =	simm.s32 $0x1600;
	v14 =	vor.u32 $0x4300, v0;
	v15 =	vor.u32 $0x4380, v0;
	v16 =	vor.u32 $0x8000, v0;
	s8 =	sshrl.u32 s8, $0x3;
	s2 =	ssub.s32 s5, s24  }
0x11: {  	v17 =	vor.u32 $0x8080, v0;
	v18 =	vor.u32 $0x8100, v0;
	v19 =	vor.u32 $0x8180, v0;
	s5 =	simm.s32 $0xE00;
	s24 =	simm.s32 $0x4A00;
	s0 =	sadd.s32 s0, s8  }
0x12: {  	v20 =	vor.u32 $0x8200, v0;
	v21 =	vor.u32 $0x8280, v0;
	v22 =	vor.u32 $0x8300, v0;
	s26 =	smax.u32 s2, $0x1;
	s2 =	simm.s32 $0x600;
	[dreg:$0x6] =	wrdreg s0  }
0x13: {  	v23 =	vor.u32 $0x8380, v0;
	v24 =	vor.u32 $0xC000, v0;
	v25 =	vor.u32 $0xC080, v0;
	s8 =	simm.s32 $0x1A00;
	s0 =	sadd.s32 s6, s25;
	[dreg:$0x8] =	wrdreg s26  }
0x14: {  	v26 =	vor.u32 $0xC100, v0;
	v27 =	vor.u32 $0xC180, v0;
	v28 =	vor.u32 $0xC200, v0;
	s6 =	simm.s32 $0x1200;
	[dreg:$0x7] =	wrdreg s0;
	s0 =	simm.s32 $0x0  }
0x15: {  	v29 =	vor.u32 $0xC280, v0;
	v30 =	vor.u32 $0xC300, v0;
	v31 =	vor.u32 $0xC380, v0;
	s25 =	simm.s32 $0x4E00;
	s26 =	simm.s32 $0x5200;
	[dreg:$0x9] =	wrdreg s0  }
.LBB2_1:
0x16: {  	s0 =	rddreg [dreg:$0x6]  }
0x17: {  	[tilespmem:s3], [sflag:$0x3] =	stream.linear.gather [hbm4b:s0+s3], $0x200, $0x38;
	[tilespmem:$0x11600] =	vst v63  }
0x18: {  	_ =	swait.ge [sflag:s22], $0x200  }
0x19: {  	[sflag:s22] =	ssyncset.done $0x0  }
0x1a: {  	s0 =	rddreg [dreg:$0x5];
	[sflag:s22] =	ssyncadd.s32 $0xFFFFFE00  }
0x1b: {  	[tilespmem:s9], [sflag:$0x3] =	stream.linear.gather [hbm4b:s0+s3], $0x400, $0x38;
	[tilespmem:$0x11600] =	vst v63  }
0x1c: {  	_ =	swait.ge [sflag:s22], $0x400  }
0x1d: {  	[sflag:s22] =	ssyncset.done $0x0  }
0x1e: {  	[sflag:s22] =	ssyncadd.s32 $0xFFFFFC00  }
0x1f: {  	v32 =	vld [tilespmem:$0x0];
	_ =	sdelay $0x4  }
0x20: {  	v32 =	vshrl.u32 v32, $0x7  }
0x21: {  	v32 =	vmin.u32 v32, $0x1E83  }
0x22: {  	v32 =	vshll.u32 v32, $0x7  }
0x23: {  	v32 =	vadd.s32 s1, v32  }
0x24: {  	(v2sf) =	vpush v32, $0x0;
	_ =	sdelay $0x1  }
0x25: {  	(v2sf) =	vpush v32, $0x1;
	_ =	sdelay $0x1  }
0x26: {  	(v2sf) =	vpush v32, $0x2;
	_ =	sdelay $0x1  }
0x27: {  	(v2sf) =	vpush v32, $0x3;
	_ =	sdelay $0x1  }
0x28: {  	(v2sf) =	vpush v32, $0x4;
	_ =	sdelay $0x1  }
0x29: {  	(v2sf) =	vpush v32, $0x5;
	_ =	sdelay $0x1  }
0x2a: {  	(v2sf) =	vpush v32, $0x6;
	_ =	sdelay $0x1  }
0x2b: {  	(v2sf) =	vpush v32, $0x7  }
0x2c: {  	s0 =	spop (v2sf)  }
0x2d: {  	(v2sf) =	vpush v32, $0x8;
	[tilespmem:s10], [sflag:$0x1] =	stream.linear.gather [hbm4b:s0+s3], $0x400, $0x38;
	[tilespmem:$0x11600] =	vst v63  }
0x2e: {  	s0 =	spop (v2sf)  }
0x2f: {  	(v2sf) =	vpush v32, $0x9;
	[tilespmem:s2], [sflag:$0x1] =	stream.linear.gather [hbm4b:s0+s3], $0x400, $0x38;
	[tilespmem:$0x11600] =	vst v63  }
0x30: {  	s2 =	spop (v2sf)  }
0x31: {  	(v2sf) =	vpush v32, $0xA;
	[tilespmem:s4], [sflag:$0x1] =	stream.linear.gather [hbm4b:s2+s3], $0x400, $0x38;
	[tilespmem:$0x11600] =	vst v63  }
0x32: {  	s4 =	spop (v2sf)  }
0x33: {  	(v2sf) =	vpush v32, $0xB;
	[tilespmem:s5], [sflag:$0x1] =	stream.linear.gather [hbm4b:s4+s3], $0x400, $0x38;
	[tilespmem:$0x11600] =	vst v63  }
0x34: {  	s0 =	spop (v2sf)  }
0x35: {  	(v2sf) =	vpush v32, $0xC;
	[tilespmem:s6], [sflag:$0x1] =	stream.linear.gather [hbm4b:s0+s3], $0x400, $0x38;
	[tilespmem:$0x11600] =	vst v63  }
0x36: {  	s2 =	spop (v2sf)  }
0x37: {  	(v2sf) =	vpush v32, $0xD;
	[tilespmem:s7], [sflag:$0x1] =	stream.linear.gather [hbm4b:s2+s3], $0x400, $0x38;
	[tilespmem:$0x11600] =	vst v63  }
0x38: {  	s4 =	spop (v2sf)  }
0x39: {  	(v2sf) =	vpush v32, $0xE;
	[tilespmem:s8], [sflag:$0x1] =	stream.linear.gather [hbm4b:s4+s3], $0x400, $0x38;
	[tilespmem:$0x11600] =	vst v63  }
0x3a: {  	s5 =	spop (v2sf)  }
0x3b: {  	(v2sf) =	vpush v32, $0xF;
	[tilespmem:s11], [sflag:$0x1] =	stream.linear.gather [hbm4b:s5+s3], $0x400, $0x38;
	[tilespmem:$0x11600] =	vst v63  }
0x3c: {  	s6 =	spop (v2sf)  }
0x3d: {  	[tilespmem:s12], [sflag:$0x1] =	stream.linear.gather [hbm4b:s6+s3], $0x400, $0x38;
	[tilespmem:$0x11600] =	vst v63  }
0x3e: {  	s7 =	spop (v2sf)  }
0x3f: {  	[tilespmem:s13], [sflag:$0x1] =	stream.linear.gather [hbm4b:s7+s3], $0x400, $0x38;
	[tilespmem:$0x11600] =	vst v63  }
0x40: {  	s8 =	spop (v2sf)  }
0x41: {  	[tilespmem:s14], [sflag:$0x1] =	stream.linear.gather [hbm4b:s8+s3], $0x400, $0x38;
	[tilespmem:$0x11600] =	vst v63  }
0x42: {  	s11 =	spop (v2sf)  }
0x43: {  	[tilespmem:s15], [sflag:$0x1] =	stream.linear.gather [hbm4b:s11+s3], $0x400, $0x38;
	[tilespmem:$0x11600] =	vst v63  }
0x44: {  	s12 =	spop (v2sf)  }
0x45: {  	[tilespmem:s16], [sflag:$0x1] =	stream.linear.gather [hbm4b:s12+s3], $0x400, $0x38;
	[tilespmem:$0x11600] =	vst v63  }
0x46: {  	s13 =	spop (v2sf)  }
0x47: {  	[tilespmem:s17], [sflag:$0x1] =	stream.linear.gather [hbm4b:s13+s3], $0x400, $0x38;
	[tilespmem:$0x11600] =	vst v63  }
0x48: {  	s14 =	spop (v2sf)  }
0x49: {  	[tilespmem:s18], [sflag:$0x1] =	stream.linear.gather [hbm4b:s14+s3], $0x400, $0x38;
	[tilespmem:$0x11600] =	vst v63  }
0x4a: {  	s15 =	spop (v2sf)  }
0x4b: {  	[tilespmem:s19], [sflag:$0x1] =	stream.linear.gather [hbm4b:s15+s3], $0x400, $0x38;
	[tilespmem:$0x11600] =	vst v63  }
0x4c: {  	v61 =	vld [tilespmem:$0x10];
	_ =	sdelay $0x4  }
0x4d: {  	v32 =	vshrl.u32 v61, $0x7  }
0x4e: {  	v32 =	vmin.u32 v32, $0x1E83  }
0x4f: {  	v32 =	vshll.u32 v32, $0x7  }
0x50: {  	v32 =	vadd.s32 s1, v32  }
0x51: {  	(v2sf) =	vpush v32, $0x0;
	_ =	sdelay $0x1  }
0x52: {  	(v2sf) =	vpush v32, $0x1;
	_ =	sdelay $0x1  }
0x53: {  	(v2sf) =	vpush v32, $0x2;
	_ =	sdelay $0x1  }
0x54: {  	(v2sf) =	vpush v32, $0x3;
	_ =	sdelay $0x1  }
0x55: {  	(v2sf) =	vpush v32, $0x4;
	_ =	sdelay $0x1  }
0x56: {  	(v2sf) =	vpush v32, $0x5;
	_ =	sdelay $0x1  }
0x57: {  	(v2sf) =	vpush v32, $0x6;
	_ =	sdelay $0x1  }
0x58: {  	(v2sf) =	vpush v32, $0x7  }
0x59: {  	s16 =	spop (v2sf)  }
0x5a: {  	(v2sf) =	vpush v32, $0x8;
	[tilespmem:s31], [sflag:$0x1] =	stream.linear.gather [hbm4b:s16+s3], $0x400, $0x38;
	[tilespmem:$0x11600] =	vst v63  }
0x5b: {  	s17 =	spop (v2sf)  }
0x5c: {  	(v2sf) =	vpush v32, $0x9;
	[tilespmem:s23], [sflag:$0x1] =	stream.linear.gather [hbm4b:s17+s3], $0x400, $0x38;
	[tilespmem:$0x11600] =	vst v63  }
0x5d: {  	s18 =	spop (v2sf)  }
0x5e: {  	(v2sf) =	vpush v32, $0xA;
	[tilespmem:s24], [sflag:$0x1] =	stream.linear.gather [hbm4b:s18+s3], $0x400, $0x38;
	[tilespmem:$0x11600] =	vst v63  }
0x5f: {  	s19 =	spop (v2sf)  }
0x60: {  	(v2sf) =	vpush v32, $0xB;
	[tilespmem:s25], [sflag:$0x1] =	stream.linear.gather [hbm4b:s19+s3], $0x400, $0x38;
	[tilespmem:$0x11600] =	vst v63  }
0x61: {  	s23 =	spop (v2sf)  }
0x62: {  	(v2sf) =	vpush v32, $0xC;
	[tilespmem:s26], [sflag:$0x1] =	stream.linear.gather [hbm4b:s23+s3], $0x400, $0x38;
	[tilespmem:$0x11600] =	vst v63  }
0x63: {  	s24 =	spop (v2sf)  }
0x64: {  	(v2sf) =	vpush v32, $0xD;
	[tilespmem:s28], [sflag:$0x1] =	stream.linear.gather [hbm4b:s24+s3], $0x400, $0x38;
	[tilespmem:$0x11600] =	vst v63  }
0x65: {  	s25 =	spop (v2sf)  }
0x66: {  	(v2sf) =	vpush v32, $0xE;
	[tilespmem:s29], [sflag:$0x1] =	stream.linear.gather [hbm4b:s25+s3], $0x400, $0x38;
	[tilespmem:$0x11600] =	vst v63  }
0x67: {  	s26 =	spop (v2sf)  }
0x68: {  	(v2sf) =	vpush v32, $0xF;
	[tilespmem:s30], [sflag:$0x1] =	stream.linear.gather [hbm4b:s26+s3], $0x400, $0x38;
	[tilespmem:$0x11600] =	vst v63  }
0x69: {  	s29 =	simm.s32 $0x6200;
	s28 =	spop (v2sf)  }
0x6a: {  	[tilespmem:s29], [sflag:$0x1] =	stream.linear.gather [hbm4b:s28+s3], $0x400, $0x38;
	[tilespmem:$0x11600] =	vst v63  }
0x6b: {  	s31 =	simm.s32 $0x6600;
	s30 =	spop (v2sf)  }
0x6c: {  	[tilespmem:s31], [sflag:$0x1] =	stream.linear.gather [hbm4b:s30+s3], $0x400, $0x38;
	[tilespmem:$0x11600] =	vst v63  }
0x6d: {  	s2 =	simm.s32 $0x6A00;
	s0 =	spop (v2sf)  }
0x6e: {  	[tilespmem:s2], [sflag:$0x1] =	stream.linear.gather [hbm4b:s0+s3], $0x400, $0x38;
	[tilespmem:$0x11600] =	vst v63  }
0x6f: {  	s5 =	simm.s32 $0x6E00;
	s4 =	spop (v2sf)  }
0x70: {  	[tilespmem:s5], [sflag:$0x1] =	stream.linear.gather [hbm4b:s4+s3], $0x400, $0x38;
	[tilespmem:$0x11600] =	vst v63  }
0x71: {  	s7 =	simm.s32 $0x7200;
	s6 =	spop (v2sf)  }
0x72: {  	[tilespmem:s7], [sflag:$0x1] =	stream.linear.gather [hbm4b:s6+s3], $0x400, $0x38;
	[tilespmem:$0x11600] =	vst v63  }
0x73: {  	s11 =	simm.s32 $0x7600;
	s8 =	spop (v2sf)  }
0x74: {  	[tilespmem:s11], [sflag:$0x1] =	stream.linear.gather [hbm4b:s8+s3], $0x400, $0x38;
	[tilespmem:$0x11600] =	vst v63  }
0x75: {  	s13 =	simm.s32 $0x7A00;
	s12 =	spop (v2sf)  }
0x76: {  	[tilespmem:s13], [sflag:$0x1] =	stream.linear.gather [hbm4b:s12+s3], $0x400, $0x38;
	[tilespmem:$0x11600] =	vst v63  }
0x77: {  	s15 =	simm.s32 $0x7E00;
	s14 =	spop (v2sf)  }
0x78: {  	[tilespmem:s15], [sflag:$0x1] =	stream.linear.gather [hbm4b:s14+s3], $0x400, $0x38;
	[tilespmem:$0x11600] =	vst v63  }
0x79: {  	v62 =	vld [tilespmem:$0x20];
	_ =	sdelay $0x4  }
0x7a: {  	v32 =	vshrl.u32 v62, $0x7  }
0x7b: {  	v32 =	vmin.u32 v32, $0x1E83  }
0x7c: {  	v32 =	vshll.u32 v32, $0x7  }
0x7d: {  	v32 =	vadd.s32 s1, v32  }
0x7e: {  	(v2sf) =	vpush v32, $0x0;
	_ =	sdelay $0x1  }
0x7f: {  	(v2sf) =	vpush v32, $0x1;
	_ =	sdelay $0x1  }
0x80: {  	(v2sf) =	vpush v32, $0x2;
	_ =	sdelay $0x1  }
0x81: {  	(v2sf) =	vpush v32, $0x3;
	_ =	sdelay $0x1  }
0x82: {  	(v2sf) =	vpush v32, $0x4;
	_ =	sdelay $0x1  }
0x83: {  	(v2sf) =	vpush v32, $0x5;
	_ =	sdelay $0x1  }
0x84: {  	(v2sf) =	vpush v32, $0x6;
	_ =	sdelay $0x1  }
0x85: {  	(v2sf) =	vpush v32, $0x7  }
0x86: {  	s17 =	simm.s32 $0x8200;
	s16 =	spop (v2sf)  }
0x87: {  	(v2sf) =	vpush v32, $0x8;
	[tilespmem:s17], [sflag:$0x2] =	stream.linear.gather [hbm4b:s16+s3], $0x400, $0x38;
	[tilespmem:$0x11600] =	vst v63  }
0x88: {  	s19 =	simm.s32 $0x8600;
	s18 =	spop (v2sf)  }
0x89: {  	(v2sf) =	vpush v32, $0x9;
	[tilespmem:s19], [sflag:$0x2] =	stream.linear.gather [hbm4b:s18+s3], $0x400, $0x38;
	[tilespmem:$0x11600] =	vst v63  }
0x8a: {  	s24 =	simm.s32 $0x8A00;
	s23 =	spop (v2sf)  }
0x8b: {  	(v2sf) =	vpush v32, $0xA;
	[tilespmem:s24], [sflag:$0x2] =	stream.linear.gather [hbm4b:s23+s3], $0x400, $0x38;
	[tilespmem:$0x11600] =	vst v63  }
0x8c: {  	s26 =	simm.s32 $0x8E00;
	s25 =	spop (v2sf)  }
0x8d: {  	(v2sf) =	vpush v32, $0xB;
	[tilespmem:s26], [sflag:$0x2] =	stream.linear.gather [hbm4b:s25+s3], $0x400, $0x38;
	[tilespmem:$0x11600] =	vst v63  }
0x8e: {  	s29 =	simm.s32 $0x9200;
	s28 =	spop (v2sf)  }
0x8f: {  	(v2sf) =	vpush v32, $0xC;
	[tilespmem:s29], [sflag:$0x2] =	stream.linear.gather [hbm4b:s28+s3], $0x400, $0x38;
	[tilespmem:$0x11600] =	vst v63  }
0x90: {  	s31 =	simm.s32 $0x9600;
	s30 =	spop (v2sf)  }
0x91: {  	(v2sf) =	vpush v32, $0xD;
	[tilespmem:s31], [sflag:$0x2] =	stream.linear.gather [hbm4b:s30+s3], $0x400, $0x38;
	[tilespmem:$0x11600] =	vst v63  }
0x92: {  	s2 =	simm.s32 $0x9A00;
	s0 =	spop (v2sf)  }
0x93: {  	(v2sf) =	vpush v32, $0xE;
	[tilespmem:s2], [sflag:$0x2] =	stream.linear.gather [hbm4b:s0+s3], $0x400, $0x38;
	[tilespmem:$0x11600] =	vst v63  }
0x94: {  	s5 =	simm.s32 $0x9E00;
	s4 =	spop (v2sf)  }
0x95: {  	(v2sf) =	vpush v32, $0xF;
	[tilespmem:s5], [sflag:$0x2] =	stream.linear.gather [hbm4b:s4+s3], $0x400, $0x38;
	[tilespmem:$0x11600] =	vst v63  }
0x96: {  	s7 =	simm.s32 $0xA200;
	s6 =	spop (v2sf)  }
0x97: {  	[tilespmem:s7], [sflag:$0x2] =	stream.linear.gather [hbm4b:s6+s3], $0x400, $0x38;
	[tilespmem:$0x11600] =	vst v63  }
0x98: {  	s11 =	simm.s32 $0xA600;
	s8 =	spop (v2sf)  }
0x99: {  	[tilespmem:s11], [sflag:$0x2] =	stream.linear.gather [hbm4b:s8+s3], $0x400, $0x38;
	[tilespmem:$0x11600] =	vst v63  }
0x9a: {  	s13 =	simm.s32 $0xAA00;
	s12 =	spop (v2sf)  }
0x9b: {  	[tilespmem:s13], [sflag:$0x2] =	stream.linear.gather [hbm4b:s12+s3], $0x400, $0x38;
	[tilespmem:$0x11600] =	vst v63  }
0x9c: {  	s15 =	simm.s32 $0xAE00;
	s14 =	spop (v2sf)  }
0x9d: {  	[tilespmem:s15], [sflag:$0x2] =	stream.linear.gather [hbm4b:s14+s3], $0x400, $0x38;
	[tilespmem:$0x11600] =	vst v63  }
0x9e: {  	s17 =	simm.s32 $0xB200;
	s16 =	spop (v2sf)  }
0x9f: {  	[tilespmem:s17], [sflag:$0x2] =	stream.linear.gather [hbm4b:s16+s3], $0x400, $0x38;
	[tilespmem:$0x11600] =	vst v63  }
0xa0: {  	s19 =	simm.s32 $0xB600;
	s18 =	spop (v2sf)  }
0xa1: {  	[tilespmem:s19], [sflag:$0x2] =	stream.linear.gather [hbm4b:s18+s3], $0x400, $0x38;
	[tilespmem:$0x11600] =	vst v63  }
0xa2: {  	s24 =	simm.s32 $0xBA00;
	s23 =	spop (v2sf)  }
0xa3: {  	[tilespmem:s24], [sflag:$0x2] =	stream.linear.gather [hbm4b:s23+s3], $0x400, $0x38;
	[tilespmem:$0x11600] =	vst v63  }
0xa4: {  	s26 =	simm.s32 $0xBE00;
	s25 =	spop (v2sf)  }
0xa5: {  	[tilespmem:s26], [sflag:$0x2] =	stream.linear.gather [hbm4b:s25+s3], $0x400, $0x38;
	[tilespmem:$0x11600] =	vst v63  }
0xa6: {  	v63 =	vld [tilespmem:$0x30];
	_ =	sdelay $0x4  }
0xa7: {  	v32 =	vshrl.u32 v63, $0x7  }
0xa8: {  	v32 =	vmin.u32 v32, $0x1E83  }
0xa9: {  	v32 =	vshll.u32 v32, $0x7  }
0xaa: {  	v32 =	vadd.s32 s1, v32  }
0xab: {  	(v2sf) =	vpush v32, $0x0;
	_ =	sdelay $0x1  }
0xac: {  	(v2sf) =	vpush v32, $0x1;
	_ =	sdelay $0x1  }
0xad: {  	(v2sf) =	vpush v32, $0x2;
	_ =	sdelay $0x1  }
0xae: {  	(v2sf) =	vpush v32, $0x3;
	_ =	sdelay $0x1  }
0xaf: {  	(v2sf) =	vpush v32, $0x4;
	_ =	sdelay $0x1  }
0xb0: {  	(v2sf) =	vpush v32, $0x5;
	_ =	sdelay $0x1  }
0xb1: {  	(v2sf) =	vpush v32, $0x6;
	_ =	sdelay $0x1  }
0xb2: {  	(v2sf) =	vpush v32, $0x7  }
0xb3: {  	s29 =	simm.s32 $0xC200;
	s28 =	spop (v2sf)  }
0xb4: {  	(v2sf) =	vpush v32, $0x8;
	[tilespmem:s29], [sflag:$0x2] =	stream.linear.gather [hbm4b:s28+s3], $0x400, $0x38;
	[tilespmem:$0x11600] =	vst v63  }
0xb5: {  	s31 =	simm.s32 $0xC600;
	s30 =	spop (v2sf)  }
0xb6: {  	(v2sf) =	vpush v32, $0x9;
	[tilespmem:s31], [sflag:$0x2] =	stream.linear.gather [hbm4b:s30+s3], $0x400, $0x38;
	[tilespmem:$0x11600] =	vst v63  }
0xb7: {  	s4 =	simm.s32 $0xCA00;
	s2 =	spop (v2sf)  }
0xb8: {  	(v2sf) =	vpush v32, $0xA;
	[tilespmem:s4], [sflag:$0x2] =	stream.linear.gather [hbm4b:s2+s3], $0x400, $0x38;
	[tilespmem:$0x11600] =	vst v63  }
0xb9: {  	s6 =	simm.s32 $0xCE00;
	s5 =	spop (v2sf)  }
0xba: {  	(v2sf) =	vpush v32, $0xB;
	[tilespmem:s6], [sflag:$0x2] =	stream.linear.gather [hbm4b:s5+s3], $0x400, $0x38;
	[tilespmem:$0x11600] =	vst v63  }
0xbb: {  	p0 =	por $0x0, $0x0;
	s8 =	simm.s32 $0xD200;
	s7 =	spop (v2sf)  }
0xbc: {  	(v2sf) =	vpush v32, $0xC;
	[tilespmem:s8], [sflag:$0x2] =	stream.linear.gather [hbm4b:s7+s3], $0x400, $0x38;
	[tilespmem:$0x11600] =	vst v63  }
0xbd: {  	s22 =	simm.s32 $0x0;
	s12 =	simm.s32 $0xD600;
	s11 =	spop (v2sf)  }
0xbe: {  	(v2sf) =	vpush v32, $0xD;
	[tilespmem:s12], [sflag:$0x2] =	stream.linear.gather [hbm4b:s11+s3], $0x400, $0x38;
	[tilespmem:$0x11600] =	vst v63  }
0xbf: {  	s14 =	simm.s32 $0xDA00;
	s16 =	simm.s32 $0xDE00;
	s13 =	spop (v2sf)  }
0xc0: {  	(v2sf) =	vpush v32, $0xE;
	[tilespmem:s14], [sflag:$0x2] =	stream.linear.gather [hbm4b:s13+s3], $0x400, $0x38;
	[tilespmem:$0x11600] =	vst v63  }
0xc1: {  	s18 =	simm.s32 $0xE200;
	s23 =	simm.s32 $0xE600;
	s15 =	spop (v2sf)  }
0xc2: {  	(v2sf) =	vpush v32, $0xF;
	[tilespmem:s16], [sflag:$0x2] =	stream.linear.gather [hbm4b:s15+s3], $0x400, $0x38;
	[tilespmem:$0x11600] =	vst v63  }
0xc3: {  	s25 =	simm.s32 $0xEA00;
	s2 =	simm.s32 $0x4600;
	s17 =	spop (v2sf)  }
0xc4: {  	[tilespmem:s18], [sflag:$0x2] =	stream.linear.gather [hbm4b:s17+s3], $0x400, $0x38;
	[tilespmem:$0x11600] =	vst v63  }
0xc5: {  	s4 =	simm.s32 $0x4A00;
	s5 =	simm.s32 $0x4E00;
	s19 =	spop (v2sf)  }
0xc6: {  	[tilespmem:s23], [sflag:$0x2] =	stream.linear.gather [hbm4b:s19+s3], $0x400, $0x38;
	[tilespmem:$0x11600] =	vst v63  }
0xc7: {  	s6 =	simm.s32 $0x5200;
	s7 =	simm.s32 $0x5600;
	s24 =	spop (v2sf)  }
0xc8: {  	[tilespmem:s25], [sflag:$0x2] =	stream.linear.gather [hbm4b:s24+s3], $0x400, $0x38;
	[tilespmem:$0x11600] =	vst v63  }
0xc9: {  	s8 =	simm.s32 $0x5A00;
	s13 =	simm.s32 $0xEE00;
	s26 =	spop (v2sf)  }
0xca: {  	[tilespmem:s13], [sflag:$0x2] =	stream.linear.gather [hbm4b:s26+s3], $0x400, $0x38;
	[tilespmem:$0x11600] =	vst v63  }
0xcb: {  	s12 =	simm.s32 $0xF200;
	s11 =	simm.s32 $0x5E00;
	s28 =	spop (v2sf)  }
0xcc: {  	[tilespmem:s12], [sflag:$0x2] =	stream.linear.gather [hbm4b:s28+s3], $0x400, $0x38;
	[tilespmem:$0x11600] =	vst v63  }
0xcd: {  	s14 =	simm.s32 $0xF600;
	s15 =	simm.s32 $0xFA00;
	s29 =	spop (v2sf)  }
0xce: {  	[tilespmem:s14], [sflag:$0x2] =	stream.linear.gather [hbm4b:s29+s3], $0x400, $0x38;
	[tilespmem:$0x11600] =	vst v63  }
0xcf: {  	s16 =	simm.s32 $0xFE00;
	s18 =	simm.s32 $0x3A00;
	s30 =	spop (v2sf)  }
0xd0: {  	[tilespmem:s15], [sflag:$0x2] =	stream.linear.gather [hbm4b:s30+s3], $0x400, $0x38;
	[tilespmem:$0x11600] =	vst v63  }
0xd1: {  	s19 =	simm.s32 $0x3E00;
	s23 =	simm.s32 $0x0;
	s31 =	spop (v2sf)  }
0xd2: {  	[tilespmem:s16], [sflag:$0x2] =	stream.linear.gather [hbm4b:s31+s3], $0x400, $0x38;
	[tilespmem:$0x11600] =	vst v63  }
.LBB2_2:
0xd3: {  	_ =	swait.ge [sflag:s20], $0x8000  }
0xd4: {  	s29 =	sand.u32 $0x40, s23;
	s28 =	sand.u32 $0x180, s23;
	[sflag:s20] =	ssyncset.done $0x0  }
0xd5: {  	s24 =	sor.u32 s29, s28;
	[sflag:s20] =	ssyncadd.s32 $0xFFFF8000  }
0xd6: {  	v32 =	vld [tilespmem:s24+$0x0];
	_ =	sdelay $0x4  }
0xd7: {  	v33 =	vadd.s32 $0xFFF0BE00, v32  }
0xd8: {  	v34 =	vand.u32 $0x7F, v32;
	vm0 =	vgt.s32 v33, $0x0  }
0xd9: {  	v35 =	vor.u32 v0, v34;
	v33 =	vnsel vm0, $0x0, v33  }
0xda: {  	v33 =	vmin.u32 v33, $0x7F;
	_ =	sdelay $0x3  }
0xdb: {  	v35 =	vld.idx.msk [tilespmem:v35+s10+$0x0], $0xffff  }
0xdc: {  	v36 =	vld.idx.msk [tilespmem:v33+s9+$0x0], $0xffff;
	_ =	sdelay $0x1  }
0xdd: {  	v37 =	vor.u32 v1, v34  }
0xde: {  	s25 =	sand.u32 $0xC00, s22;
	v38 =	vor.u32 $0x80, v33  }
0xdf: {  	s30 =	sor.u32 $0x10200, s25;
	vm9 =	vgt.s32 v32, $0xF41FF  }
0xe0: {  	s25 =	sor.u32 s29, s30;
	v32 =	vsel vm9, v36, v35  }
0xe1: {  	[tilespmem:s25+$0x0] =	vst v32  }
0xe2: {  	v32 =	vld.idx.msk [tilespmem:v37+s10+$0x0], $0xffff  }
0xe3: {  	v51 =	vld.idx.msk [tilespmem:v38+s9+$0x0], $0xffff;
	_ =	sdelay $0x1  }
0xe4: {  	v52 =	vor.u32 v2, v34  }
0xe5: {  	v53 =	vor.u32 $0x100, v33;
	_ =	sdelay $0x1  }
0xe6: {  	v32 =	vsel vm9, v51, v32  }
0xe7: {  	[tilespmem:s25+$0x80] =	vst v32  }
0xe8: {  	v32 =	vld.idx.msk [tilespmem:v52+s10+$0x0], $0xffff  }
0xe9: {  	v54 =	vld.idx.msk [tilespmem:v53+s9+$0x0], $0xffff;
	_ =	sdelay $0x1  }
0xea: {  	v55 =	vor.u32 v3, v34  }
0xeb: {  	v56 =	vor.u32 $0x180, v33;
	_ =	sdelay $0x1  }
0xec: {  	v32 =	vsel vm9, v54, v32  }
0xed: {  	[tilespmem:s25+$0x100] =	vst v32  }
0xee: {  	v32 =	vld.idx.msk [tilespmem:v55+s10+$0x0], $0xffff  }
0xef: {  	v57 =	vld.idx.msk [tilespmem:v56+s9+$0x0], $0xffff;
	_ =	sdelay $0x1  }
0xf0: {  	v58 =	vor.u32 v4, v34  }
0xf1: {  	v59 =	vor.u32 $0x200, v33;
	_ =	sdelay $0x1  }
0xf2: {  	v32 =	vsel vm9, v57, v32  }
0xf3: {  	[tilespmem:s25+$0x180] =	vst v32  }
0xf4: {  	v32 =	vld.idx.msk [tilespmem:v58+s10+$0x0], $0xffff  }
0xf5: {  	v60 =	vld.idx.msk [tilespmem:v59+s9+$0x0], $0xffff  }
0xf6: {  	s26 =	simm.s32 $0x1  }
0xf7: {  	s26 =	simm.s32 @!p0 $0x0;
	v61 =	vor.u32 v5, v34  }
0xf8: {  	s26 =	sshll.u32 s26, $0x6;
	v62 =	vor.u32 $0x280, v33  }
0xf9: {  	s26 =	sadd.s32 s26, s22  }
0xfa: {  	s31 =	sor.u32 $0x200, s26;
	v32 =	vsel vm9, v60, v32  }
0xfb: {  	[tilespmem:s31+$0x10200] =	vst v32  }
0xfc: {  	v32 =	vld.idx.msk [tilespmem:v61+s10+$0x0], $0xffff  }
0xfd: {  	v63 =	vld.idx.msk [tilespmem:v62+s9+$0x0], $0xffff;
	_ =	sdelay $0x1  }
0xfe: {  	v40 =	vor.u32 v6, v34  }
0xff: {  	v41 =	vor.u32 $0x300, v33;
	_ =	sdelay $0x1  }
0x100: {  	s31 =	sor.u32 $0x280, s26;
	v32 =	vsel vm9, v63, v32  }
0x101: {  	[tilespmem:s31+$0x10200] =	vst v32  }
0x102: {  	v32 =	vld.idx.msk [tilespmem:v40+s10+$0x0], $0xffff  }
0x103: {  	v42 =	vld.idx.msk [tilespmem:v41+s9+$0x0], $0xffff;
	_ =	sdelay $0x1  }
0x104: {  	v34 =	vor.u32 v7, v34  }
0x105: {  	v33 =	vor.u32 $0x380, v33;
	_ =	sdelay $0x1  }
0x106: {  	s31 =	sor.u32 $0x300, s26;
	v32 =	vsel vm9, v42, v32  }
0x107: {  	[tilespmem:s31+$0x10200] =	vst v32  }
0x108: {  	v32 =	vld.idx.msk [tilespmem:v34+s10+$0x0], $0xffff  }
0x109: {  	v33 =	vld.idx.msk [tilespmem:v33+s9+$0x0], $0xffff;
	_ =	sdelay $0x3  }
0x10a: {  	s31 =	sor.u32 s22, s23  }
0x10b: {  	s31 =	sor.u32 $0x380, s31;
	v32 =	vsel vm9, v33, v32  }
0x10c: {  	[tilespmem:s31+$0x10200] =	vst v32  }
0x10d: {  	v32 =	vld [tilespmem:s24+$0x10];
	_ =	sdelay $0x4  }
0x10e: {  	v43 =	vadd.s32 $0xFFF0BE00, v32  }
0x10f: {  	v44 =	vand.u32 $0x7F, v32;
	vm10 =	vgt.s32 v43, $0x0  }
0x110: {  	v45 =	vor.u32 v8, v44;
	v33 =	vnsel vm10, $0x0, v43  }
0x111: {  	v33 =	vmin.u32 v33, $0x7F;
	_ =	sdelay $0x3  }
0x112: {  	v35 =	vld.idx.msk [tilespmem:v45+s10+$0x0], $0xffff  }
0x113: {  	v46 =	vld.idx.msk [tilespmem:v33+s9+$0x0], $0xffff;
	_ =	sdelay $0x1  }
0x114: {  	v47 =	vor.u32 v9, v44  }
0x115: {  	v48 =	vor.u32 $0x80, v33  }
0x116: {  	vm11 =	vgt.s32 v32, $0xF41FF  }
0x117: {  	v32 =	vsel vm11, v46, v35  }
0x118: {  	[tilespmem:s25+$0x10] =	vst v32  }
0x119: {  	v32 =	vld.idx.msk [tilespmem:v47+s10+$0x0], $0xffff  }
0x11a: {  	v49 =	vld.idx.msk [tilespmem:v48+s9+$0x0], $0xffff;
	_ =	sdelay $0x1  }
0x11b: {  	v50 =	vor.u32 v10, v44  }
0x11c: {  	v51 =	vor.u32 $0x100, v33;
	_ =	sdelay $0x1  }
0x11d: {  	v32 =	vsel vm11, v49, v32  }
0x11e: {  	[tilespmem:s25+$0x90] =	vst v32  }
0x11f: {  	v32 =	vld.idx.msk [tilespmem:v50+s10+$0x0], $0xffff  }
0x120: {  	v52 =	vld.idx.msk [tilespmem:v51+s9+$0x0], $0xffff;
	_ =	sdelay $0x1  }
0x121: {  	v53 =	vor.u32 v11, v44  }
0x122: {  	v54 =	vor.u32 $0x180, v33;
	_ =	sdelay $0x1  }
0x123: {  	v32 =	vsel vm11, v52, v32  }
0x124: {  	[tilespmem:s25+$0x110] =	vst v32  }
0x125: {  	v32 =	vld.idx.msk [tilespmem:v53+s10+$0x0], $0xffff  }
0x126: {  	v55 =	vld.idx.msk [tilespmem:v54+s9+$0x0], $0xffff;
	_ =	sdelay $0x1  }
0x127: {  	v56 =	vor.u32 v12, v44  }
0x128: {  	v57 =	vor.u32 $0x200, v33;
	_ =	sdelay $0x1  }
0x129: {  	v32 =	vsel vm11, v55, v32  }
0x12a: {  	[tilespmem:s25+$0x190] =	vst v32  }
0x12b: {  	v32 =	vld.idx.msk [tilespmem:v56+s10+$0x0], $0xffff  }
0x12c: {  	v58 =	vld.idx.msk [tilespmem:v57+s9+$0x0], $0xffff;
	_ =	sdelay $0x1  }
0x12d: {  	v59 =	vor.u32 v13, v44  }
0x12e: {  	v60 =	vor.u32 $0x280, v33  }
0x12f: {  	s0 =	sadd.s32 $0x10, s26  }
0x130: {  	s31 =	sor.u32 $0x200, s0;
	v32 =	vsel vm11, v58, v32  }
0x131: {  	[tilespmem:s31+$0x10200] =	vst v32  }
0x132: {  	v32 =	vld.idx.msk [tilespmem:v59+s10+$0x0], $0xffff  }
0x133: {  	v61 =	vld.idx.msk [tilespmem:v60+s9+$0x0], $0xffff;
	_ =	sdelay $0x1  }
0x134: {  	v62 =	vor.u32 v14, v44  }
0x135: {  	v63 =	vor.u32 $0x300, v33;
	_ =	sdelay $0x1  }
0x136: {  	s31 =	sor.u32 $0x280, s0;
	v32 =	vsel vm11, v61, v32  }
0x137: {  	[tilespmem:s31+$0x10200] =	vst v32  }
0x138: {  	v32 =	vld.idx.msk [tilespmem:v62+s10+$0x0], $0xffff  }
0x139: {  	v40 =	vld.idx.msk [tilespmem:v63+s9+$0x0], $0xffff;
	_ =	sdelay $0x1  }
0x13a: {  	v34 =	vor.u32 v15, v44  }
0x13b: {  	v33 =	vor.u32 $0x380, v33;
	_ =	sdelay $0x1  }
0x13c: {  	s31 =	sor.u32 $0x300, s0;
	v32 =	vsel vm11, v40, v32  }
0x13d: {  	[tilespmem:s31+$0x10200] =	vst v32  }
0x13e: {  	v32 =	vld.idx.msk [tilespmem:v34+s10+$0x0], $0xffff  }
0x13f: {  	v33 =	vld.idx.msk [tilespmem:v33+s9+$0x0], $0xffff;
	_ =	sdelay $0x4  }
0x140: {  	s24 =	sadd.s32 $0x40, s23;
	s31 =	sor.u32 $0x380, s0;
	v32 =	vsel vm11, v33, v32  }
0x141: {  	[tilespmem:s31+$0x10200] =	vst v32;
	s31 =	sand.u32 $0x3C0, s24  }
0x142: {  	v32 =	vld [tilespmem:s31+$0x0];
	_ =	sdelay $0x4  }
0x143: {  	v32 =	vshrl.u32 v32, $0x7  }
0x144: {  	v32 =	vmin.u32 v32, $0x1E83  }
0x145: {  	v32 =	vshll.u32 v32, $0x7  }
0x146: {  	v32 =	vadd.s32 s1, v32  }
0x147: {  	(v2sf) =	vpush v32, $0x0;
	_ =	sdelay $0x1  }
0x148: {  	(v2sf) =	vpush v32, $0x1;
	_ =	sdelay $0x1  }
0x149: {  	(v2sf) =	vpush v32, $0x2;
	_ =	sdelay $0x1  }
0x14a: {  	(v2sf) =	vpush v32, $0x3;
	_ =	sdelay $0x1  }
0x14b: {  	(v2sf) =	vpush v32, $0x4;
	_ =	sdelay $0x1  }
0x14c: {  	(v2sf) =	vpush v32, $0x5;
	_ =	sdelay $0x1  }
0x14d: {  	(v2sf) =	vpush v32, $0x6;
	_ =	sdelay $0x1  }
0x14e: {  	(v2sf) =	vpush v32, $0x7  }
0x14f: {  	s0 =	spop (v2sf)  }
0x150: {  	(v2sf) =	vpush v32, $0x8;
	[tilespmem:s10], [sflag:$0x1] =	stream.linear.gather [hbm4b:s0+s3], $0x400, $0x38;
	[tilespmem:$0x11600] =	vst v63  }
0x151: {  	s17 =	simm.s32 $0x600;
	s0 =	spop (v2sf)  }
0x152: {  	(v2sf) =	vpush v32, $0x9;
	[tilespmem:s17], [sflag:$0x1] =	stream.linear.gather [hbm4b:s0+s3], $0x400, $0x38;
	[tilespmem:$0x11600] =	vst v63  }
0x153: {  	s0 =	spop (v2sf);
	s17 =	simm.s32 $0xA00  }
0x154: {  	(v2sf) =	vpush v32, $0xA;
	[tilespmem:s17], [sflag:$0x1] =	stream.linear.gather [hbm4b:s0+s3], $0x400, $0x38;
	[tilespmem:$0x11600] =	vst v63  }
0x155: {  	s0 =	spop (v2sf);
	s17 =	simm.s32 $0xE00  }
0x156: {  	(v2sf) =	vpush v32, $0xB;
	[tilespmem:s17], [sflag:$0x1] =	stream.linear.gather [hbm4b:s0+s3], $0x400, $0x38;
	[tilespmem:$0x11600] =	vst v63  }
0x157: {  	s0 =	spop (v2sf);
	s17 =	simm.s32 $0x1200  }
0x158: {  	(v2sf) =	vpush v32, $0xC;
	[tilespmem:s17], [sflag:$0x1] =	stream.linear.gather [hbm4b:s0+s3], $0x400, $0x38;
	[tilespmem:$0x11600] =	vst v63  }
0x159: {  	s0 =	spop (v2sf);
	s17 =	simm.s32 $0x1600  }
0x15a: {  	(v2sf) =	vpush v32, $0xD;
	[tilespmem:s17], [sflag:$0x1] =	stream.linear.gather [hbm4b:s0+s3], $0x400, $0x38;
	[tilespmem:$0x11600] =	vst v63  }
0x15b: {  	s0 =	spop (v2sf);
	s17 =	simm.s32 $0x1A00  }
0x15c: {  	(v2sf) =	vpush v32, $0xE;
	[tilespmem:s17], [sflag:$0x1] =	stream.linear.gather [hbm4b:s0+s3], $0x400, $0x38;
	[tilespmem:$0x11600] =	vst v63  }
0x15d: {  	s0 =	spop (v2sf);
	s17 =	simm.s32 $0x1E00  }
0x15e: {  	(v2sf) =	vpush v32, $0xF;
	[tilespmem:s17], [sflag:$0x1] =	stream.linear.gather [hbm4b:s0+s3], $0x400, $0x38;
	[tilespmem:$0x11600] =	vst v63  }
0x15f: {  	s0 =	spop (v2sf);
	s17 =	simm.s32 $0x2200  }
0x160: {  	[tilespmem:s17], [sflag:$0x1] =	stream.linear.gather [hbm4b:s0+s3], $0x400, $0x38;
	[tilespmem:$0x11600] =	vst v63  }
0x161: {  	s0 =	spop (v2sf);
	s17 =	simm.s32 $0x2600  }
0x162: {  	[tilespmem:s17], [sflag:$0x1] =	stream.linear.gather [hbm4b:s0+s3], $0x400, $0x38;
	[tilespmem:$0x11600] =	vst v63  }
0x163: {  	s0 =	spop (v2sf);
	s17 =	simm.s32 $0x2A00  }
0x164: {  	[tilespmem:s17], [sflag:$0x1] =	stream.linear.gather [hbm4b:s0+s3], $0x400, $0x38;
	[tilespmem:$0x11600] =	vst v63  }
0x165: {  	s0 =	spop (v2sf);
	s17 =	simm.s32 $0x2E00  }
0x166: {  	[tilespmem:s17], [sflag:$0x1] =	stream.linear.gather [hbm4b:s0+s3], $0x400, $0x38;
	[tilespmem:$0x11600] =	vst v63  }
0x167: {  	s0 =	spop (v2sf);
	s17 =	simm.s32 $0x3200  }
0x168: {  	[tilespmem:s17], [sflag:$0x1] =	stream.linear.gather [hbm4b:s0+s3], $0x400, $0x38;
	[tilespmem:$0x11600] =	vst v63  }
0x169: {  	s0 =	spop (v2sf);
	s17 =	simm.s32 $0x3600  }
0x16a: {  	[tilespmem:s17], [sflag:$0x1] =	stream.linear.gather [hbm4b:s0+s3], $0x400, $0x38;
	[tilespmem:$0x11600] =	vst v63  }
0x16b: {  	s17 =	spop (v2sf)  }
0x16c: {  	[tilespmem:s18], [sflag:$0x1] =	stream.linear.gather [hbm4b:s17+s3], $0x400, $0x38;
	[tilespmem:$0x11600] =	vst v63  }
0x16d: {  	s17 =	spop (v2sf)  }
0x16e: {  	[tilespmem:s19], [sflag:$0x1] =	stream.linear.gather [hbm4b:s17+s3], $0x400, $0x38;
	[tilespmem:$0x11600] =	vst v63  }
0x16f: {  	v41 =	vld [tilespmem:s31+$0x10];
	_ =	sdelay $0x4  }
0x170: {  	v32 =	vshrl.u32 v41, $0x7  }
0x171: {  	v32 =	vmin.u32 v32, $0x1E83  }
0x172: {  	v32 =	vshll.u32 v32, $0x7  }
0x173: {  	v32 =	vadd.s32 s1, v32  }
0x174: {  	(v2sf) =	vpush v32, $0x0;
	_ =	sdelay $0x1  }
0x175: {  	(v2sf) =	vpush v32, $0x1;
	_ =	sdelay $0x1  }
0x176: {  	(v2sf) =	vpush v32, $0x2;
	_ =	sdelay $0x1  }
0x177: {  	(v2sf) =	vpush v32, $0x3;
	_ =	sdelay $0x1  }
0x178: {  	(v2sf) =	vpush v32, $0x4;
	_ =	sdelay $0x1  }
0x179: {  	(v2sf) =	vpush v32, $0x5;
	_ =	sdelay $0x1  }
0x17a: {  	(v2sf) =	vpush v32, $0x6;
	_ =	sdelay $0x1  }
0x17b: {  	(v2sf) =	vpush v32, $0x7  }
0x17c: {  	s31 =	simm.s32 $0x4200;
	s17 =	spop (v2sf)  }
0x17d: {  	(v2sf) =	vpush v32, $0x8;
	[tilespmem:s31], [sflag:$0x1] =	stream.linear.gather [hbm4b:s17+s3], $0x400, $0x38;
	[tilespmem:$0x11600] =	vst v63  }
0x17e: {  	s17 =	spop (v2sf)  }
0x17f: {  	(v2sf) =	vpush v32, $0x9;
	[tilespmem:s2], [sflag:$0x1] =	stream.linear.gather [hbm4b:s17+s3], $0x400, $0x38;
	[tilespmem:$0x11600] =	vst v63  }
0x180: {  	s17 =	spop (v2sf)  }
0x181: {  	(v2sf) =	vpush v32, $0xA;
	[tilespmem:s4], [sflag:$0x1] =	stream.linear.gather [hbm4b:s17+s3], $0x400, $0x38;
	[tilespmem:$0x11600] =	vst v63  }
0x182: {  	s17 =	spop (v2sf)  }
0x183: {  	(v2sf) =	vpush v32, $0xB;
	[tilespmem:s5], [sflag:$0x1] =	stream.linear.gather [hbm4b:s17+s3], $0x400, $0x38;
	[tilespmem:$0x11600] =	vst v63  }
0x184: {  	s17 =	spop (v2sf)  }
0x185: {  	(v2sf) =	vpush v32, $0xC;
	[tilespmem:s6], [sflag:$0x1] =	stream.linear.gather [hbm4b:s17+s3], $0x400, $0x38;
	[tilespmem:$0x11600] =	vst v63  }
0x186: {  	s17 =	spop (v2sf)  }
0x187: {  	(v2sf) =	vpush v32, $0xD;
	[tilespmem:s7], [sflag:$0x1] =	stream.linear.gather [hbm4b:s17+s3], $0x400, $0x38;
	[tilespmem:$0x11600] =	vst v63  }
0x188: {  	s17 =	spop (v2sf)  }
0x189: {  	(v2sf) =	vpush v32, $0xE;
	[tilespmem:s8], [sflag:$0x1] =	stream.linear.gather [hbm4b:s17+s3], $0x400, $0x38;
	[tilespmem:$0x11600] =	vst v63  }
0x18a: {  	s17 =	spop (v2sf)  }
0x18b: {  	(v2sf) =	vpush v32, $0xF;
	[tilespmem:s11], [sflag:$0x1] =	stream.linear.gather [hbm4b:s17+s3], $0x400, $0x38;
	[tilespmem:$0x11600] =	vst v63  }
0x18c: {  	s0 =	spop (v2sf);
	s17 =	simm.s32 $0x6200  }
0x18d: {  	[tilespmem:s17], [sflag:$0x1] =	stream.linear.gather [hbm4b:s0+s3], $0x400, $0x38;
	[tilespmem:$0x11600] =	vst v63  }
0x18e: {  	s0 =	spop (v2sf);
	s17 =	simm.s32 $0x6600  }
0x18f: {  	[tilespmem:s17], [sflag:$0x1] =	stream.linear.gather [hbm4b:s0+s3], $0x400, $0x38;
	[tilespmem:$0x11600] =	vst v63  }
0x190: {  	s0 =	spop (v2sf);
	s17 =	simm.s32 $0x6A00  }
0x191: {  	[tilespmem:s17], [sflag:$0x1] =	stream.linear.gather [hbm4b:s0+s3], $0x400, $0x38;
	[tilespmem:$0x11600] =	vst v63  }
0x192: {  	s0 =	spop (v2sf);
	s17 =	simm.s32 $0x6E00  }
0x193: {  	[tilespmem:s17], [sflag:$0x1] =	stream.linear.gather [hbm4b:s0+s3], $0x400, $0x38;
	[tilespmem:$0x11600] =	vst v63  }
0x194: {  	s0 =	spop (v2sf);
	s17 =	simm.s32 $0x7200  }
0x195: {  	[tilespmem:s17], [sflag:$0x1] =	stream.linear.gather [hbm4b:s0+s3], $0x400, $0x38;
	[tilespmem:$0x11600] =	vst v63  }
0x196: {  	s0 =	spop (v2sf);
	s17 =	simm.s32 $0x7600  }
0x197: {  	[tilespmem:s17], [sflag:$0x1] =	stream.linear.gather [hbm4b:s0+s3], $0x400, $0x38;
	[tilespmem:$0x11600] =	vst v63  }
0x198: {  	s0 =	spop (v2sf);
	s17 =	simm.s32 $0x7A00  }
0x199: {  	[tilespmem:s17], [sflag:$0x1] =	stream.linear.gather [hbm4b:s0+s3], $0x400, $0x38;
	[tilespmem:$0x11600] =	vst v63  }
0x19a: {  	s0 =	spop (v2sf);
	s17 =	simm.s32 $0x7E00  }
0x19b: {  	[tilespmem:s17], [sflag:$0x1] =	stream.linear.gather [hbm4b:s0+s3], $0x400, $0x38;
	[tilespmem:$0x11600] =	vst v63  }
0x19c: {  	_ =	swait.ge [sflag:s21], $0x8000  }
0x19d: {  	s29 =	sor.u32 $0x20, s29;
	[sflag:s21] =	ssyncset.done $0x0  }
0x19e: {  	s28 =	sor.u32 s29, s28;
	[sflag:s21] =	ssyncadd.s32 $0xFFFF8000  }
0x19f: {  	v42 =	vld [tilespmem:s28+$0x0];
	_ =	sdelay $0x4  }
0x1a0: {  	v43 =	vadd.s32 $0xFFF0BE00, v42  }
0x1a1: {  	v44 =	vand.u32 $0x7F, v42;
	vm12 =	vgt.s32 v43, $0x0  }
0x1a2: {  	v45 =	vor.u32 v16, v44;
	v33 =	vnsel vm12, $0x0, v43  }
0x1a3: {  	v33 =	vmin.u32 v33, $0x7F;
	_ =	sdelay $0x3  }
0x1a4: {  	v35 =	vld.idx.msk [tilespmem:v45+s10+$0x0], $0xffff  }
0x1a5: {  	v46 =	vld.idx.msk [tilespmem:v33+s9+$0x0], $0xffff;
	_ =	sdelay $0x1  }
0x1a6: {  	v47 =	vor.u32 v17, v44  }
0x1a7: {  	v48 =	vor.u32 $0x80, v33  }
0x1a8: {  	vm13 =	vgt.s32 v42, $0xF41FF  }
0x1a9: {  	s0 =	sor.u32 s29, s30;
	v32 =	vsel vm13, v46, v35  }
0x1aa: {  	[tilespmem:s0+$0x0] =	vst v32  }
0x1ab: {  	v32 =	vld.idx.msk [tilespmem:v47+s10+$0x0], $0xffff  }
0x1ac: {  	v49 =	vld.idx.msk [tilespmem:v48+s9+$0x0], $0xffff;
	_ =	sdelay $0x1  }
0x1ad: {  	v50 =	vor.u32 v18, v44  }
0x1ae: {  	v51 =	vor.u32 $0x100, v33;
	_ =	sdelay $0x1  }
0x1af: {  	v32 =	vsel vm13, v49, v32  }
0x1b0: {  	[tilespmem:s0+$0x80] =	vst v32  }
0x1b1: {  	v32 =	vld.idx.msk [tilespmem:v50+s10+$0x0], $0xffff  }
0x1b2: {  	v52 =	vld.idx.msk [tilespmem:v51+s9+$0x0], $0xffff;
	_ =	sdelay $0x1  }
0x1b3: {  	v53 =	vor.u32 v19, v44  }
0x1b4: {  	v54 =	vor.u32 $0x180, v33;
	_ =	sdelay $0x1  }
0x1b5: {  	v32 =	vsel vm13, v52, v32  }
0x1b6: {  	[tilespmem:s0+$0x100] =	vst v32  }
0x1b7: {  	v32 =	vld.idx.msk [tilespmem:v53+s10+$0x0], $0xffff  }
0x1b8: {  	v55 =	vld.idx.msk [tilespmem:v54+s9+$0x0], $0xffff;
	_ =	sdelay $0x1  }
0x1b9: {  	v56 =	vor.u32 v20, v44  }
0x1ba: {  	v57 =	vor.u32 $0x200, v33;
	_ =	sdelay $0x1  }
0x1bb: {  	v32 =	vsel vm13, v55, v32  }
0x1bc: {  	[tilespmem:s0+$0x180] =	vst v32  }
0x1bd: {  	v32 =	vld.idx.msk [tilespmem:v56+s10+$0x0], $0xffff  }
0x1be: {  	v58 =	vld.idx.msk [tilespmem:v57+s9+$0x0], $0xffff;
	_ =	sdelay $0x1  }
0x1bf: {  	v59 =	vor.u32 v21, v44  }
0x1c0: {  	v60 =	vor.u32 $0x280, v33  }
0x1c1: {  	s0 =	sadd.s32 $0x20, s26  }
0x1c2: {  	s17 =	sor.u32 $0x200, s0;
	v32 =	vsel vm13, v58, v32  }
0x1c3: {  	[tilespmem:s17+$0x10200] =	vst v32  }
0x1c4: {  	v32 =	vld.idx.msk [tilespmem:v59+s10+$0x0], $0xffff  }
0x1c5: {  	v61 =	vld.idx.msk [tilespmem:v60+s9+$0x0], $0xffff;
	_ =	sdelay $0x1  }
0x1c6: {  	v62 =	vor.u32 v22, v44  }
0x1c7: {  	v63 =	vor.u32 $0x300, v33;
	_ =	sdelay $0x1  }
0x1c8: {  	s30 =	sor.u32 $0x280, s0;
	v32 =	vsel vm13, v61, v32  }
0x1c9: {  	[tilespmem:s30+$0x10200] =	vst v32  }
0x1ca: {  	v32 =	vld.idx.msk [tilespmem:v62+s10+$0x0], $0xffff  }
0x1cb: {  	v40 =	vld.idx.msk [tilespmem:v63+s9+$0x0], $0xffff;
	_ =	sdelay $0x1  }
0x1cc: {  	v34 =	vor.u32 v23, v44  }
0x1cd: {  	v33 =	vor.u32 $0x380, v33;
	_ =	sdelay $0x1  }
0x1ce: {  	s17 =	sor.u32 $0x300, s0;
	v32 =	vsel vm13, v40, v32  }
0x1cf: {  	[tilespmem:s17+$0x10200] =	vst v32  }
0x1d0: {  	v32 =	vld.idx.msk [tilespmem:v34+s10+$0x0], $0xffff  }
0x1d1: {  	v33 =	vld.idx.msk [tilespmem:v33+s9+$0x0], $0xffff;
	_ =	sdelay $0x4  }
0x1d2: {  	s0 =	sor.u32 $0x380, s0;
	v32 =	vsel vm13, v33, v32  }
0x1d3: {  	[tilespmem:s0+$0x10200] =	vst v32  }
0x1d4: {  	v32 =	vld [tilespmem:s28+$0x10];
	_ =	sdelay $0x4  }
0x1d5: {  	v41 =	vadd.s32 $0xFFF0BE00, v32  }
0x1d6: {  	v42 =	vand.u32 $0x7F, v32;
	vm14 =	vgt.s32 v41, $0x0  }
0x1d7: {  	v43 =	vor.u32 v24, v42;
	v33 =	vnsel vm14, $0x0, v41  }
0x1d8: {  	v33 =	vmin.u32 v33, $0x7F;
	_ =	sdelay $0x3  }
0x1d9: {  	v35 =	vld.idx.msk [tilespmem:v43+s10+$0x0], $0xffff  }
0x1da: {  	v44 =	vld.idx.msk [tilespmem:v33+s9+$0x0], $0xffff;
	_ =	sdelay $0x1  }
0x1db: {  	v45 =	vor.u32 v25, v42  }
0x1dc: {  	v46 =	vor.u32 $0x80, v33  }
0x1dd: {  	vm15 =	vgt.s32 v32, $0xF41FF  }
0x1de: {  	v32 =	vsel vm15, v44, v35  }
0x1df: {  	[tilespmem:s25+$0x30] =	vst v32  }
0x1e0: {  	v32 =	vld.idx.msk [tilespmem:v45+s10+$0x0], $0xffff  }
0x1e1: {  	v47 =	vld.idx.msk [tilespmem:v46+s9+$0x0], $0xffff;
	_ =	sdelay $0x1  }
0x1e2: {  	v48 =	vor.u32 v26, v42  }
0x1e3: {  	v49 =	vor.u32 $0x100, v33;
	_ =	sdelay $0x1  }
0x1e4: {  	v32 =	vsel vm15, v47, v32  }
0x1e5: {  	[tilespmem:s25+$0xB0] =	vst v32  }
0x1e6: {  	v32 =	vld.idx.msk [tilespmem:v48+s10+$0x0], $0xffff  }
0x1e7: {  	v50 =	vld.idx.msk [tilespmem:v49+s9+$0x0], $0xffff;
	_ =	sdelay $0x1  }
0x1e8: {  	v51 =	vor.u32 v27, v42  }
0x1e9: {  	v52 =	vor.u32 $0x180, v33;
	_ =	sdelay $0x1  }
0x1ea: {  	v32 =	vsel vm15, v50, v32  }
0x1eb: {  	[tilespmem:s25+$0x130] =	vst v32  }
0x1ec: {  	v32 =	vld.idx.msk [tilespmem:v51+s10+$0x0], $0xffff  }
0x1ed: {  	v53 =	vld.idx.msk [tilespmem:v52+s9+$0x0], $0xffff;
	_ =	sdelay $0x1  }
0x1ee: {  	v54 =	vor.u32 v28, v42  }
0x1ef: {  	v55 =	vor.u32 $0x200, v33;
	_ =	sdelay $0x1  }
0x1f0: {  	v32 =	vsel vm15, v53, v32  }
0x1f1: {  	[tilespmem:s25+$0x1B0] =	vst v32  }
0x1f2: {  	v32 =	vld.idx.msk [tilespmem:v54+s10+$0x0], $0xffff  }
0x1f3: {  	v56 =	vld.idx.msk [tilespmem:v55+s9+$0x0], $0xffff;
	_ =	sdelay $0x1  }
0x1f4: {  	v57 =	vor.u32 v29, v42  }
0x1f5: {  	v58 =	vor.u32 $0x280, v33  }
0x1f6: {  	s28 =	sadd.s32 $0x30, s26  }
0x1f7: {  	s29 =	sor.u32 $0x200, s28;
	v32 =	vsel vm15, v56, v32  }
0x1f8: {  	[tilespmem:s29+$0x10200] =	vst v32  }
0x1f9: {  	v32 =	vld.idx.msk [tilespmem:v57+s10+$0x0], $0xffff  }
0x1fa: {  	v59 =	vld.idx.msk [tilespmem:v58+s9+$0x0], $0xffff;
	_ =	sdelay $0x1  }
0x1fb: {  	v60 =	vor.u32 v30, v42  }
0x1fc: {  	v61 =	vor.u32 $0x300, v33;
	_ =	sdelay $0x1  }
0x1fd: {  	s30 =	sor.u32 $0x280, s28;
	v32 =	vsel vm15, v59, v32  }
0x1fe: {  	[tilespmem:s30+$0x10200] =	vst v32  }
0x1ff: {  	v32 =	vld.idx.msk [tilespmem:v60+s10+$0x0], $0xffff  }
0x200: {  	v62 =	vld.idx.msk [tilespmem:v61+s9+$0x0], $0xffff;
	_ =	sdelay $0x1  }
0x201: {  	v34 =	vor.u32 v31, v42  }
0x202: {  	v33 =	vor.u32 $0x380, v33;
	_ =	sdelay $0x1  }
0x203: {  	s17 =	sor.u32 $0x300, s28;
	v32 =	vsel vm15, v62, v32  }
0x204: {  	[tilespmem:s17+$0x10200] =	vst v32  }
0x205: {  	v32 =	vld.idx.msk [tilespmem:v34+s10+$0x0], $0xffff  }
0x206: {  	v33 =	vld.idx.msk [tilespmem:v33+s9+$0x0], $0xffff;
	_ =	sdelay $0x4  }
0x207: {  	s0 =	sor.u32 $0x380, s28;
	s25 =	sadd.s32 $0x60, s23;
	v32 =	vsel vm15, v33, v32  }
0x208: {  	[tilespmem:s0+$0x10200] =	vst v32;
	s0 =	sand.u32 $0x3E0, s25  }
0x209: {  	v32 =	vld [tilespmem:s0+$0x0];
	_ =	sdelay $0x4  }
0x20a: {  	v32 =	vshrl.u32 v32, $0x7  }
0x20b: {  	v32 =	vmin.u32 v32, $0x1E83  }
0x20c: {  	v32 =	vshll.u32 v32, $0x7  }
0x20d: {  	v32 =	vadd.s32 s1, v32  }
0x20e: {  	(v2sf) =	vpush v32, $0x0;
	_ =	sdelay $0x1  }
0x20f: {  	(v2sf) =	vpush v32, $0x1;
	_ =	sdelay $0x1  }
0x210: {  	(v2sf) =	vpush v32, $0x2;
	_ =	sdelay $0x1  }
0x211: {  	(v2sf) =	vpush v32, $0x3;
	_ =	sdelay $0x1  }
0x212: {  	(v2sf) =	vpush v32, $0x4;
	_ =	sdelay $0x1  }
0x213: {  	(v2sf) =	vpush v32, $0x5;
	_ =	sdelay $0x1  }
0x214: {  	(v2sf) =	vpush v32, $0x6;
	_ =	sdelay $0x1  }
0x215: {  	(v2sf) =	vpush v32, $0x7  }
0x216: {  	s28 =	simm.s32 $0x8200;
	s26 =	spop (v2sf)  }
0x217: {  	(v2sf) =	vpush v32, $0x8;
	[tilespmem:s28], [sflag:$0x2] =	stream.linear.gather [hbm4b:s26+s3], $0x400, $0x38;
	[tilespmem:$0x11600] =	vst v63  }
0x218: {  	s30 =	simm.s32 $0x8600;
	s29 =	spop (v2sf)  }
0x219: {  	(v2sf) =	vpush v32, $0x9;
	[tilespmem:s30], [sflag:$0x2] =	stream.linear.gather [hbm4b:s29+s3], $0x400, $0x38;
	[tilespmem:$0x11600] =	vst v63  }
0x21a: {  	s25 =	simm.s32 $0x8A00;
	s17 =	spop (v2sf)  }
0x21b: {  	(v2sf) =	vpush v32, $0xA;
	[tilespmem:s25], [sflag:$0x2] =	stream.linear.gather [hbm4b:s17+s3], $0x400, $0x38;
	[tilespmem:$0x11600] =	vst v63  }
0x21c: {  	s28 =	simm.s32 $0x8E00;
	s26 =	spop (v2sf)  }
0x21d: {  	(v2sf) =	vpush v32, $0xB;
	[tilespmem:s28], [sflag:$0x2] =	stream.linear.gather [hbm4b:s26+s3], $0x400, $0x38;
	[tilespmem:$0x11600] =	vst v63  }
0x21e: {  	s30 =	simm.s32 $0x9200;
	s29 =	spop (v2sf)  }
0x21f: {  	(v2sf) =	vpush v32, $0xC;
	[tilespmem:s30], [sflag:$0x2] =	stream.linear.gather [hbm4b:s29+s3], $0x400, $0x38;
	[tilespmem:$0x11600] =	vst v63  }
0x220: {  	s17 =	spop (v2sf);
	s25 =	simm.s32 $0x9600  }
0x221: {  	(v2sf) =	vpush v32, $0xD;
	[tilespmem:s25], [sflag:$0x2] =	stream.linear.gather [hbm4b:s17+s3], $0x400, $0x38;
	[tilespmem:$0x11600] =	vst v63  }
0x222: {  	s26 =	spop (v2sf);
	s28 =	simm.s32 $0x9A00  }
0x223: {  	(v2sf) =	vpush v32, $0xE;
	[tilespmem:s28], [sflag:$0x2] =	stream.linear.gather [hbm4b:s26+s3], $0x400, $0x38;
	[tilespmem:$0x11600] =	vst v63  }
0x224: {  	s29 =	spop (v2sf);
	s30 =	simm.s32 $0x9E00  }
0x225: {  	(v2sf) =	vpush v32, $0xF;
	[tilespmem:s30], [sflag:$0x2] =	stream.linear.gather [hbm4b:s29+s3], $0x400, $0x38;
	[tilespmem:$0x11600] =	vst v63  }
0x226: {  	s25 =	simm.s32 $0xA200;
	s17 =	spop (v2sf)  }
0x227: {  	[tilespmem:s25], [sflag:$0x2] =	stream.linear.gather [hbm4b:s17+s3], $0x400, $0x38;
	[tilespmem:$0x11600] =	vst v63  }
0x228: {  	s28 =	simm.s32 $0xA600;
	s26 =	spop (v2sf)  }
0x229: {  	[tilespmem:s28], [sflag:$0x2] =	stream.linear.gather [hbm4b:s26+s3], $0x400, $0x38;
	[tilespmem:$0x11600] =	vst v63  }
0x22a: {  	s30 =	simm.s32 $0xAA00;
	s29 =	spop (v2sf)  }
0x22b: {  	[tilespmem:s30], [sflag:$0x2] =	stream.linear.gather [hbm4b:s29+s3], $0x400, $0x38;
	[tilespmem:$0x11600] =	vst v63  }
0x22c: {  	s25 =	simm.s32 $0xAE00;
	s17 =	spop (v2sf)  }
0x22d: {  	[tilespmem:s25], [sflag:$0x2] =	stream.linear.gather [hbm4b:s17+s3], $0x400, $0x38;
	[tilespmem:$0x11600] =	vst v63  }
0x22e: {  	s26 =	spop (v2sf);
	s28 =	simm.s32 $0xB200  }
0x22f: {  	[tilespmem:s28], [sflag:$0x2] =	stream.linear.gather [hbm4b:s26+s3], $0x400, $0x38;
	[tilespmem:$0x11600] =	vst v63  }
0x230: {  	s29 =	spop (v2sf);
	s30 =	simm.s32 $0xB600  }
0x231: {  	[tilespmem:s30], [sflag:$0x2] =	stream.linear.gather [hbm4b:s29+s3], $0x400, $0x38;
	[tilespmem:$0x11600] =	vst v63  }
0x232: {  	s17 =	spop (v2sf);
	s25 =	simm.s32 $0xBA00  }
0x233: {  	[tilespmem:s25], [sflag:$0x2] =	stream.linear.gather [hbm4b:s17+s3], $0x400, $0x38;
	[tilespmem:$0x11600] =	vst v63  }
0x234: {  	s26 =	spop (v2sf);
	s28 =	simm.s32 $0xBE00  }
0x235: {  	[tilespmem:s28], [sflag:$0x2] =	stream.linear.gather [hbm4b:s26+s3], $0x400, $0x38;
	[tilespmem:$0x11600] =	vst v63  }
0x236: {  	v63 =	vld [tilespmem:s0+$0x10];
	_ =	sdelay $0x4  }
0x237: {  	v32 =	vshrl.u32 v63, $0x7  }
0x238: {  	v32 =	vmin.u32 v32, $0x1E83  }
0x239: {  	v32 =	vshll.u32 v32, $0x7  }
0x23a: {  	v32 =	vadd.s32 s1, v32  }
0x23b: {  	(v2sf) =	vpush v32, $0x0;
	_ =	sdelay $0x1  }
0x23c: {  	(v2sf) =	vpush v32, $0x1;
	_ =	sdelay $0x1  }
0x23d: {  	(v2sf) =	vpush v32, $0x2;
	_ =	sdelay $0x1  }
0x23e: {  	(v2sf) =	vpush v32, $0x3;
	_ =	sdelay $0x1  }
0x23f: {  	(v2sf) =	vpush v32, $0x4;
	_ =	sdelay $0x1  }
0x240: {  	(v2sf) =	vpush v32, $0x5;
	_ =	sdelay $0x1  }
0x241: {  	(v2sf) =	vpush v32, $0x6;
	_ =	sdelay $0x1  }
0x242: {  	(v2sf) =	vpush v32, $0x7  }
0x243: {  	s30 =	simm.s32 $0xC200;
	s29 =	spop (v2sf)  }
0x244: {  	(v2sf) =	vpush v32, $0x8;
	[tilespmem:s30], [sflag:$0x2] =	stream.linear.gather [hbm4b:s29+s3], $0x400, $0x38;
	[tilespmem:$0x11600] =	vst v63  }
0x245: {  	s25 =	simm.s32 $0xC600;
	s23 =	spop (v2sf)  }
0x246: {  	(v2sf) =	vpush v32, $0x9;
	[tilespmem:s25], [sflag:$0x2] =	stream.linear.gather [hbm4b:s23+s3], $0x400, $0x38;
	[tilespmem:$0x11600] =	vst v63  }
0x247: {  	s28 =	simm.s32 $0xCA00;
	s26 =	spop (v2sf)  }
0x248: {  	(v2sf) =	vpush v32, $0xA;
	[tilespmem:s28], [sflag:$0x2] =	stream.linear.gather [hbm4b:s26+s3], $0x400, $0x38;
	[tilespmem:$0x11600] =	vst v63  }
0x249: {  	s30 =	simm.s32 $0xCE00;
	s29 =	spop (v2sf)  }
0x24a: {  	(v2sf) =	vpush v32, $0xB;
	[tilespmem:s30], [sflag:$0x2] =	stream.linear.gather [hbm4b:s29+s3], $0x400, $0x38;
	[tilespmem:$0x11600] =	vst v63  }
0x24b: {  	s25 =	simm.s32 $0xD200;
	s23 =	spop (v2sf)  }
0x24c: {  	(v2sf) =	vpush v32, $0xC;
	[tilespmem:s25], [sflag:$0x2] =	stream.linear.gather [hbm4b:s23+s3], $0x400, $0x38;
	[tilespmem:$0x11600] =	vst v63  }
0x24d: {  	s26 =	spop (v2sf);
	s28 =	simm.s32 $0xD600  }
0x24e: {  	(v2sf) =	vpush v32, $0xD;
	[tilespmem:s28], [sflag:$0x2] =	stream.linear.gather [hbm4b:s26+s3], $0x400, $0x38;
	[tilespmem:$0x11600] =	vst v63  }
0x24f: {  	s29 =	spop (v2sf);
	s30 =	simm.s32 $0xDA00  }
0x250: {  	[tilespmem:s30], [sflag:$0x2] =	stream.linear.gather [hbm4b:s29+s3], $0x400, $0x38;
	[tilespmem:$0x11600] =	vst v63  }
0x251: {  	(v2sf) =	vpush v32, $0xE;
	s23 =	spop (v2sf);
	s25 =	simm.s32 $0xDE00  }
0x252: {  	[tilespmem:s25], [sflag:$0x2] =	stream.linear.gather [hbm4b:s23+s3], $0x400, $0x38;
	[tilespmem:$0x11600] =	vst v63  }
0x253: {  	(v2sf) =	vpush v32, $0xF;
	s28 =	simm.s32 $0xE200;
	s26 =	spop (v2sf)  }
0x254: {  	[tilespmem:s28], [sflag:$0x2] =	stream.linear.gather [hbm4b:s26+s3], $0x400, $0x38;
	[tilespmem:$0x11600] =	vst v63  }
0x255: {  	s30 =	simm.s32 $0xE600;
	s29 =	spop (v2sf)  }
0x256: {  	[tilespmem:s30], [sflag:$0x2] =	stream.linear.gather [hbm4b:s29+s3], $0x400, $0x38;
	[tilespmem:$0x11600] =	vst v63  }
0x257: {  	s23 =	simm.s32 $0xEA00;
	s17 =	spop (v2sf)  }
0x258: {  	[tilespmem:s23], [sflag:$0x2] =	stream.linear.gather [hbm4b:s17+s3], $0x400, $0x38;
	[tilespmem:$0x11600] =	vst v63  }
0x259: {  	s25 =	spop (v2sf)  }
0x25a: {  	[tilespmem:s13], [sflag:$0x2] =	stream.linear.gather [hbm4b:s25+s3], $0x400, $0x38;
	[tilespmem:$0x11600] =	vst v63  }
0x25b: {  	s26 =	spop (v2sf)  }
0x25c: {  	[tilespmem:s12], [sflag:$0x2] =	stream.linear.gather [hbm4b:s26+s3], $0x400, $0x38;
	[tilespmem:$0x11600] =	vst v63  }
0x25d: {  	p1 =	sne.s32 s22, $0xC00;
	s28 =	spop (v2sf)  }
0x25e: {  	[tilespmem:s14], [sflag:$0x2] =	stream.linear.gather [hbm4b:s28+s3], $0x400, $0x38;
	[tilespmem:$0x11600] =	vst v63  }
.Ltmp0:
0x25f: {  	_ = 	snop;
	(pc) =	sbr.rel @p1 .LBB2_2-.Ltmp0, $4  }
0x260: {  	p0 =	por !p0, !p0;
	s29 =	spop (v2sf)  }
0x261: {  	[tilespmem:s15], [sflag:$0x2] =	stream.linear.gather [hbm4b:s29+s3], $0x400, $0x38;
	[tilespmem:$0x11600] =	vst v63  }
0x262: {  	s22 =	sadd.s32 $0x200, s22;
	s23 =	smov.u32 s24;
	s30 =	spop (v2sf)  }
0x263: {  	[tilespmem:s16], [sflag:$0x2] =	stream.linear.gather [hbm4b:s30+s3], $0x400, $0x38;
	[tilespmem:$0x11600] =	vst v63  }
0x264: {  	_ =	swait.ge [sflag:s20], $0x8000  }
0x265: {  	[sflag:s20] =	ssyncset.done $0x0  }
0x266: {  	[sflag:s20] =	ssyncadd.s32 $0xFFFF8000  }
0x267: {  	v32 =	vld [tilespmem:$0x1C0];
	_ =	sdelay $0x4  }
0x268: {  	v33 =	vadd.s32 $0xFFF0BE00, v32  }
0x269: {  	v34 =	vand.u32 $0x7F, v32;
	vm0 =	vgt.s32 v33, $0x0  }
0x26a: {  	v35 =	vor.u32 v0, v34;
	v33 =	vnsel vm0, $0x0, v33  }
0x26b: {  	v33 =	vmin.u32 v33, $0x7F;
	_ =	sdelay $0x3  }
0x26c: {  	v35 =	vld.idx.msk [tilespmem:v35+s10+$0x0], $0xffff  }
0x26d: {  	v36 =	vld.idx.msk [tilespmem:v33+s9+$0x0], $0xffff;
	_ =	sdelay $0x1  }
0x26e: {  	v37 =	vor.u32 v1, v34  }
0x26f: {  	v38 =	vor.u32 $0x80, v33  }
0x270: {  	vm10 =	vgt.s32 v32, $0xF41FF  }
0x271: {  	v32 =	vsel vm10, v36, v35  }
0x272: {  	[tilespmem:$0x10E40] =	vst v32  }
0x273: {  	v32 =	vld.idx.msk [tilespmem:v37+s10+$0x0], $0xffff  }
0x274: {  	v50 =	vld.idx.msk [tilespmem:v38+s9+$0x0], $0xffff;
	_ =	sdelay $0x1  }
0x275: {  	v51 =	vor.u32 v2, v34  }
0x276: {  	v52 =	vor.u32 $0x100, v33;
	_ =	sdelay $0x1  }
0x277: {  	v32 =	vsel vm10, v50, v32  }
0x278: {  	[tilespmem:$0x10EC0] =	vst v32  }
0x279: {  	v32 =	vld.idx.msk [tilespmem:v51+s10+$0x0], $0xffff  }
0x27a: {  	v53 =	vld.idx.msk [tilespmem:v52+s9+$0x0], $0xffff;
	_ =	sdelay $0x1  }
0x27b: {  	v54 =	vor.u32 v3, v34  }
0x27c: {  	v55 =	vor.u32 $0x180, v33;
	_ =	sdelay $0x1  }
0x27d: {  	v32 =	vsel vm10, v53, v32  }
0x27e: {  	[tilespmem:$0x10F40] =	vst v32  }
0x27f: {  	v32 =	vld.idx.msk [tilespmem:v54+s10+$0x0], $0xffff  }
0x280: {  	v56 =	vld.idx.msk [tilespmem:v55+s9+$0x0], $0xffff;
	_ =	sdelay $0x1  }
0x281: {  	v57 =	vor.u32 v4, v34  }
0x282: {  	v58 =	vor.u32 $0x200, v33;
	_ =	sdelay $0x1  }
0x283: {  	v32 =	vsel vm10, v56, v32  }
0x284: {  	[tilespmem:$0x10FC0] =	vst v32  }
0x285: {  	v32 =	vld.idx.msk [tilespmem:v57+s10+$0x0], $0xffff  }
0x286: {  	v59 =	vld.idx.msk [tilespmem:v58+s9+$0x0], $0xffff;
	_ =	sdelay $0x1  }
0x287: {  	v60 =	vor.u32 v5, v34  }
0x288: {  	v61 =	vor.u32 $0x280, v33;
	_ =	sdelay $0x1  }
0x289: {  	v32 =	vsel vm10, v59, v32  }
0x28a: {  	[tilespmem:$0x11040] =	vst v32  }
0x28b: {  	v32 =	vld.idx.msk [tilespmem:v60+s10+$0x0], $0xffff  }
0x28c: {  	v62 =	vld.idx.msk [tilespmem:v61+s9+$0x0], $0xffff;
	_ =	sdelay $0x1  }
0x28d: {  	v63 =	vor.u32 v6, v34  }
0x28e: {  	v40 =	vor.u32 $0x300, v33;
	_ =	sdelay $0x1  }
0x28f: {  	v32 =	vsel vm10, v62, v32  }
0x290: {  	[tilespmem:$0x110C0] =	vst v32  }
0x291: {  	v32 =	vld.idx.msk [tilespmem:v63+s10+$0x0], $0xffff  }
0x292: {  	v41 =	vld.idx.msk [tilespmem:v40+s9+$0x0], $0xffff;
	_ =	sdelay $0x1  }
0x293: {  	v34 =	vor.u32 v7, v34  }
0x294: {  	v42 =	vld [tilespmem:$0x1D0];
	v33 =	vor.u32 $0x380, v33;
	_ =	sdelay $0x1  }
0x295: {  	v32 =	vsel vm10, v41, v32  }
0x296: {  	[tilespmem:$0x11140] =	vst v32  }
0x297: {  	v32 =	vld.idx.msk [tilespmem:v34+s10+$0x0], $0xffff  }
0x298: {  	v43 =	vadd.s32 $0xFFF0BE00, v42;
	v33 =	vld.idx.msk [tilespmem:v33+s9+$0x0], $0xffff  }
0x299: {  	v44 =	vand.u32 $0x7F, v42;
	vm1 =	vgt.s32 v43, $0x0  }
0x29a: {  	v45 =	vor.u32 v8, v44;
	v34 =	vnsel vm1, $0x0, v43  }
0x29b: {  	v34 =	vmin.u32 v34, $0x7F;
	_ =	sdelay $0x1  }
0x29c: {  	v32 =	vsel vm10, v33, v32  }
0x29d: {  	[tilespmem:$0x111C0] =	vst v32  }
0x29e: {  	v32 =	vld.idx.msk [tilespmem:v45+s10+$0x0], $0xffff  }
0x29f: {  	v46 =	vld.idx.msk [tilespmem:v34+s9+$0x0], $0xffff;
	_ =	sdelay $0x1  }
0x2a0: {  	v47 =	vor.u32 v9, v44  }
0x2a1: {  	v48 =	vor.u32 $0x80, v34  }
0x2a2: {  	vm11 =	vgt.s32 v42, $0xF41FF  }
0x2a3: {  	v32 =	vsel vm11, v46, v32  }
0x2a4: {  	[tilespmem:$0x10E50] =	vst v32  }
0x2a5: {  	v32 =	vld.idx.msk [tilespmem:v47+s10+$0x0], $0xffff  }
0x2a6: {  	v49 =	vld.idx.msk [tilespmem:v48+s9+$0x0], $0xffff;
	_ =	sdelay $0x1  }
0x2a7: {  	v50 =	vor.u32 v10, v44  }
0x2a8: {  	v51 =	vor.u32 $0x100, v34;
	_ =	sdelay $0x1  }
0x2a9: {  	v32 =	vsel vm11, v49, v32  }
0x2aa: {  	[tilespmem:$0x10ED0] =	vst v32  }
0x2ab: {  	v32 =	vld.idx.msk [tilespmem:v50+s10+$0x0], $0xffff  }
0x2ac: {  	v52 =	vld.idx.msk [tilespmem:v51+s9+$0x0], $0xffff;
	_ =	sdelay $0x1  }
0x2ad: {  	v53 =	vor.u32 v11, v44  }
0x2ae: {  	v54 =	vor.u32 $0x180, v34;
	_ =	sdelay $0x1  }
0x2af: {  	v32 =	vsel vm11, v52, v32  }
0x2b0: {  	[tilespmem:$0x10F50] =	vst v32  }
0x2b1: {  	v32 =	vld.idx.msk [tilespmem:v53+s10+$0x0], $0xffff  }
0x2b2: {  	v55 =	vld.idx.msk [tilespmem:v54+s9+$0x0], $0xffff;
	_ =	sdelay $0x1  }
0x2b3: {  	v56 =	vor.u32 v12, v44  }
0x2b4: {  	v57 =	vor.u32 $0x200, v34;
	_ =	sdelay $0x1  }
0x2b5: {  	v32 =	vsel vm11, v55, v32  }
0x2b6: {  	[tilespmem:$0x10FD0] =	vst v32  }
0x2b7: {  	v32 =	vld.idx.msk [tilespmem:v56+s10+$0x0], $0xffff  }
0x2b8: {  	v58 =	vld.idx.msk [tilespmem:v57+s9+$0x0], $0xffff;
	_ =	sdelay $0x1  }
0x2b9: {  	v59 =	vor.u32 v13, v44  }
0x2ba: {  	v60 =	vor.u32 $0x280, v34;
	_ =	sdelay $0x1  }
0x2bb: {  	v32 =	vsel vm11, v58, v32  }
0x2bc: {  	[tilespmem:$0x11050] =	vst v32  }
0x2bd: {  	v32 =	vld.idx.msk [tilespmem:v59+s10+$0x0], $0xffff  }
0x2be: {  	v61 =	vld.idx.msk [tilespmem:v60+s9+$0x0], $0xffff;
	_ =	sdelay $0x1  }
0x2bf: {  	v62 =	vor.u32 v14, v44  }
0x2c0: {  	v63 =	vor.u32 $0x300, v34;
	_ =	sdelay $0x1  }
0x2c1: {  	v32 =	vsel vm11, v61, v32  }
0x2c2: {  	[tilespmem:$0x110D0] =	vst v32  }
0x2c3: {  	v32 =	vld.idx.msk [tilespmem:v62+s10+$0x0], $0xffff  }
0x2c4: {  	v39 =	vld.idx.msk [tilespmem:v63+s9+$0x0], $0xffff;
	_ =	sdelay $0x1  }
0x2c5: {  	v35 =	vor.u32 v15, v44  }
0x2c6: {  	v34 =	vor.u32 $0x380, v34;
	_ =	sdelay $0x1  }
0x2c7: {  	v32 =	vsel vm11, v39, v32  }
0x2c8: {  	[tilespmem:$0x11150] =	vst v32  }
0x2c9: {  	v32 =	vld.idx.msk [tilespmem:v35+s10+$0x0], $0xffff  }
0x2ca: {  	v40 =	vld.idx.msk [tilespmem:v34+s9+$0x0], $0xffff;
	_ =	sdelay $0x4  }
0x2cb: {  	v32 =	vsel vm11, v40, v32  }
0x2cc: {  	[tilespmem:$0x111D0] =	vst v32  }
0x2cd: {  	_ =	swait.ge [sflag:s21], $0x8000  }
0x2ce: {  	[sflag:s21] =	ssyncset.done $0x0  }
0x2cf: {  	[sflag:s21] =	ssyncadd.s32 $0xFFFF8000  }
0x2d0: {  	v41 =	vld [tilespmem:$0x1E0];
	_ =	sdelay $0x4  }
0x2d1: {  	v42 =	vadd.s32 $0xFFF0BE00, v41  }
0x2d2: {  	v43 =	vand.u32 $0x7F, v41;
	vm12 =	vgt.s32 v42, $0x0  }
0x2d3: {  	v44 =	vor.u32 v16, v43;
	v33 =	vnsel vm12, $0x0, v42  }
0x2d4: {  	v33 =	vmin.u32 v33, $0x7F;
	_ =	sdelay $0x3  }
0x2d5: {  	v35 =	vld.idx.msk [tilespmem:v44+s10+$0x0], $0xffff  }
0x2d6: {  	v45 =	vld.idx.msk [tilespmem:v33+s9+$0x0], $0xffff;
	_ =	sdelay $0x1  }
0x2d7: {  	v46 =	vor.u32 v17, v43  }
0x2d8: {  	v47 =	vor.u32 $0x80, v33  }
0x2d9: {  	vm13 =	vgt.s32 v41, $0xF41FF  }
0x2da: {  	v32 =	vsel vm13, v45, v35  }
0x2db: {  	[tilespmem:$0x10E60] =	vst v32  }
0x2dc: {  	v32 =	vld.idx.msk [tilespmem:v46+s10+$0x0], $0xffff  }
0x2dd: {  	v48 =	vld.idx.msk [tilespmem:v47+s9+$0x0], $0xffff;
	_ =	sdelay $0x1  }
0x2de: {  	v49 =	vor.u32 v18, v43  }
0x2df: {  	v50 =	vor.u32 $0x100, v33;
	_ =	sdelay $0x1  }
0x2e0: {  	v32 =	vsel vm13, v48, v32  }
0x2e1: {  	[tilespmem:$0x10EE0] =	vst v32  }
0x2e2: {  	v32 =	vld.idx.msk [tilespmem:v49+s10+$0x0], $0xffff  }
0x2e3: {  	v51 =	vld.idx.msk [tilespmem:v50+s9+$0x0], $0xffff;
	_ =	sdelay $0x1  }
0x2e4: {  	v52 =	vor.u32 v19, v43  }
0x2e5: {  	v53 =	vor.u32 $0x180, v33;
	_ =	sdelay $0x1  }
0x2e6: {  	v32 =	vsel vm13, v51, v32  }
0x2e7: {  	[tilespmem:$0x10F60] =	vst v32  }
0x2e8: {  	v32 =	vld.idx.msk [tilespmem:v52+s10+$0x0], $0xffff  }
0x2e9: {  	v54 =	vld.idx.msk [tilespmem:v53+s9+$0x0], $0xffff;
	_ =	sdelay $0x1  }
0x2ea: {  	v55 =	vor.u32 v20, v43  }
0x2eb: {  	v56 =	vor.u32 $0x200, v33;
	_ =	sdelay $0x1  }
0x2ec: {  	v32 =	vsel vm13, v54, v32  }
0x2ed: {  	[tilespmem:$0x10FE0] =	vst v32  }
0x2ee: {  	v32 =	vld.idx.msk [tilespmem:v55+s10+$0x0], $0xffff  }
0x2ef: {  	v57 =	vld.idx.msk [tilespmem:v56+s9+$0x0], $0xffff;
	_ =	sdelay $0x1  }
0x2f0: {  	v58 =	vor.u32 v21, v43  }
0x2f1: {  	v59 =	vor.u32 $0x280, v33;
	_ =	sdelay $0x1  }
0x2f2: {  	v32 =	vsel vm13, v57, v32  }
0x2f3: {  	[tilespmem:$0x11060] =	vst v32  }
0x2f4: {  	v32 =	vld.idx.msk [tilespmem:v58+s10+$0x0], $0xffff  }
0x2f5: {  	v60 =	vld.idx.msk [tilespmem:v59+s9+$0x0], $0xffff;
	_ =	sdelay $0x1  }
0x2f6: {  	v61 =	vor.u32 v22, v43  }
0x2f7: {  	v62 =	vor.u32 $0x300, v33;
	_ =	sdelay $0x1  }
0x2f8: {  	v32 =	vsel vm13, v60, v32  }
0x2f9: {  	[tilespmem:$0x110E0] =	vst v32  }
0x2fa: {  	v32 =	vld.idx.msk [tilespmem:v61+s10+$0x0], $0xffff  }
0x2fb: {  	v63 =	vld.idx.msk [tilespmem:v62+s9+$0x0], $0xffff;
	_ =	sdelay $0x1  }
0x2fc: {  	v34 =	vor.u32 v23, v43  }
0x2fd: {  	v40 =	vld [tilespmem:$0x1F0];
	v33 =	vor.u32 $0x380, v33;
	_ =	sdelay $0x1  }
0x2fe: {  	v32 =	vsel vm13, v63, v32  }
0x2ff: {  	[tilespmem:$0x11160] =	vst v32  }
0x300: {  	v32 =	vld.idx.msk [tilespmem:v34+s10+$0x0], $0xffff  }
0x301: {  	v41 =	vadd.s32 $0xFFF0BE00, v40;
	v33 =	vld.idx.msk [tilespmem:v33+s9+$0x0], $0xffff  }
0x302: {  	vm14 =	vgt.s32 v41, $0x0;
	v42 =	vand.u32 $0x7F, v40  }
0x303: {  	v43 =	vor.u32 v24, v42;
	v34 =	vnsel vm14, $0x0, v41  }
0x304: {  	v34 =	vmin.u32 v34, $0x7F;
	_ =	sdelay $0x1  }
0x305: {  	v32 =	vsel vm13, v33, v32  }
0x306: {  	[tilespmem:$0x111E0] =	vst v32  }
0x307: {  	v32 =	vld.idx.msk [tilespmem:v43+s10+$0x0], $0xffff  }
0x308: {  	v44 =	vld.idx.msk [tilespmem:v34+s9+$0x0], $0xffff;
	_ =	sdelay $0x1  }
0x309: {  	v45 =	vor.u32 v25, v42  }
0x30a: {  	v46 =	vor.u32 $0x80, v34  }
0x30b: {  	vm15 =	vgt.s32 v40, $0xF41FF  }
0x30c: {  	v32 =	vsel vm15, v44, v32  }
0x30d: {  	[tilespmem:$0x10E70] =	vst v32  }
0x30e: {  	v32 =	vld.idx.msk [tilespmem:v45+s10+$0x0], $0xffff  }
0x30f: {  	v47 =	vld.idx.msk [tilespmem:v46+s9+$0x0], $0xffff;
	_ =	sdelay $0x1  }
0x310: {  	v48 =	vor.u32 v26, v42  }
0x311: {  	v49 =	vor.u32 $0x100, v34;
	_ =	sdelay $0x1  }
0x312: {  	v32 =	vsel vm15, v47, v32  }
0x313: {  	[tilespmem:$0x10EF0] =	vst v32  }
0x314: {  	v32 =	vld.idx.msk [tilespmem:v48+s10+$0x0], $0xffff  }
0x315: {  	v50 =	vld.idx.msk [tilespmem:v49+s9+$0x0], $0xffff;
	_ =	sdelay $0x1  }
0x316: {  	v51 =	vor.u32 v27, v42  }
0x317: {  	v52 =	vor.u32 $0x180, v34;
	_ =	sdelay $0x1  }
0x318: {  	v32 =	vsel vm15, v50, v32  }
0x319: {  	[tilespmem:$0x10F70] =	vst v32  }
0x31a: {  	v32 =	vld.idx.msk [tilespmem:v51+s10+$0x0], $0xffff  }
0x31b: {  	v53 =	vld.idx.msk [tilespmem:v52+s9+$0x0], $0xffff;
	_ =	sdelay $0x1  }
0x31c: {  	v54 =	vor.u32 v28, v42  }
0x31d: {  	v55 =	vor.u32 $0x200, v34;
	_ =	sdelay $0x1  }
0x31e: {  	v32 =	vsel vm15, v53, v32  }
0x31f: {  	[tilespmem:$0x10FF0] =	vst v32  }
0x320: {  	v32 =	vld.idx.msk [tilespmem:v54+s10+$0x0], $0xffff  }
0x321: {  	v56 =	vld.idx.msk [tilespmem:v55+s9+$0x0], $0xffff;
	_ =	sdelay $0x1  }
0x322: {  	v57 =	vor.u32 v29, v42  }
0x323: {  	v58 =	vor.u32 $0x280, v34;
	_ =	sdelay $0x1  }
0x324: {  	v32 =	vsel vm15, v56, v32  }
0x325: {  	[tilespmem:$0x11070] =	vst v32  }
0x326: {  	v32 =	vld.idx.msk [tilespmem:v57+s10+$0x0], $0xffff  }
0x327: {  	v59 =	vld.idx.msk [tilespmem:v58+s9+$0x0], $0xffff;
	_ =	sdelay $0x1  }
0x328: {  	v60 =	vor.u32 v30, v42  }
0x329: {  	v61 =	vor.u32 $0x300, v34;
	_ =	sdelay $0x1  }
0x32a: {  	v32 =	vsel vm15, v59, v32  }
0x32b: {  	[tilespmem:$0x110F0] =	vst v32  }
0x32c: {  	v32 =	vld.idx.msk [tilespmem:v60+s10+$0x0], $0xffff  }
0x32d: {  	v62 =	vld.idx.msk [tilespmem:v61+s9+$0x0], $0xffff;
	_ =	sdelay $0x1  }
0x32e: {  	v35 =	vor.u32 v31, v42  }
0x32f: {  	v34 =	vor.u32 $0x380, v34;
	_ =	sdelay $0x1  }
0x330: {  	v32 =	vsel vm15, v62, v32  }
0x331: {  	[tilespmem:$0x11170] =	vst v32  }
0x332: {  	v32 =	vld.idx.msk [tilespmem:v35+s10+$0x0], $0xffff  }
0x333: {  	v63 =	vld.idx.msk [tilespmem:v34+s9+$0x0], $0xffff;
	_ =	sdelay $0x3  }
0x334: {  	s2 =	simm.s32 $0x10200  }
0x335: {  	s22 =	simm.s32 $0x3;
	s4 =	simm.s32 $0xA00;
	s5 =	simm.s32 $0xE00;
	v32 =	vsel vm15, v63, v32  }
0x336: {  	s6 =	simm.s32 $0x1200;
	s7 =	simm.s32 $0x1600;
	s0 =	rddreg [dreg:$0x7];
	[tilespmem:$0x111F0] =	vst v32  }
0x337: {  	[hbm4b:s0+s3] =	stream.linear.scatter [tilespmem:s2], [sflag:$0x3], $0x1000, $0x38;
	[tilespmem:$0x11600] =	vst v63  }
0x338: {  	s8 =	simm.s32 $0x1A00;
	s11 =	simm.s32 $0x1E00;
	_ =	swait.ge [sflag:s22], $0x1000  }
0x339: {  	s12 =	simm.s32 $0x2200;
	s13 =	simm.s32 $0x2600;
	s25 =	rddreg [dreg:$0x9]  }
0x33a: {  	s14 =	simm.s32 $0x2A00;
	s26 =	rddreg [dreg:$0x8];
	s2 =	sadd.s32 $0x1, s25  }
0x33b: {  	s15 =	simm.s32 $0x2E00;
	s16 =	simm.s32 $0x3200;
	p0 =	sne.s32 s2, s26  }
.Ltmp1:
0x33c: {  	s17 =	simm.s32 $0x3600;
	s18 =	simm.s32 $0x3A00;
	(pc) =	sbr.rel @p0 .LBB2_1-.Ltmp1, $4  }
0x33d: {  	s19 =	simm.s32 $0x3E00;
	s23 =	simm.s32 $0x4600;
	s24 =	simm.s32 $0x4A00  }
0x33e: {  	s28 =	simm.s32 $0x5600;
	s29 =	simm.s32 $0x5A00;
	[sflag:s22] =	ssyncset.done $0x0  }
0x33f: {  	s30 =	simm.s32 $0x5E00;
	[sflag:s22] =	ssyncadd.s32 $0xFFFFF000;
	s25 =	simm.s32 $0x4E00  }
0x340: {  	[dreg:$0x9] =	wrdreg s2;
	s2 =	simm.s32 $0x600;
	s26 =	simm.s32 $0x5200  }
0x341: {  	_ =	sfence.sel $0x180000  }
0x342: {  	[bflag:$0x0] =	sbarrier.arrive $0xFFFF  }
0x343: {  	_ =	strace $0x90000047  }
0x344: {  	s0 =	stileid.u32;
	[bflag:$0x2] =	sbarrier.arrive $0xFFFF  }
0x345: {  	p0 =	sne.s32 s0, $0x0;
	s0 =	rddreg [dreg:$0x4]  }
0x346: {  	s0 =	sadd.s32 @!p0 $0x100000, s0  }
0x347: {  	[sflag:s0] =	ssyncadd.tile.s32 @!p0 $0x1;
	_ =	shalt  }
.Lfunc_end2:
_tile_overlayer_lowered:
.L_overlay_start_2:
0x348: {  	(tag) =	ssettag $0x2  }
0x349: {  	s0 =	rddreg [dreg:$0x0];
	s2 =	stileid.u32  }
0x34a: {  	s1 =	rddreg [dreg:$0x1];
	p0 =	sne.s32 s2, $0x0  }
0x34b: {  	s3 =	rddreg [dreg:$0x2];
	[bflag:$0x3] =	sbarrier.arrive $0xFFFF;
	s2 =	simm.s32 @!p0 $0x1C03  }
0x34c: {  	[timem:s3], [sflag:s2] =	dma.local @!p0 [hbm:s0], s1  }
0x34d: {  	s0 =	simm.s32 @!p0 $0x3  }
0x34e: {  	_ =	swait.ge @!p0 [sflag:s0], s1  }
0x34f: {  	s1 =	ssub.s32 @!p0 $0x0, s1;
	[sflag:s0] =	ssyncset.done @!p0 $0x0  }
0x350: {  	[sflag:s0] =	ssyncadd.s32 @!p0 s1  }
0x351: {  	[bflag:$0x3] =	sbarrier.arrive $0xFFFF  }
0x352: {  	_ =	shalt  }

</sc_bundles>
